<compile_context>
chip_gen: v7x
topology: tpu7x:2x2x1
jax: 0.10.2.dev20260603
libtpu: 0.0.44.dev20260713+nightly
codegen_flags: <defaults>
</compile_context>

<pallas_src>
import functools

import jax
import jax.numpy as jnp
from jax import lax
from jax.experimental import pallas as pl
from jax.experimental.pallas import tpu as pltpu
from jax.experimental.pallas import tpu_sc as plsc




def _node_tables_body(x_ref, batch_ref, instr_ref, w1s_ref, w1d_ref,
                      w1u_ref, t_ref):
    num_graphs = instr_ref.shape[0]
    c = jnp.dot(instr_ref[...], w1u_ref[...],
                preferred_element_type=jnp.float32)
    onehot = (batch_ref[...][:, None] ==
              lax.broadcasted_iota(jnp.int32, (1, num_graphs), 1)
              ).astype(jnp.float32)
    p = (jnp.dot(x_ref[...], w1s_ref[...],
                 preferred_element_type=jnp.float32)
         + jnp.dot(onehot, c, preferred_element_type=jnp.float32))
    q = jnp.dot(x_ref[...], w1d_ref[...], preferred_element_type=jnp.float32)
    t_ref[...] = jnp.concatenate([p, q], axis=1)


def _edge_r_body(ea_ref, w1e_ref, b1_ref, r_ref):
    r_ref[...] = (jnp.dot(ea_ref[...], w1e_ref[...],
                          preferred_element_type=jnp.float32)
                  + b1_ref[...])



_CH = 80
_NBUF = 4


def _make_sc_edge(n_edges, h, nc, ns):
    nw = nc * ns
    epw = n_edges // nw
    nchunk = epw // _CH
    mesh = plsc.VectorSubcoreMesh(core_axis_name="c", subcore_axis_name="s",
                                  num_cores=nc, num_subcores=ns)

    ngrp = (_CH + 15) // 16

    buf_types = []
    for _ in range(_NBUF):
        buf_types += [
            pltpu.VMEM((_CH,), jnp.int32),
            pltpu.VMEM((_CH,), jnp.int32),
            pltpu.VMEM((_CH, 2 * h), jnp.float32),
            pltpu.VMEM((_CH, 2 * h), jnp.float32),
            pltpu.VMEM((_CH, h), jnp.float32),
            pltpu.VMEM((ngrp * 16,), jnp.float32),
            pltpu.SemaphoreType.DMA,
            pltpu.SemaphoreType.DMA,
            pltpu.SemaphoreType.DMA,
        ]

    @functools.partial(
        pl.kernel,
        out_type=jax.ShapeDtypeStruct((n_edges,), jnp.float32),
        mesh=mesh,
        scratch_types=[
            pltpu.VMEM((ngrp * 256,), jnp.float32),
            pltpu.VMEM((2 * h,), jnp.float32),
        ] + buf_types,
        compiler_params=pltpu.CompilerParams(needs_layout_passes=False),
    )
    def sc_edge(t_hbm, r_hbm, src_hbm, dst_hbm, wb_hbm, out_hbm,
                mbuf, wbv, *bufs):
        sidx = bufs[0::9]
        didx = bufs[1::9]
        srow = bufs[2::9]
        drow = bufs[3::9]
        rrow = bufs[4::9]
        obuf = bufs[5::9]
        isem = bufs[6::9]
        gsem = bufs[7::9]
        osem = bufs[8::9]

        wid = lax.axis_index("s") * nc + lax.axis_index("c")
        base = wid * epw
        pltpu.sync_copy(wb_hbm, wbv)
        b2vec = wbv[pl.ds(h, 16)]
        lane16 = lax.iota(jnp.int32, 16) * 16

        def idx_issue(ci, b):
            cb = base + ci * _CH
            pltpu.async_copy(src_hbm.at[pl.ds(cb, _CH)], sidx[b], isem[b])
            pltpu.async_copy(dst_hbm.at[pl.ds(cb, _CH)], didx[b], isem[b])

        def idx_wait(ci, b):
            cb = base + ci * _CH
            pltpu.make_async_copy(src_hbm.at[pl.ds(cb, _CH)],
                                  sidx[b], isem[b]).wait()
            pltpu.make_async_copy(dst_hbm.at[pl.ds(cb, _CH)],
                                  didx[b], isem[b]).wait()

        def gather_issue(ci, b):
            cb = base + ci * _CH
            pltpu.async_copy(t_hbm.at[sidx[b]], srow[b], gsem[b])
            pltpu.async_copy(t_hbm.at[didx[b]], drow[b], gsem[b])
            pltpu.async_copy(r_hbm.at[pl.ds(cb, _CH), :], rrow[b], gsem[b])

        def gather_wait(ci, b):
            cb = base + ci * _CH
            pltpu.make_async_copy(t_hbm.at[sidx[b]], srow[b], gsem[b]).wait()
            pltpu.make_async_copy(t_hbm.at[didx[b]], drow[b], gsem[b]).wait()
            pltpu.make_async_copy(r_hbm.at[pl.ds(cb, _CH), :],
                                  rrow[b], gsem[b]).wait()

        def out_wait(ci, b):
            pltpu.make_async_copy(obuf[b].at[pl.ds(0, _CH)],
                                  out_hbm.at[pl.ds(base + ci * _CH, _CH)],
                                  osem[b]).wait()

        def compute(ci, b):
            def edge_body(e, ecarry):
                acc = None
                for j in range(h // 16):
                    sl = pl.ds(16 * j, 16)
                    t = (srow[b][e, sl] + drow[b][e, pl.ds(h + 16 * j, 16)]
                         + rrow[b][e, sl])
                    s = t / (1.0 + jnp.exp(-t))
                    m = s * wbv[sl]
                    acc = m if acc is None else acc + m
                mbuf[pl.ds(e * 16, 16)] = acc
                return ecarry

            lax.fori_loop(0, _CH, edge_body, 0, unroll=2)

            def grp_body(gi, gcarry):
                acc = b2vec
                for j in range(16):
                    flat = gi * 256 + lane16 + j
                    acc = acc + plsc.load_gather(mbuf, [flat])
                obuf[b][pl.ds(gi * 16, 16)] = acc
                return gcarry

            lax.fori_loop(0, ngrp, grp_body, 0)
            pltpu.async_copy(obuf[b].at[pl.ds(0, _CH)],
                             out_hbm.at[pl.ds(base + ci * _CH, _CH)],
                             osem[b])

        for b in range(_NBUF):
            idx_issue(b, b)
        for b in range(_NBUF - 1):
            idx_wait(b, b)
            gather_issue(b, b)

        nfull = nchunk // _NBUF

        def outer_body(oi, carry):
            for b in range(_NBUF):
                s = oi * _NBUF + b
                gather_wait(s, b)

                @pl.when(oi > 0)
                def _():
                    out_wait(s - _NBUF, b)

                compute(s, b)

                bg = (b + _NBUF - 1) % _NBUF

                @pl.when(s + _NBUF - 1 < nchunk)
                def _():
                    idx_wait(s + _NBUF - 1, bg)
                    gather_issue(s + _NBUF - 1, bg)

                @pl.when(s + _NBUF < nchunk)
                def _():
                    idx_issue(s + _NBUF, b)
            return carry

        lax.fori_loop(0, nfull, outer_body, 0)

        for s in range(nfull * _NBUF, nchunk):
            b = s % _NBUF
            gather_wait(s, b)
            if s >= _NBUF:
                out_wait(s - _NBUF, b)
            compute(s, b)
            bg = (b + _NBUF - 1) % _NBUF
            if s + _NBUF - 1 < nchunk:
                idx_wait(s + _NBUF - 1, bg)
                gather_issue(s + _NBUF - 1, bg)
            if s + _NBUF < nchunk:
                idx_issue(s + _NBUF, b)

        for ci in range(max(nchunk - _NBUF, 0), nchunk):
            out_wait(ci, ci % _NBUF)

    return sc_edge




def kernel(instr, x, edge_index, batch, edge_attr, W1, b1, W2, b2):
    n, d = x.shape
    g, di = instr.shape
    e, de = edge_attr.shape
    h = W1.shape[1]

    src = edge_index[0].astype(jnp.int32)
    dst = edge_index[1].astype(jnp.int32)
    batch32 = batch.astype(jnp.int32)

    w1s = W1[:d]
    w1d = W1[d:2 * d]
    w1u = W1[2 * d:2 * d + di]
    w1e = W1[2 * d + di:]

    t_tab = pl.pallas_call(
        _node_tables_body,
        out_shape=jax.ShapeDtypeStruct((n, 2 * h), jnp.float32),
    )(x, batch32, instr, w1s, w1d, w1u)

    blk = 8000
    r_tab = pl.pallas_call(
        _edge_r_body,
        grid=(e // blk,),
        in_specs=[pl.BlockSpec((blk, de), lambda i: (i, 0)),
                  pl.BlockSpec((de, h), lambda i: (0, 0)),
                  pl.BlockSpec((1, h), lambda i: (0, 0))],
        out_specs=pl.BlockSpec((blk, h), lambda i: (i, 0)),
        out_shape=jax.ShapeDtypeStruct((e, h), jnp.float32),
    )(edge_attr, w1e, b1[None, :])

    wb = jnp.concatenate([W2[:, 0], jnp.broadcast_to(b2, (h,))])

    sc_edge = _make_sc_edge(e, h, 2, 16)
    return sc_edge(t_tab, r_tab, src, dst, wb)

# --- scband reference (transcript-rebuilt; emitter-appended) ---
"""Pipeline reference for scband-edge-gate-644245095026 (READ-ONLY COPY).

The authoritative reference and input builder live on the scoring server;
editing this copy changes nothing except your own understanding.
"""

import jax, jax.numpy as jnp
import numpy as np

N, E, G = 10000, 320000, 16
D, Di, De, H = 128, 128, 16, 64
IN_DIM = 2 * D + Di + De


def setup_inputs(seed: int = 0) -> dict:
    key = jax.random.key(seed)
    ks = jax.random.split(key, 8)
    instr = jax.random.normal(ks[0], (G, Di), dtype=jnp.float32)
    x = jax.random.normal(ks[1], (N, D), dtype=jnp.float32)
    edge_index = jax.random.randint(ks[2], (2, E), 0, N)
    batch = jnp.sort(jax.random.randint(ks[3], (N,), 0, G))
    edge_attr = jax.random.normal(ks[4], (E, De), dtype=jnp.float32)
    W1 = jax.random.normal(ks[5], (IN_DIM, H), dtype=jnp.float32) * (1.0 / np.sqrt(IN_DIM))
    b1 = jnp.zeros((H,), dtype=jnp.float32)
    W2 = jax.random.normal(ks[6], (H, 1), dtype=jnp.float32) * (1.0 / np.sqrt(H))
    b2 = jnp.zeros((1,), dtype=jnp.float32)
    return {"instr": instr, "x": x, "edge_index": edge_index, "batch": batch,
            "edge_attr": edge_attr, "W1": W1, "b1": b1, "W2": W2, "b2": b2}


def reference(instr, x, edge_index, batch, edge_attr, W1, b1, W2, b2):
    src = edge_index[0]
    dst = edge_index[1]
    # instruction broadcast per edge via graph-id of source node
    u = jnp.take(instr, jnp.take(batch, src, axis=0), axis=0)  # [E, Di]
    parts = [jnp.take(x, src, axis=0), jnp.take(x, dst, axis=0), u, edge_attr]
    h = jnp.concatenate(parts, axis=-1)  # [E, 2D+Di+De]
    h = jax.nn.silu(h @ W1 + b1)  # dropout p=0.0 is identity
    out = h @ W2 + b2
    return out.squeeze(-1)  # [E]

if __name__ == "__main__":
    import jax
    _d = setup_inputs()
    print(jax.jit(kernel)(*tuple(_d.values())))

</pallas_src>

<mosaic_0001>
#map = affine_map<(d0, d1) -> (0, 0)>
#map1 = affine_map<(d0, d1) -> (0)>
module attributes {stable_mosaic.version = 14 : i64} {
  func.func @sc_edge(%arg0: i32, %arg1: i32, %arg2: memref<10000x128xf32, #tpu.memory_space<hbm>>, %arg3: memref<320000x64xf32, #tpu.memory_space<hbm>>, %arg4: memref<320000xi32, #tpu.memory_space<hbm>>, %arg5: memref<320000xi32, #tpu.memory_space<hbm>>, %arg6: memref<128xf32, #tpu.memory_space<hbm>>, %arg7: memref<320000xf32, #tpu.memory_space<hbm>>, %arg8: memref<1280xf32, #tpu.memory_space<vmem>>, %arg9: memref<128xf32, #tpu.memory_space<vmem>>, %arg10: memref<80xi32, #tpu.memory_space<vmem>>, %arg11: memref<80xi32, #tpu.memory_space<vmem>>, %arg12: memref<80x128xf32, #tpu.memory_space<vmem>>, %arg13: memref<80x128xf32, #tpu.memory_space<vmem>>, %arg14: memref<80x64xf32, #tpu.memory_space<vmem>>, %arg15: memref<80xf32, #tpu.memory_space<vmem>>, %arg16: memref<!tpu.dma_semaphore, #tpu.memory_space<semaphore_mem>>, %arg17: memref<!tpu.dma_semaphore, #tpu.memory_space<semaphore_mem>>, %arg18: memref<!tpu.dma_semaphore, #tpu.memory_space<semaphore_mem>>, %arg19: memref<80xi32, #tpu.memory_space<vmem>>, %arg20: memref<80xi32, #tpu.memory_space<vmem>>, %arg21: memref<80x128xf32, #tpu.memory_space<vmem>>, %arg22: memref<80x128xf32, #tpu.memory_space<vmem>>, %arg23: memref<80x64xf32, #tpu.memory_space<vmem>>, %arg24: memref<80xf32, #tpu.memory_space<vmem>>, %arg25: memref<!tpu.dma_semaphore, #tpu.memory_space<semaphore_mem>>, %arg26: memref<!tpu.dma_semaphore, #tpu.memory_space<semaphore_mem>>, %arg27: memref<!tpu.dma_semaphore, #tpu.memory_space<semaphore_mem>>, %arg28: memref<80xi32, #tpu.memory_space<vmem>>, %arg29: memref<80xi32, #tpu.memory_space<vmem>>, %arg30: memref<80x128xf32, #tpu.memory_space<vmem>>, %arg31: memref<80x128xf32, #tpu.memory_space<vmem>>, %arg32: memref<80x64xf32, #tpu.memory_space<vmem>>, %arg33: memref<80xf32, #tpu.memory_space<vmem>>, %arg34: memref<!tpu.dma_semaphore, #tpu.memory_space<semaphore_mem>>, %arg35: memref<!tpu.dma_semaphore, #tpu.memory_space<semaphore_mem>>, %arg36: memref<!tpu.dma_semaphore, #tpu.memory_space<semaphore_mem>>, %arg37: memref<80xi32, #tpu.memory_space<vmem>>, %arg38: memref<80xi32, #tpu.memory_space<vmem>>, %arg39: memref<80x128xf32, #tpu.memory_space<vmem>>, %arg40: memref<80x128xf32, #tpu.memory_space<vmem>>, %arg41: memref<80x64xf32, #tpu.memory_space<vmem>>, %arg42: memref<80xf32, #tpu.memory_space<vmem>>, %arg43: memref<!tpu.dma_semaphore, #tpu.memory_space<semaphore_mem>>, %arg44: memref<!tpu.dma_semaphore, #tpu.memory_space<semaphore_mem>>, %arg45: memref<!tpu.dma_semaphore, #tpu.memory_space<semaphore_mem>>) attributes {dimension_semantics = [#tpu.dimension_semantics<core_parallel>, #tpu.dimension_semantics<subcore_parallel>], iteration_bounds = array<i64: 2, 16>, scalar_prefetch = 0 : i64, scratch_operands = 38 : i64, tpu.core_type = #tpu.core_type<sc_vector_subcore>, window_params = [{transform_indices = #map}, {transform_indices = #map}, {transform_indices = #map1}, {transform_indices = #map1}, {transform_indices = #map1}, {transform_indices = #map1}]} {
    %mul3A = arith.constant 2 : i32
    %mul3A_0 = arith.muli %arg1, %mul3A : i32
    %add3A = arith.addi %mul3A_0, %arg0 : i32
    %mul3A_1 = arith.constant 10000 : i32
    %mul3A_2 = arith.muli %add3A, %mul3A_1 : i32
    "tpu.region"() ({
      %run_scoped3A = tpu.sem_alloc : memref<!tpu.dma_semaphore, #tpu.memory_space<semaphore_mem>>
      tpu.enqueue_dma source(%arg6 : memref<128xf32, #tpu.memory_space<hbm>>) target(%arg9 : memref<128xf32, #tpu.memory_space<vmem>>) target_semaphore(%run_scoped3A : memref<!tpu.dma_semaphore, #tpu.memory_space<semaphore_mem>>)
      tpu.wait_dma2 semaphore(%run_scoped3A : memref<!tpu.dma_semaphore, #tpu.memory_space<semaphore_mem>>) src(%arg6 : memref<128xf32, #tpu.memory_space<hbm>>) dst(%arg9 : memref<128xf32, #tpu.memory_space<vmem>>)
      tpu.yield
    }) : () -> ()
    %get3A = arith.constant 64 : index
    %get3A_3 = tpu.vector_load %arg9[%get3A] {strides = array<i32>} : memref<128xf32, #tpu.memory_space<vmem>>, vector<16xf32>,
    %iota3A = tpu.iota {dimensions = array<i32: 0>} : vector<16xi32>
    %mul3A_4 = arith.constant 16 : i32
    %mul3A_5 = vector.broadcast %mul3A_4 : i32 to vector<16xi32>
    %mul3A_6 = arith.muli %iota3A, %mul3A_5 : vector<16xi32>
    %add3A_7 = arith.constant 0 : i32
    %add3A_8 = arith.addi %mul3A_2, %add3A_7 : i32
    %dma_start3A = tpu.memref_slice %arg4[%add3A_8] : memref<320000xi32, #tpu.memory_space<hbm>> -> memref<80xi32, #tpu.memory_space<hbm>>
    %dma_start3A_9 = tpu.memref_slice %arg4[%add3A_8] : memref<320000xi32, #tpu.memory_space<hbm>> -> memref<80xi32, #tpu.memory_space<hbm>>
    tpu.enqueue_dma source(%dma_start3A_9 : memref<80xi32, #tpu.memory_space<hbm>>) target(%arg10 : memref<80xi32, #tpu.memory_space<vmem>>) target_semaphore(%arg16 : memref<!tpu.dma_semaphore, #tpu.memory_space<semaphore_mem>>)
    %dma_start3A_10 = tpu.memref_slice %arg5[%add3A_8] : memref<320000xi32, #tpu.memory_space<hbm>> -> memref<80xi32, #tpu.memory_space<hbm>>
    %dma_start3A_11 = tpu.memref_slice %arg5[%add3A_8] : memref<320000xi32, #tpu.memory_space<hbm>> -> memref<80xi32, #tpu.memory_space<hbm>>
    tpu.enqueue_dma source(%dma_start3A_11 : memref<80xi32, #tpu.memory_space<hbm>>) target(%arg11 : memref<80xi32, #tpu.memory_space<vmem>>) target_semaphore(%arg16 : memref<!tpu.dma_semaphore, #tpu.memory_space<semaphore_mem>>)
    %add3A_12 = arith.constant 80 : i32
    %add3A_13 = arith.addi %mul3A_2, %add3A_12 : i32
    %dma_start3A_14 = tpu.memref_slice %arg4[%add3A_13] : memref<320000xi32, #tpu.memory_space<hbm>> -> memref<80xi32, #tpu.memory_space<hbm>>
    %dma_start3A_15 = tpu.memref_slice %arg4[%add3A_13] : memref<320000xi32, #tpu.memory_space<hbm>> -> memref<80xi32, #tpu.memory_space<hbm>>
    tpu.enqueue_dma source(%dma_start3A_15 : memref<80xi32, #tpu.memory_space<hbm>>) target(%arg19 : memref<80xi32, #tpu.memory_space<vmem>>) target_semaphore(%arg25 : memref<!tpu.dma_semaphore, #tpu.memory_space<semaphore_mem>>)
    %dma_start3A_16 = tpu.memref_slice %arg5[%add3A_13] : memref<320000xi32, #tpu.memory_space<hbm>> -> memref<80xi32, #tpu.memory_space<hbm>>
    %dma_start3A_17 = tpu.memref_slice %arg5[%add3A_13] : memref<320000xi32, #tpu.memory_space<hbm>> -> memref<80xi32, #tpu.memory_space<hbm>>
    tpu.enqueue_dma source(%dma_start3A_17 : memref<80xi32, #tpu.memory_space<hbm>>) target(%arg20 : memref<80xi32, #tpu.memory_space<vmem>>) target_semaphore(%arg25 : memref<!tpu.dma_semaphore, #tpu.memory_space<semaphore_mem>>)
    %add3A_18 = arith.constant 160 : i32
    %add3A_19 = arith.addi %mul3A_2, %add3A_18 : i32
    %dma_start3A_20 = tpu.memref_slice %arg4[%add3A_19] : memref<320000xi32, #tpu.memory_space<hbm>> -> memref<80xi32, #tpu.memory_space<hbm>>
    %dma_start3A_21 = tpu.memref_slice %arg4[%add3A_19] : memref<320000xi32, #tpu.memory_space<hbm>> -> memref<80xi32, #tpu.memory_space<hbm>>
    tpu.enqueue_dma source(%dma_start3A_21 : memref<80xi32, #tpu.memory_space<hbm>>) target(%arg28 : memref<80xi32, #tpu.memory_space<vmem>>) target_semaphore(%arg34 : memref<!tpu.dma_semaphore, #tpu.memory_space<semaphore_mem>>)
    %dma_start3A_22 = tpu.memref_slice %arg5[%add3A_19] : memref<320000xi32, #tpu.memory_space<hbm>> -> memref<80xi32, #tpu.memory_space<hbm>>
    %dma_start3A_23 = tpu.memref_slice %arg5[%add3A_19] : memref<320000xi32, #tpu.memory_space<hbm>> -> memref<80xi32, #tpu.memory_space<hbm>>
    tpu.enqueue_dma source(%dma_start3A_23 : memref<80xi32, #tpu.memory_space<hbm>>) target(%arg29 : memref<80xi32, #tpu.memory_space<vmem>>) target_semaphore(%arg34 : memref<!tpu.dma_semaphore, #tpu.memory_space<semaphore_mem>>)
    %add3A_24 = arith.constant 240 : i32
    %add3A_25 = arith.addi %mul3A_2, %add3A_24 : i32
    %dma_start3A_26 = tpu.memref_slice %arg4[%add3A_25] : memref<320000xi32, #tpu.memory_space<hbm>> -> memref<80xi32, #tpu.memory_space<hbm>>
    %dma_start3A_27 = tpu.memref_slice %arg4[%add3A_25] : memref<320000xi32, #tpu.memory_space<hbm>> -> memref<80xi32, #tpu.memory_space<hbm>>
    tpu.enqueue_dma source(%dma_start3A_27 : memref<80xi32, #tpu.memory_space<hbm>>) target(%arg37 : memref<80xi32, #tpu.memory_space<vmem>>) target_semaphore(%arg43 : memref<!tpu.dma_semaphore, #tpu.memory_space<semaphore_mem>>)
    %dma_start3A_28 = tpu.memref_slice %arg5[%add3A_25] : memref<320000xi32, #tpu.memory_space<hbm>> -> memref<80xi32, #tpu.memory_space<hbm>>
    %dma_start3A_29 = tpu.memref_slice %arg5[%add3A_25] : memref<320000xi32, #tpu.memory_space<hbm>> -> memref<80xi32, #tpu.memory_space<hbm>>
    tpu.enqueue_dma source(%dma_start3A_29 : memref<80xi32, #tpu.memory_space<hbm>>) target(%arg38 : memref<80xi32, #tpu.memory_space<vmem>>) target_semaphore(%arg43 : memref<!tpu.dma_semaphore, #tpu.memory_space<semaphore_mem>>)
    %add3A_30 = arith.constant 0 : i32
    %add3A_31 = arith.addi %mul3A_2, %add3A_30 : i32
    %dma_wait3A = tpu.memref_slice %arg4[%add3A_31] : memref<320000xi32, #tpu.memory_space<hbm>> -> memref<80xi32, #tpu.memory_space<hbm>>
    %dma_wait3A_32 = tpu.memref_slice %arg4[%add3A_31] : memref<320000xi32, #tpu.memory_space<hbm>> -> memref<80xi32, #tpu.memory_space<hbm>>
    tpu.wait_dma2 semaphore(%arg16 : memref<!tpu.dma_semaphore, #tpu.memory_space<semaphore_mem>>) src(%dma_wait3A_32 : memref<80xi32, #tpu.memory_space<hbm>>) dst(%arg10 : memref<80xi32, #tpu.memory_space<vmem>>)
    %dma_wait3A_33 = tpu.memref_slice %arg5[%add3A_31] : memref<320000xi32, #tpu.memory_space<hbm>> -> memref<80xi32, #tpu.memory_space<hbm>>
    %dma_wait3A_34 = tpu.memref_slice %arg5[%add3A_31] : memref<320000xi32, #tpu.memory_space<hbm>> -> memref<80xi32, #tpu.memory_space<hbm>>
    tpu.wait_dma2 semaphore(%arg16 : memref<!tpu.dma_semaphore, #tpu.memory_space<semaphore_mem>>) src(%dma_wait3A_34 : memref<80xi32, #tpu.memory_space<hbm>>) dst(%arg11 : memref<80xi32, #tpu.memory_space<vmem>>)
    %add3A_35 = arith.constant 0 : i32
    %add3A_36 = arith.addi %mul3A_2, %add3A_35 : i32
    %dma_start3A_37 = arith.constant 0 : i32
    %dma_start3A_38 = arith.constant 0 : i32
    %dma_start3A_39 = tpu.memref_slice %arg2[%dma_start3A_37, %dma_start3A_38] : memref<10000x128xf32, #tpu.memory_space<hbm>> -> memref<10000x128xf32, #tpu.memory_space<hbm>>
    tpu.enqueue_indirect_dma source(%dma_start3A_39 : memref<10000x128xf32, #tpu.memory_space<hbm>>) target(%arg12 : memref<80x128xf32, #tpu.memory_space<vmem>>) offsets(%arg10 : memref<80xi32, #tpu.memory_space<vmem>>) semaphore(%arg17 : memref<!tpu.dma_semaphore, #tpu.memory_space<semaphore_mem>>)
    %dma_start3A_40 = arith.constant 0 : i32
    %dma_start3A_41 = arith.constant 0 : i32
    %dma_start3A_42 = tpu.memref_slice %arg2[%dma_start3A_40, %dma_start3A_41] : memref<10000x128xf32, #tpu.memory_space<hbm>> -> memref<10000x128xf32, #tpu.memory_space<hbm>>
    tpu.enqueue_indirect_dma source(%dma_start3A_42 : memref<10000x128xf32, #tpu.memory_space<hbm>>) target(%arg13 : memref<80x128xf32, #tpu.memory_space<vmem>>) offsets(%arg11 : memref<80xi32, #tpu.memory_space<vmem>>) semaphore(%arg17 : memref<!tpu.dma_semaphore, #tpu.memory_space<semaphore_mem>>)
    %dma_start3A_43 = arith.constant 0 : i32
    %dma_start3A_44 = tpu.memref_slice %arg3[%add3A_36, %dma_start3A_43] : memref<320000x64xf32, #tpu.memory_space<hbm>> -> memref<80x64xf32, #tpu.memory_space<hbm>>
    %dma_start3A_45 = arith.constant 0 : i32
    %dma_start3A_46 = tpu.memref_slice %arg3[%add3A_36, %dma_start3A_45] : memref<320000x64xf32, #tpu.memory_space<hbm>> -> memref<80x64xf32, #tpu.memory_space<hbm>>
    tpu.enqueue_dma source(%dma_start3A_46 : memref<80x64xf32, #tpu.memory_space<hbm>>) target(%arg14 : memref<80x64xf32, #tpu.memory_space<vmem>>) target_semaphore(%arg17 : memref<!tpu.dma_semaphore, #tpu.memory_space<semaphore_mem>>)
    %add3A_47 = arith.constant 80 : i32
    %add3A_48 = arith.addi %mul3A_2, %add3A_47 : i32
    %dma_wait3A_49 = tpu.memref_slice %arg4[%add3A_48] : memref<320000xi32, #tpu.memory_space<hbm>> -> memref<80xi32, #tpu.memory_space<hbm>>
    %dma_wait3A_50 = tpu.memref_slice %arg4[%add3A_48] : memref<320000xi32, #tpu.memory_space<hbm>> -> memref<80xi32, #tpu.memory_space<hbm>>
    tpu.wait_dma2 semaphore(%arg25 : memref<!tpu.dma_semaphore, #tpu.memory_space<semaphore_mem>>) src(%dma_wait3A_50 : memref<80xi32, #tpu.memory_space<hbm>>) dst(%arg19 : memref<80xi32, #tpu.memory_space<vmem>>)
    %dma_wait3A_51 = tpu.memref_slice %arg5[%add3A_48] : memref<320000xi32, #tpu.memory_space<hbm>> -> memref<80xi32, #tpu.memory_space<hbm>>
    %dma_wait3A_52 = tpu.memref_slice %arg5[%add3A_48] : memref<320000xi32, #tpu.memory_space<hbm>> -> memref<80xi32, #tpu.memory_space<hbm>>
    tpu.wait_dma2 semaphore(%arg25 : memref<!tpu.dma_semaphore, #tpu.memory_space<semaphore_mem>>) src(%dma_wait3A_52 : memref<80xi32, #tpu.memory_space<hbm>>) dst(%arg20 : memref<80xi32, #tpu.memory_space<vmem>>)
    %add3A_53 = arith.constant 80 : i32
    %add3A_54 = arith.addi %mul3A_2, %add3A_53 : i32
    %dma_start3A_55 = arith.constant 0 : i32
    %dma_start3A_56 = arith.constant 0 : i32
    %dma_start3A_57 = tpu.memref_slice %arg2[%dma_start3A_55, %dma_start3A_56] : memref<10000x128xf32, #tpu.memory_space<hbm>> -> memref<10000x128xf32, #tpu.memory_space<hbm>>
    tpu.enqueue_indirect_dma source(%dma_start3A_57 : memref<10000x128xf32, #tpu.memory_space<hbm>>) target(%arg21 : memref<80x128xf32, #tpu.memory_space<vmem>>) offsets(%arg19 : memref<80xi32, #tpu.memory_space<vmem>>) semaphore(%arg26 : memref<!tpu.dma_semaphore, #tpu.memory_space<semaphore_mem>>)
    %dma_start3A_58 = arith.constant 0 : i32
    %dma_start3A_59 = arith.constant 0 : i32
    %dma_start3A_60 = tpu.memref_slice %arg2[%dma_start3A_58, %dma_start3A_59] : memref<10000x128xf32, #tpu.memory_space<hbm>> -> memref<10000x128xf32, #tpu.memory_space<hbm>>
    tpu.enqueue_indirect_dma source(%dma_start3A_60 : memref<10000x128xf32, #tpu.memory_space<hbm>>) target(%arg22 : memref<80x128xf32, #tpu.memory_space<vmem>>) offsets(%arg20 : memref<80xi32, #tpu.memory_space<vmem>>) semaphore(%arg26 : memref<!tpu.dma_semaphore, #tpu.memory_space<semaphore_mem>>)
    %dma_start3A_61 = arith.constant 0 : i32
    %dma_start3A_62 = tpu.memref_slice %arg3[%add3A_54, %dma_start3A_61] : memref<320000x64xf32, #tpu.memory_space<hbm>> -> memref<80x64xf32, #tpu.memory_space<hbm>>
    %dma_start3A_63 = arith.constant 0 : i32
    %dma_start3A_64 = tpu.memref_slice %arg3[%add3A_54, %dma_start3A_63] : memref<320000x64xf32, #tpu.memory_space<hbm>> -> memref<80x64xf32, #tpu.memory_space<hbm>>
    tpu.enqueue_dma source(%dma_start3A_64 : memref<80x64xf32, #tpu.memory_space<hbm>>) target(%arg23 : memref<80x64xf32, #tpu.memory_space<vmem>>) target_semaphore(%arg26 : memref<!tpu.dma_semaphore, #tpu.memory_space<semaphore_mem>>)
    %add3A_65 = arith.constant 160 : i32
    %add3A_66 = arith.addi %mul3A_2, %add3A_65 : i32
    %dma_wait3A_67 = tpu.memref_slice %arg4[%add3A_66] : memref<320000xi32, #tpu.memory_space<hbm>> -> memref<80xi32, #tpu.memory_space<hbm>>
    %dma_wait3A_68 = tpu.memref_slice %arg4[%add3A_66] : memref<320000xi32, #tpu.memory_space<hbm>> -> memref<80xi32, #tpu.memory_space<hbm>>
    tpu.wait_dma2 semaphore(%arg34 : memref<!tpu.dma_semaphore, #tpu.memory_space<semaphore_mem>>) src(%dma_wait3A_68 : memref<80xi32, #tpu.memory_space<hbm>>) dst(%arg28 : memref<80xi32, #tpu.memory_space<vmem>>)
    %dma_wait3A_69 = tpu.memref_slice %arg5[%add3A_66] : memref<320000xi32, #tpu.memory_space<hbm>> -> memref<80xi32, #tpu.memory_space<hbm>>
    %dma_wait3A_70 = tpu.memref_slice %arg5[%add3A_66] : memref<320000xi32, #tpu.memory_space<hbm>> -> memref<80xi32, #tpu.memory_space<hbm>>
    tpu.wait_dma2 semaphore(%arg34 : memref<!tpu.dma_semaphore, #tpu.memory_space<semaphore_mem>>) src(%dma_wait3A_70 : memref<80xi32, #tpu.memory_space<hbm>>) dst(%arg29 : memref<80xi32, #tpu.memory_space<vmem>>)
    %add3A_71 = arith.constant 160 : i32
    %add3A_72 = arith.addi %mul3A_2, %add3A_71 : i32
    %dma_start3A_73 = arith.constant 0 : i32
    %dma_start3A_74 = arith.constant 0 : i32
    %dma_start3A_75 = tpu.memref_slice %arg2[%dma_start3A_73, %dma_start3A_74] : memref<10000x128xf32, #tpu.memory_space<hbm>> -> memref<10000x128xf32, #tpu.memory_space<hbm>>
    tpu.enqueue_indirect_dma source(%dma_start3A_75 : memref<10000x128xf32, #tpu.memory_space<hbm>>) target(%arg30 : memref<80x128xf32, #tpu.memory_space<vmem>>) offsets(%arg28 : memref<80xi32, #tpu.memory_space<vmem>>) semaphore(%arg35 : memref<!tpu.dma_semaphore, #tpu.memory_space<semaphore_mem>>)
    %dma_start3A_76 = arith.constant 0 : i32
    %dma_start3A_77 = arith.constant 0 : i32
    %dma_start3A_78 = tpu.memref_slice %arg2[%dma_start3A_76, %dma_start3A_77] : memref<10000x128xf32, #tpu.memory_space<hbm>> -> memref<10000x128xf32, #tpu.memory_space<hbm>>
    tpu.enqueue_indirect_dma source(%dma_start3A_78 : memref<10000x128xf32, #tpu.memory_space<hbm>>) target(%arg31 : memref<80x128xf32, #tpu.memory_space<vmem>>) offsets(%arg29 : memref<80xi32, #tpu.memory_space<vmem>>) semaphore(%arg35 : memref<!tpu.dma_semaphore, #tpu.memory_space<semaphore_mem>>)
    %dma_start3A_79 = arith.constant 0 : i32
    %dma_start3A_80 = tpu.memref_slice %arg3[%add3A_72, %dma_start3A_79] : memref<320000x64xf32, #tpu.memory_space<hbm>> -> memref<80x64xf32, #tpu.memory_space<hbm>>
    %dma_start3A_81 = arith.constant 0 : i32
    %dma_start3A_82 = tpu.memref_slice %arg3[%add3A_72, %dma_start3A_81] : memref<320000x64xf32, #tpu.memory_space<hbm>> -> memref<80x64xf32, #tpu.memory_space<hbm>>
    tpu.enqueue_dma source(%dma_start3A_82 : memref<80x64xf32, #tpu.memory_space<hbm>>) target(%arg32 : memref<80x64xf32, #tpu.memory_space<vmem>>) target_semaphore(%arg35 : memref<!tpu.dma_semaphore, #tpu.memory_space<semaphore_mem>>)
    %scan3A = arith.constant 0 : i32
    %scan3A_83 = arith.constant 0 : i32
    %scan3A_84 = arith.constant 31 : i32
    %scan3A_85 = arith.addi %scan3A_83, %scan3A_84 : i32
    %scan3A_86 = arith.constant 1 : i32
    scf.for %scan3A_160 = %scan3A_83 to %scan3A_85 step %scan3A_86  : i32 {
      %mul3A_161 = arith.constant 4 : i32
      %mul3A_162 = arith.muli %scan3A_160, %mul3A_161 : i32
      %add3A_163 = arith.constant 0 : i32
      %add3A_164 = arith.addi %mul3A_162, %add3A_163 : i32
      %mul3A_165 = arith.constant 80 : i32
      %mul3A_166 = arith.muli %add3A_164, %mul3A_165 : i32
      %add3A_167 = arith.addi %mul3A_2, %mul3A_166 : i32
      %dma_wait3A_168 = arith.constant 0 : i32
      %dma_wait3A_169 = arith.constant 0 : i32
      %dma_wait3A_170 = tpu.memref_slice %arg2[%dma_wait3A_168, %dma_wait3A_169] : memref<10000x128xf32, #tpu.memory_space<hbm>> -> memref<10000x128xf32, #tpu.memory_space<hbm>>
      tpu.wait_indirect_dma semaphore(%arg17 : memref<!tpu.dma_semaphore, #tpu.memory_space<semaphore_mem>>) src(%dma_wait3A_170 : memref<10000x128xf32, #tpu.memory_space<hbm>>) dst(%arg12 : memref<80x128xf32, #tpu.memory_space<vmem>>)
      %dma_wait3A_171 = arith.constant 0 : i32
      %dma_wait3A_172 = arith.constant 0 : i32
      %dma_wait3A_173 = tpu.memref_slice %arg2[%dma_wait3A_171, %dma_wait3A_172] : memref<10000x128xf32, #tpu.memory_space<hbm>> -> memref<10000x128xf32, #tpu.memory_space<hbm>>
      tpu.wait_indirect_dma semaphore(%arg17 : memref<!tpu.dma_semaphore, #tpu.memory_space<semaphore_mem>>) src(%dma_wait3A_173 : memref<10000x128xf32, #tpu.memory_space<hbm>>) dst(%arg13 : memref<80x128xf32, #tpu.memory_space<vmem>>)
      %dma_wait3A_174 = arith.constant 0 : i32
      %dma_wait3A_175 = tpu.memref_slice %arg3[%add3A_167, %dma_wait3A_174] : memref<320000x64xf32, #tpu.memory_space<hbm>> -> memref<80x64xf32, #tpu.memory_space<hbm>>
      %dma_wait3A_176 = arith.constant 0 : i32
      %dma_wait3A_177 = tpu.memref_slice %arg3[%add3A_167, %dma_wait3A_176] : memref<320000x64xf32, #tpu.memory_space<hbm>> -> memref<80x64xf32, #tpu.memory_space<hbm>>
      tpu.wait_dma2 semaphore(%arg17 : memref<!tpu.dma_semaphore, #tpu.memory_space<semaphore_mem>>) src(%dma_wait3A_177 : memref<80x64xf32, #tpu.memory_space<hbm>>) dst(%arg14 : memref<80x64xf32, #tpu.memory_space<vmem>>)
      %gt3A = arith.constant 0 : i32
      %gt3A_178 = arith.cmpi sgt, %scan3A_160, %gt3A : i32
      %convert_element_type3A = arith.extui %gt3A_178 : i1 to i32
      %cond3A = arith.constant 0 : i32
      %cond3A_179 = arith.cmpi ne, %convert_element_type3A, %cond3A : i32
      scf.if %cond3A_179 {
        %sub3A_392 = arith.constant 4 : i32
        %sub3A_393 = arith.subi %add3A_164, %sub3A_392 : i32
        %mul3A_394 = arith.constant 80 : i32
        %mul3A_395 = arith.muli %sub3A_393, %mul3A_394 : i32
        %add3A_396 = arith.addi %mul3A_2, %mul3A_395 : i32
        %dma_wait3A_397 = arith.constant 0 : i32
        %dma_wait3A_398 = tpu.memref_slice %arg15[%dma_wait3A_397] : memref<80xf32, #tpu.memory_space<vmem>> -> memref<80xf32, #tpu.memory_space<vmem>>
        %dma_wait3A_399 = tpu.memref_slice %arg7[%add3A_396] : memref<320000xf32, #tpu.memory_space<hbm>> -> memref<80xf32, #tpu.memory_space<hbm>>
        %dma_wait3A_400 = tpu.memref_slice %arg7[%add3A_396] : memref<320000xf32, #tpu.memory_space<hbm>> -> memref<80xf32, #tpu.memory_space<hbm>>
        %dma_wait3A_401 = arith.constant 0 : i32
        %dma_wait3A_402 = tpu.memref_slice %arg15[%dma_wait3A_401] : memref<80xf32, #tpu.memory_space<vmem>> -> memref<80xf32, #tpu.memory_space<vmem>>
        tpu.wait_dma2 semaphore(%arg18 : memref<!tpu.dma_semaphore, #tpu.memory_space<semaphore_mem>>) src(%dma_wait3A_402 : memref<80xf32, #tpu.memory_space<vmem>>) dst(%dma_wait3A_400 : memref<80xf32, #tpu.memory_space<hbm>>)
      } else {
      }
      %scan3A_180 = arith.constant 0 : i32
      %scan3A_181 = arith.constant 0 : i32
      %scan3A_182 = arith.constant 80 : i32
      %scan3A_183 = arith.addi %scan3A_181, %scan3A_182 : i32
      %scan3A_184 = arith.constant 2 : i32
      scf.for %scan3A_392 = %scan3A_181 to %scan3A_183 step %scan3A_184  : i32 {
        %get3A_393 = arith.index_cast %scan3A_392 : i32 to index
        %get3A_394 = arith.constant 0 : index
        %get3A_395 = tpu.vector_load %arg12[%get3A_393, %get3A_394] {strides = array<i32>} : memref<80x128xf32, #tpu.memory_space<vmem>>, vector<16xf32>,
        %get3A_396 = arith.index_cast %scan3A_392 : i32 to index
        %get3A_397 = arith.constant 64 : index
        %get3A_398 = tpu.vector_load %arg13[%get3A_396, %get3A_397] {strides = array<i32>} : memref<80x128xf32, #tpu.memory_space<vmem>>, vector<16xf32>,
        %add3A_399 = arith.addf %get3A_395, %get3A_398 : vector<16xf32>
        %get3A_400 = arith.index_cast %scan3A_392 : i32 to index
        %get3A_401 = arith.constant 0 : index
        %get3A_402 = tpu.vector_load %arg14[%get3A_400, %get3A_401] {strides = array<i32>} : memref<80x64xf32, #tpu.memory_space<vmem>>, vector<16xf32>,
        %add3A_403 = arith.addf %add3A_399, %get3A_402 : vector<16xf32>
        %neg3A = arith.constant 0.000000e+00 : f32
        %neg3A_404 = vector.broadcast %neg3A : f32 to vector<16xf32>
        %neg3A_405 = arith.subf %neg3A_404, %add3A_403 : vector<16xf32>
        %exp3A = math.exp %neg3A_405 : vector<16xf32>
        %add3A_406 = arith.constant 1.000000e+00 : f32
        %add3A_407 = vector.broadcast %add3A_406 : f32 to vector<16xf32>
        %add3A_408 = arith.addf %add3A_407, %exp3A : vector<16xf32>
        %div3A = arith.divf %add3A_403, %add3A_408 : vector<16xf32>
        %get3A_409 = arith.constant 0 : index
        %get3A_410 = tpu.vector_load %arg9[%get3A_409] {strides = array<i32>} : memref<128xf32, #tpu.memory_space<vmem>>, vector<16xf32>,
        %mul3A_411 = arith.mulf %div3A, %get3A_410 : vector<16xf32>
        %get3A_412 = arith.index_cast %scan3A_392 : i32 to index
        %get3A_413 = arith.constant 16 : index
        %get3A_414 = tpu.vector_load %arg12[%get3A_412, %get3A_413] {strides = array<i32>} : memref<80x128xf32, #tpu.memory_space<vmem>>, vector<16xf32>,
        %get3A_415 = arith.index_cast %scan3A_392 : i32 to index
        %get3A_416 = arith.constant 80 : index
        %get3A_417 = tpu.vector_load %arg13[%get3A_415, %get3A_416] {strides = array<i32>} : memref<80x128xf32, #tpu.memory_space<vmem>>, vector<16xf32>,
        %add3A_418 = arith.addf %get3A_414, %get3A_417 : vector<16xf32>
        %get3A_419 = arith.index_cast %scan3A_392 : i32 to index
        %get3A_420 = arith.constant 16 : index
        %get3A_421 = tpu.vector_load %arg14[%get3A_419, %get3A_420] {strides = array<i32>} : memref<80x64xf32, #tpu.memory_space<vmem>>, vector<16xf32>,
        %add3A_422 = arith.addf %add3A_418, %get3A_421 : vector<16xf32>
        %neg3A_423 = arith.constant 0.000000e+00 : f32
        %neg3A_424 = vector.broadcast %neg3A_423 : f32 to vector<16xf32>
        %neg3A_425 = arith.subf %neg3A_424, %add3A_422 : vector<16xf32>
        %exp3A_426 = math.exp %neg3A_425 : vector<16xf32>
        %add3A_427 = arith.constant 1.000000e+00 : f32
        %add3A_428 = vector.broadcast %add3A_427 : f32 to vector<16xf32>
        %add3A_429 = arith.addf %add3A_428, %exp3A_426 : vector<16xf32>
        %div3A_430 = arith.divf %add3A_422, %add3A_429 : vector<16xf32>
        %get3A_431 = arith.constant 16 : index
        %get3A_432 = tpu.vector_load %arg9[%get3A_431] {strides = array<i32>} : memref<128xf32, #tpu.memory_space<vmem>>, vector<16xf32>,
        %mul3A_433 = arith.mulf %div3A_430, %get3A_432 : vector<16xf32>
        %add3A_434 = arith.addf %mul3A_411, %mul3A_433 : vector<16xf32>
        %get3A_435 = arith.index_cast %scan3A_392 : i32 to index
        %get3A_436 = arith.constant 32 : index
        %get3A_437 = tpu.vector_load %arg12[%get3A_435, %get3A_436] {strides = array<i32>} : memref<80x128xf32, #tpu.memory_space<vmem>>, vector<16xf32>,
        %get3A_438 = arith.index_cast %scan3A_392 : i32 to index
        %get3A_439 = arith.constant 96 : index
        %get3A_440 = tpu.vector_load %arg13[%get3A_438, %get3A_439] {strides = array<i32>} : memref<80x128xf32, #tpu.memory_space<vmem>>, vector<16xf32>,
        %add3A_441 = arith.addf %get3A_437, %get3A_440 : vector<16xf32>
        %get3A_442 = arith.index_cast %scan3A_392 : i32 to index
        %get3A_443 = arith.constant 32 : index
        %get3A_444 = tpu.vector_load %arg14[%get3A_442, %get3A_443] {strides = array<i32>} : memref<80x64xf32, #tpu.memory_space<vmem>>, vector<16xf32>,
        %add3A_445 = arith.addf %add3A_441, %get3A_444 : vector<16xf32>
        %neg3A_446 = arith.constant 0.000000e+00 : f32
        %neg3A_447 = vector.broadcast %neg3A_446 : f32 to vector<16xf32>
        %neg3A_448 = arith.subf %neg3A_447, %add3A_445 : vector<16xf32>
        %exp3A_449 = math.exp %neg3A_448 : vector<16xf32>
        %add3A_450 = arith.constant 1.000000e+00 : f32
        %add3A_451 = vector.broadcast %add3A_450 : f32 to vector<16xf32>
        %add3A_452 = arith.addf %add3A_451, %exp3A_449 : vector<16xf32>
        %div3A_453 = arith.divf %add3A_445, %add3A_452 : vector<16xf32>
        %get3A_454 = arith.constant 32 : index
        %get3A_455 = tpu.vector_load %arg9[%get3A_454] {strides = array<i32>} : memref<128xf32, #tpu.memory_space<vmem>>, vector<16xf32>,
        %mul3A_456 = arith.mulf %div3A_453, %get3A_455 : vector<16xf32>
        %add3A_457 = arith.addf %add3A_434, %mul3A_456 : vector<16xf32>
        %get3A_458 = arith.index_cast %scan3A_392 : i32 to index
        %get3A_459 = arith.constant 48 : index
        %get3A_460 = tpu.vector_load %arg12[%get3A_458, %get3A_459] {strides = array<i32>} : memref<80x128xf32, #tpu.memory_space<vmem>>, vector<16xf32>,
        %get3A_461 = arith.index_cast %scan3A_392 : i32 to index
        %get3A_462 = arith.constant 112 : index
        %get3A_463 = tpu.vector_load %arg13[%get3A_461, %get3A_462] {strides = array<i32>} : memref<80x128xf32, #tpu.memory_space<vmem>>, vector<16xf32>,
        %add3A_464 = arith.addf %get3A_460, %get3A_463 : vector<16xf32>
        %get3A_465 = arith.index_cast %scan3A_392 : i32 to index
        %get3A_466 = arith.constant 48 : index
        %get3A_467 = tpu.vector_load %arg14[%get3A_465, %get3A_466] {strides = array<i32>} : memref<80x64xf32, #tpu.memory_space<vmem>>, vector<16xf32>,
        %add3A_468 = arith.addf %add3A_464, %get3A_467 : vector<16xf32>
        %neg3A_469 = arith.constant 0.000000e+00 : f32
        %neg3A_470 = vector.broadcast %neg3A_469 : f32 to vector<16xf32>
        %neg3A_471 = arith.subf %neg3A_470, %add3A_468 : vector<16xf32>
        %exp3A_472 = math.exp %neg3A_471 : vector<16xf32>
        %add3A_473 = arith.constant 1.000000e+00 : f32
        %add3A_474 = vector.broadcast %add3A_473 : f32 to vector<16xf32>
        %add3A_475 = arith.addf %add3A_474, %exp3A_472 : vector<16xf32>
        %div3A_476 = arith.divf %add3A_468, %add3A_475 : vector<16xf32>
        %get3A_477 = arith.constant 48 : index
        %get3A_478 = tpu.vector_load %arg9[%get3A_477] {strides = array<i32>} : memref<128xf32, #tpu.memory_space<vmem>>, vector<16xf32>,
        %mul3A_479 = arith.mulf %div3A_476, %get3A_478 : vector<16xf32>
        %add3A_480 = arith.addf %add3A_457, %mul3A_479 : vector<16xf32>
        %mul3A_481 = arith.constant 16 : i32
        %mul3A_482 = arith.muli %scan3A_392, %mul3A_481 : i32
        %swap3A = arith.index_cast %mul3A_482 : i32 to index
        %swap3A_483 = tpu.vector_load %arg8[%swap3A] {strides = array<i32>} : memref<1280xf32, #tpu.memory_space<vmem>>, vector<16xf32>,
        tpu.vector_store %arg8[%swap3A], %add3A_480 {strides = array<i32>} : memref<1280xf32, #tpu.memory_space<vmem>>, vector<16xf32>,
        %scan3A_484 = arith.constant 1 : i32
        %scan3A_485 = arith.addi %scan3A_392, %scan3A_484 : i32
        %get3A_486 = arith.index_cast %scan3A_485 : i32 to index
        %get3A_487 = arith.constant 0 : index
        %get3A_488 = tpu.vector_load %arg12[%get3A_486, %get3A_487] {strides = array<i32>} : memref<80x128xf32, #tpu.memory_space<vmem>>, vector<16xf32>,
        %get3A_489 = arith.index_cast %scan3A_485 : i32 to index
        %get3A_490 = arith.constant 64 : index
        %get3A_491 = tpu.vector_load %arg13[%get3A_489, %get3A_490] {strides = array<i32>} : memref<80x128xf32, #tpu.memory_space<vmem>>, vector<16xf32>,
        %add3A_492 = arith.addf %get3A_488, %get3A_491 : vector<16xf32>
        %get3A_493 = arith.index_cast %scan3A_485 : i32 to index
        %get3A_494 = arith.constant 0 : index
        %get3A_495 = tpu.vector_load %arg14[%get3A_493, %get3A_494] {strides = array<i32>} : memref<80x64xf32, #tpu.memory_space<vmem>>, vector<16xf32>,
        %add3A_496 = arith.addf %add3A_492, %get3A_495 : vector<16xf32>
        %neg3A_497 = arith.constant 0.000000e+00 : f32
        %neg3A_498 = vector.broadcast %neg3A_497 : f32 to vector<16xf32>
        %neg3A_499 = arith.subf %neg3A_498, %add3A_496 : vector<16xf32>
        %exp3A_500 = math.exp %neg3A_499 : vector<16xf32>
        %add3A_501 = arith.constant 1.000000e+00 : f32
        %add3A_502 = vector.broadcast %add3A_501 : f32 to vector<16xf32>
        %add3A_503 = arith.addf %add3A_502, %exp3A_500 : vector<16xf32>
        %div3A_504 = arith.divf %add3A_496, %add3A_503 : vector<16xf32>
        %get3A_505 = arith.constant 0 : index
        %get3A_506 = tpu.vector_load %arg9[%get3A_505] {strides = array<i32>} : memref<128xf32, #tpu.memory_space<vmem>>, vector<16xf32>,
        %mul3A_507 = arith.mulf %div3A_504, %get3A_506 : vector<16xf32>
        %get3A_508 = arith.index_cast %scan3A_485 : i32 to index
        %get3A_509 = arith.constant 16 : index
        %get3A_510 = tpu.vector_load %arg12[%get3A_508, %get3A_509] {strides = array<i32>} : memref<80x128xf32, #tpu.memory_space<vmem>>, vector<16xf32>,
        %get3A_511 = arith.index_cast %scan3A_485 : i32 to index
        %get3A_512 = arith.constant 80 : index
        %get3A_513 = tpu.vector_load %arg13[%get3A_511, %get3A_512] {strides = array<i32>} : memref<80x128xf32, #tpu.memory_space<vmem>>, vector<16xf32>,
        %add3A_514 = arith.addf %get3A_510, %get3A_513 : vector<16xf32>
        %get3A_515 = arith.index_cast %scan3A_485 : i32 to index
        %get3A_516 = arith.constant 16 : index
        %get3A_517 = tpu.vector_load %arg14[%get3A_515, %get3A_516] {strides = array<i32>} : memref<80x64xf32, #tpu.memory_space<vmem>>, vector<16xf32>,
        %add3A_518 = arith.addf %add3A_514, %get3A_517 : vector<16xf32>
        %neg3A_519 = arith.constant 0.000000e+00 : f32
        %neg3A_520 = vector.broadcast %neg3A_519 : f32 to vector<16xf32>
        %neg3A_521 = arith.subf %neg3A_520, %add3A_518 : vector<16xf32>
        %exp3A_522 = math.exp %neg3A_521 : vector<16xf32>
        %add3A_523 = arith.constant 1.000000e+00 : f32
        %add3A_524 = vector.broadcast %add3A_523 : f32 to vector<16xf32>
        %add3A_525 = arith.addf %add3A_524, %exp3A_522 : vector<16xf32>
        %div3A_526 = arith.divf %add3A_518, %add3A_525 : vector<16xf32>
        %get3A_527 = arith.constant 16 : index
        %get3A_528 = tpu.vector_load %arg9[%get3A_527] {strides = array<i32>} : memref<128xf32, #tpu.memory_space<vmem>>, vector<16xf32>,
        %mul3A_529 = arith.mulf %div3A_526, %get3A_528 : vector<16xf32>
        %add3A_530 = arith.addf %mul3A_507, %mul3A_529 : vector<16xf32>
        %get3A_531 = arith.index_cast %scan3A_485 : i32 to index
        %get3A_532 = arith.constant 32 : index
        %get3A_533 = tpu.vector_load %arg12[%get3A_531, %get3A_532] {strides = array<i32>} : memref<80x128xf32, #tpu.memory_space<vmem>>, vector<16xf32>,
        %get3A_534 = arith.index_cast %scan3A_485 : i32 to index
        %get3A_535 = arith.constant 96 : index
        %get3A_536 = tpu.vector_load %arg13[%get3A_534, %get3A_535] {strides = array<i32>} : memref<80x128xf32, #tpu.memory_space<vmem>>, vector<16xf32>,
        %add3A_537 = arith.addf %get3A_533, %get3A_536 : vector<16xf32>
        %get3A_538 = arith.index_cast %scan3A_485 : i32 to index
        %get3A_539 = arith.constant 32 : index
        %get3A_540 = tpu.vector_load %arg14[%get3A_538, %get3A_539] {strides = array<i32>} : memref<80x64xf32, #tpu.memory_space<vmem>>, vector<16xf32>,
        %add3A_541 = arith.addf %add3A_537, %get3A_540 : vector<16xf32>
        %neg3A_542 = arith.constant 0.000000e+00 : f32
        %neg3A_543 = vector.broadcast %neg3A_542 : f32 to vector<16xf32>
        %neg3A_544 = arith.subf %neg3A_543, %add3A_541 : vector<16xf32>
        %exp3A_545 = math.exp %neg3A_544 : vector<16xf32>
        %add3A_546 = arith.constant 1.000000e+00 : f32
        %add3A_547 = vector.broadcast %add3A_546 : f32 to vector<16xf32>
        %add3A_548 = arith.addf %add3A_547, %exp3A_545 : vector<16xf32>
        %div3A_549 = arith.divf %add3A_541, %add3A_548 : vector<16xf32>
        %get3A_550 = arith.constant 32 : index
        %get3A_551 = tpu.vector_load %arg9[%get3A_550] {strides = array<i32>} : memref<128xf32, #tpu.memory_space<vmem>>, vector<16xf32>,
        %mul3A_552 = arith.mulf %div3A_549, %get3A_551 : vector<16xf32>
        %add3A_553 = arith.addf %add3A_530, %mul3A_552 : vector<16xf32>
        %get3A_554 = arith.index_cast %scan3A_485 : i32 to index
        %get3A_555 = arith.constant 48 : index
        %get3A_556 = tpu.vector_load %arg12[%get3A_554, %get3A_555] {strides = array<i32>} : memref<80x128xf32, #tpu.memory_space<vmem>>, vector<16xf32>,
        %get3A_557 = arith.index_cast %scan3A_485 : i32 to index
        %get3A_558 = arith.constant 112 : index
        %get3A_559 = tpu.vector_load %arg13[%get3A_557, %get3A_558] {strides = array<i32>} : memref<80x128xf32, #tpu.memory_space<vmem>>, vector<16xf32>,
        %add3A_560 = arith.addf %get3A_556, %get3A_559 : vector<16xf32>
        %get3A_561 = arith.index_cast %scan3A_485 : i32 to index
        %get3A_562 = arith.constant 48 : index
        %get3A_563 = tpu.vector_load %arg14[%get3A_561, %get3A_562] {strides = array<i32>} : memref<80x64xf32, #tpu.memory_space<vmem>>, vector<16xf32>,
        %add3A_564 = arith.addf %add3A_560, %get3A_563 : vector<16xf32>
        %neg3A_565 = arith.constant 0.000000e+00 : f32
        %neg3A_566 = vector.broadcast %neg3A_565 : f32 to vector<16xf32>
        %neg3A_567 = arith.subf %neg3A_566, %add3A_564 : vector<16xf32>
        %exp3A_568 = math.exp %neg3A_567 : vector<16xf32>
        %add3A_569 = arith.constant 1.000000e+00 : f32
        %add3A_570 = vector.broadcast %add3A_569 : f32 to vector<16xf32>
        %add3A_571 = arith.addf %add3A_570, %exp3A_568 : vector<16xf32>
        %div3A_572 = arith.divf %add3A_564, %add3A_571 : vector<16xf32>
        %get3A_573 = arith.constant 48 : index
        %get3A_574 = tpu.vector_load %arg9[%get3A_573] {strides = array<i32>} : memref<128xf32, #tpu.memory_space<vmem>>, vector<16xf32>,
        %mul3A_575 = arith.mulf %div3A_572, %get3A_574 : vector<16xf32>
        %add3A_576 = arith.addf %add3A_553, %mul3A_575 : vector<16xf32>
        %mul3A_577 = arith.constant 16 : i32
        %mul3A_578 = arith.muli %scan3A_485, %mul3A_577 : i32
        %swap3A_579 = arith.index_cast %mul3A_578 : i32 to index
        %swap3A_580 = tpu.vector_load %arg8[%swap3A_579] {strides = array<i32>} : memref<1280xf32, #tpu.memory_space<vmem>>, vector<16xf32>,
        tpu.vector_store %arg8[%swap3A_579], %add3A_576 {strides = array<i32>} : memref<1280xf32, #tpu.memory_space<vmem>>, vector<16xf32>,
      }
      %scan3A_185 = arith.constant 80 : i32
      %scan3A_186 = arith.constant 0 : i32
      %scan3A_187 = arith.constant 0 : i32
      %scan3A_188 = arith.constant 5 : i32
      %scan3A_189 = arith.addi %scan3A_187, %scan3A_188 : i32
      %scan3A_190 = arith.constant 1 : i32
      scf.for %scan3A_392 = %scan3A_187 to %scan3A_189 step %scan3A_190  : i32 {
        %mul3A_393 = arith.constant 256 : i32
        %mul3A_394 = arith.muli %scan3A_392, %mul3A_393 : i32
        %add3A_395 = vector.broadcast %mul3A_394 : i32 to vector<16xi32>
        %add3A_396 = arith.addi %add3A_395, %mul3A_6 : vector<16xi32>
        %add3A_397 = arith.constant 0 : i32
        %add3A_398 = vector.broadcast %add3A_397 : i32 to vector<16xi32>
        %add3A_399 = arith.addi %add3A_396, %add3A_398 : vector<16xi32>
        %gather3A = tpu.vector_load_idx %arg8[%add3A_399] : memref<1280xf32, #tpu.memory_space<vmem>>[vector<16xi32>], vector<16xf32>,
        %add3A_400 = arith.addf %get3A_3, %gather3A : vector<16xf32>
        %mul3A_401 = arith.constant 256 : i32
        %mul3A_402 = arith.muli %scan3A_392, %mul3A_401 : i32
        %add3A_403 = vector.broadcast %mul3A_402 : i32 to vector<16xi32>
        %add3A_404 = arith.addi %add3A_403, %mul3A_6 : vector<16xi32>
        %add3A_405 = arith.constant 1 : i32
        %add3A_406 = vector.broadcast %add3A_405 : i32 to vector<16xi32>
        %add3A_407 = arith.addi %add3A_404, %add3A_406 : vector<16xi32>
        %gather3A_408 = tpu.vector_load_idx %arg8[%add3A_407] : memref<1280xf32, #tpu.memory_space<vmem>>[vector<16xi32>], vector<16xf32>,
        %add3A_409 = arith.addf %add3A_400, %gather3A_408 : vector<16xf32>
        %mul3A_410 = arith.constant 256 : i32
        %mul3A_411 = arith.muli %scan3A_392, %mul3A_410 : i32
        %add3A_412 = vector.broadcast %mul3A_411 : i32 to vector<16xi32>
        %add3A_413 = arith.addi %add3A_412, %mul3A_6 : vector<16xi32>
        %add3A_414 = arith.constant 2 : i32
        %add3A_415 = vector.broadcast %add3A_414 : i32 to vector<16xi32>
        %add3A_416 = arith.addi %add3A_413, %add3A_415 : vector<16xi32>
        %gather3A_417 = tpu.vector_load_idx %arg8[%add3A_416] : memref<1280xf32, #tpu.memory_space<vmem>>[vector<16xi32>], vector<16xf32>,
        %add3A_418 = arith.addf %add3A_409, %gather3A_417 : vector<16xf32>
        %mul3A_419 = arith.constant 256 : i32
        %mul3A_420 = arith.muli %scan3A_392, %mul3A_419 : i32
        %add3A_421 = vector.broadcast %mul3A_420 : i32 to vector<16xi32>
        %add3A_422 = arith.addi %add3A_421, %mul3A_6 : vector<16xi32>
        %add3A_423 = arith.constant 3 : i32
        %add3A_424 = vector.broadcast %add3A_423 : i32 to vector<16xi32>
        %add3A_425 = arith.addi %add3A_422, %add3A_424 : vector<16xi32>
        %gather3A_426 = tpu.vector_load_idx %arg8[%add3A_425] : memref<1280xf32, #tpu.memory_space<vmem>>[vector<16xi32>], vector<16xf32>,
        %add3A_427 = arith.addf %add3A_418, %gather3A_426 : vector<16xf32>
        %mul3A_428 = arith.constant 256 : i32
        %mul3A_429 = arith.muli %scan3A_392, %mul3A_428 : i32
        %add3A_430 = vector.broadcast %mul3A_429 : i32 to vector<16xi32>
        %add3A_431 = arith.addi %add3A_430, %mul3A_6 : vector<16xi32>
        %add3A_432 = arith.constant 4 : i32
        %add3A_433 = vector.broadcast %add3A_432 : i32 to vector<16xi32>
        %add3A_434 = arith.addi %add3A_431, %add3A_433 : vector<16xi32>
        %gather3A_435 = tpu.vector_load_idx %arg8[%add3A_434] : memref<1280xf32, #tpu.memory_space<vmem>>[vector<16xi32>], vector<16xf32>,
        %add3A_436 = arith.addf %add3A_427, %gather3A_435 : vector<16xf32>
        %mul3A_437 = arith.constant 256 : i32
        %mul3A_438 = arith.muli %scan3A_392, %mul3A_437 : i32
        %add3A_439 = vector.broadcast %mul3A_438 : i32 to vector<16xi32>
        %add3A_440 = arith.addi %add3A_439, %mul3A_6 : vector<16xi32>
        %add3A_441 = arith.constant 5 : i32
        %add3A_442 = vector.broadcast %add3A_441 : i32 to vector<16xi32>
        %add3A_443 = arith.addi %add3A_440, %add3A_442 : vector<16xi32>
        %gather3A_444 = tpu.vector_load_idx %arg8[%add3A_443] : memref<1280xf32, #tpu.memory_space<vmem>>[vector<16xi32>], vector<16xf32>,
        %add3A_445 = arith.addf %add3A_436, %gather3A_444 : vector<16xf32>
        %mul3A_446 = arith.constant 256 : i32
        %mul3A_447 = arith.muli %scan3A_392, %mul3A_446 : i32
        %add3A_448 = vector.broadcast %mul3A_447 : i32 to vector<16xi32>
        %add3A_449 = arith.addi %add3A_448, %mul3A_6 : vector<16xi32>
        %add3A_450 = arith.constant 6 : i32
        %add3A_451 = vector.broadcast %add3A_450 : i32 to vector<16xi32>
        %add3A_452 = arith.addi %add3A_449, %add3A_451 : vector<16xi32>
        %gather3A_453 = tpu.vector_load_idx %arg8[%add3A_452] : memref<1280xf32, #tpu.memory_space<vmem>>[vector<16xi32>], vector<16xf32>,
        %add3A_454 = arith.addf %add3A_445, %gather3A_453 : vector<16xf32>
        %mul3A_455 = arith.constant 256 : i32
        %mul3A_456 = arith.muli %scan3A_392, %mul3A_455 : i32
        %add3A_457 = vector.broadcast %mul3A_456 : i32 to vector<16xi32>
        %add3A_458 = arith.addi %add3A_457, %mul3A_6 : vector<16xi32>
        %add3A_459 = arith.constant 7 : i32
        %add3A_460 = vector.broadcast %add3A_459 : i32 to vector<16xi32>
        %add3A_461 = arith.addi %add3A_458, %add3A_460 : vector<16xi32>
        %gather3A_462 = tpu.vector_load_idx %arg8[%add3A_461] : memref<1280xf32, #tpu.memory_space<vmem>>[vector<16xi32>], vector<16xf32>,
        %add3A_463 = arith.addf %add3A_454, %gather3A_462 : vector<16xf32>
        %mul3A_464 = arith.constant 256 : i32
        %mul3A_465 = arith.muli %scan3A_392, %mul3A_464 : i32
        %add3A_466 = vector.broadcast %mul3A_465 : i32 to vector<16xi32>
        %add3A_467 = arith.addi %add3A_466, %mul3A_6 : vector<16xi32>
        %add3A_468 = arith.constant 8 : i32
        %add3A_469 = vector.broadcast %add3A_468 : i32 to vector<16xi32>
        %add3A_470 = arith.addi %add3A_467, %add3A_469 : vector<16xi32>
        %gather3A_471 = tpu.vector_load_idx %arg8[%add3A_470] : memref<1280xf32, #tpu.memory_space<vmem>>[vector<16xi32>], vector<16xf32>,
        %add3A_472 = arith.addf %add3A_463, %gather3A_471 : vector<16xf32>
        %mul3A_473 = arith.constant 256 : i32
        %mul3A_474 = arith.muli %scan3A_392, %mul3A_473 : i32
        %add3A_475 = vector.broadcast %mul3A_474 : i32 to vector<16xi32>
        %add3A_476 = arith.addi %add3A_475, %mul3A_6 : vector<16xi32>
        %add3A_477 = arith.constant 9 : i32
        %add3A_478 = vector.broadcast %add3A_477 : i32 to vector<16xi32>
        %add3A_479 = arith.addi %add3A_476, %add3A_478 : vector<16xi32>
        %gather3A_480 = tpu.vector_load_idx %arg8[%add3A_479] : memref<1280xf32, #tpu.memory_space<vmem>>[vector<16xi32>], vector<16xf32>,
        %add3A_481 = arith.addf %add3A_472, %gather3A_480 : vector<16xf32>
        %mul3A_482 = arith.constant 256 : i32
        %mul3A_483 = arith.muli %scan3A_392, %mul3A_482 : i32
        %add3A_484 = vector.broadcast %mul3A_483 : i32 to vector<16xi32>
        %add3A_485 = arith.addi %add3A_484, %mul3A_6 : vector<16xi32>
        %add3A_486 = arith.constant 10 : i32
        %add3A_487 = vector.broadcast %add3A_486 : i32 to vector<16xi32>
        %add3A_488 = arith.addi %add3A_485, %add3A_487 : vector<16xi32>
        %gather3A_489 = tpu.vector_load_idx %arg8[%add3A_488] : memref<1280xf32, #tpu.memory_space<vmem>>[vector<16xi32>], vector<16xf32>,
        %add3A_490 = arith.addf %add3A_481, %gather3A_489 : vector<16xf32>
        %mul3A_491 = arith.constant 256 : i32
        %mul3A_492 = arith.muli %scan3A_392, %mul3A_491 : i32
        %add3A_493 = vector.broadcast %mul3A_492 : i32 to vector<16xi32>
        %add3A_494 = arith.addi %add3A_493, %mul3A_6 : vector<16xi32>
        %add3A_495 = arith.constant 11 : i32
        %add3A_496 = vector.broadcast %add3A_495 : i32 to vector<16xi32>
        %add3A_497 = arith.addi %add3A_494, %add3A_496 : vector<16xi32>
        %gather3A_498 = tpu.vector_load_idx %arg8[%add3A_497] : memref<1280xf32, #tpu.memory_space<vmem>>[vector<16xi32>], vector<16xf32>,
        %add3A_499 = arith.addf %add3A_490, %gather3A_498 : vector<16xf32>
        %mul3A_500 = arith.constant 256 : i32
        %mul3A_501 = arith.muli %scan3A_392, %mul3A_500 : i32
        %add3A_502 = vector.broadcast %mul3A_501 : i32 to vector<16xi32>
        %add3A_503 = arith.addi %add3A_502, %mul3A_6 : vector<16xi32>
        %add3A_504 = arith.constant 12 : i32
        %add3A_505 = vector.broadcast %add3A_504 : i32 to vector<16xi32>
        %add3A_506 = arith.addi %add3A_503, %add3A_505 : vector<16xi32>
        %gather3A_507 = tpu.vector_load_idx %arg8[%add3A_506] : memref<1280xf32, #tpu.memory_space<vmem>>[vector<16xi32>], vector<16xf32>,
        %add3A_508 = arith.addf %add3A_499, %gather3A_507 : vector<16xf32>
        %mul3A_509 = arith.constant 256 : i32
        %mul3A_510 = arith.muli %scan3A_392, %mul3A_509 : i32
        %add3A_511 = vector.broadcast %mul3A_510 : i32 to vector<16xi32>
        %add3A_512 = arith.addi %add3A_511, %mul3A_6 : vector<16xi32>
        %add3A_513 = arith.constant 13 : i32
        %add3A_514 = vector.broadcast %add3A_513 : i32 to vector<16xi32>
        %add3A_515 = arith.addi %add3A_512, %add3A_514 : vector<16xi32>
        %gather3A_516 = tpu.vector_load_idx %arg8[%add3A_515] : memref<1280xf32, #tpu.memory_space<vmem>>[vector<16xi32>], vector<16xf32>,
        %add3A_517 = arith.addf %add3A_508, %gather3A_516 : vector<16xf32>
        %mul3A_518 = arith.constant 256 : i32
        %mul3A_519 = arith.muli %scan3A_392, %mul3A_518 : i32
        %add3A_520 = vector.broadcast %mul3A_519 : i32 to vector<16xi32>
        %add3A_521 = arith.addi %add3A_520, %mul3A_6 : vector<16xi32>
        %add3A_522 = arith.constant 14 : i32
        %add3A_523 = vector.broadcast %add3A_522 : i32 to vector<16xi32>
        %add3A_524 = arith.addi %add3A_521, %add3A_523 : vector<16xi32>
        %gather3A_525 = tpu.vector_load_idx %arg8[%add3A_524] : memref<1280xf32, #tpu.memory_space<vmem>>[vector<16xi32>], vector<16xf32>,
        %add3A_526 = arith.addf %add3A_517, %gather3A_525 : vector<16xf32>
        %mul3A_527 = arith.constant 256 : i32
        %mul3A_528 = arith.muli %scan3A_392, %mul3A_527 : i32
        %add3A_529 = vector.broadcast %mul3A_528 : i32 to vector<16xi32>
        %add3A_530 = arith.addi %add3A_529, %mul3A_6 : vector<16xi32>
        %add3A_531 = arith.constant 15 : i32
        %add3A_532 = vector.broadcast %add3A_531 : i32 to vector<16xi32>
        %add3A_533 = arith.addi %add3A_530, %add3A_532 : vector<16xi32>
        %gather3A_534 = tpu.vector_load_idx %arg8[%add3A_533] : memref<1280xf32, #tpu.memory_space<vmem>>[vector<16xi32>], vector<16xf32>,
        %add3A_535 = arith.addf %add3A_526, %gather3A_534 : vector<16xf32>
        %mul3A_536 = arith.constant 16 : i32
        %mul3A_537 = arith.muli %scan3A_392, %mul3A_536 : i32
        %swap3A = arith.index_cast %mul3A_537 : i32 to index
        %swap3A_538 = tpu.vector_load %arg15[%swap3A] {strides = array<i32>} : memref<80xf32, #tpu.memory_space<vmem>>, vector<16xf32>,
        tpu.vector_store %arg15[%swap3A], %add3A_535 {strides = array<i32>} : memref<80xf32, #tpu.memory_space<vmem>>, vector<16xf32>,
      }
      %scan3A_191 = arith.constant 5 : i32
      %mul3A_192 = arith.constant 80 : i32
      %mul3A_193 = arith.muli %add3A_164, %mul3A_192 : i32
      %add3A_194 = arith.addi %mul3A_2, %mul3A_193 : i32
      %dma_start3A_195 = arith.constant 0 : i32
      %dma_start3A_196 = tpu.memref_slice %arg15[%dma_start3A_195] : memref<80xf32, #tpu.memory_space<vmem>> -> memref<80xf32, #tpu.memory_space<vmem>>
      %dma_start3A_197 = tpu.memref_slice %arg7[%add3A_194] : memref<320000xf32, #tpu.memory_space<hbm>> -> memref<80xf32, #tpu.memory_space<hbm>>
      %dma_start3A_198 = tpu.memref_slice %arg7[%add3A_194] : memref<320000xf32, #tpu.memory_space<hbm>> -> memref<80xf32, #tpu.memory_space<hbm>>
      %dma_start3A_199 = arith.constant 0 : i32
      %dma_start3A_200 = tpu.memref_slice %arg15[%dma_start3A_199] : memref<80xf32, #tpu.memory_space<vmem>> -> memref<80xf32, #tpu.memory_space<vmem>>
      tpu.enqueue_dma source(%dma_start3A_200 : memref<80xf32, #tpu.memory_space<vmem>>) target(%dma_start3A_198 : memref<80xf32, #tpu.memory_space<hbm>>) target_semaphore(%arg18 : memref<!tpu.dma_semaphore, #tpu.memory_space<semaphore_mem>>)
      %add3A_201 = arith.constant 4 : i32
      %add3A_202 = arith.addi %add3A_164, %add3A_201 : i32
      %sub3A = arith.constant 1 : i32
      %sub3A_203 = arith.subi %add3A_202, %sub3A : i32
      %lt3A = arith.constant 125 : i32
      %lt3A_204 = arith.cmpi slt, %sub3A_203, %lt3A : i32
      %convert_element_type3A_205 = arith.extui %lt3A_204 : i1 to i32
      %cond3A_206 = arith.constant 0 : i32
      %cond3A_207 = arith.cmpi ne, %convert_element_type3A_205, %cond3A_206 : i32
      scf.if %cond3A_207 {
        %add3A_392 = arith.constant 4 : i32
        %add3A_393 = arith.addi %add3A_164, %add3A_392 : i32
        %sub3A_394 = arith.constant 1 : i32
        %sub3A_395 = arith.subi %add3A_393, %sub3A_394 : i32
        %mul3A_396 = arith.constant 80 : i32
        %mul3A_397 = arith.muli %sub3A_395, %mul3A_396 : i32
        %add3A_398 = arith.addi %mul3A_2, %mul3A_397 : i32
        %dma_wait3A_399 = tpu.memref_slice %arg4[%add3A_398] : memref<320000xi32, #tpu.memory_space<hbm>> -> memref<80xi32, #tpu.memory_space<hbm>>
        %dma_wait3A_400 = tpu.memref_slice %arg4[%add3A_398] : memref<320000xi32, #tpu.memory_space<hbm>> -> memref<80xi32, #tpu.memory_space<hbm>>
        tpu.wait_dma2 semaphore(%arg43 : memref<!tpu.dma_semaphore, #tpu.memory_space<semaphore_mem>>) src(%dma_wait3A_400 : memref<80xi32, #tpu.memory_space<hbm>>) dst(%arg37 : memref<80xi32, #tpu.memory_space<vmem>>)
        %dma_wait3A_401 = tpu.memref_slice %arg5[%add3A_398] : memref<320000xi32, #tpu.memory_space<hbm>> -> memref<80xi32, #tpu.memory_space<hbm>>
        %dma_wait3A_402 = tpu.memref_slice %arg5[%add3A_398] : memref<320000xi32, #tpu.memory_space<hbm>> -> memref<80xi32, #tpu.memory_space<hbm>>
        tpu.wait_dma2 semaphore(%arg43 : memref<!tpu.dma_semaphore, #tpu.memory_space<semaphore_mem>>) src(%dma_wait3A_402 : memref<80xi32, #tpu.memory_space<hbm>>) dst(%arg38 : memref<80xi32, #tpu.memory_space<vmem>>)
        %add3A_403 = arith.constant 4 : i32
        %add3A_404 = arith.addi %add3A_164, %add3A_403 : i32
        %sub3A_405 = arith.constant 1 : i32
        %sub3A_406 = arith.subi %add3A_404, %sub3A_405 : i32
        %mul3A_407 = arith.constant 80 : i32
        %mul3A_408 = arith.muli %sub3A_406, %mul3A_407 : i32
        %add3A_409 = arith.addi %mul3A_2, %mul3A_408 : i32
        %dma_start3A_410 = arith.constant 0 : i32
        %dma_start3A_411 = arith.constant 0 : i32
        %dma_start3A_412 = tpu.memref_slice %arg2[%dma_start3A_410, %dma_start3A_411] : memref<10000x128xf32, #tpu.memory_space<hbm>> -> memref<10000x128xf32, #tpu.memory_space<hbm>>
        tpu.enqueue_indirect_dma source(%dma_start3A_412 : memref<10000x128xf32, #tpu.memory_space<hbm>>) target(%arg39 : memref<80x128xf32, #tpu.memory_space<vmem>>) offsets(%arg37 : memref<80xi32, #tpu.memory_space<vmem>>) semaphore(%arg44 : memref<!tpu.dma_semaphore, #tpu.memory_space<semaphore_mem>>)
        %dma_start3A_413 = arith.constant 0 : i32
        %dma_start3A_414 = arith.constant 0 : i32
        %dma_start3A_415 = tpu.memref_slice %arg2[%dma_start3A_413, %dma_start3A_414] : memref<10000x128xf32, #tpu.memory_space<hbm>> -> memref<10000x128xf32, #tpu.memory_space<hbm>>
        tpu.enqueue_indirect_dma source(%dma_start3A_415 : memref<10000x128xf32, #tpu.memory_space<hbm>>) target(%arg40 : memref<80x128xf32, #tpu.memory_space<vmem>>) offsets(%arg38 : memref<80xi32, #tpu.memory_space<vmem>>) semaphore(%arg44 : memref<!tpu.dma_semaphore, #tpu.memory_space<semaphore_mem>>)
        %dma_start3A_416 = arith.constant 0 : i32
        %dma_start3A_417 = tpu.memref_slice %arg3[%add3A_409, %dma_start3A_416] : memref<320000x64xf32, #tpu.memory_space<hbm>> -> memref<80x64xf32, #tpu.memory_space<hbm>>
        %dma_start3A_418 = arith.constant 0 : i32
        %dma_start3A_419 = tpu.memref_slice %arg3[%add3A_409, %dma_start3A_418] : memref<320000x64xf32, #tpu.memory_space<hbm>> -> memref<80x64xf32, #tpu.memory_space<hbm>>
        tpu.enqueue_dma source(%dma_start3A_419 : memref<80x64xf32, #tpu.memory_space<hbm>>) target(%arg41 : memref<80x64xf32, #tpu.memory_space<vmem>>) target_semaphore(%arg44 : memref<!tpu.dma_semaphore, #tpu.memory_space<semaphore_mem>>)
      } else {
      }
      %add3A_208 = arith.constant 4 : i32
      %add3A_209 = arith.addi %add3A_164, %add3A_208 : i32
      %lt3A_210 = arith.constant 125 : i32
      %lt3A_211 = arith.cmpi slt, %add3A_209, %lt3A_210 : i32
      %convert_element_type3A_212 = arith.extui %lt3A_211 : i1 to i32
      %cond3A_213 = arith.constant 0 : i32
      %cond3A_214 = arith.cmpi ne, %convert_element_type3A_212, %cond3A_213 : i32
      scf.if %cond3A_214 {
        %add3A_392 = arith.constant 4 : i32
        %add3A_393 = arith.addi %add3A_164, %add3A_392 : i32
        %mul3A_394 = arith.constant 80 : i32
        %mul3A_395 = arith.muli %add3A_393, %mul3A_394 : i32
        %add3A_396 = arith.addi %mul3A_2, %mul3A_395 : i32
        %dma_start3A_397 = tpu.memref_slice %arg4[%add3A_396] : memref<320000xi32, #tpu.memory_space<hbm>> -> memref<80xi32, #tpu.memory_space<hbm>>
        %dma_start3A_398 = tpu.memref_slice %arg4[%add3A_396] : memref<320000xi32, #tpu.memory_space<hbm>> -> memref<80xi32, #tpu.memory_space<hbm>>
        tpu.enqueue_dma source(%dma_start3A_398 : memref<80xi32, #tpu.memory_space<hbm>>) target(%arg10 : memref<80xi32, #tpu.memory_space<vmem>>) target_semaphore(%arg16 : memref<!tpu.dma_semaphore, #tpu.memory_space<semaphore_mem>>)
        %dma_start3A_399 = tpu.memref_slice %arg5[%add3A_396] : memref<320000xi32, #tpu.memory_space<hbm>> -> memref<80xi32, #tpu.memory_space<hbm>>
        %dma_start3A_400 = tpu.memref_slice %arg5[%add3A_396] : memref<320000xi32, #tpu.memory_space<hbm>> -> memref<80xi32, #tpu.memory_space<hbm>>
        tpu.enqueue_dma source(%dma_start3A_400 : memref<80xi32, #tpu.memory_space<hbm>>) target(%arg11 : memref<80xi32, #tpu.memory_space<vmem>>) target_semaphore(%arg16 : memref<!tpu.dma_semaphore, #tpu.memory_space<semaphore_mem>>)
      } else {
      }
      %mul3A_215 = arith.constant 4 : i32
      %mul3A_216 = arith.muli %scan3A_160, %mul3A_215 : i32
      %add3A_217 = arith.constant 1 : i32
      %add3A_218 = arith.addi %mul3A_216, %add3A_217 : i32
      %mul3A_219 = arith.constant 80 : i32
      %mul3A_220 = arith.muli %add3A_218, %mul3A_219 : i32
      %add3A_221 = arith.addi %mul3A_2, %mul3A_220 : i32
      %dma_wait3A_222 = arith.constant 0 : i32
      %dma_wait3A_223 = arith.constant 0 : i32
      %dma_wait3A_224 = tpu.memref_slice %arg2[%dma_wait3A_222, %dma_wait3A_223] : memref<10000x128xf32, #tpu.memory_space<hbm>> -> memref<10000x128xf32, #tpu.memory_space<hbm>>
      tpu.wait_indirect_dma semaphore(%arg26 : memref<!tpu.dma_semaphore, #tpu.memory_space<semaphore_mem>>) src(%dma_wait3A_224 : memref<10000x128xf32, #tpu.memory_space<hbm>>) dst(%arg21 : memref<80x128xf32, #tpu.memory_space<vmem>>)
      %dma_wait3A_225 = arith.constant 0 : i32
      %dma_wait3A_226 = arith.constant 0 : i32
      %dma_wait3A_227 = tpu.memref_slice %arg2[%dma_wait3A_225, %dma_wait3A_226] : memref<10000x128xf32, #tpu.memory_space<hbm>> -> memref<10000x128xf32, #tpu.memory_space<hbm>>
      tpu.wait_indirect_dma semaphore(%arg26 : memref<!tpu.dma_semaphore, #tpu.memory_space<semaphore_mem>>) src(%dma_wait3A_227 : memref<10000x128xf32, #tpu.memory_space<hbm>>) dst(%arg22 : memref<80x128xf32, #tpu.memory_space<vmem>>)
      %dma_wait3A_228 = arith.constant 0 : i32
      %dma_wait3A_229 = tpu.memref_slice %arg3[%add3A_221, %dma_wait3A_228] : memref<320000x64xf32, #tpu.memory_space<hbm>> -> memref<80x64xf32, #tpu.memory_space<hbm>>
      %dma_wait3A_230 = arith.constant 0 : i32
      %dma_wait3A_231 = tpu.memref_slice %arg3[%add3A_221, %dma_wait3A_230] : memref<320000x64xf32, #tpu.memory_space<hbm>> -> memref<80x64xf32, #tpu.memory_space<hbm>>
      tpu.wait_dma2 semaphore(%arg26 : memref<!tpu.dma_semaphore, #tpu.memory_space<semaphore_mem>>) src(%dma_wait3A_231 : memref<80x64xf32, #tpu.memory_space<hbm>>) dst(%arg23 : memref<80x64xf32, #tpu.memory_space<vmem>>)
      %gt3A_232 = arith.constant 0 : i32
      %gt3A_233 = arith.cmpi sgt, %scan3A_160, %gt3A_232 : i32
      %convert_element_type3A_234 = arith.extui %gt3A_233 : i1 to i32
      %cond3A_235 = arith.constant 0 : i32
      %cond3A_236 = arith.cmpi ne, %convert_element_type3A_234, %cond3A_235 : i32
      scf.if %cond3A_236 {
        %sub3A_392 = arith.constant 4 : i32
        %sub3A_393 = arith.subi %add3A_218, %sub3A_392 : i32
        %mul3A_394 = arith.constant 80 : i32
        %mul3A_395 = arith.muli %sub3A_393, %mul3A_394 : i32
        %add3A_396 = arith.addi %mul3A_2, %mul3A_395 : i32
        %dma_wait3A_397 = arith.constant 0 : i32
        %dma_wait3A_398 = tpu.memref_slice %arg24[%dma_wait3A_397] : memref<80xf32, #tpu.memory_space<vmem>> -> memref<80xf32, #tpu.memory_space<vmem>>
        %dma_wait3A_399 = tpu.memref_slice %arg7[%add3A_396] : memref<320000xf32, #tpu.memory_space<hbm>> -> memref<80xf32, #tpu.memory_space<hbm>>
        %dma_wait3A_400 = tpu.memref_slice %arg7[%add3A_396] : memref<320000xf32, #tpu.memory_space<hbm>> -> memref<80xf32, #tpu.memory_space<hbm>>
        %dma_wait3A_401 = arith.constant 0 : i32
        %dma_wait3A_402 = tpu.memref_slice %arg24[%dma_wait3A_401] : memref<80xf32, #tpu.memory_space<vmem>> -> memref<80xf32, #tpu.memory_space<vmem>>
        tpu.wait_dma2 semaphore(%arg27 : memref<!tpu.dma_semaphore, #tpu.memory_space<semaphore_mem>>) src(%dma_wait3A_402 : memref<80xf32, #tpu.memory_space<vmem>>) dst(%dma_wait3A_400 : memref<80xf32, #tpu.memory_space<hbm>>)
      } else {
      }
      %scan3A_237 = arith.constant 0 : i32
      %scan3A_238 = arith.constant 0 : i32
      %scan3A_239 = arith.constant 80 : i32
      %scan3A_240 = arith.addi %scan3A_238, %scan3A_239 : i32
      %scan3A_241 = arith.constant 2 : i32
      scf.for %scan3A_392 = %scan3A_238 to %scan3A_240 step %scan3A_241  : i32 {
        %get3A_393 = arith.index_cast %scan3A_392 : i32 to index
        %get3A_394 = arith.constant 0 : index
        %get3A_395 = tpu.vector_load %arg21[%get3A_393, %get3A_394] {strides = array<i32>} : memref<80x128xf32, #tpu.memory_space<vmem>>, vector<16xf32>,
        %get3A_396 = arith.index_cast %scan3A_392 : i32 to index
        %get3A_397 = arith.constant 64 : index
        %get3A_398 = tpu.vector_load %arg22[%get3A_396, %get3A_397] {strides = array<i32>} : memref<80x128xf32, #tpu.memory_space<vmem>>, vector<16xf32>,
        %add3A_399 = arith.addf %get3A_395, %get3A_398 : vector<16xf32>
        %get3A_400 = arith.index_cast %scan3A_392 : i32 to index
        %get3A_401 = arith.constant 0 : index
        %get3A_402 = tpu.vector_load %arg23[%get3A_400, %get3A_401] {strides = array<i32>} : memref<80x64xf32, #tpu.memory_space<vmem>>, vector<16xf32>,
        %add3A_403 = arith.addf %add3A_399, %get3A_402 : vector<16xf32>
        %neg3A = arith.constant 0.000000e+00 : f32
        %neg3A_404 = vector.broadcast %neg3A : f32 to vector<16xf32>
        %neg3A_405 = arith.subf %neg3A_404, %add3A_403 : vector<16xf32>
        %exp3A = math.exp %neg3A_405 : vector<16xf32>
        %add3A_406 = arith.constant 1.000000e+00 : f32
        %add3A_407 = vector.broadcast %add3A_406 : f32 to vector<16xf32>
        %add3A_408 = arith.addf %add3A_407, %exp3A : vector<16xf32>
        %div3A = arith.divf %add3A_403, %add3A_408 : vector<16xf32>
        %get3A_409 = arith.constant 0 : index
        %get3A_410 = tpu.vector_load %arg9[%get3A_409] {strides = array<i32>} : memref<128xf32, #tpu.memory_space<vmem>>, vector<16xf32>,
        %mul3A_411 = arith.mulf %div3A, %get3A_410 : vector<16xf32>
        %get3A_412 = arith.index_cast %scan3A_392 : i32 to index
        %get3A_413 = arith.constant 16 : index
        %get3A_414 = tpu.vector_load %arg21[%get3A_412, %get3A_413] {strides = array<i32>} : memref<80x128xf32, #tpu.memory_space<vmem>>, vector<16xf32>,
        %get3A_415 = arith.index_cast %scan3A_392 : i32 to index
        %get3A_416 = arith.constant 80 : index
        %get3A_417 = tpu.vector_load %arg22[%get3A_415, %get3A_416] {strides = array<i32>} : memref<80x128xf32, #tpu.memory_space<vmem>>, vector<16xf32>,
        %add3A_418 = arith.addf %get3A_414, %get3A_417 : vector<16xf32>
        %get3A_419 = arith.index_cast %scan3A_392 : i32 to index
        %get3A_420 = arith.constant 16 : index
        %get3A_421 = tpu.vector_load %arg23[%get3A_419, %get3A_420] {strides = array<i32>} : memref<80x64xf32, #tpu.memory_space<vmem>>, vector<16xf32>,
        %add3A_422 = arith.addf %add3A_418, %get3A_421 : vector<16xf32>
        %neg3A_423 = arith.constant 0.000000e+00 : f32
        %neg3A_424 = vector.broadcast %neg3A_423 : f32 to vector<16xf32>
        %neg3A_425 = arith.subf %neg3A_424, %add3A_422 : vector<16xf32>
        %exp3A_426 = math.exp %neg3A_425 : vector<16xf32>
        %add3A_427 = arith.constant 1.000000e+00 : f32
        %add3A_428 = vector.broadcast %add3A_427 : f32 to vector<16xf32>
        %add3A_429 = arith.addf %add3A_428, %exp3A_426 : vector<16xf32>
        %div3A_430 = arith.divf %add3A_422, %add3A_429 : vector<16xf32>
        %get3A_431 = arith.constant 16 : index
        %get3A_432 = tpu.vector_load %arg9[%get3A_431] {strides = array<i32>} : memref<128xf32, #tpu.memory_space<vmem>>, vector<16xf32>,
        %mul3A_433 = arith.mulf %div3A_430, %get3A_432 : vector<16xf32>
        %add3A_434 = arith.addf %mul3A_411, %mul3A_433 : vector<16xf32>
        %get3A_435 = arith.index_cast %scan3A_392 : i32 to index
        %get3A_436 = arith.constant 32 : index
        %get3A_437 = tpu.vector_load %arg21[%get3A_435, %get3A_436] {strides = array<i32>} : memref<80x128xf32, #tpu.memory_space<vmem>>, vector<16xf32>,
        %get3A_438 = arith.index_cast %scan3A_392 : i32 to index
        %get3A_439 = arith.constant 96 : index
        %get3A_440 = tpu.vector_load %arg22[%get3A_438, %get3A_439] {strides = array<i32>} : memref<80x128xf32, #tpu.memory_space<vmem>>, vector<16xf32>,
        %add3A_441 = arith.addf %get3A_437, %get3A_440 : vector<16xf32>
        %get3A_442 = arith.index_cast %scan3A_392 : i32 to index
        %get3A_443 = arith.constant 32 : index
        %get3A_444 = tpu.vector_load %arg23[%get3A_442, %get3A_443] {strides = array<i32>} : memref<80x64xf32, #tpu.memory_space<vmem>>, vector<16xf32>,
        %add3A_445 = arith.addf %add3A_441, %get3A_444 : vector<16xf32>
        %neg3A_446 = arith.constant 0.000000e+00 : f32
        %neg3A_447 = vector.broadcast %neg3A_446 : f32 to vector<16xf32>
        %neg3A_448 = arith.subf %neg3A_447, %add3A_445 : vector<16xf32>
        %exp3A_449 = math.exp %neg3A_448 : vector<16xf32>
        %add3A_450 = arith.constant 1.000000e+00 : f32
        %add3A_451 = vector.broadcast %add3A_450 : f32 to vector<16xf32>
        %add3A_452 = arith.addf %add3A_451, %exp3A_449 : vector<16xf32>
        %div3A_453 = arith.divf %add3A_445, %add3A_452 : vector<16xf32>
        %get3A_454 = arith.constant 32 : index
        %get3A_455 = tpu.vector_load %arg9[%get3A_454] {strides = array<i32>} : memref<128xf32, #tpu.memory_space<vmem>>, vector<16xf32>,
        %mul3A_456 = arith.mulf %div3A_453, %get3A_455 : vector<16xf32>
        %add3A_457 = arith.addf %add3A_434, %mul3A_456 : vector<16xf32>
        %get3A_458 = arith.index_cast %scan3A_392 : i32 to index
        %get3A_459 = arith.constant 48 : index
        %get3A_460 = tpu.vector_load %arg21[%get3A_458, %get3A_459] {strides = array<i32>} : memref<80x128xf32, #tpu.memory_space<vmem>>, vector<16xf32>,
        %get3A_461 = arith.index_cast %scan3A_392 : i32 to index
        %get3A_462 = arith.constant 112 : index
        %get3A_463 = tpu.vector_load %arg22[%get3A_461, %get3A_462] {strides = array<i32>} : memref<80x128xf32, #tpu.memory_space<vmem>>, vector<16xf32>,
        %add3A_464 = arith.addf %get3A_460, %get3A_463 : vector<16xf32>
        %get3A_465 = arith.index_cast %scan3A_392 : i32 to index
        %get3A_466 = arith.constant 48 : index
        %get3A_467 = tpu.vector_load %arg23[%get3A_465, %get3A_466] {strides = array<i32>} : memref<80x64xf32, #tpu.memory_space<vmem>>, vector<16xf32>,
        %add3A_468 = arith.addf %add3A_464, %get3A_467 : vector<16xf32>
        %neg3A_469 = arith.constant 0.000000e+00 : f32
        %neg3A_470 = vector.broadcast %neg3A_469 : f32 to vector<16xf32>
        %neg3A_471 = arith.subf %neg3A_470, %add3A_468 : vector<16xf32>
        %exp3A_472 = math.exp %neg3A_471 : vector<16xf32>
        %add3A_473 = arith.constant 1.000000e+00 : f32
        %add3A_474 = vector.broadcast %add3A_473 : f32 to vector<16xf32>
        %add3A_475 = arith.addf %add3A_474, %exp3A_472 : vector<16xf32>
        %div3A_476 = arith.divf %add3A_468, %add3A_475 : vector<16xf32>
        %get3A_477 = arith.constant 48 : index
        %get3A_478 = tpu.vector_load %arg9[%get3A_477] {strides = array<i32>} : memref<128xf32, #tpu.memory_space<vmem>>, vector<16xf32>,
        %mul3A_479 = arith.mulf %div3A_476, %get3A_478 : vector<16xf32>
        %add3A_480 = arith.addf %add3A_457, %mul3A_479 : vector<16xf32>
        %mul3A_481 = arith.constant 16 : i32
        %mul3A_482 = arith.muli %scan3A_392, %mul3A_481 : i32
        %swap3A = arith.index_cast %mul3A_482 : i32 to index
        %swap3A_483 = tpu.vector_load %arg8[%swap3A] {strides = array<i32>} : memref<1280xf32, #tpu.memory_space<vmem>>, vector<16xf32>,
        tpu.vector_store %arg8[%swap3A], %add3A_480 {strides = array<i32>} : memref<1280xf32, #tpu.memory_space<vmem>>, vector<16xf32>,
        %scan3A_484 = arith.constant 1 : i32
        %scan3A_485 = arith.addi %scan3A_392, %scan3A_484 : i32
        %get3A_486 = arith.index_cast %scan3A_485 : i32 to index
        %get3A_487 = arith.constant 0 : index
        %get3A_488 = tpu.vector_load %arg21[%get3A_486, %get3A_487] {strides = array<i32>} : memref<80x128xf32, #tpu.memory_space<vmem>>, vector<16xf32>,
        %get3A_489 = arith.index_cast %scan3A_485 : i32 to index
        %get3A_490 = arith.constant 64 : index
        %get3A_491 = tpu.vector_load %arg22[%get3A_489, %get3A_490] {strides = array<i32>} : memref<80x128xf32, #tpu.memory_space<vmem>>, vector<16xf32>,
        %add3A_492 = arith.addf %get3A_488, %get3A_491 : vector<16xf32>
        %get3A_493 = arith.index_cast %scan3A_485 : i32 to index
        %get3A_494 = arith.constant 0 : index
        %get3A_495 = tpu.vector_load %arg23[%get3A_493, %get3A_494] {strides = array<i32>} : memref<80x64xf32, #tpu.memory_space<vmem>>, vector<16xf32>,
        %add3A_496 = arith.addf %add3A_492, %get3A_495 : vector<16xf32>
        %neg3A_497 = arith.constant 0.000000e+00 : f32
        %neg3A_498 = vector.broadcast %neg3A_497 : f32 to vector<16xf32>
        %neg3A_499 = arith.subf %neg3A_498, %add3A_496 : vector<16xf32>
        %exp3A_500 = math.exp %neg3A_499 : vector<16xf32>
        %add3A_501 = arith.constant 1.000000e+00 : f32
        %add3A_502 = vector.broadcast %add3A_501 : f32 to vector<16xf32>
        %add3A_503 = arith.addf %add3A_502, %exp3A_500 : vector<16xf32>
        %div3A_504 = arith.divf %add3A_496, %add3A_503 : vector<16xf32>
        %get3A_505 = arith.constant 0 : index
        %get3A_506 = tpu.vector_load %arg9[%get3A_505] {strides = array<i32>} : memref<128xf32, #tpu.memory_space<vmem>>, vector<16xf32>,
        %mul3A_507 = arith.mulf %div3A_504, %get3A_506 : vector<16xf32>
        %get3A_508 = arith.index_cast %scan3A_485 : i32 to index
        %get3A_509 = arith.constant 16 : index
        %get3A_510 = tpu.vector_load %arg21[%get3A_508, %get3A_509] {strides = array<i32>} : memref<80x128xf32, #tpu.memory_space<vmem>>, vector<16xf32>,
        %get3A_511 = arith.index_cast %scan3A_485 : i32 to index
        %get3A_512 = arith.constant 80 : index
        %get3A_513 = tpu.vector_load %arg22[%get3A_511, %get3A_512] {strides = array<i32>} : memref<80x128xf32, #tpu.memory_space<vmem>>, vector<16xf32>,
        %add3A_514 = arith.addf %get3A_510, %get3A_513 : vector<16xf32>
        %get3A_515 = arith.index_cast %scan3A_485 : i32 to index
        %get3A_516 = arith.constant 16 : index
        %get3A_517 = tpu.vector_load %arg23[%get3A_515, %get3A_516] {strides = array<i32>} : memref<80x64xf32, #tpu.memory_space<vmem>>, vector<16xf32>,
        %add3A_518 = arith.addf %add3A_514, %get3A_517 : vector<16xf32>
        %neg3A_519 = arith.constant 0.000000e+00 : f32
        %neg3A_520 = vector.broadcast %neg3A_519 : f32 to vector<16xf32>
        %neg3A_521 = arith.subf %neg3A_520, %add3A_518 : vector<16xf32>
        %exp3A_522 = math.exp %neg3A_521 : vector<16xf32>
        %add3A_523 = arith.constant 1.000000e+00 : f32
        %add3A_524 = vector.broadcast %add3A_523 : f32 to vector<16xf32>
        %add3A_525 = arith.addf %add3A_524, %exp3A_522 : vector<16xf32>
        %div3A_526 = arith.divf %add3A_518, %add3A_525 : vector<16xf32>
        %get3A_527 = arith.constant 16 : index
        %get3A_528 = tpu.vector_load %arg9[%get3A_527] {strides = array<i32>} : memref<128xf32, #tpu.memory_space<vmem>>, vector<16xf32>,
        %mul3A_529 = arith.mulf %div3A_526, %get3A_528 : vector<16xf32>
        %add3A_530 = arith.addf %mul3A_507, %mul3A_529 : vector<16xf32>
        %get3A_531 = arith.index_cast %scan3A_485 : i32 to index
        %get3A_532 = arith.constant 32 : index
        %get3A_533 = tpu.vector_load %arg21[%get3A_531, %get3A_532] {strides = array<i32>} : memref<80x128xf32, #tpu.memory_space<vmem>>, vector<16xf32>,
        %get3A_534 = arith.index_cast %scan3A_485 : i32 to index
        %get3A_535 = arith.constant 96 : index
        %get3A_536 = tpu.vector_load %arg22[%get3A_534, %get3A_535] {strides = array<i32>} : memref<80x128xf32, #tpu.memory_space<vmem>>, vector<16xf32>,
        %add3A_537 = arith.addf %get3A_533, %get3A_536 : vector<16xf32>
        %get3A_538 = arith.index_cast %scan3A_485 : i32 to index
        %get3A_539 = arith.constant 32 : index
        %get3A_540 = tpu.vector_load %arg23[%get3A_538, %get3A_539] {strides = array<i32>} : memref<80x64xf32, #tpu.memory_space<vmem>>, vector<16xf32>,
        %add3A_541 = arith.addf %add3A_537, %get3A_540 : vector<16xf32>
        %neg3A_542 = arith.constant 0.000000e+00 : f32
        %neg3A_543 = vector.broadcast %neg3A_542 : f32 to vector<16xf32>
        %neg3A_544 = arith.subf %neg3A_543, %add3A_541 : vector<16xf32>
        %exp3A_545 = math.exp %neg3A_544 : vector<16xf32>
        %add3A_546 = arith.constant 1.000000e+00 : f32
        %add3A_547 = vector.broadcast %add3A_546 : f32 to vector<16xf32>
        %add3A_548 = arith.addf %add3A_547, %exp3A_545 : vector<16xf32>
        %div3A_549 = arith.divf %add3A_541, %add3A_548 : vector<16xf32>
        %get3A_550 = arith.constant 32 : index
        %get3A_551 = tpu.vector_load %arg9[%get3A_550] {strides = array<i32>} : memref<128xf32, #tpu.memory_space<vmem>>, vector<16xf32>,
        %mul3A_552 = arith.mulf %div3A_549, %get3A_551 : vector<16xf32>
        %add3A_553 = arith.addf %add3A_530, %mul3A_552 : vector<16xf32>
        %get3A_554 = arith.index_cast %scan3A_485 : i32 to index
        %get3A_555 = arith.constant 48 : index
        %get3A_556 = tpu.vector_load %arg21[%get3A_554, %get3A_555] {strides = array<i32>} : memref<80x128xf32, #tpu.memory_space<vmem>>, vector<16xf32>,
        %get3A_557 = arith.index_cast %scan3A_485 : i32 to index
        %get3A_558 = arith.constant 112 : index
        %get3A_559 = tpu.vector_load %arg22[%get3A_557, %get3A_558] {strides = array<i32>} : memref<80x128xf32, #tpu.memory_space<vmem>>, vector<16xf32>,
        %add3A_560 = arith.addf %get3A_556, %get3A_559 : vector<16xf32>
        %get3A_561 = arith.index_cast %scan3A_485 : i32 to index
        %get3A_562 = arith.constant 48 : index
        %get3A_563 = tpu.vector_load %arg23[%get3A_561, %get3A_562] {strides = array<i32>} : memref<80x64xf32, #tpu.memory_space<vmem>>, vector<16xf32>,
        %add3A_564 = arith.addf %add3A_560, %get3A_563 : vector<16xf32>
        %neg3A_565 = arith.constant 0.000000e+00 : f32
        %neg3A_566 = vector.broadcast %neg3A_565 : f32 to vector<16xf32>
        %neg3A_567 = arith.subf %neg3A_566, %add3A_564 : vector<16xf32>
        %exp3A_568 = math.exp %neg3A_567 : vector<16xf32>
        %add3A_569 = arith.constant 1.000000e+00 : f32
        %add3A_570 = vector.broadcast %add3A_569 : f32 to vector<16xf32>
        %add3A_571 = arith.addf %add3A_570, %exp3A_568 : vector<16xf32>
        %div3A_572 = arith.divf %add3A_564, %add3A_571 : vector<16xf32>
        %get3A_573 = arith.constant 48 : index
        %get3A_574 = tpu.vector_load %arg9[%get3A_573] {strides = array<i32>} : memref<128xf32, #tpu.memory_space<vmem>>, vector<16xf32>,
        %mul3A_575 = arith.mulf %div3A_572, %get3A_574 : vector<16xf32>
        %add3A_576 = arith.addf %add3A_553, %mul3A_575 : vector<16xf32>
        %mul3A_577 = arith.constant 16 : i32
        %mul3A_578 = arith.muli %scan3A_485, %mul3A_577 : i32
        %swap3A_579 = arith.index_cast %mul3A_578 : i32 to index
        %swap3A_580 = tpu.vector_load %arg8[%swap3A_579] {strides = array<i32>} : memref<1280xf32, #tpu.memory_space<vmem>>, vector<16xf32>,
        tpu.vector_store %arg8[%swap3A_579], %add3A_576 {strides = array<i32>} : memref<1280xf32, #tpu.memory_space<vmem>>, vector<16xf32>,
      }
      %scan3A_242 = arith.constant 80 : i32
      %scan3A_243 = arith.constant 0 : i32
      %scan3A_244 = arith.constant 0 : i32
      %scan3A_245 = arith.constant 5 : i32
      %scan3A_246 = arith.addi %scan3A_244, %scan3A_245 : i32
      %scan3A_247 = arith.constant 1 : i32
      scf.for %scan3A_392 = %scan3A_244 to %scan3A_246 step %scan3A_247  : i32 {
        %mul3A_393 = arith.constant 256 : i32
        %mul3A_394 = arith.muli %scan3A_392, %mul3A_393 : i32
        %add3A_395 = vector.broadcast %mul3A_394 : i32 to vector<16xi32>
        %add3A_396 = arith.addi %add3A_395, %mul3A_6 : vector<16xi32>
        %add3A_397 = arith.constant 0 : i32
        %add3A_398 = vector.broadcast %add3A_397 : i32 to vector<16xi32>
        %add3A_399 = arith.addi %add3A_396, %add3A_398 : vector<16xi32>
        %gather3A = tpu.vector_load_idx %arg8[%add3A_399] : memref<1280xf32, #tpu.memory_space<vmem>>[vector<16xi32>], vector<16xf32>,
        %add3A_400 = arith.addf %get3A_3, %gather3A : vector<16xf32>
        %mul3A_401 = arith.constant 256 : i32
        %mul3A_402 = arith.muli %scan3A_392, %mul3A_401 : i32
        %add3A_403 = vector.broadcast %mul3A_402 : i32 to vector<16xi32>
        %add3A_404 = arith.addi %add3A_403, %mul3A_6 : vector<16xi32>
        %add3A_405 = arith.constant 1 : i32
        %add3A_406 = vector.broadcast %add3A_405 : i32 to vector<16xi32>
        %add3A_407 = arith.addi %add3A_404, %add3A_406 : vector<16xi32>
        %gather3A_408 = tpu.vector_load_idx %arg8[%add3A_407] : memref<1280xf32, #tpu.memory_space<vmem>>[vector<16xi32>], vector<16xf32>,
        %add3A_409 = arith.addf %add3A_400, %gather3A_408 : vector<16xf32>
        %mul3A_410 = arith.constant 256 : i32
        %mul3A_411 = arith.muli %scan3A_392, %mul3A_410 : i32
        %add3A_412 = vector.broadcast %mul3A_411 : i32 to vector<16xi32>
        %add3A_413 = arith.addi %add3A_412, %mul3A_6 : vector<16xi32>
        %add3A_414 = arith.constant 2 : i32
        %add3A_415 = vector.broadcast %add3A_414 : i32 to vector<16xi32>
        %add3A_416 = arith.addi %add3A_413, %add3A_415 : vector<16xi32>
        %gather3A_417 = tpu.vector_load_idx %arg8[%add3A_416] : memref<1280xf32, #tpu.memory_space<vmem>>[vector<16xi32>], vector<16xf32>,
        %add3A_418 = arith.addf %add3A_409, %gather3A_417 : vector<16xf32>
        %mul3A_419 = arith.constant 256 : i32
        %mul3A_420 = arith.muli %scan3A_392, %mul3A_419 : i32
        %add3A_421 = vector.broadcast %mul3A_420 : i32 to vector<16xi32>
        %add3A_422 = arith.addi %add3A_421, %mul3A_6 : vector<16xi32>
        %add3A_423 = arith.constant 3 : i32
        %add3A_424 = vector.broadcast %add3A_423 : i32 to vector<16xi32>
        %add3A_425 = arith.addi %add3A_422, %add3A_424 : vector<16xi32>
        %gather3A_426 = tpu.vector_load_idx %arg8[%add3A_425] : memref<1280xf32, #tpu.memory_space<vmem>>[vector<16xi32>], vector<16xf32>,
        %add3A_427 = arith.addf %add3A_418, %gather3A_426 : vector<16xf32>
        %mul3A_428 = arith.constant 256 : i32
        %mul3A_429 = arith.muli %scan3A_392, %mul3A_428 : i32
        %add3A_430 = vector.broadcast %mul3A_429 : i32 to vector<16xi32>
        %add3A_431 = arith.addi %add3A_430, %mul3A_6 : vector<16xi32>
        %add3A_432 = arith.constant 4 : i32
        %add3A_433 = vector.broadcast %add3A_432 : i32 to vector<16xi32>
        %add3A_434 = arith.addi %add3A_431, %add3A_433 : vector<16xi32>
        %gather3A_435 = tpu.vector_load_idx %arg8[%add3A_434] : memref<1280xf32, #tpu.memory_space<vmem>>[vector<16xi32>], vector<16xf32>,
        %add3A_436 = arith.addf %add3A_427, %gather3A_435 : vector<16xf32>
        %mul3A_437 = arith.constant 256 : i32
        %mul3A_438 = arith.muli %scan3A_392, %mul3A_437 : i32
        %add3A_439 = vector.broadcast %mul3A_438 : i32 to vector<16xi32>
        %add3A_440 = arith.addi %add3A_439, %mul3A_6 : vector<16xi32>
        %add3A_441 = arith.constant 5 : i32
        %add3A_442 = vector.broadcast %add3A_441 : i32 to vector<16xi32>
        %add3A_443 = arith.addi %add3A_440, %add3A_442 : vector<16xi32>
        %gather3A_444 = tpu.vector_load_idx %arg8[%add3A_443] : memref<1280xf32, #tpu.memory_space<vmem>>[vector<16xi32>], vector<16xf32>,
        %add3A_445 = arith.addf %add3A_436, %gather3A_444 : vector<16xf32>
        %mul3A_446 = arith.constant 256 : i32
        %mul3A_447 = arith.muli %scan3A_392, %mul3A_446 : i32
        %add3A_448 = vector.broadcast %mul3A_447 : i32 to vector<16xi32>
        %add3A_449 = arith.addi %add3A_448, %mul3A_6 : vector<16xi32>
        %add3A_450 = arith.constant 6 : i32
        %add3A_451 = vector.broadcast %add3A_450 : i32 to vector<16xi32>
        %add3A_452 = arith.addi %add3A_449, %add3A_451 : vector<16xi32>
        %gather3A_453 = tpu.vector_load_idx %arg8[%add3A_452] : memref<1280xf32, #tpu.memory_space<vmem>>[vector<16xi32>], vector<16xf32>,
        %add3A_454 = arith.addf %add3A_445, %gather3A_453 : vector<16xf32>
        %mul3A_455 = arith.constant 256 : i32
        %mul3A_456 = arith.muli %scan3A_392, %mul3A_455 : i32
        %add3A_457 = vector.broadcast %mul3A_456 : i32 to vector<16xi32>
        %add3A_458 = arith.addi %add3A_457, %mul3A_6 : vector<16xi32>
        %add3A_459 = arith.constant 7 : i32
        %add3A_460 = vector.broadcast %add3A_459 : i32 to vector<16xi32>
        %add3A_461 = arith.addi %add3A_458, %add3A_460 : vector<16xi32>
        %gather3A_462 = tpu.vector_load_idx %arg8[%add3A_461] : memref<1280xf32, #tpu.memory_space<vmem>>[vector<16xi32>], vector<16xf32>,
        %add3A_463 = arith.addf %add3A_454, %gather3A_462 : vector<16xf32>
        %mul3A_464 = arith.constant 256 : i32
        %mul3A_465 = arith.muli %scan3A_392, %mul3A_464 : i32
        %add3A_466 = vector.broadcast %mul3A_465 : i32 to vector<16xi32>
        %add3A_467 = arith.addi %add3A_466, %mul3A_6 : vector<16xi32>
        %add3A_468 = arith.constant 8 : i32
        %add3A_469 = vector.broadcast %add3A_468 : i32 to vector<16xi32>
        %add3A_470 = arith.addi %add3A_467, %add3A_469 : vector<16xi32>
        %gather3A_471 = tpu.vector_load_idx %arg8[%add3A_470] : memref<1280xf32, #tpu.memory_space<vmem>>[vector<16xi32>], vector<16xf32>,
        %add3A_472 = arith.addf %add3A_463, %gather3A_471 : vector<16xf32>
        %mul3A_473 = arith.constant 256 : i32
        %mul3A_474 = arith.muli %scan3A_392, %mul3A_473 : i32
        %add3A_475 = vector.broadcast %mul3A_474 : i32 to vector<16xi32>
        %add3A_476 = arith.addi %add3A_475, %mul3A_6 : vector<16xi32>
        %add3A_477 = arith.constant 9 : i32
        %add3A_478 = vector.broadcast %add3A_477 : i32 to vector<16xi32>
        %add3A_479 = arith.addi %add3A_476, %add3A_478 : vector<16xi32>
        %gather3A_480 = tpu.vector_load_idx %arg8[%add3A_479] : memref<1280xf32, #tpu.memory_space<vmem>>[vector<16xi32>], vector<16xf32>,
        %add3A_481 = arith.addf %add3A_472, %gather3A_480 : vector<16xf32>
        %mul3A_482 = arith.constant 256 : i32
        %mul3A_483 = arith.muli %scan3A_392, %mul3A_482 : i32
        %add3A_484 = vector.broadcast %mul3A_483 : i32 to vector<16xi32>
        %add3A_485 = arith.addi %add3A_484, %mul3A_6 : vector<16xi32>
        %add3A_486 = arith.constant 10 : i32
        %add3A_487 = vector.broadcast %add3A_486 : i32 to vector<16xi32>
        %add3A_488 = arith.addi %add3A_485, %add3A_487 : vector<16xi32>
        %gather3A_489 = tpu.vector_load_idx %arg8[%add3A_488] : memref<1280xf32, #tpu.memory_space<vmem>>[vector<16xi32>], vector<16xf32>,
        %add3A_490 = arith.addf %add3A_481, %gather3A_489 : vector<16xf32>
        %mul3A_491 = arith.constant 256 : i32
        %mul3A_492 = arith.muli %scan3A_392, %mul3A_491 : i32
        %add3A_493 = vector.broadcast %mul3A_492 : i32 to vector<16xi32>
        %add3A_494 = arith.addi %add3A_493, %mul3A_6 : vector<16xi32>
        %add3A_495 = arith.constant 11 : i32
        %add3A_496 = vector.broadcast %add3A_495 : i32 to vector<16xi32>
        %add3A_497 = arith.addi %add3A_494, %add3A_496 : vector<16xi32>
        %gather3A_498 = tpu.vector_load_idx %arg8[%add3A_497] : memref<1280xf32, #tpu.memory_space<vmem>>[vector<16xi32>], vector<16xf32>,
        %add3A_499 = arith.addf %add3A_490, %gather3A_498 : vector<16xf32>
        %mul3A_500 = arith.constant 256 : i32
        %mul3A_501 = arith.muli %scan3A_392, %mul3A_500 : i32
        %add3A_502 = vector.broadcast %mul3A_501 : i32 to vector<16xi32>
        %add3A_503 = arith.addi %add3A_502, %mul3A_6 : vector<16xi32>
        %add3A_504 = arith.constant 12 : i32
        %add3A_505 = vector.broadcast %add3A_504 : i32 to vector<16xi32>
        %add3A_506 = arith.addi %add3A_503, %add3A_505 : vector<16xi32>
        %gather3A_507 = tpu.vector_load_idx %arg8[%add3A_506] : memref<1280xf32, #tpu.memory_space<vmem>>[vector<16xi32>], vector<16xf32>,
        %add3A_508 = arith.addf %add3A_499, %gather3A_507 : vector<16xf32>
        %mul3A_509 = arith.constant 256 : i32
        %mul3A_510 = arith.muli %scan3A_392, %mul3A_509 : i32
        %add3A_511 = vector.broadcast %mul3A_510 : i32 to vector<16xi32>
        %add3A_512 = arith.addi %add3A_511, %mul3A_6 : vector<16xi32>
        %add3A_513 = arith.constant 13 : i32
        %add3A_514 = vector.broadcast %add3A_513 : i32 to vector<16xi32>
        %add3A_515 = arith.addi %add3A_512, %add3A_514 : vector<16xi32>
        %gather3A_516 = tpu.vector_load_idx %arg8[%add3A_515] : memref<1280xf32, #tpu.memory_space<vmem>>[vector<16xi32>], vector<16xf32>,
        %add3A_517 = arith.addf %add3A_508, %gather3A_516 : vector<16xf32>
        %mul3A_518 = arith.constant 256 : i32
        %mul3A_519 = arith.muli %scan3A_392, %mul3A_518 : i32
        %add3A_520 = vector.broadcast %mul3A_519 : i32 to vector<16xi32>
        %add3A_521 = arith.addi %add3A_520, %mul3A_6 : vector<16xi32>
        %add3A_522 = arith.constant 14 : i32
        %add3A_523 = vector.broadcast %add3A_522 : i32 to vector<16xi32>
        %add3A_524 = arith.addi %add3A_521, %add3A_523 : vector<16xi32>
        %gather3A_525 = tpu.vector_load_idx %arg8[%add3A_524] : memref<1280xf32, #tpu.memory_space<vmem>>[vector<16xi32>], vector<16xf32>,
        %add3A_526 = arith.addf %add3A_517, %gather3A_525 : vector<16xf32>
        %mul3A_527 = arith.constant 256 : i32
        %mul3A_528 = arith.muli %scan3A_392, %mul3A_527 : i32
        %add3A_529 = vector.broadcast %mul3A_528 : i32 to vector<16xi32>
        %add3A_530 = arith.addi %add3A_529, %mul3A_6 : vector<16xi32>
        %add3A_531 = arith.constant 15 : i32
        %add3A_532 = vector.broadcast %add3A_531 : i32 to vector<16xi32>
        %add3A_533 = arith.addi %add3A_530, %add3A_532 : vector<16xi32>
        %gather3A_534 = tpu.vector_load_idx %arg8[%add3A_533] : memref<1280xf32, #tpu.memory_space<vmem>>[vector<16xi32>], vector<16xf32>,
        %add3A_535 = arith.addf %add3A_526, %gather3A_534 : vector<16xf32>
        %mul3A_536 = arith.constant 16 : i32
        %mul3A_537 = arith.muli %scan3A_392, %mul3A_536 : i32
        %swap3A = arith.index_cast %mul3A_537 : i32 to index
        %swap3A_538 = tpu.vector_load %arg24[%swap3A] {strides = array<i32>} : memref<80xf32, #tpu.memory_space<vmem>>, vector<16xf32>,
        tpu.vector_store %arg24[%swap3A], %add3A_535 {strides = array<i32>} : memref<80xf32, #tpu.memory_space<vmem>>, vector<16xf32>,
      }
      %scan3A_248 = arith.constant 5 : i32
      %mul3A_249 = arith.constant 80 : i32
      %mul3A_250 = arith.muli %add3A_218, %mul3A_249 : i32
      %add3A_251 = arith.addi %mul3A_2, %mul3A_250 : i32
      %dma_start3A_252 = arith.constant 0 : i32
      %dma_start3A_253 = tpu.memref_slice %arg24[%dma_start3A_252] : memref<80xf32, #tpu.memory_space<vmem>> -> memref<80xf32, #tpu.memory_space<vmem>>
      %dma_start3A_254 = tpu.memref_slice %arg7[%add3A_251] : memref<320000xf32, #tpu.memory_space<hbm>> -> memref<80xf32, #tpu.memory_space<hbm>>
      %dma_start3A_255 = tpu.memref_slice %arg7[%add3A_251] : memref<320000xf32, #tpu.memory_space<hbm>> -> memref<80xf32, #tpu.memory_space<hbm>>
      %dma_start3A_256 = arith.constant 0 : i32
      %dma_start3A_257 = tpu.memref_slice %arg24[%dma_start3A_256] : memref<80xf32, #tpu.memory_space<vmem>> -> memref<80xf32, #tpu.memory_space<vmem>>
      tpu.enqueue_dma source(%dma_start3A_257 : memref<80xf32, #tpu.memory_space<vmem>>) target(%dma_start3A_255 : memref<80xf32, #tpu.memory_space<hbm>>) target_semaphore(%arg27 : memref<!tpu.dma_semaphore, #tpu.memory_space<semaphore_mem>>)
      %add3A_258 = arith.constant 4 : i32
      %add3A_259 = arith.addi %add3A_218, %add3A_258 : i32
      %sub3A_260 = arith.constant 1 : i32
      %sub3A_261 = arith.subi %add3A_259, %sub3A_260 : i32
      %lt3A_262 = arith.constant 125 : i32
      %lt3A_263 = arith.cmpi slt, %sub3A_261, %lt3A_262 : i32
      %convert_element_type3A_264 = arith.extui %lt3A_263 : i1 to i32
      %cond3A_265 = arith.constant 0 : i32
      %cond3A_266 = arith.cmpi ne, %convert_element_type3A_264, %cond3A_265 : i32
      scf.if %cond3A_266 {
        %add3A_392 = arith.constant 4 : i32
        %add3A_393 = arith.addi %add3A_218, %add3A_392 : i32
        %sub3A_394 = arith.constant 1 : i32
        %sub3A_395 = arith.subi %add3A_393, %sub3A_394 : i32
        %mul3A_396 = arith.constant 80 : i32
        %mul3A_397 = arith.muli %sub3A_395, %mul3A_396 : i32
        %add3A_398 = arith.addi %mul3A_2, %mul3A_397 : i32
        %dma_wait3A_399 = tpu.memref_slice %arg4[%add3A_398] : memref<320000xi32, #tpu.memory_space<hbm>> -> memref<80xi32, #tpu.memory_space<hbm>>
        %dma_wait3A_400 = tpu.memref_slice %arg4[%add3A_398] : memref<320000xi32, #tpu.memory_space<hbm>> -> memref<80xi32, #tpu.memory_space<hbm>>
        tpu.wait_dma2 semaphore(%arg16 : memref<!tpu.dma_semaphore, #tpu.memory_space<semaphore_mem>>) src(%dma_wait3A_400 : memref<80xi32, #tpu.memory_space<hbm>>) dst(%arg10 : memref<80xi32, #tpu.memory_space<vmem>>)
        %dma_wait3A_401 = tpu.memref_slice %arg5[%add3A_398] : memref<320000xi32, #tpu.memory_space<hbm>> -> memref<80xi32, #tpu.memory_space<hbm>>
        %dma_wait3A_402 = tpu.memref_slice %arg5[%add3A_398] : memref<320000xi32, #tpu.memory_space<hbm>> -> memref<80xi32, #tpu.memory_space<hbm>>
        tpu.wait_dma2 semaphore(%arg16 : memref<!tpu.dma_semaphore, #tpu.memory_space<semaphore_mem>>) src(%dma_wait3A_402 : memref<80xi32, #tpu.memory_space<hbm>>) dst(%arg11 : memref<80xi32, #tpu.memory_space<vmem>>)
        %add3A_403 = arith.constant 4 : i32
        %add3A_404 = arith.addi %add3A_218, %add3A_403 : i32
        %sub3A_405 = arith.constant 1 : i32
        %sub3A_406 = arith.subi %add3A_404, %sub3A_405 : i32
        %mul3A_407 = arith.constant 80 : i32
        %mul3A_408 = arith.muli %sub3A_406, %mul3A_407 : i32
        %add3A_409 = arith.addi %mul3A_2, %mul3A_408 : i32
        %dma_start3A_410 = arith.constant 0 : i32
        %dma_start3A_411 = arith.constant 0 : i32
        %dma_start3A_412 = tpu.memref_slice %arg2[%dma_start3A_410, %dma_start3A_411] : memref<10000x128xf32, #tpu.memory_space<hbm>> -> memref<10000x128xf32, #tpu.memory_space<hbm>>
        tpu.enqueue_indirect_dma source(%dma_start3A_412 : memref<10000x128xf32, #tpu.memory_space<hbm>>) target(%arg12 : memref<80x128xf32, #tpu.memory_space<vmem>>) offsets(%arg10 : memref<80xi32, #tpu.memory_space<vmem>>) semaphore(%arg17 : memref<!tpu.dma_semaphore, #tpu.memory_space<semaphore_mem>>)
        %dma_start3A_413 = arith.constant 0 : i32
        %dma_start3A_414 = arith.constant 0 : i32
        %dma_start3A_415 = tpu.memref_slice %arg2[%dma_start3A_413, %dma_start3A_414] : memref<10000x128xf32, #tpu.memory_space<hbm>> -> memref<10000x128xf32, #tpu.memory_space<hbm>>
        tpu.enqueue_indirect_dma source(%dma_start3A_415 : memref<10000x128xf32, #tpu.memory_space<hbm>>) target(%arg13 : memref<80x128xf32, #tpu.memory_space<vmem>>) offsets(%arg11 : memref<80xi32, #tpu.memory_space<vmem>>) semaphore(%arg17 : memref<!tpu.dma_semaphore, #tpu.memory_space<semaphore_mem>>)
        %dma_start3A_416 = arith.constant 0 : i32
        %dma_start3A_417 = tpu.memref_slice %arg3[%add3A_409, %dma_start3A_416] : memref<320000x64xf32, #tpu.memory_space<hbm>> -> memref<80x64xf32, #tpu.memory_space<hbm>>
        %dma_start3A_418 = arith.constant 0 : i32
        %dma_start3A_419 = tpu.memref_slice %arg3[%add3A_409, %dma_start3A_418] : memref<320000x64xf32, #tpu.memory_space<hbm>> -> memref<80x64xf32, #tpu.memory_space<hbm>>
        tpu.enqueue_dma source(%dma_start3A_419 : memref<80x64xf32, #tpu.memory_space<hbm>>) target(%arg14 : memref<80x64xf32, #tpu.memory_space<vmem>>) target_semaphore(%arg17 : memref<!tpu.dma_semaphore, #tpu.memory_space<semaphore_mem>>)
      } else {
      }
      %add3A_267 = arith.constant 4 : i32
      %add3A_268 = arith.addi %add3A_218, %add3A_267 : i32
      %lt3A_269 = arith.constant 125 : i32
      %lt3A_270 = arith.cmpi slt, %add3A_268, %lt3A_269 : i32
      %convert_element_type3A_271 = arith.extui %lt3A_270 : i1 to i32
      %cond3A_272 = arith.constant 0 : i32
      %cond3A_273 = arith.cmpi ne, %convert_element_type3A_271, %cond3A_272 : i32
      scf.if %cond3A_273 {
        %add3A_392 = arith.constant 4 : i32
        %add3A_393 = arith.addi %add3A_218, %add3A_392 : i32
        %mul3A_394 = arith.constant 80 : i32
        %mul3A_395 = arith.muli %add3A_393, %mul3A_394 : i32
        %add3A_396 = arith.addi %mul3A_2, %mul3A_395 : i32
        %dma_start3A_397 = tpu.memref_slice %arg4[%add3A_396] : memref<320000xi32, #tpu.memory_space<hbm>> -> memref<80xi32, #tpu.memory_space<hbm>>
        %dma_start3A_398 = tpu.memref_slice %arg4[%add3A_396] : memref<320000xi32, #tpu.memory_space<hbm>> -> memref<80xi32, #tpu.memory_space<hbm>>
        tpu.enqueue_dma source(%dma_start3A_398 : memref<80xi32, #tpu.memory_space<hbm>>) target(%arg19 : memref<80xi32, #tpu.memory_space<vmem>>) target_semaphore(%arg25 : memref<!tpu.dma_semaphore, #tpu.memory_space<semaphore_mem>>)
        %dma_start3A_399 = tpu.memref_slice %arg5[%add3A_396] : memref<320000xi32, #tpu.memory_space<hbm>> -> memref<80xi32, #tpu.memory_space<hbm>>
        %dma_start3A_400 = tpu.memref_slice %arg5[%add3A_396] : memref<320000xi32, #tpu.memory_space<hbm>> -> memref<80xi32, #tpu.memory_space<hbm>>
        tpu.enqueue_dma source(%dma_start3A_400 : memref<80xi32, #tpu.memory_space<hbm>>) target(%arg20 : memref<80xi32, #tpu.memory_space<vmem>>) target_semaphore(%arg25 : memref<!tpu.dma_semaphore, #tpu.memory_space<semaphore_mem>>)
      } else {
      }
      %mul3A_274 = arith.constant 4 : i32
      %mul3A_275 = arith.muli %scan3A_160, %mul3A_274 : i32
      %add3A_276 = arith.constant 2 : i32
      %add3A_277 = arith.addi %mul3A_275, %add3A_276 : i32
      %mul3A_278 = arith.constant 80 : i32
      %mul3A_279 = arith.muli %add3A_277, %mul3A_278 : i32
      %add3A_280 = arith.addi %mul3A_2, %mul3A_279 : i32
      %dma_wait3A_281 = arith.constant 0 : i32
      %dma_wait3A_282 = arith.constant 0 : i32
      %dma_wait3A_283 = tpu.memref_slice %arg2[%dma_wait3A_281, %dma_wait3A_282] : memref<10000x128xf32, #tpu.memory_space<hbm>> -> memref<10000x128xf32, #tpu.memory_space<hbm>>
      tpu.wait_indirect_dma semaphore(%arg35 : memref<!tpu.dma_semaphore, #tpu.memory_space<semaphore_mem>>) src(%dma_wait3A_283 : memref<10000x128xf32, #tpu.memory_space<hbm>>) dst(%arg30 : memref<80x128xf32, #tpu.memory_space<vmem>>)
      %dma_wait3A_284 = arith.constant 0 : i32
      %dma_wait3A_285 = arith.constant 0 : i32
      %dma_wait3A_286 = tpu.memref_slice %arg2[%dma_wait3A_284, %dma_wait3A_285] : memref<10000x128xf32, #tpu.memory_space<hbm>> -> memref<10000x128xf32, #tpu.memory_space<hbm>>
      tpu.wait_indirect_dma semaphore(%arg35 : memref<!tpu.dma_semaphore, #tpu.memory_space<semaphore_mem>>) src(%dma_wait3A_286 : memref<10000x128xf32, #tpu.memory_space<hbm>>) dst(%arg31 : memref<80x128xf32, #tpu.memory_space<vmem>>)
      %dma_wait3A_287 = arith.constant 0 : i32
      %dma_wait3A_288 = tpu.memref_slice %arg3[%add3A_280, %dma_wait3A_287] : memref<320000x64xf32, #tpu.memory_space<hbm>> -> memref<80x64xf32, #tpu.memory_space<hbm>>
      %dma_wait3A_289 = arith.constant 0 : i32
      %dma_wait3A_290 = tpu.memref_slice %arg3[%add3A_280, %dma_wait3A_289] : memref<320000x64xf32, #tpu.memory_space<hbm>> -> memref<80x64xf32, #tpu.memory_space<hbm>>
      tpu.wait_dma2 semaphore(%arg35 : memref<!tpu.dma_semaphore, #tpu.memory_space<semaphore_mem>>) src(%dma_wait3A_290 : memref<80x64xf32, #tpu.memory_space<hbm>>) dst(%arg32 : memref<80x64xf32, #tpu.memory_space<vmem>>)
      %gt3A_291 = arith.constant 0 : i32
      %gt3A_292 = arith.cmpi sgt, %scan3A_160, %gt3A_291 : i32
      %convert_element_type3A_293 = arith.extui %gt3A_292 : i1 to i32
      %cond3A_294 = arith.constant 0 : i32
      %cond3A_295 = arith.cmpi ne, %convert_element_type3A_293, %cond3A_294 : i32
      scf.if %cond3A_295 {
        %sub3A_392 = arith.constant 4 : i32
        %sub3A_393 = arith.subi %add3A_277, %sub3A_392 : i32
        %mul3A_394 = arith.constant 80 : i32
        %mul3A_395 = arith.muli %sub3A_393, %mul3A_394 : i32
        %add3A_396 = arith.addi %mul3A_2, %mul3A_395 : i32
        %dma_wait3A_397 = arith.constant 0 : i32
        %dma_wait3A_398 = tpu.memref_slice %arg33[%dma_wait3A_397] : memref<80xf32, #tpu.memory_space<vmem>> -> memref<80xf32, #tpu.memory_space<vmem>>
        %dma_wait3A_399 = tpu.memref_slice %arg7[%add3A_396] : memref<320000xf32, #tpu.memory_space<hbm>> -> memref<80xf32, #tpu.memory_space<hbm>>
        %dma_wait3A_400 = tpu.memref_slice %arg7[%add3A_396] : memref<320000xf32, #tpu.memory_space<hbm>> -> memref<80xf32, #tpu.memory_space<hbm>>
        %dma_wait3A_401 = arith.constant 0 : i32
        %dma_wait3A_402 = tpu.memref_slice %arg33[%dma_wait3A_401] : memref<80xf32, #tpu.memory_space<vmem>> -> memref<80xf32, #tpu.memory_space<vmem>>
        tpu.wait_dma2 semaphore(%arg36 : memref<!tpu.dma_semaphore, #tpu.memory_space<semaphore_mem>>) src(%dma_wait3A_402 : memref<80xf32, #tpu.memory_space<vmem>>) dst(%dma_wait3A_400 : memref<80xf32, #tpu.memory_space<hbm>>)
      } else {
      }
      %scan3A_296 = arith.constant 0 : i32
      %scan3A_297 = arith.constant 0 : i32
      %scan3A_298 = arith.constant 80 : i32
      %scan3A_299 = arith.addi %scan3A_297, %scan3A_298 : i32
      %scan3A_300 = arith.constant 2 : i32
      scf.for %scan3A_392 = %scan3A_297 to %scan3A_299 step %scan3A_300  : i32 {
        %get3A_393 = arith.index_cast %scan3A_392 : i32 to index
        %get3A_394 = arith.constant 0 : index
        %get3A_395 = tpu.vector_load %arg30[%get3A_393, %get3A_394] {strides = array<i32>} : memref<80x128xf32, #tpu.memory_space<vmem>>, vector<16xf32>,
        %get3A_396 = arith.index_cast %scan3A_392 : i32 to index
        %get3A_397 = arith.constant 64 : index
        %get3A_398 = tpu.vector_load %arg31[%get3A_396, %get3A_397] {strides = array<i32>} : memref<80x128xf32, #tpu.memory_space<vmem>>, vector<16xf32>,
        %add3A_399 = arith.addf %get3A_395, %get3A_398 : vector<16xf32>
        %get3A_400 = arith.index_cast %scan3A_392 : i32 to index
        %get3A_401 = arith.constant 0 : index
        %get3A_402 = tpu.vector_load %arg32[%get3A_400, %get3A_401] {strides = array<i32>} : memref<80x64xf32, #tpu.memory_space<vmem>>, vector<16xf32>,
        %add3A_403 = arith.addf %add3A_399, %get3A_402 : vector<16xf32>
        %neg3A = arith.constant 0.000000e+00 : f32
        %neg3A_404 = vector.broadcast %neg3A : f32 to vector<16xf32>
        %neg3A_405 = arith.subf %neg3A_404, %add3A_403 : vector<16xf32>
        %exp3A = math.exp %neg3A_405 : vector<16xf32>
        %add3A_406 = arith.constant 1.000000e+00 : f32
        %add3A_407 = vector.broadcast %add3A_406 : f32 to vector<16xf32>
        %add3A_408 = arith.addf %add3A_407, %exp3A : vector<16xf32>
        %div3A = arith.divf %add3A_403, %add3A_408 : vector<16xf32>
        %get3A_409 = arith.constant 0 : index
        %get3A_410 = tpu.vector_load %arg9[%get3A_409] {strides = array<i32>} : memref<128xf32, #tpu.memory_space<vmem>>, vector<16xf32>,
        %mul3A_411 = arith.mulf %div3A, %get3A_410 : vector<16xf32>
        %get3A_412 = arith.index_cast %scan3A_392 : i32 to index
        %get3A_413 = arith.constant 16 : index
        %get3A_414 = tpu.vector_load %arg30[%get3A_412, %get3A_413] {strides = array<i32>} : memref<80x128xf32, #tpu.memory_space<vmem>>, vector<16xf32>,
        %get3A_415 = arith.index_cast %scan3A_392 : i32 to index
        %get3A_416 = arith.constant 80 : index
        %get3A_417 = tpu.vector_load %arg31[%get3A_415, %get3A_416] {strides = array<i32>} : memref<80x128xf32, #tpu.memory_space<vmem>>, vector<16xf32>,
        %add3A_418 = arith.addf %get3A_414, %get3A_417 : vector<16xf32>
        %get3A_419 = arith.index_cast %scan3A_392 : i32 to index
        %get3A_420 = arith.constant 16 : index
        %get3A_421 = tpu.vector_load %arg32[%get3A_419, %get3A_420] {strides = array<i32>} : memref<80x64xf32, #tpu.memory_space<vmem>>, vector<16xf32>,
        %add3A_422 = arith.addf %add3A_418, %get3A_421 : vector<16xf32>
        %neg3A_423 = arith.constant 0.000000e+00 : f32
        %neg3A_424 = vector.broadcast %neg3A_423 : f32 to vector<16xf32>
        %neg3A_425 = arith.subf %neg3A_424, %add3A_422 : vector<16xf32>
        %exp3A_426 = math.exp %neg3A_425 : vector<16xf32>
        %add3A_427 = arith.constant 1.000000e+00 : f32
        %add3A_428 = vector.broadcast %add3A_427 : f32 to vector<16xf32>
        %add3A_429 = arith.addf %add3A_428, %exp3A_426 : vector<16xf32>
        %div3A_430 = arith.divf %add3A_422, %add3A_429 : vector<16xf32>
        %get3A_431 = arith.constant 16 : index
        %get3A_432 = tpu.vector_load %arg9[%get3A_431] {strides = array<i32>} : memref<128xf32, #tpu.memory_space<vmem>>, vector<16xf32>,
        %mul3A_433 = arith.mulf %div3A_430, %get3A_432 : vector<16xf32>
        %add3A_434 = arith.addf %mul3A_411, %mul3A_433 : vector<16xf32>
        %get3A_435 = arith.index_cast %scan3A_392 : i32 to index
        %get3A_436 = arith.constant 32 : index
        %get3A_437 = tpu.vector_load %arg30[%get3A_435, %get3A_436] {strides = array<i32>} : memref<80x128xf32, #tpu.memory_space<vmem>>, vector<16xf32>,
        %get3A_438 = arith.index_cast %scan3A_392 : i32 to index
        %get3A_439 = arith.constant 96 : index
        %get3A_440 = tpu.vector_load %arg31[%get3A_438, %get3A_439] {strides = array<i32>} : memref<80x128xf32, #tpu.memory_space<vmem>>, vector<16xf32>,
        %add3A_441 = arith.addf %get3A_437, %get3A_440 : vector<16xf32>
        %get3A_442 = arith.index_cast %scan3A_392 : i32 to index
        %get3A_443 = arith.constant 32 : index
        %get3A_444 = tpu.vector_load %arg32[%get3A_442, %get3A_443] {strides = array<i32>} : memref<80x64xf32, #tpu.memory_space<vmem>>, vector<16xf32>,
        %add3A_445 = arith.addf %add3A_441, %get3A_444 : vector<16xf32>
        %neg3A_446 = arith.constant 0.000000e+00 : f32
        %neg3A_447 = vector.broadcast %neg3A_446 : f32 to vector<16xf32>
        %neg3A_448 = arith.subf %neg3A_447, %add3A_445 : vector<16xf32>
        %exp3A_449 = math.exp %neg3A_448 : vector<16xf32>
        %add3A_450 = arith.constant 1.000000e+00 : f32
        %add3A_451 = vector.broadcast %add3A_450 : f32 to vector<16xf32>
        %add3A_452 = arith.addf %add3A_451, %exp3A_449 : vector<16xf32>
        %div3A_453 = arith.divf %add3A_445, %add3A_452 : vector<16xf32>
        %get3A_454 = arith.constant 32 : index
        %get3A_455 = tpu.vector_load %arg9[%get3A_454] {strides = array<i32>} : memref<128xf32, #tpu.memory_space<vmem>>, vector<16xf32>,
        %mul3A_456 = arith.mulf %div3A_453, %get3A_455 : vector<16xf32>
        %add3A_457 = arith.addf %add3A_434, %mul3A_456 : vector<16xf32>
        %get3A_458 = arith.index_cast %scan3A_392 : i32 to index
        %get3A_459 = arith.constant 48 : index
        %get3A_460 = tpu.vector_load %arg30[%get3A_458, %get3A_459] {strides = array<i32>} : memref<80x128xf32, #tpu.memory_space<vmem>>, vector<16xf32>,
        %get3A_461 = arith.index_cast %scan3A_392 : i32 to index
        %get3A_462 = arith.constant 112 : index
        %get3A_463 = tpu.vector_load %arg31[%get3A_461, %get3A_462] {strides = array<i32>} : memref<80x128xf32, #tpu.memory_space<vmem>>, vector<16xf32>,
        %add3A_464 = arith.addf %get3A_460, %get3A_463 : vector<16xf32>
        %get3A_465 = arith.index_cast %scan3A_392 : i32 to index
        %get3A_466 = arith.constant 48 : index
        %get3A_467 = tpu.vector_load %arg32[%get3A_465, %get3A_466] {strides = array<i32>} : memref<80x64xf32, #tpu.memory_space<vmem>>, vector<16xf32>,
        %add3A_468 = arith.addf %add3A_464, %get3A_467 : vector<16xf32>
        %neg3A_469 = arith.constant 0.000000e+00 : f32
        %neg3A_470 = vector.broadcast %neg3A_469 : f32 to vector<16xf32>
        %neg3A_471 = arith.subf %neg3A_470, %add3A_468 : vector<16xf32>
        %exp3A_472 = math.exp %neg3A_471 : vector<16xf32>
        %add3A_473 = arith.constant 1.000000e+00 : f32
        %add3A_474 = vector.broadcast %add3A_473 : f32 to vector<16xf32>
        %add3A_475 = arith.addf %add3A_474, %exp3A_472 : vector<16xf32>
        %div3A_476 = arith.divf %add3A_468, %add3A_475 : vector<16xf32>
        %get3A_477 = arith.constant 48 : index
        %get3A_478 = tpu.vector_load %arg9[%get3A_477] {strides = array<i32>} : memref<128xf32, #tpu.memory_space<vmem>>, vector<16xf32>,
        %mul3A_479 = arith.mulf %div3A_476, %get3A_478 : vector<16xf32>
        %add3A_480 = arith.addf %add3A_457, %mul3A_479 : vector<16xf32>
        %mul3A_481 = arith.constant 16 : i32
        %mul3A_482 = arith.muli %scan3A_392, %mul3A_481 : i32
        %swap3A = arith.index_cast %mul3A_482 : i32 to index
        %swap3A_483 = tpu.vector_load %arg8[%swap3A] {strides = array<i32>} : memref<1280xf32, #tpu.memory_space<vmem>>, vector<16xf32>,
        tpu.vector_store %arg8[%swap3A], %add3A_480 {strides = array<i32>} : memref<1280xf32, #tpu.memory_space<vmem>>, vector<16xf32>,
        %scan3A_484 = arith.constant 1 : i32
        %scan3A_485 = arith.addi %scan3A_392, %scan3A_484 : i32
        %get3A_486 = arith.index_cast %scan3A_485 : i32 to index
        %get3A_487 = arith.constant 0 : index
        %get3A_488 = tpu.vector_load %arg30[%get3A_486, %get3A_487] {strides = array<i32>} : memref<80x128xf32, #tpu.memory_space<vmem>>, vector<16xf32>,
        %get3A_489 = arith.index_cast %scan3A_485 : i32 to index
        %get3A_490 = arith.constant 64 : index
        %get3A_491 = tpu.vector_load %arg31[%get3A_489, %get3A_490] {strides = array<i32>} : memref<80x128xf32, #tpu.memory_space<vmem>>, vector<16xf32>,
        %add3A_492 = arith.addf %get3A_488, %get3A_491 : vector<16xf32>
        %get3A_493 = arith.index_cast %scan3A_485 : i32 to index
        %get3A_494 = arith.constant 0 : index
        %get3A_495 = tpu.vector_load %arg32[%get3A_493, %get3A_494] {strides = array<i32>} : memref<80x64xf32, #tpu.memory_space<vmem>>, vector<16xf32>,
        %add3A_496 = arith.addf %add3A_492, %get3A_495 : vector<16xf32>
        %neg3A_497 = arith.constant 0.000000e+00 : f32
        %neg3A_498 = vector.broadcast %neg3A_497 : f32 to vector<16xf32>
        %neg3A_499 = arith.subf %neg3A_498, %add3A_496 : vector<16xf32>
        %exp3A_500 = math.exp %neg3A_499 : vector<16xf32>
        %add3A_501 = arith.constant 1.000000e+00 : f32
        %add3A_502 = vector.broadcast %add3A_501 : f32 to vector<16xf32>
        %add3A_503 = arith.addf %add3A_502, %exp3A_500 : vector<16xf32>
        %div3A_504 = arith.divf %add3A_496, %add3A_503 : vector<16xf32>
        %get3A_505 = arith.constant 0 : index
        %get3A_506 = tpu.vector_load %arg9[%get3A_505] {strides = array<i32>} : memref<128xf32, #tpu.memory_space<vmem>>, vector<16xf32>,
        %mul3A_507 = arith.mulf %div3A_504, %get3A_506 : vector<16xf32>
        %get3A_508 = arith.index_cast %scan3A_485 : i32 to index
        %get3A_509 = arith.constant 16 : index
        %get3A_510 = tpu.vector_load %arg30[%get3A_508, %get3A_509] {strides = array<i32>} : memref<80x128xf32, #tpu.memory_space<vmem>>, vector<16xf32>,
        %get3A_511 = arith.index_cast %scan3A_485 : i32 to index
        %get3A_512 = arith.constant 80 : index
        %get3A_513 = tpu.vector_load %arg31[%get3A_511, %get3A_512] {strides = array<i32>} : memref<80x128xf32, #tpu.memory_space<vmem>>, vector<16xf32>,
        %add3A_514 = arith.addf %get3A_510, %get3A_513 : vector<16xf32>
        %get3A_515 = arith.index_cast %scan3A_485 : i32 to index
        %get3A_516 = arith.constant 16 : index
        %get3A_517 = tpu.vector_load %arg32[%get3A_515, %get3A_516] {strides = array<i32>} : memref<80x64xf32, #tpu.memory_space<vmem>>, vector<16xf32>,
        %add3A_518 = arith.addf %add3A_514, %get3A_517 : vector<16xf32>
        %neg3A_519 = arith.constant 0.000000e+00 : f32
        %neg3A_520 = vector.broadcast %neg3A_519 : f32 to vector<16xf32>
        %neg3A_521 = arith.subf %neg3A_520, %add3A_518 : vector<16xf32>
        %exp3A_522 = math.exp %neg3A_521 : vector<16xf32>
        %add3A_523 = arith.constant 1.000000e+00 : f32
        %add3A_524 = vector.broadcast %add3A_523 : f32 to vector<16xf32>
        %add3A_525 = arith.addf %add3A_524, %exp3A_522 : vector<16xf32>
        %div3A_526 = arith.divf %add3A_518, %add3A_525 : vector<16xf32>
        %get3A_527 = arith.constant 16 : index
        %get3A_528 = tpu.vector_load %arg9[%get3A_527] {strides = array<i32>} : memref<128xf32, #tpu.memory_space<vmem>>, vector<16xf32>,
        %mul3A_529 = arith.mulf %div3A_526, %get3A_528 : vector<16xf32>
        %add3A_530 = arith.addf %mul3A_507, %mul3A_529 : vector<16xf32>
        %get3A_531 = arith.index_cast %scan3A_485 : i32 to index
        %get3A_532 = arith.constant 32 : index
        %get3A_533 = tpu.vector_load %arg30[%get3A_531, %get3A_532] {strides = array<i32>} : memref<80x128xf32, #tpu.memory_space<vmem>>, vector<16xf32>,
        %get3A_534 = arith.index_cast %scan3A_485 : i32 to index
        %get3A_535 = arith.constant 96 : index
        %get3A_536 = tpu.vector_load %arg31[%get3A_534, %get3A_535] {strides = array<i32>} : memref<80x128xf32, #tpu.memory_space<vmem>>, vector<16xf32>,
        %add3A_537 = arith.addf %get3A_533, %get3A_536 : vector<16xf32>
        %get3A_538 = arith.index_cast %scan3A_485 : i32 to index
        %get3A_539 = arith.constant 32 : index
        %get3A_540 = tpu.vector_load %arg32[%get3A_538, %get3A_539] {strides = array<i32>} : memref<80x64xf32, #tpu.memory_space<vmem>>, vector<16xf32>,
        %add3A_541 = arith.addf %add3A_537, %get3A_540 : vector<16xf32>
        %neg3A_542 = arith.constant 0.000000e+00 : f32
        %neg3A_543 = vector.broadcast %neg3A_542 : f32 to vector<16xf32>
        %neg3A_544 = arith.subf %neg3A_543, %add3A_541 : vector<16xf32>
        %exp3A_545 = math.exp %neg3A_544 : vector<16xf32>
        %add3A_546 = arith.constant 1.000000e+00 : f32
        %add3A_547 = vector.broadcast %add3A_546 : f32 to vector<16xf32>
        %add3A_548 = arith.addf %add3A_547, %exp3A_545 : vector<16xf32>
        %div3A_549 = arith.divf %add3A_541, %add3A_548 : vector<16xf32>
        %get3A_550 = arith.constant 32 : index
        %get3A_551 = tpu.vector_load %arg9[%get3A_550] {strides = array<i32>} : memref<128xf32, #tpu.memory_space<vmem>>, vector<16xf32>,
        %mul3A_552 = arith.mulf %div3A_549, %get3A_551 : vector<16xf32>
        %add3A_553 = arith.addf %add3A_530, %mul3A_552 : vector<16xf32>
        %get3A_554 = arith.index_cast %scan3A_485 : i32 to index
        %get3A_555 = arith.constant 48 : index
        %get3A_556 = tpu.vector_load %arg30[%get3A_554, %get3A_555] {strides = array<i32>} : memref<80x128xf32, #tpu.memory_space<vmem>>, vector<16xf32>,
        %get3A_557 = arith.index_cast %scan3A_485 : i32 to index
        %get3A_558 = arith.constant 112 : index
        %get3A_559 = tpu.vector_load %arg31[%get3A_557, %get3A_558] {strides = array<i32>} : memref<80x128xf32, #tpu.memory_space<vmem>>, vector<16xf32>,
        %add3A_560 = arith.addf %get3A_556, %get3A_559 : vector<16xf32>
        %get3A_561 = arith.index_cast %scan3A_485 : i32 to index
        %get3A_562 = arith.constant 48 : index
        %get3A_563 = tpu.vector_load %arg32[%get3A_561, %get3A_562] {strides = array<i32>} : memref<80x64xf32, #tpu.memory_space<vmem>>, vector<16xf32>,
        %add3A_564 = arith.addf %add3A_560, %get3A_563 : vector<16xf32>
        %neg3A_565 = arith.constant 0.000000e+00 : f32
        %neg3A_566 = vector.broadcast %neg3A_565 : f32 to vector<16xf32>
        %neg3A_567 = arith.subf %neg3A_566, %add3A_564 : vector<16xf32>
        %exp3A_568 = math.exp %neg3A_567 : vector<16xf32>
        %add3A_569 = arith.constant 1.000000e+00 : f32
        %add3A_570 = vector.broadcast %add3A_569 : f32 to vector<16xf32>
        %add3A_571 = arith.addf %add3A_570, %exp3A_568 : vector<16xf32>
        %div3A_572 = arith.divf %add3A_564, %add3A_571 : vector<16xf32>
        %get3A_573 = arith.constant 48 : index
        %get3A_574 = tpu.vector_load %arg9[%get3A_573] {strides = array<i32>} : memref<128xf32, #tpu.memory_space<vmem>>, vector<16xf32>,
        %mul3A_575 = arith.mulf %div3A_572, %get3A_574 : vector<16xf32>
        %add3A_576 = arith.addf %add3A_553, %mul3A_575 : vector<16xf32>
        %mul3A_577 = arith.constant 16 : i32
        %mul3A_578 = arith.muli %scan3A_485, %mul3A_577 : i32
        %swap3A_579 = arith.index_cast %mul3A_578 : i32 to index
        %swap3A_580 = tpu.vector_load %arg8[%swap3A_579] {strides = array<i32>} : memref<1280xf32, #tpu.memory_space<vmem>>, vector<16xf32>,
        tpu.vector_store %arg8[%swap3A_579], %add3A_576 {strides = array<i32>} : memref<1280xf32, #tpu.memory_space<vmem>>, vector<16xf32>,
      }
      %scan3A_301 = arith.constant 80 : i32
      %scan3A_302 = arith.constant 0 : i32
      %scan3A_303 = arith.constant 0 : i32
      %scan3A_304 = arith.constant 5 : i32
      %scan3A_305 = arith.addi %scan3A_303, %scan3A_304 : i32
      %scan3A_306 = arith.constant 1 : i32
      scf.for %scan3A_392 = %scan3A_303 to %scan3A_305 step %scan3A_306  : i32 {
        %mul3A_393 = arith.constant 256 : i32
        %mul3A_394 = arith.muli %scan3A_392, %mul3A_393 : i32
        %add3A_395 = vector.broadcast %mul3A_394 : i32 to vector<16xi32>
        %add3A_396 = arith.addi %add3A_395, %mul3A_6 : vector<16xi32>
        %add3A_397 = arith.constant 0 : i32
        %add3A_398 = vector.broadcast %add3A_397 : i32 to vector<16xi32>
        %add3A_399 = arith.addi %add3A_396, %add3A_398 : vector<16xi32>
        %gather3A = tpu.vector_load_idx %arg8[%add3A_399] : memref<1280xf32, #tpu.memory_space<vmem>>[vector<16xi32>], vector<16xf32>,
        %add3A_400 = arith.addf %get3A_3, %gather3A : vector<16xf32>
        %mul3A_401 = arith.constant 256 : i32
        %mul3A_402 = arith.muli %scan3A_392, %mul3A_401 : i32
        %add3A_403 = vector.broadcast %mul3A_402 : i32 to vector<16xi32>
        %add3A_404 = arith.addi %add3A_403, %mul3A_6 : vector<16xi32>
        %add3A_405 = arith.constant 1 : i32
        %add3A_406 = vector.broadcast %add3A_405 : i32 to vector<16xi32>
        %add3A_407 = arith.addi %add3A_404, %add3A_406 : vector<16xi32>
        %gather3A_408 = tpu.vector_load_idx %arg8[%add3A_407] : memref<1280xf32, #tpu.memory_space<vmem>>[vector<16xi32>], vector<16xf32>,
        %add3A_409 = arith.addf %add3A_400, %gather3A_408 : vector<16xf32>
        %mul3A_410 = arith.constant 256 : i32
        %mul3A_411 = arith.muli %scan3A_392, %mul3A_410 : i32
        %add3A_412 = vector.broadcast %mul3A_411 : i32 to vector<16xi32>
        %add3A_413 = arith.addi %add3A_412, %mul3A_6 : vector<16xi32>
        %add3A_414 = arith.constant 2 : i32
        %add3A_415 = vector.broadcast %add3A_414 : i32 to vector<16xi32>
        %add3A_416 = arith.addi %add3A_413, %add3A_415 : vector<16xi32>
        %gather3A_417 = tpu.vector_load_idx %arg8[%add3A_416] : memref<1280xf32, #tpu.memory_space<vmem>>[vector<16xi32>], vector<16xf32>,
        %add3A_418 = arith.addf %add3A_409, %gather3A_417 : vector<16xf32>
        %mul3A_419 = arith.constant 256 : i32
        %mul3A_420 = arith.muli %scan3A_392, %mul3A_419 : i32
        %add3A_421 = vector.broadcast %mul3A_420 : i32 to vector<16xi32>
        %add3A_422 = arith.addi %add3A_421, %mul3A_6 : vector<16xi32>
        %add3A_423 = arith.constant 3 : i32
        %add3A_424 = vector.broadcast %add3A_423 : i32 to vector<16xi32>
        %add3A_425 = arith.addi %add3A_422, %add3A_424 : vector<16xi32>
        %gather3A_426 = tpu.vector_load_idx %arg8[%add3A_425] : memref<1280xf32, #tpu.memory_space<vmem>>[vector<16xi32>], vector<16xf32>,
        %add3A_427 = arith.addf %add3A_418, %gather3A_426 : vector<16xf32>
        %mul3A_428 = arith.constant 256 : i32
        %mul3A_429 = arith.muli %scan3A_392, %mul3A_428 : i32
        %add3A_430 = vector.broadcast %mul3A_429 : i32 to vector<16xi32>
        %add3A_431 = arith.addi %add3A_430, %mul3A_6 : vector<16xi32>
        %add3A_432 = arith.constant 4 : i32
        %add3A_433 = vector.broadcast %add3A_432 : i32 to vector<16xi32>
        %add3A_434 = arith.addi %add3A_431, %add3A_433 : vector<16xi32>
        %gather3A_435 = tpu.vector_load_idx %arg8[%add3A_434] : memref<1280xf32, #tpu.memory_space<vmem>>[vector<16xi32>], vector<16xf32>,
        %add3A_436 = arith.addf %add3A_427, %gather3A_435 : vector<16xf32>
        %mul3A_437 = arith.constant 256 : i32
        %mul3A_438 = arith.muli %scan3A_392, %mul3A_437 : i32
        %add3A_439 = vector.broadcast %mul3A_438 : i32 to vector<16xi32>
        %add3A_440 = arith.addi %add3A_439, %mul3A_6 : vector<16xi32>
        %add3A_441 = arith.constant 5 : i32
        %add3A_442 = vector.broadcast %add3A_441 : i32 to vector<16xi32>
        %add3A_443 = arith.addi %add3A_440, %add3A_442 : vector<16xi32>
        %gather3A_444 = tpu.vector_load_idx %arg8[%add3A_443] : memref<1280xf32, #tpu.memory_space<vmem>>[vector<16xi32>], vector<16xf32>,
        %add3A_445 = arith.addf %add3A_436, %gather3A_444 : vector<16xf32>
        %mul3A_446 = arith.constant 256 : i32
        %mul3A_447 = arith.muli %scan3A_392, %mul3A_446 : i32
        %add3A_448 = vector.broadcast %mul3A_447 : i32 to vector<16xi32>
        %add3A_449 = arith.addi %add3A_448, %mul3A_6 : vector<16xi32>
        %add3A_450 = arith.constant 6 : i32
        %add3A_451 = vector.broadcast %add3A_450 : i32 to vector<16xi32>
        %add3A_452 = arith.addi %add3A_449, %add3A_451 : vector<16xi32>
        %gather3A_453 = tpu.vector_load_idx %arg8[%add3A_452] : memref<1280xf32, #tpu.memory_space<vmem>>[vector<16xi32>], vector<16xf32>,
        %add3A_454 = arith.addf %add3A_445, %gather3A_453 : vector<16xf32>
        %mul3A_455 = arith.constant 256 : i32
        %mul3A_456 = arith.muli %scan3A_392, %mul3A_455 : i32
        %add3A_457 = vector.broadcast %mul3A_456 : i32 to vector<16xi32>
        %add3A_458 = arith.addi %add3A_457, %mul3A_6 : vector<16xi32>
        %add3A_459 = arith.constant 7 : i32
        %add3A_460 = vector.broadcast %add3A_459 : i32 to vector<16xi32>
        %add3A_461 = arith.addi %add3A_458, %add3A_460 : vector<16xi32>
        %gather3A_462 = tpu.vector_load_idx %arg8[%add3A_461] : memref<1280xf32, #tpu.memory_space<vmem>>[vector<16xi32>], vector<16xf32>,
        %add3A_463 = arith.addf %add3A_454, %gather3A_462 : vector<16xf32>
        %mul3A_464 = arith.constant 256 : i32
        %mul3A_465 = arith.muli %scan3A_392, %mul3A_464 : i32
        %add3A_466 = vector.broadcast %mul3A_465 : i32 to vector<16xi32>
        %add3A_467 = arith.addi %add3A_466, %mul3A_6 : vector<16xi32>
        %add3A_468 = arith.constant 8 : i32
        %add3A_469 = vector.broadcast %add3A_468 : i32 to vector<16xi32>
        %add3A_470 = arith.addi %add3A_467, %add3A_469 : vector<16xi32>
        %gather3A_471 = tpu.vector_load_idx %arg8[%add3A_470] : memref<1280xf32, #tpu.memory_space<vmem>>[vector<16xi32>], vector<16xf32>,
        %add3A_472 = arith.addf %add3A_463, %gather3A_471 : vector<16xf32>
        %mul3A_473 = arith.constant 256 : i32
        %mul3A_474 = arith.muli %scan3A_392, %mul3A_473 : i32
        %add3A_475 = vector.broadcast %mul3A_474 : i32 to vector<16xi32>
        %add3A_476 = arith.addi %add3A_475, %mul3A_6 : vector<16xi32>
        %add3A_477 = arith.constant 9 : i32
        %add3A_478 = vector.broadcast %add3A_477 : i32 to vector<16xi32>
        %add3A_479 = arith.addi %add3A_476, %add3A_478 : vector<16xi32>
        %gather3A_480 = tpu.vector_load_idx %arg8[%add3A_479] : memref<1280xf32, #tpu.memory_space<vmem>>[vector<16xi32>], vector<16xf32>,
        %add3A_481 = arith.addf %add3A_472, %gather3A_480 : vector<16xf32>
        %mul3A_482 = arith.constant 256 : i32
        %mul3A_483 = arith.muli %scan3A_392, %mul3A_482 : i32
        %add3A_484 = vector.broadcast %mul3A_483 : i32 to vector<16xi32>
        %add3A_485 = arith.addi %add3A_484, %mul3A_6 : vector<16xi32>
        %add3A_486 = arith.constant 10 : i32
        %add3A_487 = vector.broadcast %add3A_486 : i32 to vector<16xi32>
        %add3A_488 = arith.addi %add3A_485, %add3A_487 : vector<16xi32>
        %gather3A_489 = tpu.vector_load_idx %arg8[%add3A_488] : memref<1280xf32, #tpu.memory_space<vmem>>[vector<16xi32>], vector<16xf32>,
        %add3A_490 = arith.addf %add3A_481, %gather3A_489 : vector<16xf32>
        %mul3A_491 = arith.constant 256 : i32
        %mul3A_492 = arith.muli %scan3A_392, %mul3A_491 : i32
        %add3A_493 = vector.broadcast %mul3A_492 : i32 to vector<16xi32>
        %add3A_494 = arith.addi %add3A_493, %mul3A_6 : vector<16xi32>
        %add3A_495 = arith.constant 11 : i32
        %add3A_496 = vector.broadcast %add3A_495 : i32 to vector<16xi32>
        %add3A_497 = arith.addi %add3A_494, %add3A_496 : vector<16xi32>
        %gather3A_498 = tpu.vector_load_idx %arg8[%add3A_497] : memref<1280xf32, #tpu.memory_space<vmem>>[vector<16xi32>], vector<16xf32>,
        %add3A_499 = arith.addf %add3A_490, %gather3A_498 : vector<16xf32>
        %mul3A_500 = arith.constant 256 : i32
        %mul3A_501 = arith.muli %scan3A_392, %mul3A_500 : i32
        %add3A_502 = vector.broadcast %mul3A_501 : i32 to vector<16xi32>
        %add3A_503 = arith.addi %add3A_502, %mul3A_6 : vector<16xi32>
        %add3A_504 = arith.constant 12 : i32
        %add3A_505 = vector.broadcast %add3A_504 : i32 to vector<16xi32>
        %add3A_506 = arith.addi %add3A_503, %add3A_505 : vector<16xi32>
        %gather3A_507 = tpu.vector_load_idx %arg8[%add3A_506] : memref<1280xf32, #tpu.memory_space<vmem>>[vector<16xi32>], vector<16xf32>,
        %add3A_508 = arith.addf %add3A_499, %gather3A_507 : vector<16xf32>
        %mul3A_509 = arith.constant 256 : i32
        %mul3A_510 = arith.muli %scan3A_392, %mul3A_509 : i32
        %add3A_511 = vector.broadcast %mul3A_510 : i32 to vector<16xi32>
        %add3A_512 = arith.addi %add3A_511, %mul3A_6 : vector<16xi32>
        %add3A_513 = arith.constant 13 : i32
        %add3A_514 = vector.broadcast %add3A_513 : i32 to vector<16xi32>
        %add3A_515 = arith.addi %add3A_512, %add3A_514 : vector<16xi32>
        %gather3A_516 = tpu.vector_load_idx %arg8[%add3A_515] : memref<1280xf32, #tpu.memory_space<vmem>>[vector<16xi32>], vector<16xf32>,
        %add3A_517 = arith.addf %add3A_508, %gather3A_516 : vector<16xf32>
        %mul3A_518 = arith.constant 256 : i32
        %mul3A_519 = arith.muli %scan3A_392, %mul3A_518 : i32
        %add3A_520 = vector.broadcast %mul3A_519 : i32 to vector<16xi32>
        %add3A_521 = arith.addi %add3A_520, %mul3A_6 : vector<16xi32>
        %add3A_522 = arith.constant 14 : i32
        %add3A_523 = vector.broadcast %add3A_522 : i32 to vector<16xi32>
        %add3A_524 = arith.addi %add3A_521, %add3A_523 : vector<16xi32>
        %gather3A_525 = tpu.vector_load_idx %arg8[%add3A_524] : memref<1280xf32, #tpu.memory_space<vmem>>[vector<16xi32>], vector<16xf32>,
        %add3A_526 = arith.addf %add3A_517, %gather3A_525 : vector<16xf32>
        %mul3A_527 = arith.constant 256 : i32
        %mul3A_528 = arith.muli %scan3A_392, %mul3A_527 : i32
        %add3A_529 = vector.broadcast %mul3A_528 : i32 to vector<16xi32>
        %add3A_530 = arith.addi %add3A_529, %mul3A_6 : vector<16xi32>
        %add3A_531 = arith.constant 15 : i32
        %add3A_532 = vector.broadcast %add3A_531 : i32 to vector<16xi32>
        %add3A_533 = arith.addi %add3A_530, %add3A_532 : vector<16xi32>
        %gather3A_534 = tpu.vector_load_idx %arg8[%add3A_533] : memref<1280xf32, #tpu.memory_space<vmem>>[vector<16xi32>], vector<16xf32>,
        %add3A_535 = arith.addf %add3A_526, %gather3A_534 : vector<16xf32>
        %mul3A_536 = arith.constant 16 : i32
        %mul3A_537 = arith.muli %scan3A_392, %mul3A_536 : i32
        %swap3A = arith.index_cast %mul3A_537 : i32 to index
        %swap3A_538 = tpu.vector_load %arg33[%swap3A] {strides = array<i32>} : memref<80xf32, #tpu.memory_space<vmem>>, vector<16xf32>,
        tpu.vector_store %arg33[%swap3A], %add3A_535 {strides = array<i32>} : memref<80xf32, #tpu.memory_space<vmem>>, vector<16xf32>,
      }
      %scan3A_307 = arith.constant 5 : i32
      %mul3A_308 = arith.constant 80 : i32
      %mul3A_309 = arith.muli %add3A_277, %mul3A_308 : i32
      %add3A_310 = arith.addi %mul3A_2, %mul3A_309 : i32
      %dma_start3A_311 = arith.constant 0 : i32
      %dma_start3A_312 = tpu.memref_slice %arg33[%dma_start3A_311] : memref<80xf32, #tpu.memory_space<vmem>> -> memref<80xf32, #tpu.memory_space<vmem>>
      %dma_start3A_313 = tpu.memref_slice %arg7[%add3A_310] : memref<320000xf32, #tpu.memory_space<hbm>> -> memref<80xf32, #tpu.memory_space<hbm>>
      %dma_start3A_314 = tpu.memref_slice %arg7[%add3A_310] : memref<320000xf32, #tpu.memory_space<hbm>> -> memref<80xf32, #tpu.memory_space<hbm>>
      %dma_start3A_315 = arith.constant 0 : i32
      %dma_start3A_316 = tpu.memref_slice %arg33[%dma_start3A_315] : memref<80xf32, #tpu.memory_space<vmem>> -> memref<80xf32, #tpu.memory_space<vmem>>
      tpu.enqueue_dma source(%dma_start3A_316 : memref<80xf32, #tpu.memory_space<vmem>>) target(%dma_start3A_314 : memref<80xf32, #tpu.memory_space<hbm>>) target_semaphore(%arg36 : memref<!tpu.dma_semaphore, #tpu.memory_space<semaphore_mem>>)
      %add3A_317 = arith.constant 4 : i32
      %add3A_318 = arith.addi %add3A_277, %add3A_317 : i32
      %sub3A_319 = arith.constant 1 : i32
      %sub3A_320 = arith.subi %add3A_318, %sub3A_319 : i32
      %lt3A_321 = arith.constant 125 : i32
      %lt3A_322 = arith.cmpi slt, %sub3A_320, %lt3A_321 : i32
      %convert_element_type3A_323 = arith.extui %lt3A_322 : i1 to i32
      %cond3A_324 = arith.constant 0 : i32
      %cond3A_325 = arith.cmpi ne, %convert_element_type3A_323, %cond3A_324 : i32
      scf.if %cond3A_325 {
        %add3A_392 = arith.constant 4 : i32
        %add3A_393 = arith.addi %add3A_277, %add3A_392 : i32
        %sub3A_394 = arith.constant 1 : i32
        %sub3A_395 = arith.subi %add3A_393, %sub3A_394 : i32
        %mul3A_396 = arith.constant 80 : i32
        %mul3A_397 = arith.muli %sub3A_395, %mul3A_396 : i32
        %add3A_398 = arith.addi %mul3A_2, %mul3A_397 : i32
        %dma_wait3A_399 = tpu.memref_slice %arg4[%add3A_398] : memref<320000xi32, #tpu.memory_space<hbm>> -> memref<80xi32, #tpu.memory_space<hbm>>
        %dma_wait3A_400 = tpu.memref_slice %arg4[%add3A_398] : memref<320000xi32, #tpu.memory_space<hbm>> -> memref<80xi32, #tpu.memory_space<hbm>>
        tpu.wait_dma2 semaphore(%arg25 : memref<!tpu.dma_semaphore, #tpu.memory_space<semaphore_mem>>) src(%dma_wait3A_400 : memref<80xi32, #tpu.memory_space<hbm>>) dst(%arg19 : memref<80xi32, #tpu.memory_space<vmem>>)
        %dma_wait3A_401 = tpu.memref_slice %arg5[%add3A_398] : memref<320000xi32, #tpu.memory_space<hbm>> -> memref<80xi32, #tpu.memory_space<hbm>>
        %dma_wait3A_402 = tpu.memref_slice %arg5[%add3A_398] : memref<320000xi32, #tpu.memory_space<hbm>> -> memref<80xi32, #tpu.memory_space<hbm>>
        tpu.wait_dma2 semaphore(%arg25 : memref<!tpu.dma_semaphore, #tpu.memory_space<semaphore_mem>>) src(%dma_wait3A_402 : memref<80xi32, #tpu.memory_space<hbm>>) dst(%arg20 : memref<80xi32, #tpu.memory_space<vmem>>)
        %add3A_403 = arith.constant 4 : i32
        %add3A_404 = arith.addi %add3A_277, %add3A_403 : i32
        %sub3A_405 = arith.constant 1 : i32
        %sub3A_406 = arith.subi %add3A_404, %sub3A_405 : i32
        %mul3A_407 = arith.constant 80 : i32
        %mul3A_408 = arith.muli %sub3A_406, %mul3A_407 : i32
        %add3A_409 = arith.addi %mul3A_2, %mul3A_408 : i32
        %dma_start3A_410 = arith.constant 0 : i32
        %dma_start3A_411 = arith.constant 0 : i32
        %dma_start3A_412 = tpu.memref_slice %arg2[%dma_start3A_410, %dma_start3A_411] : memref<10000x128xf32, #tpu.memory_space<hbm>> -> memref<10000x128xf32, #tpu.memory_space<hbm>>
        tpu.enqueue_indirect_dma source(%dma_start3A_412 : memref<10000x128xf32, #tpu.memory_space<hbm>>) target(%arg21 : memref<80x128xf32, #tpu.memory_space<vmem>>) offsets(%arg19 : memref<80xi32, #tpu.memory_space<vmem>>) semaphore(%arg26 : memref<!tpu.dma_semaphore, #tpu.memory_space<semaphore_mem>>)
        %dma_start3A_413 = arith.constant 0 : i32
        %dma_start3A_414 = arith.constant 0 : i32
        %dma_start3A_415 = tpu.memref_slice %arg2[%dma_start3A_413, %dma_start3A_414] : memref<10000x128xf32, #tpu.memory_space<hbm>> -> memref<10000x128xf32, #tpu.memory_space<hbm>>
        tpu.enqueue_indirect_dma source(%dma_start3A_415 : memref<10000x128xf32, #tpu.memory_space<hbm>>) target(%arg22 : memref<80x128xf32, #tpu.memory_space<vmem>>) offsets(%arg20 : memref<80xi32, #tpu.memory_space<vmem>>) semaphore(%arg26 : memref<!tpu.dma_semaphore, #tpu.memory_space<semaphore_mem>>)
        %dma_start3A_416 = arith.constant 0 : i32
        %dma_start3A_417 = tpu.memref_slice %arg3[%add3A_409, %dma_start3A_416] : memref<320000x64xf32, #tpu.memory_space<hbm>> -> memref<80x64xf32, #tpu.memory_space<hbm>>
        %dma_start3A_418 = arith.constant 0 : i32
        %dma_start3A_419 = tpu.memref_slice %arg3[%add3A_409, %dma_start3A_418] : memref<320000x64xf32, #tpu.memory_space<hbm>> -> memref<80x64xf32, #tpu.memory_space<hbm>>
        tpu.enqueue_dma source(%dma_start3A_419 : memref<80x64xf32, #tpu.memory_space<hbm>>) target(%arg23 : memref<80x64xf32, #tpu.memory_space<vmem>>) target_semaphore(%arg26 : memref<!tpu.dma_semaphore, #tpu.memory_space<semaphore_mem>>)
      } else {
      }
      %add3A_326 = arith.constant 4 : i32
      %add3A_327 = arith.addi %add3A_277, %add3A_326 : i32
      %lt3A_328 = arith.constant 125 : i32
      %lt3A_329 = arith.cmpi slt, %add3A_327, %lt3A_328 : i32
      %convert_element_type3A_330 = arith.extui %lt3A_329 : i1 to i32
      %cond3A_331 = arith.constant 0 : i32
      %cond3A_332 = arith.cmpi ne, %convert_element_type3A_330, %cond3A_331 : i32
      scf.if %cond3A_332 {
        %add3A_392 = arith.constant 4 : i32
        %add3A_393 = arith.addi %add3A_277, %add3A_392 : i32
        %mul3A_394 = arith.constant 80 : i32
        %mul3A_395 = arith.muli %add3A_393, %mul3A_394 : i32
        %add3A_396 = arith.addi %mul3A_2, %mul3A_395 : i32
        %dma_start3A_397 = tpu.memref_slice %arg4[%add3A_396] : memref<320000xi32, #tpu.memory_space<hbm>> -> memref<80xi32, #tpu.memory_space<hbm>>
        %dma_start3A_398 = tpu.memref_slice %arg4[%add3A_396] : memref<320000xi32, #tpu.memory_space<hbm>> -> memref<80xi32, #tpu.memory_space<hbm>>
        tpu.enqueue_dma source(%dma_start3A_398 : memref<80xi32, #tpu.memory_space<hbm>>) target(%arg28 : memref<80xi32, #tpu.memory_space<vmem>>) target_semaphore(%arg34 : memref<!tpu.dma_semaphore, #tpu.memory_space<semaphore_mem>>)
        %dma_start3A_399 = tpu.memref_slice %arg5[%add3A_396] : memref<320000xi32, #tpu.memory_space<hbm>> -> memref<80xi32, #tpu.memory_space<hbm>>
        %dma_start3A_400 = tpu.memref_slice %arg5[%add3A_396] : memref<320000xi32, #tpu.memory_space<hbm>> -> memref<80xi32, #tpu.memory_space<hbm>>
        tpu.enqueue_dma source(%dma_start3A_400 : memref<80xi32, #tpu.memory_space<hbm>>) target(%arg29 : memref<80xi32, #tpu.memory_space<vmem>>) target_semaphore(%arg34 : memref<!tpu.dma_semaphore, #tpu.memory_space<semaphore_mem>>)
      } else {
      }
      %mul3A_333 = arith.constant 4 : i32
      %mul3A_334 = arith.muli %scan3A_160, %mul3A_333 : i32
      %add3A_335 = arith.constant 3 : i32
      %add3A_336 = arith.addi %mul3A_334, %add3A_335 : i32
      %mul3A_337 = arith.constant 80 : i32
      %mul3A_338 = arith.muli %add3A_336, %mul3A_337 : i32
      %add3A_339 = arith.addi %mul3A_2, %mul3A_338 : i32
      %dma_wait3A_340 = arith.constant 0 : i32
      %dma_wait3A_341 = arith.constant 0 : i32
      %dma_wait3A_342 = tpu.memref_slice %arg2[%dma_wait3A_340, %dma_wait3A_341] : memref<10000x128xf32, #tpu.memory_space<hbm>> -> memref<10000x128xf32, #tpu.memory_space<hbm>>
      tpu.wait_indirect_dma semaphore(%arg44 : memref<!tpu.dma_semaphore, #tpu.memory_space<semaphore_mem>>) src(%dma_wait3A_342 : memref<10000x128xf32, #tpu.memory_space<hbm>>) dst(%arg39 : memref<80x128xf32, #tpu.memory_space<vmem>>)
      %dma_wait3A_343 = arith.constant 0 : i32
      %dma_wait3A_344 = arith.constant 0 : i32
      %dma_wait3A_345 = tpu.memref_slice %arg2[%dma_wait3A_343, %dma_wait3A_344] : memref<10000x128xf32, #tpu.memory_space<hbm>> -> memref<10000x128xf32, #tpu.memory_space<hbm>>
      tpu.wait_indirect_dma semaphore(%arg44 : memref<!tpu.dma_semaphore, #tpu.memory_space<semaphore_mem>>) src(%dma_wait3A_345 : memref<10000x128xf32, #tpu.memory_space<hbm>>) dst(%arg40 : memref<80x128xf32, #tpu.memory_space<vmem>>)
      %dma_wait3A_346 = arith.constant 0 : i32
      %dma_wait3A_347 = tpu.memref_slice %arg3[%add3A_339, %dma_wait3A_346] : memref<320000x64xf32, #tpu.memory_space<hbm>> -> memref<80x64xf32, #tpu.memory_space<hbm>>
      %dma_wait3A_348 = arith.constant 0 : i32
      %dma_wait3A_349 = tpu.memref_slice %arg3[%add3A_339, %dma_wait3A_348] : memref<320000x64xf32, #tpu.memory_space<hbm>> -> memref<80x64xf32, #tpu.memory_space<hbm>>
      tpu.wait_dma2 semaphore(%arg44 : memref<!tpu.dma_semaphore, #tpu.memory_space<semaphore_mem>>) src(%dma_wait3A_349 : memref<80x64xf32, #tpu.memory_space<hbm>>) dst(%arg41 : memref<80x64xf32, #tpu.memory_space<vmem>>)
      %gt3A_350 = arith.constant 0 : i32
      %gt3A_351 = arith.cmpi sgt, %scan3A_160, %gt3A_350 : i32
      %convert_element_type3A_352 = arith.extui %gt3A_351 : i1 to i32
      %cond3A_353 = arith.constant 0 : i32
      %cond3A_354 = arith.cmpi ne, %convert_element_type3A_352, %cond3A_353 : i32
      scf.if %cond3A_354 {
        %sub3A_392 = arith.constant 4 : i32
        %sub3A_393 = arith.subi %add3A_336, %sub3A_392 : i32
        %mul3A_394 = arith.constant 80 : i32
        %mul3A_395 = arith.muli %sub3A_393, %mul3A_394 : i32
        %add3A_396 = arith.addi %mul3A_2, %mul3A_395 : i32
        %dma_wait3A_397 = arith.constant 0 : i32
        %dma_wait3A_398 = tpu.memref_slice %arg42[%dma_wait3A_397] : memref<80xf32, #tpu.memory_space<vmem>> -> memref<80xf32, #tpu.memory_space<vmem>>
        %dma_wait3A_399 = tpu.memref_slice %arg7[%add3A_396] : memref<320000xf32, #tpu.memory_space<hbm>> -> memref<80xf32, #tpu.memory_space<hbm>>
        %dma_wait3A_400 = tpu.memref_slice %arg7[%add3A_396] : memref<320000xf32, #tpu.memory_space<hbm>> -> memref<80xf32, #tpu.memory_space<hbm>>
        %dma_wait3A_401 = arith.constant 0 : i32
        %dma_wait3A_402 = tpu.memref_slice %arg42[%dma_wait3A_401] : memref<80xf32, #tpu.memory_space<vmem>> -> memref<80xf32, #tpu.memory_space<vmem>>
        tpu.wait_dma2 semaphore(%arg45 : memref<!tpu.dma_semaphore, #tpu.memory_space<semaphore_mem>>) src(%dma_wait3A_402 : memref<80xf32, #tpu.memory_space<vmem>>) dst(%dma_wait3A_400 : memref<80xf32, #tpu.memory_space<hbm>>)
      } else {
      }
      %scan3A_355 = arith.constant 0 : i32
      %scan3A_356 = arith.constant 0 : i32
      %scan3A_357 = arith.constant 80 : i32
      %scan3A_358 = arith.addi %scan3A_356, %scan3A_357 : i32
      %scan3A_359 = arith.constant 2 : i32
      scf.for %scan3A_392 = %scan3A_356 to %scan3A_358 step %scan3A_359  : i32 {
        %get3A_393 = arith.index_cast %scan3A_392 : i32 to index
        %get3A_394 = arith.constant 0 : index
        %get3A_395 = tpu.vector_load %arg39[%get3A_393, %get3A_394] {strides = array<i32>} : memref<80x128xf32, #tpu.memory_space<vmem>>, vector<16xf32>,
        %get3A_396 = arith.index_cast %scan3A_392 : i32 to index
        %get3A_397 = arith.constant 64 : index
        %get3A_398 = tpu.vector_load %arg40[%get3A_396, %get3A_397] {strides = array<i32>} : memref<80x128xf32, #tpu.memory_space<vmem>>, vector<16xf32>,
        %add3A_399 = arith.addf %get3A_395, %get3A_398 : vector<16xf32>
        %get3A_400 = arith.index_cast %scan3A_392 : i32 to index
        %get3A_401 = arith.constant 0 : index
        %get3A_402 = tpu.vector_load %arg41[%get3A_400, %get3A_401] {strides = array<i32>} : memref<80x64xf32, #tpu.memory_space<vmem>>, vector<16xf32>,
        %add3A_403 = arith.addf %add3A_399, %get3A_402 : vector<16xf32>
        %neg3A = arith.constant 0.000000e+00 : f32
        %neg3A_404 = vector.broadcast %neg3A : f32 to vector<16xf32>
        %neg3A_405 = arith.subf %neg3A_404, %add3A_403 : vector<16xf32>
        %exp3A = math.exp %neg3A_405 : vector<16xf32>
        %add3A_406 = arith.constant 1.000000e+00 : f32
        %add3A_407 = vector.broadcast %add3A_406 : f32 to vector<16xf32>
        %add3A_408 = arith.addf %add3A_407, %exp3A : vector<16xf32>
        %div3A = arith.divf %add3A_403, %add3A_408 : vector<16xf32>
        %get3A_409 = arith.constant 0 : index
        %get3A_410 = tpu.vector_load %arg9[%get3A_409] {strides = array<i32>} : memref<128xf32, #tpu.memory_space<vmem>>, vector<16xf32>,
        %mul3A_411 = arith.mulf %div3A, %get3A_410 : vector<16xf32>
        %get3A_412 = arith.index_cast %scan3A_392 : i32 to index
        %get3A_413 = arith.constant 16 : index
        %get3A_414 = tpu.vector_load %arg39[%get3A_412, %get3A_413] {strides = array<i32>} : memref<80x128xf32, #tpu.memory_space<vmem>>, vector<16xf32>,
        %get3A_415 = arith.index_cast %scan3A_392 : i32 to index
        %get3A_416 = arith.constant 80 : index
        %get3A_417 = tpu.vector_load %arg40[%get3A_415, %get3A_416] {strides = array<i32>} : memref<80x128xf32, #tpu.memory_space<vmem>>, vector<16xf32>,
        %add3A_418 = arith.addf %get3A_414, %get3A_417 : vector<16xf32>
        %get3A_419 = arith.index_cast %scan3A_392 : i32 to index
        %get3A_420 = arith.constant 16 : index
        %get3A_421 = tpu.vector_load %arg41[%get3A_419, %get3A_420] {strides = array<i32>} : memref<80x64xf32, #tpu.memory_space<vmem>>, vector<16xf32>,
        %add3A_422 = arith.addf %add3A_418, %get3A_421 : vector<16xf32>
        %neg3A_423 = arith.constant 0.000000e+00 : f32
        %neg3A_424 = vector.broadcast %neg3A_423 : f32 to vector<16xf32>
        %neg3A_425 = arith.subf %neg3A_424, %add3A_422 : vector<16xf32>
        %exp3A_426 = math.exp %neg3A_425 : vector<16xf32>
        %add3A_427 = arith.constant 1.000000e+00 : f32
        %add3A_428 = vector.broadcast %add3A_427 : f32 to vector<16xf32>
        %add3A_429 = arith.addf %add3A_428, %exp3A_426 : vector<16xf32>
        %div3A_430 = arith.divf %add3A_422, %add3A_429 : vector<16xf32>
        %get3A_431 = arith.constant 16 : index
        %get3A_432 = tpu.vector_load %arg9[%get3A_431] {strides = array<i32>} : memref<128xf32, #tpu.memory_space<vmem>>, vector<16xf32>,
        %mul3A_433 = arith.mulf %div3A_430, %get3A_432 : vector<16xf32>
        %add3A_434 = arith.addf %mul3A_411, %mul3A_433 : vector<16xf32>
        %get3A_435 = arith.index_cast %scan3A_392 : i32 to index
        %get3A_436 = arith.constant 32 : index
        %get3A_437 = tpu.vector_load %arg39[%get3A_435, %get3A_436] {strides = array<i32>} : memref<80x128xf32, #tpu.memory_space<vmem>>, vector<16xf32>,
        %get3A_438 = arith.index_cast %scan3A_392 : i32 to index
        %get3A_439 = arith.constant 96 : index
        %get3A_440 = tpu.vector_load %arg40[%get3A_438, %get3A_439] {strides = array<i32>} : memref<80x128xf32, #tpu.memory_space<vmem>>, vector<16xf32>,
        %add3A_441 = arith.addf %get3A_437, %get3A_440 : vector<16xf32>
        %get3A_442 = arith.index_cast %scan3A_392 : i32 to index
        %get3A_443 = arith.constant 32 : index
        %get3A_444 = tpu.vector_load %arg41[%get3A_442, %get3A_443] {strides = array<i32>} : memref<80x64xf32, #tpu.memory_space<vmem>>, vector<16xf32>,
        %add3A_445 = arith.addf %add3A_441, %get3A_444 : vector<16xf32>
        %neg3A_446 = arith.constant 0.000000e+00 : f32
        %neg3A_447 = vector.broadcast %neg3A_446 : f32 to vector<16xf32>
        %neg3A_448 = arith.subf %neg3A_447, %add3A_445 : vector<16xf32>
        %exp3A_449 = math.exp %neg3A_448 : vector<16xf32>
        %add3A_450 = arith.constant 1.000000e+00 : f32
        %add3A_451 = vector.broadcast %add3A_450 : f32 to vector<16xf32>
        %add3A_452 = arith.addf %add3A_451, %exp3A_449 : vector<16xf32>
        %div3A_453 = arith.divf %add3A_445, %add3A_452 : vector<16xf32>
        %get3A_454 = arith.constant 32 : index
        %get3A_455 = tpu.vector_load %arg9[%get3A_454] {strides = array<i32>} : memref<128xf32, #tpu.memory_space<vmem>>, vector<16xf32>,
        %mul3A_456 = arith.mulf %div3A_453, %get3A_455 : vector<16xf32>
        %add3A_457 = arith.addf %add3A_434, %mul3A_456 : vector<16xf32>
        %get3A_458 = arith.index_cast %scan3A_392 : i32 to index
        %get3A_459 = arith.constant 48 : index
        %get3A_460 = tpu.vector_load %arg39[%get3A_458, %get3A_459] {strides = array<i32>} : memref<80x128xf32, #tpu.memory_space<vmem>>, vector<16xf32>,
        %get3A_461 = arith.index_cast %scan3A_392 : i32 to index
        %get3A_462 = arith.constant 112 : index
        %get3A_463 = tpu.vector_load %arg40[%get3A_461, %get3A_462] {strides = array<i32>} : memref<80x128xf32, #tpu.memory_space<vmem>>, vector<16xf32>,
        %add3A_464 = arith.addf %get3A_460, %get3A_463 : vector<16xf32>
        %get3A_465 = arith.index_cast %scan3A_392 : i32 to index
        %get3A_466 = arith.constant 48 : index
        %get3A_467 = tpu.vector_load %arg41[%get3A_465, %get3A_466] {strides = array<i32>} : memref<80x64xf32, #tpu.memory_space<vmem>>, vector<16xf32>,
        %add3A_468 = arith.addf %add3A_464, %get3A_467 : vector<16xf32>
        %neg3A_469 = arith.constant 0.000000e+00 : f32
        %neg3A_470 = vector.broadcast %neg3A_469 : f32 to vector<16xf32>
        %neg3A_471 = arith.subf %neg3A_470, %add3A_468 : vector<16xf32>
        %exp3A_472 = math.exp %neg3A_471 : vector<16xf32>
        %add3A_473 = arith.constant 1.000000e+00 : f32
        %add3A_474 = vector.broadcast %add3A_473 : f32 to vector<16xf32>
        %add3A_475 = arith.addf %add3A_474, %exp3A_472 : vector<16xf32>
        %div3A_476 = arith.divf %add3A_468, %add3A_475 : vector<16xf32>
        %get3A_477 = arith.constant 48 : index
        %get3A_478 = tpu.vector_load %arg9[%get3A_477] {strides = array<i32>} : memref<128xf32, #tpu.memory_space<vmem>>, vector<16xf32>,
        %mul3A_479 = arith.mulf %div3A_476, %get3A_478 : vector<16xf32>
        %add3A_480 = arith.addf %add3A_457, %mul3A_479 : vector<16xf32>
        %mul3A_481 = arith.constant 16 : i32
        %mul3A_482 = arith.muli %scan3A_392, %mul3A_481 : i32
        %swap3A = arith.index_cast %mul3A_482 : i32 to index
        %swap3A_483 = tpu.vector_load %arg8[%swap3A] {strides = array<i32>} : memref<1280xf32, #tpu.memory_space<vmem>>, vector<16xf32>,
        tpu.vector_store %arg8[%swap3A], %add3A_480 {strides = array<i32>} : memref<1280xf32, #tpu.memory_space<vmem>>, vector<16xf32>,
        %scan3A_484 = arith.constant 1 : i32
        %scan3A_485 = arith.addi %scan3A_392, %scan3A_484 : i32
        %get3A_486 = arith.index_cast %scan3A_485 : i32 to index
        %get3A_487 = arith.constant 0 : index
        %get3A_488 = tpu.vector_load %arg39[%get3A_486, %get3A_487] {strides = array<i32>} : memref<80x128xf32, #tpu.memory_space<vmem>>, vector<16xf32>,
        %get3A_489 = arith.index_cast %scan3A_485 : i32 to index
        %get3A_490 = arith.constant 64 : index
        %get3A_491 = tpu.vector_load %arg40[%get3A_489, %get3A_490] {strides = array<i32>} : memref<80x128xf32, #tpu.memory_space<vmem>>, vector<16xf32>,
        %add3A_492 = arith.addf %get3A_488, %get3A_491 : vector<16xf32>
        %get3A_493 = arith.index_cast %scan3A_485 : i32 to index
        %get3A_494 = arith.constant 0 : index
        %get3A_495 = tpu.vector_load %arg41[%get3A_493, %get3A_494] {strides = array<i32>} : memref<80x64xf32, #tpu.memory_space<vmem>>, vector<16xf32>,
        %add3A_496 = arith.addf %add3A_492, %get3A_495 : vector<16xf32>
        %neg3A_497 = arith.constant 0.000000e+00 : f32
        %neg3A_498 = vector.broadcast %neg3A_497 : f32 to vector<16xf32>
        %neg3A_499 = arith.subf %neg3A_498, %add3A_496 : vector<16xf32>
        %exp3A_500 = math.exp %neg3A_499 : vector<16xf32>
        %add3A_501 = arith.constant 1.000000e+00 : f32
        %add3A_502 = vector.broadcast %add3A_501 : f32 to vector<16xf32>
        %add3A_503 = arith.addf %add3A_502, %exp3A_500 : vector<16xf32>
        %div3A_504 = arith.divf %add3A_496, %add3A_503 : vector<16xf32>
        %get3A_505 = arith.constant 0 : index
        %get3A_506 = tpu.vector_load %arg9[%get3A_505] {strides = array<i32>} : memref<128xf32, #tpu.memory_space<vmem>>, vector<16xf32>,
        %mul3A_507 = arith.mulf %div3A_504, %get3A_506 : vector<16xf32>
        %get3A_508 = arith.index_cast %scan3A_485 : i32 to index
        %get3A_509 = arith.constant 16 : index
        %get3A_510 = tpu.vector_load %arg39[%get3A_508, %get3A_509] {strides = array<i32>} : memref<80x128xf32, #tpu.memory_space<vmem>>, vector<16xf32>,
        %get3A_511 = arith.index_cast %scan3A_485 : i32 to index
        %get3A_512 = arith.constant 80 : index
        %get3A_513 = tpu.vector_load %arg40[%get3A_511, %get3A_512] {strides = array<i32>} : memref<80x128xf32, #tpu.memory_space<vmem>>, vector<16xf32>,
        %add3A_514 = arith.addf %get3A_510, %get3A_513 : vector<16xf32>
        %get3A_515 = arith.index_cast %scan3A_485 : i32 to index
        %get3A_516 = arith.constant 16 : index
        %get3A_517 = tpu.vector_load %arg41[%get3A_515, %get3A_516] {strides = array<i32>} : memref<80x64xf32, #tpu.memory_space<vmem>>, vector<16xf32>,
        %add3A_518 = arith.addf %add3A_514, %get3A_517 : vector<16xf32>
        %neg3A_519 = arith.constant 0.000000e+00 : f32
        %neg3A_520 = vector.broadcast %neg3A_519 : f32 to vector<16xf32>
        %neg3A_521 = arith.subf %neg3A_520, %add3A_518 : vector<16xf32>
        %exp3A_522 = math.exp %neg3A_521 : vector<16xf32>
        %add3A_523 = arith.constant 1.000000e+00 : f32
        %add3A_524 = vector.broadcast %add3A_523 : f32 to vector<16xf32>
        %add3A_525 = arith.addf %add3A_524, %exp3A_522 : vector<16xf32>
        %div3A_526 = arith.divf %add3A_518, %add3A_525 : vector<16xf32>
        %get3A_527 = arith.constant 16 : index
        %get3A_528 = tpu.vector_load %arg9[%get3A_527] {strides = array<i32>} : memref<128xf32, #tpu.memory_space<vmem>>, vector<16xf32>,
        %mul3A_529 = arith.mulf %div3A_526, %get3A_528 : vector<16xf32>
        %add3A_530 = arith.addf %mul3A_507, %mul3A_529 : vector<16xf32>
        %get3A_531 = arith.index_cast %scan3A_485 : i32 to index
        %get3A_532 = arith.constant 32 : index
        %get3A_533 = tpu.vector_load %arg39[%get3A_531, %get3A_532] {strides = array<i32>} : memref<80x128xf32, #tpu.memory_space<vmem>>, vector<16xf32>,
        %get3A_534 = arith.index_cast %scan3A_485 : i32 to index
        %get3A_535 = arith.constant 96 : index
        %get3A_536 = tpu.vector_load %arg40[%get3A_534, %get3A_535] {strides = array<i32>} : memref<80x128xf32, #tpu.memory_space<vmem>>, vector<16xf32>,
        %add3A_537 = arith.addf %get3A_533, %get3A_536 : vector<16xf32>
        %get3A_538 = arith.index_cast %scan3A_485 : i32 to index
        %get3A_539 = arith.constant 32 : index
        %get3A_540 = tpu.vector_load %arg41[%get3A_538, %get3A_539] {strides = array<i32>} : memref<80x64xf32, #tpu.memory_space<vmem>>, vector<16xf32>,
        %add3A_541 = arith.addf %add3A_537, %get3A_540 : vector<16xf32>
        %neg3A_542 = arith.constant 0.000000e+00 : f32
        %neg3A_543 = vector.broadcast %neg3A_542 : f32 to vector<16xf32>
        %neg3A_544 = arith.subf %neg3A_543, %add3A_541 : vector<16xf32>
        %exp3A_545 = math.exp %neg3A_544 : vector<16xf32>
        %add3A_546 = arith.constant 1.000000e+00 : f32
        %add3A_547 = vector.broadcast %add3A_546 : f32 to vector<16xf32>
        %add3A_548 = arith.addf %add3A_547, %exp3A_545 : vector<16xf32>
        %div3A_549 = arith.divf %add3A_541, %add3A_548 : vector<16xf32>
        %get3A_550 = arith.constant 32 : index
        %get3A_551 = tpu.vector_load %arg9[%get3A_550] {strides = array<i32>} : memref<128xf32, #tpu.memory_space<vmem>>, vector<16xf32>,
        %mul3A_552 = arith.mulf %div3A_549, %get3A_551 : vector<16xf32>
        %add3A_553 = arith.addf %add3A_530, %mul3A_552 : vector<16xf32>
        %get3A_554 = arith.index_cast %scan3A_485 : i32 to index
        %get3A_555 = arith.constant 48 : index
        %get3A_556 = tpu.vector_load %arg39[%get3A_554, %get3A_555] {strides = array<i32>} : memref<80x128xf32, #tpu.memory_space<vmem>>, vector<16xf32>,
        %get3A_557 = arith.index_cast %scan3A_485 : i32 to index
        %get3A_558 = arith.constant 112 : index
        %get3A_559 = tpu.vector_load %arg40[%get3A_557, %get3A_558] {strides = array<i32>} : memref<80x128xf32, #tpu.memory_space<vmem>>, vector<16xf32>,
        %add3A_560 = arith.addf %get3A_556, %get3A_559 : vector<16xf32>
        %get3A_561 = arith.index_cast %scan3A_485 : i32 to index
        %get3A_562 = arith.constant 48 : index
        %get3A_563 = tpu.vector_load %arg41[%get3A_561, %get3A_562] {strides = array<i32>} : memref<80x64xf32, #tpu.memory_space<vmem>>, vector<16xf32>,
        %add3A_564 = arith.addf %add3A_560, %get3A_563 : vector<16xf32>
        %neg3A_565 = arith.constant 0.000000e+00 : f32
        %neg3A_566 = vector.broadcast %neg3A_565 : f32 to vector<16xf32>
        %neg3A_567 = arith.subf %neg3A_566, %add3A_564 : vector<16xf32>
        %exp3A_568 = math.exp %neg3A_567 : vector<16xf32>
        %add3A_569 = arith.constant 1.000000e+00 : f32
        %add3A_570 = vector.broadcast %add3A_569 : f32 to vector<16xf32>
        %add3A_571 = arith.addf %add3A_570, %exp3A_568 : vector<16xf32>
        %div3A_572 = arith.divf %add3A_564, %add3A_571 : vector<16xf32>
        %get3A_573 = arith.constant 48 : index
        %get3A_574 = tpu.vector_load %arg9[%get3A_573] {strides = array<i32>} : memref<128xf32, #tpu.memory_space<vmem>>, vector<16xf32>,
        %mul3A_575 = arith.mulf %div3A_572, %get3A_574 : vector<16xf32>
        %add3A_576 = arith.addf %add3A_553, %mul3A_575 : vector<16xf32>
        %mul3A_577 = arith.constant 16 : i32
        %mul3A_578 = arith.muli %scan3A_485, %mul3A_577 : i32
        %swap3A_579 = arith.index_cast %mul3A_578 : i32 to index
        %swap3A_580 = tpu.vector_load %arg8[%swap3A_579] {strides = array<i32>} : memref<1280xf32, #tpu.memory_space<vmem>>, vector<16xf32>,
        tpu.vector_store %arg8[%swap3A_579], %add3A_576 {strides = array<i32>} : memref<1280xf32, #tpu.memory_space<vmem>>, vector<16xf32>,
      }
      %scan3A_360 = arith.constant 80 : i32
      %scan3A_361 = arith.constant 0 : i32
      %scan3A_362 = arith.constant 0 : i32
      %scan3A_363 = arith.constant 5 : i32
      %scan3A_364 = arith.addi %scan3A_362, %scan3A_363 : i32
      %scan3A_365 = arith.constant 1 : i32
      scf.for %scan3A_392 = %scan3A_362 to %scan3A_364 step %scan3A_365  : i32 {
        %mul3A_393 = arith.constant 256 : i32
        %mul3A_394 = arith.muli %scan3A_392, %mul3A_393 : i32
        %add3A_395 = vector.broadcast %mul3A_394 : i32 to vector<16xi32>
        %add3A_396 = arith.addi %add3A_395, %mul3A_6 : vector<16xi32>
        %add3A_397 = arith.constant 0 : i32
        %add3A_398 = vector.broadcast %add3A_397 : i32 to vector<16xi32>
        %add3A_399 = arith.addi %add3A_396, %add3A_398 : vector<16xi32>
        %gather3A = tpu.vector_load_idx %arg8[%add3A_399] : memref<1280xf32, #tpu.memory_space<vmem>>[vector<16xi32>], vector<16xf32>,
        %add3A_400 = arith.addf %get3A_3, %gather3A : vector<16xf32>
        %mul3A_401 = arith.constant 256 : i32
        %mul3A_402 = arith.muli %scan3A_392, %mul3A_401 : i32
        %add3A_403 = vector.broadcast %mul3A_402 : i32 to vector<16xi32>
        %add3A_404 = arith.addi %add3A_403, %mul3A_6 : vector<16xi32>
        %add3A_405 = arith.constant 1 : i32
        %add3A_406 = vector.broadcast %add3A_405 : i32 to vector<16xi32>
        %add3A_407 = arith.addi %add3A_404, %add3A_406 : vector<16xi32>
        %gather3A_408 = tpu.vector_load_idx %arg8[%add3A_407] : memref<1280xf32, #tpu.memory_space<vmem>>[vector<16xi32>], vector<16xf32>,
        %add3A_409 = arith.addf %add3A_400, %gather3A_408 : vector<16xf32>
        %mul3A_410 = arith.constant 256 : i32
        %mul3A_411 = arith.muli %scan3A_392, %mul3A_410 : i32
        %add3A_412 = vector.broadcast %mul3A_411 : i32 to vector<16xi32>
        %add3A_413 = arith.addi %add3A_412, %mul3A_6 : vector<16xi32>
        %add3A_414 = arith.constant 2 : i32
        %add3A_415 = vector.broadcast %add3A_414 : i32 to vector<16xi32>
        %add3A_416 = arith.addi %add3A_413, %add3A_415 : vector<16xi32>
        %gather3A_417 = tpu.vector_load_idx %arg8[%add3A_416] : memref<1280xf32, #tpu.memory_space<vmem>>[vector<16xi32>], vector<16xf32>,
        %add3A_418 = arith.addf %add3A_409, %gather3A_417 : vector<16xf32>
        %mul3A_419 = arith.constant 256 : i32
        %mul3A_420 = arith.muli %scan3A_392, %mul3A_419 : i32
        %add3A_421 = vector.broadcast %mul3A_420 : i32 to vector<16xi32>
        %add3A_422 = arith.addi %add3A_421, %mul3A_6 : vector<16xi32>
        %add3A_423 = arith.constant 3 : i32
        %add3A_424 = vector.broadcast %add3A_423 : i32 to vector<16xi32>
        %add3A_425 = arith.addi %add3A_422, %add3A_424 : vector<16xi32>
        %gather3A_426 = tpu.vector_load_idx %arg8[%add3A_425] : memref<1280xf32, #tpu.memory_space<vmem>>[vector<16xi32>], vector<16xf32>,
        %add3A_427 = arith.addf %add3A_418, %gather3A_426 : vector<16xf32>
        %mul3A_428 = arith.constant 256 : i32
        %mul3A_429 = arith.muli %scan3A_392, %mul3A_428 : i32
        %add3A_430 = vector.broadcast %mul3A_429 : i32 to vector<16xi32>
        %add3A_431 = arith.addi %add3A_430, %mul3A_6 : vector<16xi32>
        %add3A_432 = arith.constant 4 : i32
        %add3A_433 = vector.broadcast %add3A_432 : i32 to vector<16xi32>
        %add3A_434 = arith.addi %add3A_431, %add3A_433 : vector<16xi32>
        %gather3A_435 = tpu.vector_load_idx %arg8[%add3A_434] : memref<1280xf32, #tpu.memory_space<vmem>>[vector<16xi32>], vector<16xf32>,
        %add3A_436 = arith.addf %add3A_427, %gather3A_435 : vector<16xf32>
        %mul3A_437 = arith.constant 256 : i32
        %mul3A_438 = arith.muli %scan3A_392, %mul3A_437 : i32
        %add3A_439 = vector.broadcast %mul3A_438 : i32 to vector<16xi32>
        %add3A_440 = arith.addi %add3A_439, %mul3A_6 : vector<16xi32>
        %add3A_441 = arith.constant 5 : i32
        %add3A_442 = vector.broadcast %add3A_441 : i32 to vector<16xi32>
        %add3A_443 = arith.addi %add3A_440, %add3A_442 : vector<16xi32>
        %gather3A_444 = tpu.vector_load_idx %arg8[%add3A_443] : memref<1280xf32, #tpu.memory_space<vmem>>[vector<16xi32>], vector<16xf32>,
        %add3A_445 = arith.addf %add3A_436, %gather3A_444 : vector<16xf32>
        %mul3A_446 = arith.constant 256 : i32
        %mul3A_447 = arith.muli %scan3A_392, %mul3A_446 : i32
        %add3A_448 = vector.broadcast %mul3A_447 : i32 to vector<16xi32>
        %add3A_449 = arith.addi %add3A_448, %mul3A_6 : vector<16xi32>
        %add3A_450 = arith.constant 6 : i32
        %add3A_451 = vector.broadcast %add3A_450 : i32 to vector<16xi32>
        %add3A_452 = arith.addi %add3A_449, %add3A_451 : vector<16xi32>
        %gather3A_453 = tpu.vector_load_idx %arg8[%add3A_452] : memref<1280xf32, #tpu.memory_space<vmem>>[vector<16xi32>], vector<16xf32>,
        %add3A_454 = arith.addf %add3A_445, %gather3A_453 : vector<16xf32>
        %mul3A_455 = arith.constant 256 : i32
        %mul3A_456 = arith.muli %scan3A_392, %mul3A_455 : i32
        %add3A_457 = vector.broadcast %mul3A_456 : i32 to vector<16xi32>
        %add3A_458 = arith.addi %add3A_457, %mul3A_6 : vector<16xi32>
        %add3A_459 = arith.constant 7 : i32
        %add3A_460 = vector.broadcast %add3A_459 : i32 to vector<16xi32>
        %add3A_461 = arith.addi %add3A_458, %add3A_460 : vector<16xi32>
        %gather3A_462 = tpu.vector_load_idx %arg8[%add3A_461] : memref<1280xf32, #tpu.memory_space<vmem>>[vector<16xi32>], vector<16xf32>,
        %add3A_463 = arith.addf %add3A_454, %gather3A_462 : vector<16xf32>
        %mul3A_464 = arith.constant 256 : i32
        %mul3A_465 = arith.muli %scan3A_392, %mul3A_464 : i32
        %add3A_466 = vector.broadcast %mul3A_465 : i32 to vector<16xi32>
        %add3A_467 = arith.addi %add3A_466, %mul3A_6 : vector<16xi32>
        %add3A_468 = arith.constant 8 : i32
        %add3A_469 = vector.broadcast %add3A_468 : i32 to vector<16xi32>
        %add3A_470 = arith.addi %add3A_467, %add3A_469 : vector<16xi32>
        %gather3A_471 = tpu.vector_load_idx %arg8[%add3A_470] : memref<1280xf32, #tpu.memory_space<vmem>>[vector<16xi32>], vector<16xf32>,
        %add3A_472 = arith.addf %add3A_463, %gather3A_471 : vector<16xf32>
        %mul3A_473 = arith.constant 256 : i32
        %mul3A_474 = arith.muli %scan3A_392, %mul3A_473 : i32
        %add3A_475 = vector.broadcast %mul3A_474 : i32 to vector<16xi32>
        %add3A_476 = arith.addi %add3A_475, %mul3A_6 : vector<16xi32>
        %add3A_477 = arith.constant 9 : i32
        %add3A_478 = vector.broadcast %add3A_477 : i32 to vector<16xi32>
        %add3A_479 = arith.addi %add3A_476, %add3A_478 : vector<16xi32>
        %gather3A_480 = tpu.vector_load_idx %arg8[%add3A_479] : memref<1280xf32, #tpu.memory_space<vmem>>[vector<16xi32>], vector<16xf32>,
        %add3A_481 = arith.addf %add3A_472, %gather3A_480 : vector<16xf32>
        %mul3A_482 = arith.constant 256 : i32
        %mul3A_483 = arith.muli %scan3A_392, %mul3A_482 : i32
        %add3A_484 = vector.broadcast %mul3A_483 : i32 to vector<16xi32>
        %add3A_485 = arith.addi %add3A_484, %mul3A_6 : vector<16xi32>
        %add3A_486 = arith.constant 10 : i32
        %add3A_487 = vector.broadcast %add3A_486 : i32 to vector<16xi32>
        %add3A_488 = arith.addi %add3A_485, %add3A_487 : vector<16xi32>
        %gather3A_489 = tpu.vector_load_idx %arg8[%add3A_488] : memref<1280xf32, #tpu.memory_space<vmem>>[vector<16xi32>], vector<16xf32>,
        %add3A_490 = arith.addf %add3A_481, %gather3A_489 : vector<16xf32>
        %mul3A_491 = arith.constant 256 : i32
        %mul3A_492 = arith.muli %scan3A_392, %mul3A_491 : i32
        %add3A_493 = vector.broadcast %mul3A_492 : i32 to vector<16xi32>
        %add3A_494 = arith.addi %add3A_493, %mul3A_6 : vector<16xi32>
        %add3A_495 = arith.constant 11 : i32
        %add3A_496 = vector.broadcast %add3A_495 : i32 to vector<16xi32>
        %add3A_497 = arith.addi %add3A_494, %add3A_496 : vector<16xi32>
        %gather3A_498 = tpu.vector_load_idx %arg8[%add3A_497] : memref<1280xf32, #tpu.memory_space<vmem>>[vector<16xi32>], vector<16xf32>,
        %add3A_499 = arith.addf %add3A_490, %gather3A_498 : vector<16xf32>
        %mul3A_500 = arith.constant 256 : i32
        %mul3A_501 = arith.muli %scan3A_392, %mul3A_500 : i32
        %add3A_502 = vector.broadcast %mul3A_501 : i32 to vector<16xi32>
        %add3A_503 = arith.addi %add3A_502, %mul3A_6 : vector<16xi32>
        %add3A_504 = arith.constant 12 : i32
        %add3A_505 = vector.broadcast %add3A_504 : i32 to vector<16xi32>
        %add3A_506 = arith.addi %add3A_503, %add3A_505 : vector<16xi32>
        %gather3A_507 = tpu.vector_load_idx %arg8[%add3A_506] : memref<1280xf32, #tpu.memory_space<vmem>>[vector<16xi32>], vector<16xf32>,
        %add3A_508 = arith.addf %add3A_499, %gather3A_507 : vector<16xf32>
        %mul3A_509 = arith.constant 256 : i32
        %mul3A_510 = arith.muli %scan3A_392, %mul3A_509 : i32
        %add3A_511 = vector.broadcast %mul3A_510 : i32 to vector<16xi32>
        %add3A_512 = arith.addi %add3A_511, %mul3A_6 : vector<16xi32>
        %add3A_513 = arith.constant 13 : i32
        %add3A_514 = vector.broadcast %add3A_513 : i32 to vector<16xi32>
        %add3A_515 = arith.addi %add3A_512, %add3A_514 : vector<16xi32>
        %gather3A_516 = tpu.vector_load_idx %arg8[%add3A_515] : memref<1280xf32, #tpu.memory_space<vmem>>[vector<16xi32>], vector<16xf32>,
        %add3A_517 = arith.addf %add3A_508, %gather3A_516 : vector<16xf32>
        %mul3A_518 = arith.constant 256 : i32
        %mul3A_519 = arith.muli %scan3A_392, %mul3A_518 : i32
        %add3A_520 = vector.broadcast %mul3A_519 : i32 to vector<16xi32>
        %add3A_521 = arith.addi %add3A_520, %mul3A_6 : vector<16xi32>
        %add3A_522 = arith.constant 14 : i32
        %add3A_523 = vector.broadcast %add3A_522 : i32 to vector<16xi32>
        %add3A_524 = arith.addi %add3A_521, %add3A_523 : vector<16xi32>
        %gather3A_525 = tpu.vector_load_idx %arg8[%add3A_524] : memref<1280xf32, #tpu.memory_space<vmem>>[vector<16xi32>], vector<16xf32>,
        %add3A_526 = arith.addf %add3A_517, %gather3A_525 : vector<16xf32>
        %mul3A_527 = arith.constant 256 : i32
        %mul3A_528 = arith.muli %scan3A_392, %mul3A_527 : i32
        %add3A_529 = vector.broadcast %mul3A_528 : i32 to vector<16xi32>
        %add3A_530 = arith.addi %add3A_529, %mul3A_6 : vector<16xi32>
        %add3A_531 = arith.constant 15 : i32
        %add3A_532 = vector.broadcast %add3A_531 : i32 to vector<16xi32>
        %add3A_533 = arith.addi %add3A_530, %add3A_532 : vector<16xi32>
        %gather3A_534 = tpu.vector_load_idx %arg8[%add3A_533] : memref<1280xf32, #tpu.memory_space<vmem>>[vector<16xi32>], vector<16xf32>,
        %add3A_535 = arith.addf %add3A_526, %gather3A_534 : vector<16xf32>
        %mul3A_536 = arith.constant 16 : i32
        %mul3A_537 = arith.muli %scan3A_392, %mul3A_536 : i32
        %swap3A = arith.index_cast %mul3A_537 : i32 to index
        %swap3A_538 = tpu.vector_load %arg42[%swap3A] {strides = array<i32>} : memref<80xf32, #tpu.memory_space<vmem>>, vector<16xf32>,
        tpu.vector_store %arg42[%swap3A], %add3A_535 {strides = array<i32>} : memref<80xf32, #tpu.memory_space<vmem>>, vector<16xf32>,
      }
      %scan3A_366 = arith.constant 5 : i32
      %mul3A_367 = arith.constant 80 : i32
      %mul3A_368 = arith.muli %add3A_336, %mul3A_367 : i32
      %add3A_369 = arith.addi %mul3A_2, %mul3A_368 : i32
      %dma_start3A_370 = arith.constant 0 : i32
      %dma_start3A_371 = tpu.memref_slice %arg42[%dma_start3A_370] : memref<80xf32, #tpu.memory_space<vmem>> -> memref<80xf32, #tpu.memory_space<vmem>>
      %dma_start3A_372 = tpu.memref_slice %arg7[%add3A_369] : memref<320000xf32, #tpu.memory_space<hbm>> -> memref<80xf32, #tpu.memory_space<hbm>>
      %dma_start3A_373 = tpu.memref_slice %arg7[%add3A_369] : memref<320000xf32, #tpu.memory_space<hbm>> -> memref<80xf32, #tpu.memory_space<hbm>>
      %dma_start3A_374 = arith.constant 0 : i32
      %dma_start3A_375 = tpu.memref_slice %arg42[%dma_start3A_374] : memref<80xf32, #tpu.memory_space<vmem>> -> memref<80xf32, #tpu.memory_space<vmem>>
      tpu.enqueue_dma source(%dma_start3A_375 : memref<80xf32, #tpu.memory_space<vmem>>) target(%dma_start3A_373 : memref<80xf32, #tpu.memory_space<hbm>>) target_semaphore(%arg45 : memref<!tpu.dma_semaphore, #tpu.memory_space<semaphore_mem>>)
      %add3A_376 = arith.constant 4 : i32
      %add3A_377 = arith.addi %add3A_336, %add3A_376 : i32
      %sub3A_378 = arith.constant 1 : i32
      %sub3A_379 = arith.subi %add3A_377, %sub3A_378 : i32
      %lt3A_380 = arith.constant 125 : i32
      %lt3A_381 = arith.cmpi slt, %sub3A_379, %lt3A_380 : i32
      %convert_element_type3A_382 = arith.extui %lt3A_381 : i1 to i32
      %cond3A_383 = arith.constant 0 : i32
      %cond3A_384 = arith.cmpi ne, %convert_element_type3A_382, %cond3A_383 : i32
      scf.if %cond3A_384 {
        %add3A_392 = arith.constant 4 : i32
        %add3A_393 = arith.addi %add3A_336, %add3A_392 : i32
        %sub3A_394 = arith.constant 1 : i32
        %sub3A_395 = arith.subi %add3A_393, %sub3A_394 : i32
        %mul3A_396 = arith.constant 80 : i32
        %mul3A_397 = arith.muli %sub3A_395, %mul3A_396 : i32
        %add3A_398 = arith.addi %mul3A_2, %mul3A_397 : i32
        %dma_wait3A_399 = tpu.memref_slice %arg4[%add3A_398] : memref<320000xi32, #tpu.memory_space<hbm>> -> memref<80xi32, #tpu.memory_space<hbm>>
        %dma_wait3A_400 = tpu.memref_slice %arg4[%add3A_398] : memref<320000xi32, #tpu.memory_space<hbm>> -> memref<80xi32, #tpu.memory_space<hbm>>
        tpu.wait_dma2 semaphore(%arg34 : memref<!tpu.dma_semaphore, #tpu.memory_space<semaphore_mem>>) src(%dma_wait3A_400 : memref<80xi32, #tpu.memory_space<hbm>>) dst(%arg28 : memref<80xi32, #tpu.memory_space<vmem>>)
        %dma_wait3A_401 = tpu.memref_slice %arg5[%add3A_398] : memref<320000xi32, #tpu.memory_space<hbm>> -> memref<80xi32, #tpu.memory_space<hbm>>
        %dma_wait3A_402 = tpu.memref_slice %arg5[%add3A_398] : memref<320000xi32, #tpu.memory_space<hbm>> -> memref<80xi32, #tpu.memory_space<hbm>>
        tpu.wait_dma2 semaphore(%arg34 : memref<!tpu.dma_semaphore, #tpu.memory_space<semaphore_mem>>) src(%dma_wait3A_402 : memref<80xi32, #tpu.memory_space<hbm>>) dst(%arg29 : memref<80xi32, #tpu.memory_space<vmem>>)
        %add3A_403 = arith.constant 4 : i32
        %add3A_404 = arith.addi %add3A_336, %add3A_403 : i32
        %sub3A_405 = arith.constant 1 : i32
        %sub3A_406 = arith.subi %add3A_404, %sub3A_405 : i32
        %mul3A_407 = arith.constant 80 : i32
        %mul3A_408 = arith.muli %sub3A_406, %mul3A_407 : i32
        %add3A_409 = arith.addi %mul3A_2, %mul3A_408 : i32
        %dma_start3A_410 = arith.constant 0 : i32
        %dma_start3A_411 = arith.constant 0 : i32
        %dma_start3A_412 = tpu.memref_slice %arg2[%dma_start3A_410, %dma_start3A_411] : memref<10000x128xf32, #tpu.memory_space<hbm>> -> memref<10000x128xf32, #tpu.memory_space<hbm>>
        tpu.enqueue_indirect_dma source(%dma_start3A_412 : memref<10000x128xf32, #tpu.memory_space<hbm>>) target(%arg30 : memref<80x128xf32, #tpu.memory_space<vmem>>) offsets(%arg28 : memref<80xi32, #tpu.memory_space<vmem>>) semaphore(%arg35 : memref<!tpu.dma_semaphore, #tpu.memory_space<semaphore_mem>>)
        %dma_start3A_413 = arith.constant 0 : i32
        %dma_start3A_414 = arith.constant 0 : i32
        %dma_start3A_415 = tpu.memref_slice %arg2[%dma_start3A_413, %dma_start3A_414] : memref<10000x128xf32, #tpu.memory_space<hbm>> -> memref<10000x128xf32, #tpu.memory_space<hbm>>
        tpu.enqueue_indirect_dma source(%dma_start3A_415 : memref<10000x128xf32, #tpu.memory_space<hbm>>) target(%arg31 : memref<80x128xf32, #tpu.memory_space<vmem>>) offsets(%arg29 : memref<80xi32, #tpu.memory_space<vmem>>) semaphore(%arg35 : memref<!tpu.dma_semaphore, #tpu.memory_space<semaphore_mem>>)
        %dma_start3A_416 = arith.constant 0 : i32
        %dma_start3A_417 = tpu.memref_slice %arg3[%add3A_409, %dma_start3A_416] : memref<320000x64xf32, #tpu.memory_space<hbm>> -> memref<80x64xf32, #tpu.memory_space<hbm>>
        %dma_start3A_418 = arith.constant 0 : i32
        %dma_start3A_419 = tpu.memref_slice %arg3[%add3A_409, %dma_start3A_418] : memref<320000x64xf32, #tpu.memory_space<hbm>> -> memref<80x64xf32, #tpu.memory_space<hbm>>
        tpu.enqueue_dma source(%dma_start3A_419 : memref<80x64xf32, #tpu.memory_space<hbm>>) target(%arg32 : memref<80x64xf32, #tpu.memory_space<vmem>>) target_semaphore(%arg35 : memref<!tpu.dma_semaphore, #tpu.memory_space<semaphore_mem>>)
      } else {
      }
      %add3A_385 = arith.constant 4 : i32
      %add3A_386 = arith.addi %add3A_336, %add3A_385 : i32
      %lt3A_387 = arith.constant 125 : i32
      %lt3A_388 = arith.cmpi slt, %add3A_386, %lt3A_387 : i32
      %convert_element_type3A_389 = arith.extui %lt3A_388 : i1 to i32
      %cond3A_390 = arith.constant 0 : i32
      %cond3A_391 = arith.cmpi ne, %convert_element_type3A_389, %cond3A_390 : i32
      scf.if %cond3A_391 {
        %add3A_392 = arith.constant 4 : i32
        %add3A_393 = arith.addi %add3A_336, %add3A_392 : i32
        %mul3A_394 = arith.constant 80 : i32
        %mul3A_395 = arith.muli %add3A_393, %mul3A_394 : i32
        %add3A_396 = arith.addi %mul3A_2, %mul3A_395 : i32
        %dma_start3A_397 = tpu.memref_slice %arg4[%add3A_396] : memref<320000xi32, #tpu.memory_space<hbm>> -> memref<80xi32, #tpu.memory_space<hbm>>
        %dma_start3A_398 = tpu.memref_slice %arg4[%add3A_396] : memref<320000xi32, #tpu.memory_space<hbm>> -> memref<80xi32, #tpu.memory_space<hbm>>
        tpu.enqueue_dma source(%dma_start3A_398 : memref<80xi32, #tpu.memory_space<hbm>>) target(%arg37 : memref<80xi32, #tpu.memory_space<vmem>>) target_semaphore(%arg43 : memref<!tpu.dma_semaphore, #tpu.memory_space<semaphore_mem>>)
        %dma_start3A_399 = tpu.memref_slice %arg5[%add3A_396] : memref<320000xi32, #tpu.memory_space<hbm>> -> memref<80xi32, #tpu.memory_space<hbm>>
        %dma_start3A_400 = tpu.memref_slice %arg5[%add3A_396] : memref<320000xi32, #tpu.memory_space<hbm>> -> memref<80xi32, #tpu.memory_space<hbm>>
        tpu.enqueue_dma source(%dma_start3A_400 : memref<80xi32, #tpu.memory_space<hbm>>) target(%arg38 : memref<80xi32, #tpu.memory_space<vmem>>) target_semaphore(%arg43 : memref<!tpu.dma_semaphore, #tpu.memory_space<semaphore_mem>>)
      } else {
      }
    }
    %scan3A_87 = arith.constant 31 : i32
    %add3A_88 = arith.constant 9920 : i32
    %add3A_89 = arith.addi %mul3A_2, %add3A_88 : i32
    %dma_wait3A_90 = arith.constant 0 : i32
    %dma_wait3A_91 = arith.constant 0 : i32
    %dma_wait3A_92 = tpu.memref_slice %arg2[%dma_wait3A_90, %dma_wait3A_91] : memref<10000x128xf32, #tpu.memory_space<hbm>> -> memref<10000x128xf32, #tpu.memory_space<hbm>>
    tpu.wait_indirect_dma semaphore(%arg17 : memref<!tpu.dma_semaphore, #tpu.memory_space<semaphore_mem>>) src(%dma_wait3A_92 : memref<10000x128xf32, #tpu.memory_space<hbm>>) dst(%arg12 : memref<80x128xf32, #tpu.memory_space<vmem>>)
    %dma_wait3A_93 = arith.constant 0 : i32
    %dma_wait3A_94 = arith.constant 0 : i32
    %dma_wait3A_95 = tpu.memref_slice %arg2[%dma_wait3A_93, %dma_wait3A_94] : memref<10000x128xf32, #tpu.memory_space<hbm>> -> memref<10000x128xf32, #tpu.memory_space<hbm>>
    tpu.wait_indirect_dma semaphore(%arg17 : memref<!tpu.dma_semaphore, #tpu.memory_space<semaphore_mem>>) src(%dma_wait3A_95 : memref<10000x128xf32, #tpu.memory_space<hbm>>) dst(%arg13 : memref<80x128xf32, #tpu.memory_space<vmem>>)
    %dma_wait3A_96 = arith.constant 0 : i32
    %dma_wait3A_97 = tpu.memref_slice %arg3[%add3A_89, %dma_wait3A_96] : memref<320000x64xf32, #tpu.memory_space<hbm>> -> memref<80x64xf32, #tpu.memory_space<hbm>>
    %dma_wait3A_98 = arith.constant 0 : i32
    %dma_wait3A_99 = tpu.memref_slice %arg3[%add3A_89, %dma_wait3A_98] : memref<320000x64xf32, #tpu.memory_space<hbm>> -> memref<80x64xf32, #tpu.memory_space<hbm>>
    tpu.wait_dma2 semaphore(%arg17 : memref<!tpu.dma_semaphore, #tpu.memory_space<semaphore_mem>>) src(%dma_wait3A_99 : memref<80x64xf32, #tpu.memory_space<hbm>>) dst(%arg14 : memref<80x64xf32, #tpu.memory_space<vmem>>)
    %add3A_100 = arith.constant 9600 : i32
    %add3A_101 = arith.addi %mul3A_2, %add3A_100 : i32
    %dma_wait3A_102 = arith.constant 0 : i32
    %dma_wait3A_103 = tpu.memref_slice %arg15[%dma_wait3A_102] : memref<80xf32, #tpu.memory_space<vmem>> -> memref<80xf32, #tpu.memory_space<vmem>>
    %dma_wait3A_104 = tpu.memref_slice %arg7[%add3A_101] : memref<320000xf32, #tpu.memory_space<hbm>> -> memref<80xf32, #tpu.memory_space<hbm>>
    %dma_wait3A_105 = tpu.memref_slice %arg7[%add3A_101] : memref<320000xf32, #tpu.memory_space<hbm>> -> memref<80xf32, #tpu.memory_space<hbm>>
    %dma_wait3A_106 = arith.constant 0 : i32
    %dma_wait3A_107 = tpu.memref_slice %arg15[%dma_wait3A_106] : memref<80xf32, #tpu.memory_space<vmem>> -> memref<80xf32, #tpu.memory_space<vmem>>
    tpu.wait_dma2 semaphore(%arg18 : memref<!tpu.dma_semaphore, #tpu.memory_space<semaphore_mem>>) src(%dma_wait3A_107 : memref<80xf32, #tpu.memory_space<vmem>>) dst(%dma_wait3A_105 : memref<80xf32, #tpu.memory_space<hbm>>)
    %scan3A_108 = arith.constant 0 : i32
    %scan3A_109 = arith.constant 0 : i32
    %scan3A_110 = arith.constant 80 : i32
    %scan3A_111 = arith.addi %scan3A_109, %scan3A_110 : i32
    %scan3A_112 = arith.constant 2 : i32
    scf.for %scan3A_160 = %scan3A_109 to %scan3A_111 step %scan3A_112  : i32 {
      %get3A_161 = arith.index_cast %scan3A_160 : i32 to index
      %get3A_162 = arith.constant 0 : index
      %get3A_163 = tpu.vector_load %arg12[%get3A_161, %get3A_162] {strides = array<i32>} : memref<80x128xf32, #tpu.memory_space<vmem>>, vector<16xf32>,
      %get3A_164 = arith.index_cast %scan3A_160 : i32 to index
      %get3A_165 = arith.constant 64 : index
      %get3A_166 = tpu.vector_load %arg13[%get3A_164, %get3A_165] {strides = array<i32>} : memref<80x128xf32, #tpu.memory_space<vmem>>, vector<16xf32>,
      %add3A_167 = arith.addf %get3A_163, %get3A_166 : vector<16xf32>
      %get3A_168 = arith.index_cast %scan3A_160 : i32 to index
      %get3A_169 = arith.constant 0 : index
      %get3A_170 = tpu.vector_load %arg14[%get3A_168, %get3A_169] {strides = array<i32>} : memref<80x64xf32, #tpu.memory_space<vmem>>, vector<16xf32>,
      %add3A_171 = arith.addf %add3A_167, %get3A_170 : vector<16xf32>
      %neg3A = arith.constant 0.000000e+00 : f32
      %neg3A_172 = vector.broadcast %neg3A : f32 to vector<16xf32>
      %neg3A_173 = arith.subf %neg3A_172, %add3A_171 : vector<16xf32>
      %exp3A = math.exp %neg3A_173 : vector<16xf32>
      %add3A_174 = arith.constant 1.000000e+00 : f32
      %add3A_175 = vector.broadcast %add3A_174 : f32 to vector<16xf32>
      %add3A_176 = arith.addf %add3A_175, %exp3A : vector<16xf32>
      %div3A = arith.divf %add3A_171, %add3A_176 : vector<16xf32>
      %get3A_177 = arith.constant 0 : index
      %get3A_178 = tpu.vector_load %arg9[%get3A_177] {strides = array<i32>} : memref<128xf32, #tpu.memory_space<vmem>>, vector<16xf32>,
      %mul3A_179 = arith.mulf %div3A, %get3A_178 : vector<16xf32>
      %get3A_180 = arith.index_cast %scan3A_160 : i32 to index
      %get3A_181 = arith.constant 16 : index
      %get3A_182 = tpu.vector_load %arg12[%get3A_180, %get3A_181] {strides = array<i32>} : memref<80x128xf32, #tpu.memory_space<vmem>>, vector<16xf32>,
      %get3A_183 = arith.index_cast %scan3A_160 : i32 to index
      %get3A_184 = arith.constant 80 : index
      %get3A_185 = tpu.vector_load %arg13[%get3A_183, %get3A_184] {strides = array<i32>} : memref<80x128xf32, #tpu.memory_space<vmem>>, vector<16xf32>,
      %add3A_186 = arith.addf %get3A_182, %get3A_185 : vector<16xf32>
      %get3A_187 = arith.index_cast %scan3A_160 : i32 to index
      %get3A_188 = arith.constant 16 : index
      %get3A_189 = tpu.vector_load %arg14[%get3A_187, %get3A_188] {strides = array<i32>} : memref<80x64xf32, #tpu.memory_space<vmem>>, vector<16xf32>,
      %add3A_190 = arith.addf %add3A_186, %get3A_189 : vector<16xf32>
      %neg3A_191 = arith.constant 0.000000e+00 : f32
      %neg3A_192 = vector.broadcast %neg3A_191 : f32 to vector<16xf32>
      %neg3A_193 = arith.subf %neg3A_192, %add3A_190 : vector<16xf32>
      %exp3A_194 = math.exp %neg3A_193 : vector<16xf32>
      %add3A_195 = arith.constant 1.000000e+00 : f32
      %add3A_196 = vector.broadcast %add3A_195 : f32 to vector<16xf32>
      %add3A_197 = arith.addf %add3A_196, %exp3A_194 : vector<16xf32>
      %div3A_198 = arith.divf %add3A_190, %add3A_197 : vector<16xf32>
      %get3A_199 = arith.constant 16 : index
      %get3A_200 = tpu.vector_load %arg9[%get3A_199] {strides = array<i32>} : memref<128xf32, #tpu.memory_space<vmem>>, vector<16xf32>,
      %mul3A_201 = arith.mulf %div3A_198, %get3A_200 : vector<16xf32>
      %add3A_202 = arith.addf %mul3A_179, %mul3A_201 : vector<16xf32>
      %get3A_203 = arith.index_cast %scan3A_160 : i32 to index
      %get3A_204 = arith.constant 32 : index
      %get3A_205 = tpu.vector_load %arg12[%get3A_203, %get3A_204] {strides = array<i32>} : memref<80x128xf32, #tpu.memory_space<vmem>>, vector<16xf32>,
      %get3A_206 = arith.index_cast %scan3A_160 : i32 to index
      %get3A_207 = arith.constant 96 : index
      %get3A_208 = tpu.vector_load %arg13[%get3A_206, %get3A_207] {strides = array<i32>} : memref<80x128xf32, #tpu.memory_space<vmem>>, vector<16xf32>,
      %add3A_209 = arith.addf %get3A_205, %get3A_208 : vector<16xf32>
      %get3A_210 = arith.index_cast %scan3A_160 : i32 to index
      %get3A_211 = arith.constant 32 : index
      %get3A_212 = tpu.vector_load %arg14[%get3A_210, %get3A_211] {strides = array<i32>} : memref<80x64xf32, #tpu.memory_space<vmem>>, vector<16xf32>,
      %add3A_213 = arith.addf %add3A_209, %get3A_212 : vector<16xf32>
      %neg3A_214 = arith.constant 0.000000e+00 : f32
      %neg3A_215 = vector.broadcast %neg3A_214 : f32 to vector<16xf32>
      %neg3A_216 = arith.subf %neg3A_215, %add3A_213 : vector<16xf32>
      %exp3A_217 = math.exp %neg3A_216 : vector<16xf32>
      %add3A_218 = arith.constant 1.000000e+00 : f32
      %add3A_219 = vector.broadcast %add3A_218 : f32 to vector<16xf32>
      %add3A_220 = arith.addf %add3A_219, %exp3A_217 : vector<16xf32>
      %div3A_221 = arith.divf %add3A_213, %add3A_220 : vector<16xf32>
      %get3A_222 = arith.constant 32 : index
      %get3A_223 = tpu.vector_load %arg9[%get3A_222] {strides = array<i32>} : memref<128xf32, #tpu.memory_space<vmem>>, vector<16xf32>,
      %mul3A_224 = arith.mulf %div3A_221, %get3A_223 : vector<16xf32>
      %add3A_225 = arith.addf %add3A_202, %mul3A_224 : vector<16xf32>
      %get3A_226 = arith.index_cast %scan3A_160 : i32 to index
      %get3A_227 = arith.constant 48 : index
      %get3A_228 = tpu.vector_load %arg12[%get3A_226, %get3A_227] {strides = array<i32>} : memref<80x128xf32, #tpu.memory_space<vmem>>, vector<16xf32>,
      %get3A_229 = arith.index_cast %scan3A_160 : i32 to index
      %get3A_230 = arith.constant 112 : index
      %get3A_231 = tpu.vector_load %arg13[%get3A_229, %get3A_230] {strides = array<i32>} : memref<80x128xf32, #tpu.memory_space<vmem>>, vector<16xf32>,
      %add3A_232 = arith.addf %get3A_228, %get3A_231 : vector<16xf32>
      %get3A_233 = arith.index_cast %scan3A_160 : i32 to index
      %get3A_234 = arith.constant 48 : index
      %get3A_235 = tpu.vector_load %arg14[%get3A_233, %get3A_234] {strides = array<i32>} : memref<80x64xf32, #tpu.memory_space<vmem>>, vector<16xf32>,
      %add3A_236 = arith.addf %add3A_232, %get3A_235 : vector<16xf32>
      %neg3A_237 = arith.constant 0.000000e+00 : f32
      %neg3A_238 = vector.broadcast %neg3A_237 : f32 to vector<16xf32>
      %neg3A_239 = arith.subf %neg3A_238, %add3A_236 : vector<16xf32>
      %exp3A_240 = math.exp %neg3A_239 : vector<16xf32>
      %add3A_241 = arith.constant 1.000000e+00 : f32
      %add3A_242 = vector.broadcast %add3A_241 : f32 to vector<16xf32>
      %add3A_243 = arith.addf %add3A_242, %exp3A_240 : vector<16xf32>
      %div3A_244 = arith.divf %add3A_236, %add3A_243 : vector<16xf32>
      %get3A_245 = arith.constant 48 : index
      %get3A_246 = tpu.vector_load %arg9[%get3A_245] {strides = array<i32>} : memref<128xf32, #tpu.memory_space<vmem>>, vector<16xf32>,
      %mul3A_247 = arith.mulf %div3A_244, %get3A_246 : vector<16xf32>
      %add3A_248 = arith.addf %add3A_225, %mul3A_247 : vector<16xf32>
      %mul3A_249 = arith.constant 16 : i32
      %mul3A_250 = arith.muli %scan3A_160, %mul3A_249 : i32
      %swap3A = arith.index_cast %mul3A_250 : i32 to index
      %swap3A_251 = tpu.vector_load %arg8[%swap3A] {strides = array<i32>} : memref<1280xf32, #tpu.memory_space<vmem>>, vector<16xf32>,
      tpu.vector_store %arg8[%swap3A], %add3A_248 {strides = array<i32>} : memref<1280xf32, #tpu.memory_space<vmem>>, vector<16xf32>,
      %scan3A_252 = arith.constant 1 : i32
      %scan3A_253 = arith.addi %scan3A_160, %scan3A_252 : i32
      %get3A_254 = arith.index_cast %scan3A_253 : i32 to index
      %get3A_255 = arith.constant 0 : index
      %get3A_256 = tpu.vector_load %arg12[%get3A_254, %get3A_255] {strides = array<i32>} : memref<80x128xf32, #tpu.memory_space<vmem>>, vector<16xf32>,
      %get3A_257 = arith.index_cast %scan3A_253 : i32 to index
      %get3A_258 = arith.constant 64 : index
      %get3A_259 = tpu.vector_load %arg13[%get3A_257, %get3A_258] {strides = array<i32>} : memref<80x128xf32, #tpu.memory_space<vmem>>, vector<16xf32>,
      %add3A_260 = arith.addf %get3A_256, %get3A_259 : vector<16xf32>
      %get3A_261 = arith.index_cast %scan3A_253 : i32 to index
      %get3A_262 = arith.constant 0 : index
      %get3A_263 = tpu.vector_load %arg14[%get3A_261, %get3A_262] {strides = array<i32>} : memref<80x64xf32, #tpu.memory_space<vmem>>, vector<16xf32>,
      %add3A_264 = arith.addf %add3A_260, %get3A_263 : vector<16xf32>
      %neg3A_265 = arith.constant 0.000000e+00 : f32
      %neg3A_266 = vector.broadcast %neg3A_265 : f32 to vector<16xf32>
      %neg3A_267 = arith.subf %neg3A_266, %add3A_264 : vector<16xf32>
      %exp3A_268 = math.exp %neg3A_267 : vector<16xf32>
      %add3A_269 = arith.constant 1.000000e+00 : f32
      %add3A_270 = vector.broadcast %add3A_269 : f32 to vector<16xf32>
      %add3A_271 = arith.addf %add3A_270, %exp3A_268 : vector<16xf32>
      %div3A_272 = arith.divf %add3A_264, %add3A_271 : vector<16xf32>
      %get3A_273 = arith.constant 0 : index
      %get3A_274 = tpu.vector_load %arg9[%get3A_273] {strides = array<i32>} : memref<128xf32, #tpu.memory_space<vmem>>, vector<16xf32>,
      %mul3A_275 = arith.mulf %div3A_272, %get3A_274 : vector<16xf32>
      %get3A_276 = arith.index_cast %scan3A_253 : i32 to index
      %get3A_277 = arith.constant 16 : index
      %get3A_278 = tpu.vector_load %arg12[%get3A_276, %get3A_277] {strides = array<i32>} : memref<80x128xf32, #tpu.memory_space<vmem>>, vector<16xf32>,
      %get3A_279 = arith.index_cast %scan3A_253 : i32 to index
      %get3A_280 = arith.constant 80 : index
      %get3A_281 = tpu.vector_load %arg13[%get3A_279, %get3A_280] {strides = array<i32>} : memref<80x128xf32, #tpu.memory_space<vmem>>, vector<16xf32>,
      %add3A_282 = arith.addf %get3A_278, %get3A_281 : vector<16xf32>
      %get3A_283 = arith.index_cast %scan3A_253 : i32 to index
      %get3A_284 = arith.constant 16 : index
      %get3A_285 = tpu.vector_load %arg14[%get3A_283, %get3A_284] {strides = array<i32>} : memref<80x64xf32, #tpu.memory_space<vmem>>, vector<16xf32>,
      %add3A_286 = arith.addf %add3A_282, %get3A_285 : vector<16xf32>
      %neg3A_287 = arith.constant 0.000000e+00 : f32
      %neg3A_288 = vector.broadcast %neg3A_287 : f32 to vector<16xf32>
      %neg3A_289 = arith.subf %neg3A_288, %add3A_286 : vector<16xf32>
      %exp3A_290 = math.exp %neg3A_289 : vector<16xf32>
      %add3A_291 = arith.constant 1.000000e+00 : f32
      %add3A_292 = vector.broadcast %add3A_291 : f32 to vector<16xf32>
      %add3A_293 = arith.addf %add3A_292, %exp3A_290 : vector<16xf32>
      %div3A_294 = arith.divf %add3A_286, %add3A_293 : vector<16xf32>
      %get3A_295 = arith.constant 16 : index
      %get3A_296 = tpu.vector_load %arg9[%get3A_295] {strides = array<i32>} : memref<128xf32, #tpu.memory_space<vmem>>, vector<16xf32>,
      %mul3A_297 = arith.mulf %div3A_294, %get3A_296 : vector<16xf32>
      %add3A_298 = arith.addf %mul3A_275, %mul3A_297 : vector<16xf32>
      %get3A_299 = arith.index_cast %scan3A_253 : i32 to index
      %get3A_300 = arith.constant 32 : index
      %get3A_301 = tpu.vector_load %arg12[%get3A_299, %get3A_300] {strides = array<i32>} : memref<80x128xf32, #tpu.memory_space<vmem>>, vector<16xf32>,
      %get3A_302 = arith.index_cast %scan3A_253 : i32 to index
      %get3A_303 = arith.constant 96 : index
      %get3A_304 = tpu.vector_load %arg13[%get3A_302, %get3A_303] {strides = array<i32>} : memref<80x128xf32, #tpu.memory_space<vmem>>, vector<16xf32>,
      %add3A_305 = arith.addf %get3A_301, %get3A_304 : vector<16xf32>
      %get3A_306 = arith.index_cast %scan3A_253 : i32 to index
      %get3A_307 = arith.constant 32 : index
      %get3A_308 = tpu.vector_load %arg14[%get3A_306, %get3A_307] {strides = array<i32>} : memref<80x64xf32, #tpu.memory_space<vmem>>, vector<16xf32>,
      %add3A_309 = arith.addf %add3A_305, %get3A_308 : vector<16xf32>
      %neg3A_310 = arith.constant 0.000000e+00 : f32
      %neg3A_311 = vector.broadcast %neg3A_310 : f32 to vector<16xf32>
      %neg3A_312 = arith.subf %neg3A_311, %add3A_309 : vector<16xf32>
      %exp3A_313 = math.exp %neg3A_312 : vector<16xf32>
      %add3A_314 = arith.constant 1.000000e+00 : f32
      %add3A_315 = vector.broadcast %add3A_314 : f32 to vector<16xf32>
      %add3A_316 = arith.addf %add3A_315, %exp3A_313 : vector<16xf32>
      %div3A_317 = arith.divf %add3A_309, %add3A_316 : vector<16xf32>
      %get3A_318 = arith.constant 32 : index
      %get3A_319 = tpu.vector_load %arg9[%get3A_318] {strides = array<i32>} : memref<128xf32, #tpu.memory_space<vmem>>, vector<16xf32>,
      %mul3A_320 = arith.mulf %div3A_317, %get3A_319 : vector<16xf32>
      %add3A_321 = arith.addf %add3A_298, %mul3A_320 : vector<16xf32>
      %get3A_322 = arith.index_cast %scan3A_253 : i32 to index
      %get3A_323 = arith.constant 48 : index
      %get3A_324 = tpu.vector_load %arg12[%get3A_322, %get3A_323] {strides = array<i32>} : memref<80x128xf32, #tpu.memory_space<vmem>>, vector<16xf32>,
      %get3A_325 = arith.index_cast %scan3A_253 : i32 to index
      %get3A_326 = arith.constant 112 : index
      %get3A_327 = tpu.vector_load %arg13[%get3A_325, %get3A_326] {strides = array<i32>} : memref<80x128xf32, #tpu.memory_space<vmem>>, vector<16xf32>,
      %add3A_328 = arith.addf %get3A_324, %get3A_327 : vector<16xf32>
      %get3A_329 = arith.index_cast %scan3A_253 : i32 to index
      %get3A_330 = arith.constant 48 : index
      %get3A_331 = tpu.vector_load %arg14[%get3A_329, %get3A_330] {strides = array<i32>} : memref<80x64xf32, #tpu.memory_space<vmem>>, vector<16xf32>,
      %add3A_332 = arith.addf %add3A_328, %get3A_331 : vector<16xf32>
      %neg3A_333 = arith.constant 0.000000e+00 : f32
      %neg3A_334 = vector.broadcast %neg3A_333 : f32 to vector<16xf32>
      %neg3A_335 = arith.subf %neg3A_334, %add3A_332 : vector<16xf32>
      %exp3A_336 = math.exp %neg3A_335 : vector<16xf32>
      %add3A_337 = arith.constant 1.000000e+00 : f32
      %add3A_338 = vector.broadcast %add3A_337 : f32 to vector<16xf32>
      %add3A_339 = arith.addf %add3A_338, %exp3A_336 : vector<16xf32>
      %div3A_340 = arith.divf %add3A_332, %add3A_339 : vector<16xf32>
      %get3A_341 = arith.constant 48 : index
      %get3A_342 = tpu.vector_load %arg9[%get3A_341] {strides = array<i32>} : memref<128xf32, #tpu.memory_space<vmem>>, vector<16xf32>,
      %mul3A_343 = arith.mulf %div3A_340, %get3A_342 : vector<16xf32>
      %add3A_344 = arith.addf %add3A_321, %mul3A_343 : vector<16xf32>
      %mul3A_345 = arith.constant 16 : i32
      %mul3A_346 = arith.muli %scan3A_253, %mul3A_345 : i32
      %swap3A_347 = arith.index_cast %mul3A_346 : i32 to index
      %swap3A_348 = tpu.vector_load %arg8[%swap3A_347] {strides = array<i32>} : memref<1280xf32, #tpu.memory_space<vmem>>, vector<16xf32>,
      tpu.vector_store %arg8[%swap3A_347], %add3A_344 {strides = array<i32>} : memref<1280xf32, #tpu.memory_space<vmem>>, vector<16xf32>,
    }
    %scan3A_113 = arith.constant 80 : i32
    %scan3A_114 = arith.constant 0 : i32
    %scan3A_115 = arith.constant 0 : i32
    %scan3A_116 = arith.constant 5 : i32
    %scan3A_117 = arith.addi %scan3A_115, %scan3A_116 : i32
    %scan3A_118 = arith.constant 1 : i32
    scf.for %scan3A_160 = %scan3A_115 to %scan3A_117 step %scan3A_118  : i32 {
      %mul3A_161 = arith.constant 256 : i32
      %mul3A_162 = arith.muli %scan3A_160, %mul3A_161 : i32
      %add3A_163 = vector.broadcast %mul3A_162 : i32 to vector<16xi32>
      %add3A_164 = arith.addi %add3A_163, %mul3A_6 : vector<16xi32>
      %add3A_165 = arith.constant 0 : i32
      %add3A_166 = vector.broadcast %add3A_165 : i32 to vector<16xi32>
      %add3A_167 = arith.addi %add3A_164, %add3A_166 : vector<16xi32>
      %gather3A = tpu.vector_load_idx %arg8[%add3A_167] : memref<1280xf32, #tpu.memory_space<vmem>>[vector<16xi32>], vector<16xf32>,
      %add3A_168 = arith.addf %get3A_3, %gather3A : vector<16xf32>
      %mul3A_169 = arith.constant 256 : i32
      %mul3A_170 = arith.muli %scan3A_160, %mul3A_169 : i32
      %add3A_171 = vector.broadcast %mul3A_170 : i32 to vector<16xi32>
      %add3A_172 = arith.addi %add3A_171, %mul3A_6 : vector<16xi32>
      %add3A_173 = arith.constant 1 : i32
      %add3A_174 = vector.broadcast %add3A_173 : i32 to vector<16xi32>
      %add3A_175 = arith.addi %add3A_172, %add3A_174 : vector<16xi32>
      %gather3A_176 = tpu.vector_load_idx %arg8[%add3A_175] : memref<1280xf32, #tpu.memory_space<vmem>>[vector<16xi32>], vector<16xf32>,
      %add3A_177 = arith.addf %add3A_168, %gather3A_176 : vector<16xf32>
      %mul3A_178 = arith.constant 256 : i32
      %mul3A_179 = arith.muli %scan3A_160, %mul3A_178 : i32
      %add3A_180 = vector.broadcast %mul3A_179 : i32 to vector<16xi32>
      %add3A_181 = arith.addi %add3A_180, %mul3A_6 : vector<16xi32>
      %add3A_182 = arith.constant 2 : i32
      %add3A_183 = vector.broadcast %add3A_182 : i32 to vector<16xi32>
      %add3A_184 = arith.addi %add3A_181, %add3A_183 : vector<16xi32>
      %gather3A_185 = tpu.vector_load_idx %arg8[%add3A_184] : memref<1280xf32, #tpu.memory_space<vmem>>[vector<16xi32>], vector<16xf32>,
      %add3A_186 = arith.addf %add3A_177, %gather3A_185 : vector<16xf32>
      %mul3A_187 = arith.constant 256 : i32
      %mul3A_188 = arith.muli %scan3A_160, %mul3A_187 : i32
      %add3A_189 = vector.broadcast %mul3A_188 : i32 to vector<16xi32>
      %add3A_190 = arith.addi %add3A_189, %mul3A_6 : vector<16xi32>
      %add3A_191 = arith.constant 3 : i32
      %add3A_192 = vector.broadcast %add3A_191 : i32 to vector<16xi32>
      %add3A_193 = arith.addi %add3A_190, %add3A_192 : vector<16xi32>
      %gather3A_194 = tpu.vector_load_idx %arg8[%add3A_193] : memref<1280xf32, #tpu.memory_space<vmem>>[vector<16xi32>], vector<16xf32>,
      %add3A_195 = arith.addf %add3A_186, %gather3A_194 : vector<16xf32>
      %mul3A_196 = arith.constant 256 : i32
      %mul3A_197 = arith.muli %scan3A_160, %mul3A_196 : i32
      %add3A_198 = vector.broadcast %mul3A_197 : i32 to vector<16xi32>
      %add3A_199 = arith.addi %add3A_198, %mul3A_6 : vector<16xi32>
      %add3A_200 = arith.constant 4 : i32
      %add3A_201 = vector.broadcast %add3A_200 : i32 to vector<16xi32>
      %add3A_202 = arith.addi %add3A_199, %add3A_201 : vector<16xi32>
      %gather3A_203 = tpu.vector_load_idx %arg8[%add3A_202] : memref<1280xf32, #tpu.memory_space<vmem>>[vector<16xi32>], vector<16xf32>,
      %add3A_204 = arith.addf %add3A_195, %gather3A_203 : vector<16xf32>
      %mul3A_205 = arith.constant 256 : i32
      %mul3A_206 = arith.muli %scan3A_160, %mul3A_205 : i32
      %add3A_207 = vector.broadcast %mul3A_206 : i32 to vector<16xi32>
      %add3A_208 = arith.addi %add3A_207, %mul3A_6 : vector<16xi32>
      %add3A_209 = arith.constant 5 : i32
      %add3A_210 = vector.broadcast %add3A_209 : i32 to vector<16xi32>
      %add3A_211 = arith.addi %add3A_208, %add3A_210 : vector<16xi32>
      %gather3A_212 = tpu.vector_load_idx %arg8[%add3A_211] : memref<1280xf32, #tpu.memory_space<vmem>>[vector<16xi32>], vector<16xf32>,
      %add3A_213 = arith.addf %add3A_204, %gather3A_212 : vector<16xf32>
      %mul3A_214 = arith.constant 256 : i32
      %mul3A_215 = arith.muli %scan3A_160, %mul3A_214 : i32
      %add3A_216 = vector.broadcast %mul3A_215 : i32 to vector<16xi32>
      %add3A_217 = arith.addi %add3A_216, %mul3A_6 : vector<16xi32>
      %add3A_218 = arith.constant 6 : i32
      %add3A_219 = vector.broadcast %add3A_218 : i32 to vector<16xi32>
      %add3A_220 = arith.addi %add3A_217, %add3A_219 : vector<16xi32>
      %gather3A_221 = tpu.vector_load_idx %arg8[%add3A_220] : memref<1280xf32, #tpu.memory_space<vmem>>[vector<16xi32>], vector<16xf32>,
      %add3A_222 = arith.addf %add3A_213, %gather3A_221 : vector<16xf32>
      %mul3A_223 = arith.constant 256 : i32
      %mul3A_224 = arith.muli %scan3A_160, %mul3A_223 : i32
      %add3A_225 = vector.broadcast %mul3A_224 : i32 to vector<16xi32>
      %add3A_226 = arith.addi %add3A_225, %mul3A_6 : vector<16xi32>
      %add3A_227 = arith.constant 7 : i32
      %add3A_228 = vector.broadcast %add3A_227 : i32 to vector<16xi32>
      %add3A_229 = arith.addi %add3A_226, %add3A_228 : vector<16xi32>
      %gather3A_230 = tpu.vector_load_idx %arg8[%add3A_229] : memref<1280xf32, #tpu.memory_space<vmem>>[vector<16xi32>], vector<16xf32>,
      %add3A_231 = arith.addf %add3A_222, %gather3A_230 : vector<16xf32>
      %mul3A_232 = arith.constant 256 : i32
      %mul3A_233 = arith.muli %scan3A_160, %mul3A_232 : i32
      %add3A_234 = vector.broadcast %mul3A_233 : i32 to vector<16xi32>
      %add3A_235 = arith.addi %add3A_234, %mul3A_6 : vector<16xi32>
      %add3A_236 = arith.constant 8 : i32
      %add3A_237 = vector.broadcast %add3A_236 : i32 to vector<16xi32>
      %add3A_238 = arith.addi %add3A_235, %add3A_237 : vector<16xi32>
      %gather3A_239 = tpu.vector_load_idx %arg8[%add3A_238] : memref<1280xf32, #tpu.memory_space<vmem>>[vector<16xi32>], vector<16xf32>,
      %add3A_240 = arith.addf %add3A_231, %gather3A_239 : vector<16xf32>
      %mul3A_241 = arith.constant 256 : i32
      %mul3A_242 = arith.muli %scan3A_160, %mul3A_241 : i32
      %add3A_243 = vector.broadcast %mul3A_242 : i32 to vector<16xi32>
      %add3A_244 = arith.addi %add3A_243, %mul3A_6 : vector<16xi32>
      %add3A_245 = arith.constant 9 : i32
      %add3A_246 = vector.broadcast %add3A_245 : i32 to vector<16xi32>
      %add3A_247 = arith.addi %add3A_244, %add3A_246 : vector<16xi32>
      %gather3A_248 = tpu.vector_load_idx %arg8[%add3A_247] : memref<1280xf32, #tpu.memory_space<vmem>>[vector<16xi32>], vector<16xf32>,
      %add3A_249 = arith.addf %add3A_240, %gather3A_248 : vector<16xf32>
      %mul3A_250 = arith.constant 256 : i32
      %mul3A_251 = arith.muli %scan3A_160, %mul3A_250 : i32
      %add3A_252 = vector.broadcast %mul3A_251 : i32 to vector<16xi32>
      %add3A_253 = arith.addi %add3A_252, %mul3A_6 : vector<16xi32>
      %add3A_254 = arith.constant 10 : i32
      %add3A_255 = vector.broadcast %add3A_254 : i32 to vector<16xi32>
      %add3A_256 = arith.addi %add3A_253, %add3A_255 : vector<16xi32>
      %gather3A_257 = tpu.vector_load_idx %arg8[%add3A_256] : memref<1280xf32, #tpu.memory_space<vmem>>[vector<16xi32>], vector<16xf32>,
      %add3A_258 = arith.addf %add3A_249, %gather3A_257 : vector<16xf32>
      %mul3A_259 = arith.constant 256 : i32
      %mul3A_260 = arith.muli %scan3A_160, %mul3A_259 : i32
      %add3A_261 = vector.broadcast %mul3A_260 : i32 to vector<16xi32>
      %add3A_262 = arith.addi %add3A_261, %mul3A_6 : vector<16xi32>
      %add3A_263 = arith.constant 11 : i32
      %add3A_264 = vector.broadcast %add3A_263 : i32 to vector<16xi32>
      %add3A_265 = arith.addi %add3A_262, %add3A_264 : vector<16xi32>
      %gather3A_266 = tpu.vector_load_idx %arg8[%add3A_265] : memref<1280xf32, #tpu.memory_space<vmem>>[vector<16xi32>], vector<16xf32>,
      %add3A_267 = arith.addf %add3A_258, %gather3A_266 : vector<16xf32>
      %mul3A_268 = arith.constant 256 : i32
      %mul3A_269 = arith.muli %scan3A_160, %mul3A_268 : i32
      %add3A_270 = vector.broadcast %mul3A_269 : i32 to vector<16xi32>
      %add3A_271 = arith.addi %add3A_270, %mul3A_6 : vector<16xi32>
      %add3A_272 = arith.constant 12 : i32
      %add3A_273 = vector.broadcast %add3A_272 : i32 to vector<16xi32>
      %add3A_274 = arith.addi %add3A_271, %add3A_273 : vector<16xi32>
      %gather3A_275 = tpu.vector_load_idx %arg8[%add3A_274] : memref<1280xf32, #tpu.memory_space<vmem>>[vector<16xi32>], vector<16xf32>,
      %add3A_276 = arith.addf %add3A_267, %gather3A_275 : vector<16xf32>
      %mul3A_277 = arith.constant 256 : i32
      %mul3A_278 = arith.muli %scan3A_160, %mul3A_277 : i32
      %add3A_279 = vector.broadcast %mul3A_278 : i32 to vector<16xi32>
      %add3A_280 = arith.addi %add3A_279, %mul3A_6 : vector<16xi32>
      %add3A_281 = arith.constant 13 : i32
      %add3A_282 = vector.broadcast %add3A_281 : i32 to vector<16xi32>
      %add3A_283 = arith.addi %add3A_280, %add3A_282 : vector<16xi32>
      %gather3A_284 = tpu.vector_load_idx %arg8[%add3A_283] : memref<1280xf32, #tpu.memory_space<vmem>>[vector<16xi32>], vector<16xf32>,
      %add3A_285 = arith.addf %add3A_276, %gather3A_284 : vector<16xf32>
      %mul3A_286 = arith.constant 256 : i32
      %mul3A_287 = arith.muli %scan3A_160, %mul3A_286 : i32
      %add3A_288 = vector.broadcast %mul3A_287 : i32 to vector<16xi32>
      %add3A_289 = arith.addi %add3A_288, %mul3A_6 : vector<16xi32>
      %add3A_290 = arith.constant 14 : i32
      %add3A_291 = vector.broadcast %add3A_290 : i32 to vector<16xi32>
      %add3A_292 = arith.addi %add3A_289, %add3A_291 : vector<16xi32>
      %gather3A_293 = tpu.vector_load_idx %arg8[%add3A_292] : memref<1280xf32, #tpu.memory_space<vmem>>[vector<16xi32>], vector<16xf32>,
      %add3A_294 = arith.addf %add3A_285, %gather3A_293 : vector<16xf32>
      %mul3A_295 = arith.constant 256 : i32
      %mul3A_296 = arith.muli %scan3A_160, %mul3A_295 : i32
      %add3A_297 = vector.broadcast %mul3A_296 : i32 to vector<16xi32>
      %add3A_298 = arith.addi %add3A_297, %mul3A_6 : vector<16xi32>
      %add3A_299 = arith.constant 15 : i32
      %add3A_300 = vector.broadcast %add3A_299 : i32 to vector<16xi32>
      %add3A_301 = arith.addi %add3A_298, %add3A_300 : vector<16xi32>
      %gather3A_302 = tpu.vector_load_idx %arg8[%add3A_301] : memref<1280xf32, #tpu.memory_space<vmem>>[vector<16xi32>], vector<16xf32>,
      %add3A_303 = arith.addf %add3A_294, %gather3A_302 : vector<16xf32>
      %mul3A_304 = arith.constant 16 : i32
      %mul3A_305 = arith.muli %scan3A_160, %mul3A_304 : i32
      %swap3A = arith.index_cast %mul3A_305 : i32 to index
      %swap3A_306 = tpu.vector_load %arg15[%swap3A] {strides = array<i32>} : memref<80xf32, #tpu.memory_space<vmem>>, vector<16xf32>,
      tpu.vector_store %arg15[%swap3A], %add3A_303 {strides = array<i32>} : memref<80xf32, #tpu.memory_space<vmem>>, vector<16xf32>,
    }
    %scan3A_119 = arith.constant 5 : i32
    %add3A_120 = arith.constant 9920 : i32
    %add3A_121 = arith.addi %mul3A_2, %add3A_120 : i32
    %dma_start3A_122 = arith.constant 0 : i32
    %dma_start3A_123 = tpu.memref_slice %arg15[%dma_start3A_122] : memref<80xf32, #tpu.memory_space<vmem>> -> memref<80xf32, #tpu.memory_space<vmem>>
    %dma_start3A_124 = tpu.memref_slice %arg7[%add3A_121] : memref<320000xf32, #tpu.memory_space<hbm>> -> memref<80xf32, #tpu.memory_space<hbm>>
    %dma_start3A_125 = tpu.memref_slice %arg7[%add3A_121] : memref<320000xf32, #tpu.memory_space<hbm>> -> memref<80xf32, #tpu.memory_space<hbm>>
    %dma_start3A_126 = arith.constant 0 : i32
    %dma_start3A_127 = tpu.memref_slice %arg15[%dma_start3A_126] : memref<80xf32, #tpu.memory_space<vmem>> -> memref<80xf32, #tpu.memory_space<vmem>>
    tpu.enqueue_dma source(%dma_start3A_127 : memref<80xf32, #tpu.memory_space<vmem>>) target(%dma_start3A_125 : memref<80xf32, #tpu.memory_space<hbm>>) target_semaphore(%arg18 : memref<!tpu.dma_semaphore, #tpu.memory_space<semaphore_mem>>)
    %add3A_128 = arith.constant 9680 : i32
    %add3A_129 = arith.addi %mul3A_2, %add3A_128 : i32
    %dma_wait3A_130 = arith.constant 0 : i32
    %dma_wait3A_131 = tpu.memref_slice %arg24[%dma_wait3A_130] : memref<80xf32, #tpu.memory_space<vmem>> -> memref<80xf32, #tpu.memory_space<vmem>>
    %dma_wait3A_132 = tpu.memref_slice %arg7[%add3A_129] : memref<320000xf32, #tpu.memory_space<hbm>> -> memref<80xf32, #tpu.memory_space<hbm>>
    %dma_wait3A_133 = tpu.memref_slice %arg7[%add3A_129] : memref<320000xf32, #tpu.memory_space<hbm>> -> memref<80xf32, #tpu.memory_space<hbm>>
    %dma_wait3A_134 = arith.constant 0 : i32
    %dma_wait3A_135 = tpu.memref_slice %arg24[%dma_wait3A_134] : memref<80xf32, #tpu.memory_space<vmem>> -> memref<80xf32, #tpu.memory_space<vmem>>
    tpu.wait_dma2 semaphore(%arg27 : memref<!tpu.dma_semaphore, #tpu.memory_space<semaphore_mem>>) src(%dma_wait3A_135 : memref<80xf32, #tpu.memory_space<vmem>>) dst(%dma_wait3A_133 : memref<80xf32, #tpu.memory_space<hbm>>)
    %add3A_136 = arith.constant 9760 : i32
    %add3A_137 = arith.addi %mul3A_2, %add3A_136 : i32
    %dma_wait3A_138 = arith.constant 0 : i32
    %dma_wait3A_139 = tpu.memref_slice %arg33[%dma_wait3A_138] : memref<80xf32, #tpu.memory_space<vmem>> -> memref<80xf32, #tpu.memory_space<vmem>>
    %dma_wait3A_140 = tpu.memref_slice %arg7[%add3A_137] : memref<320000xf32, #tpu.memory_space<hbm>> -> memref<80xf32, #tpu.memory_space<hbm>>
    %dma_wait3A_141 = tpu.memref_slice %arg7[%add3A_137] : memref<320000xf32, #tpu.memory_space<hbm>> -> memref<80xf32, #tpu.memory_space<hbm>>
    %dma_wait3A_142 = arith.constant 0 : i32
    %dma_wait3A_143 = tpu.memref_slice %arg33[%dma_wait3A_142] : memref<80xf32, #tpu.memory_space<vmem>> -> memref<80xf32, #tpu.memory_space<vmem>>
    tpu.wait_dma2 semaphore(%arg36 : memref<!tpu.dma_semaphore, #tpu.memory_space<semaphore_mem>>) src(%dma_wait3A_143 : memref<80xf32, #tpu.memory_space<vmem>>) dst(%dma_wait3A_141 : memref<80xf32, #tpu.memory_space<hbm>>)
    %add3A_144 = arith.constant 9840 : i32
    %add3A_145 = arith.addi %mul3A_2, %add3A_144 : i32
    %dma_wait3A_146 = arith.constant 0 : i32
    %dma_wait3A_147 = tpu.memref_slice %arg42[%dma_wait3A_146] : memref<80xf32, #tpu.memory_space<vmem>> -> memref<80xf32, #tpu.memory_space<vmem>>
    %dma_wait3A_148 = tpu.memref_slice %arg7[%add3A_145] : memref<320000xf32, #tpu.memory_space<hbm>> -> memref<80xf32, #tpu.memory_space<hbm>>
    %dma_wait3A_149 = tpu.memref_slice %arg7[%add3A_145] : memref<320000xf32, #tpu.memory_space<hbm>> -> memref<80xf32, #tpu.memory_space<hbm>>
    %dma_wait3A_150 = arith.constant 0 : i32
    %dma_wait3A_151 = tpu.memref_slice %arg42[%dma_wait3A_150] : memref<80xf32, #tpu.memory_space<vmem>> -> memref<80xf32, #tpu.memory_space<vmem>>
    tpu.wait_dma2 semaphore(%arg45 : memref<!tpu.dma_semaphore, #tpu.memory_space<semaphore_mem>>) src(%dma_wait3A_151 : memref<80xf32, #tpu.memory_space<vmem>>) dst(%dma_wait3A_149 : memref<80xf32, #tpu.memory_space<hbm>>)
    %add3A_152 = arith.constant 9920 : i32
    %add3A_153 = arith.addi %mul3A_2, %add3A_152 : i32
    %dma_wait3A_154 = arith.constant 0 : i32
    %dma_wait3A_155 = tpu.memref_slice %arg15[%dma_wait3A_154] : memref<80xf32, #tpu.memory_space<vmem>> -> memref<80xf32, #tpu.memory_space<vmem>>
    %dma_wait3A_156 = tpu.memref_slice %arg7[%add3A_153] : memref<320000xf32, #tpu.memory_space<hbm>> -> memref<80xf32, #tpu.memory_space<hbm>>
    %dma_wait3A_157 = tpu.memref_slice %arg7[%add3A_153] : memref<320000xf32, #tpu.memory_space<hbm>> -> memref<80xf32, #tpu.memory_space<hbm>>
    %dma_wait3A_158 = arith.constant 0 : i32
    %dma_wait3A_159 = tpu.memref_slice %arg15[%dma_wait3A_158] : memref<80xf32, #tpu.memory_space<vmem>> -> memref<80xf32, #tpu.memory_space<vmem>>
    tpu.wait_dma2 semaphore(%arg18 : memref<!tpu.dma_semaphore, #tpu.memory_space<semaphore_mem>>) src(%dma_wait3A_159 : memref<80xf32, #tpu.memory_space<vmem>>) dst(%dma_wait3A_157 : memref<80xf32, #tpu.memory_space<hbm>>)
    return
  }
}

module attributes {stable_mosaic.version = 14 : i64} {
  func.func @_node_tables_body(%arg0: memref<10000x128xf32, #tpu.memory_space<vmem>>, %arg1: memref<10000xi32, #tpu.memory_space<vmem>>, %arg2: memref<16x128xf32, #tpu.memory_space<vmem>>, %arg3: memref<128x64xf32, #tpu.memory_space<vmem>>, %arg4: memref<128x64xf32, #tpu.memory_space<vmem>>, %arg5: memref<128x64xf32, #tpu.memory_space<vmem>>, %arg6: memref<10000x128xf32, #tpu.memory_space<vmem>>) attributes {dimension_semantics = [], scalar_prefetch = 0 : i64, scratch_operands = 0 : i64, tpu.core_type = #tpu.core_type<tc>} {
    %get3A = arith.constant 0 : index
    %get3A_0 = arith.constant 0 : index
    %get3A_1 = vector.load %arg2[%get3A, %get3A_0] : memref<16x128xf32, #tpu.memory_space<vmem>>, vector<16x128xf32>
    %get3A_2 = arith.constant 0 : index
    %get3A_3 = arith.constant 0 : index
    %get3A_4 = vector.load %arg5[%get3A_2, %get3A_3] : memref<128x64xf32, #tpu.memory_space<vmem>>, vector<128x64xf32>
    %dot_general3A = arith.constant dense<0.000000e+00> : vector<16x64xf32>
    %dot_general3A_5 = tpu.matmul %get3A_1, %get3A_4, %dot_general3A {dimension_numbers = #tpu.dot_dimension_numbers<[1], [0], [0], [1], [0, 0, 1, 1], [], []>, transpose_lhs_hint = false} : vector<16x128xf32>, vector<128x64xf32>, vector<16x64xf32> -> vector<16x64xf32>
    %get3A_6 = arith.constant 0 : index
    %get3A_7 = vector.load %arg1[%get3A_6] : memref<10000xi32, #tpu.memory_space<vmem>>, vector<10000xi32>
    %broadcast_in_dim3A = vector.shape_cast %get3A_7 : vector<10000xi32> to vector<10000x1xi32>
    %iota3A = tpu.iota {dimensions = array<i32: 1>} : vector<1x16xi32>
    %eq3A = vector.broadcast %broadcast_in_dim3A : vector<10000x1xi32> to vector<10000x16xi32>
    %eq3A_8 = vector.broadcast %iota3A : vector<1x16xi32> to vector<10000x16xi32>
    %eq3A_9 = arith.cmpi eq, %eq3A, %eq3A_8 : vector<10000x16xi32>
    %convert_element_type3A = arith.extui %eq3A_9 : vector<10000x16xi1> to vector<10000x16xi32>
    %convert_element_type3A_10 = arith.sitofp %convert_element_type3A : vector<10000x16xi32> to vector<10000x16xf32>
    %get3A_11 = arith.constant 0 : index
    %get3A_12 = arith.constant 0 : index
    %get3A_13 = vector.load %arg0[%get3A_11, %get3A_12] : memref<10000x128xf32, #tpu.memory_space<vmem>>, vector<10000x128xf32>
    %get3A_14 = arith.constant 0 : index
    %get3A_15 = arith.constant 0 : index
    %get3A_16 = vector.load %arg3[%get3A_14, %get3A_15] : memref<128x64xf32, #tpu.memory_space<vmem>>, vector<128x64xf32>
    %dot_general3A_17 = arith.constant dense<0.000000e+00> : vector<10000x64xf32>
    %dot_general3A_18 = tpu.matmul %get3A_13, %get3A_16, %dot_general3A_17 {dimension_numbers = #tpu.dot_dimension_numbers<[1], [0], [0], [1], [0, 0, 1, 1], [], []>, transpose_lhs_hint = false} : vector<10000x128xf32>, vector<128x64xf32>, vector<10000x64xf32> -> vector<10000x64xf32>
    %dot_general3A_19 = arith.constant dense<0.000000e+00> : vector<10000x64xf32>
    %dot_general3A_20 = tpu.matmul %convert_element_type3A_10, %dot_general3A_5, %dot_general3A_19 {dimension_numbers = #tpu.dot_dimension_numbers<[1], [0], [0], [1], [0, 0, 1, 1], [], []>, transpose_lhs_hint = false} : vector<10000x16xf32>, vector<16x64xf32>, vector<10000x64xf32> -> vector<10000x64xf32>
    %add3A = arith.addf %dot_general3A_18, %dot_general3A_20 : vector<10000x64xf32>
    %get3A_21 = arith.constant 0 : index
    %get3A_22 = arith.constant 0 : index
    %get3A_23 = vector.load %arg0[%get3A_21, %get3A_22] : memref<10000x128xf32, #tpu.memory_space<vmem>>, vector<10000x128xf32>
    %get3A_24 = arith.constant 0 : index
    %get3A_25 = arith.constant 0 : index
    %get3A_26 = vector.load %arg4[%get3A_24, %get3A_25] : memref<128x64xf32, #tpu.memory_space<vmem>>, vector<128x64xf32>
    %dot_general3A_27 = arith.constant dense<0.000000e+00> : vector<10000x64xf32>
    %dot_general3A_28 = tpu.matmul %get3A_23, %get3A_26, %dot_general3A_27 {dimension_numbers = #tpu.dot_dimension_numbers<[1], [0], [0], [1], [0, 0, 1, 1], [], []>, transpose_lhs_hint = false} : vector<10000x128xf32>, vector<128x64xf32>, vector<10000x64xf32> -> vector<10000x64xf32>
    %concatenate3A = tpu.concatenate %add3A, %dot_general3A_28 in 1 : vector<10000x64xf32>, vector<10000x64xf32> -> vector<10000x128xf32>
    %swap3A = arith.constant 0 : index
    %swap3A_29 = arith.constant 0 : index
    %swap3A_30 = vector.load %arg6[%swap3A, %swap3A_29] : memref<10000x128xf32, #tpu.memory_space<vmem>>, vector<10000x128xf32>
    tpu.vector_store %arg6[%swap3A, %swap3A_29], %concatenate3A {strides = array<i32>} : memref<10000x128xf32, #tpu.memory_space<vmem>>, vector<10000x128xf32>,
    return
  }
}

module attributes {stable_mosaic.version = 14 : i64} {
  func.func @_edge_r_body(%arg0: i32, %arg1: memref<8000x16xf32, #tpu.memory_space<vmem>>, %arg2: memref<16x64xf32, #tpu.memory_space<vmem>>, %arg3: memref<1x64xf32, #tpu.memory_space<vmem>>, %arg4: memref<8000x64xf32, #tpu.memory_space<vmem>>) attributes {dimension_semantics = [#tpu.dimension_semantics<arbitrary>], iteration_bounds = array<i64: 40>, scalar_prefetch = 0 : i64, scratch_operands = 0 : i64, tpu.core_type = #tpu.core_type<tc>, window_params = [{transform_indices = @transform_0, window_bounds = array<i64: 8000, 16>}, {pipeline_mode = #tpu.pipeline_mode<synchronous>, transform_indices = @transform_1, window_bounds = array<i64: 16, 64>}, {pipeline_mode = #tpu.pipeline_mode<synchronous>, transform_indices = @transform_2, window_bounds = array<i64: 1, 64>}, {transform_indices = @transform_3, window_bounds = array<i64: 8000, 64>}]} {
    %get3A = arith.constant 0 : index
    %get3A_0 = arith.constant 0 : index
    %get3A_1 = vector.load %arg1[%get3A, %get3A_0] : memref<8000x16xf32, #tpu.memory_space<vmem>>, vector<8000x16xf32>
    %get3A_2 = arith.constant 0 : index
    %get3A_3 = arith.constant 0 : index
    %get3A_4 = vector.load %arg2[%get3A_2, %get3A_3] : memref<16x64xf32, #tpu.memory_space<vmem>>, vector<16x64xf32>
    %dot_general3A = arith.constant dense<0.000000e+00> : vector<8000x64xf32>
    %dot_general3A_5 = tpu.matmul %get3A_1, %get3A_4, %dot_general3A {dimension_numbers = #tpu.dot_dimension_numbers<[1], [0], [0], [1], [0, 0, 1, 1], [], []>, transpose_lhs_hint = false} : vector<8000x16xf32>, vector<16x64xf32>, vector<8000x64xf32> -> vector<8000x64xf32>
    %get3A_6 = arith.constant 0 : index
    %get3A_7 = arith.constant 0 : index
    %get3A_8 = vector.load %arg3[%get3A_6, %get3A_7] : memref<1x64xf32, #tpu.memory_space<vmem>>, vector<1x64xf32>
    %add3A = vector.broadcast %get3A_8 : vector<1x64xf32> to vector<8000x64xf32>
    %add3A_9 = arith.addf %dot_general3A_5, %add3A : vector<8000x64xf32>
    %swap3A = arith.constant 0 : index
    %swap3A_10 = arith.constant 0 : index
    %swap3A_11 = vector.load %arg4[%swap3A, %swap3A_10] : memref<8000x64xf32, #tpu.memory_space<vmem>>, vector<8000x64xf32>
    tpu.vector_store %arg4[%swap3A, %swap3A_10], %add3A_9 {strides = array<i32>} : memref<8000x64xf32, #tpu.memory_space<vmem>>, vector<8000x64xf32>,
    return
  }
  func.func @transform_0(%arg0: i32) -> (i32, i32) {
    %c0_i32 = arith.constant 0 : i32
    %c0_i32_0 = arith.constant 0 : i32
    return %arg0, %c0_i32 : i32, i32
  }
  func.func @transform_1(%arg0: i32) -> (i32, i32) {
    %c0_i32 = arith.constant 0 : i32
    %c0_i32_0 = arith.constant 0 : i32
    %c0_i32_1 = arith.constant 0 : i32
    return %c0_i32, %c0_i32_0 : i32, i32
  }
  func.func @transform_2(%arg0: i32) -> (i32, i32) {
    %c0_i32 = arith.constant 0 : i32
    %c0_i32_0 = arith.constant 0 : i32
    %c0_i32_1 = arith.constant 0 : i32
    return %c0_i32, %c0_i32_0 : i32, i32
  }
  func.func @transform_3(%arg0: i32) -> (i32, i32) {
    %c0_i32 = arith.constant 0 : i32
    %c0_i32_0 = arith.constant 0 : i32
    return %arg0, %c0_i32 : i32, i32
  }
}

</mosaic_0001>

<sc_bundles>
// kernel: kernel.5.cloned.1.call-start
scs
__scs_entry_jumppad:
0x0: {  	(pc) =	sbr.rel $0x88, $3  }
0x1: {  	(tag) =	ssettag $0x0;
	lr =	simm.s32 $0x1  }
0x2: {  	[smem:$0x3F98] =	sst lr;
	_ =	strace $0xD0000000  }
0x3: {  	_ = 	snop  }
0x4: {  	_ = 	snop  }
0x5: {  	_ = 	snop  }
0x6: {  	_ = 	snop  }
0x7: {  	_ = 	snop  }
__scs_overlays_trampoline_lowered:
0x8: {  	[smem:$0x3FA7] =	sst s0  }
0x9: {  	[smem:$0x3FA8] =	sst s1  }
0xa: {  	[smem:$0x3FA9] =	sst s2  }
0xb: {  	[smem:$0x3FAA] =	sst s3  }
0xc: {  	[smem:$0x3FAB] =	sst s4  }
0xd: {  	[smem:$0x3FAC] =	sst s5  }
0xe: {  	[smem:$0x3FAD] =	sst s6  }
0xf: {  	[smem:$0x3FAE] =	sst s7  }
0x10: {  	[smem:$0x3FAF] =	sst s8  }
0x11: {  	[smem:$0x3FB0] =	sst s9;
	s0 =	simm.s32 @!p0 $0x0  }
0x12: {  	s1 =	sld [smem:$0x3F96];
	s0 =	simm.s32 @p0 $0x1  }
0x13: {  	[smem:$0x3FB1] =	sst s0;
	s0 =	simm.s32 @!p1 $0x0  }
0x14: {  	s2 =	sld [smem:$0x3F95];
	s0 =	simm.s32 @p1 $0x1  }
0x15: {  	[smem:$0x3FB2] =	sst s0;
	s0 =	simm.s32 @!p2 $0x0  }
0x16: {  	s3 =	sld [smem:$0x3FDB];
	s0 =	simm.s32 @p2 $0x1  }
0x17: {  	s4 =	simm.s32 $0x1BF5;
	[smem:$0x3FB4] =	sst s0  }
0x18: {  	s0 =	sld [smem:$0x3F97];
	_ =	swait.ge [sflag:s4], $0x0  }
0x19: {  	s7 =	sld [smem:$0x3F98]  }
0x1a: {  	s8 =	sadd.s32 $0xFFFFE003, lr  }
0x1b: {  	s9 =	sadd.s32 $0xFFFFFEF7, lr;
	s5 =	simm.s32 $0xFFFFFFFF;
	p2 =	slt.u32 s8, $0xFFFFF086  }
0x1c: {  	p1 =	slt.u32 s9, $0xF7A;
	s5 =	simm.s32 @!p2 $0x0  }
0x1d: {  	s5 =	simm.s32 @p1 $0x1;
	p0 =	seq.s32 s7, s2  }
0x1e: {  	s7 =	smul.u32 @!p0 $0xF7A, s2;
	p2 =	seq.s32 @!p0 s5, $0x0  }
0x1f: {  	s9 =	smul.u32 $0xF7A, s1;
	s8 =	simm.s32 @!p0 $0x1BF5;
	p2 =	por !p2, p0  }
0x20: {  	[sflag:s8] =	ssyncset.s32 @!p0 $0xFFFFF086;
	s6 =	sadd.s32 @!p0 s3, s7;
	s7 =	simm.s32 @!p0 $0x108  }
0x21: {  	s3 =	sadd.s32 s3, s9;
	s6 =	sadd.s32 @!p0 $0x88, s6;
	s7 =	simm.s32 @p2 $0x1082  }
0x22: {  	[simem:s7], [sflag:s8] =	dma.local @!p0 [hbm:s6], $0xF7A  }
0x23: {  	s9 =	sor.u32 $0xD0000000, s2;
	s6 =	simm.s32 $0x108;
	_ =	swait.ge @!p0 [sflag:s8], $0x0  }
0x24: {  	s3 =	sadd.s32 $0x88, s3;
	s6 =	simm.s32 @!p1 $0x1082;
	[sflag:s4] =	ssyncset.s32 $0xFFFFF086  }
0x25: {  	[simem:s6], [sflag:s4] =	dma.local [hbm:s3], $0xF7A  }
0x26: {  	[smem:$0x3F98] =	sst s1;
	(tag) =	ssettag s2;
	_ =	strace s9  }
0x27: {  	s1 =	sld [smem:$0x3FA8]  }
0x28: {  	s2 =	sld [smem:$0x3FA9]  }
0x29: {  	s4 =	sld [smem:$0x3FAB]  }
0x2a: {  	p0 =	seq.s32 s5, $0x0;
	s5 =	sld [smem:$0x3FAC]  }
0x2b: {  	s6 =	sld [smem:$0x3FAD]  }
0x2c: {  	s7 =	sld [smem:$0x3FAE]  }
0x2d: {  	s3 =	simm.s32 $0x108;
	s8 =	sld [smem:$0x3FAF]  }
0x2e: {  	s3 =	simm.s32 @!p0 $0x1082;
	s9 =	sld [smem:$0x3FB0]  }
0x2f: {  	lr =	sadd.s32 s0, s3;
	s0 =	sld [smem:$0x3FA7]  }
0x30: {  	s3 =	sld [smem:$0x3FAA]  }
0x31: {  	[smem:$0x3FB3] =	sst s10  }
0x32: {  	s10 =	sld [smem:$0x3FB1];
	_ =	sdelay $0x3  }
0x33: {  	p0 =	seq.s32 s10, $0x1;
	s10 =	sld [smem:$0x3FB3];
	_ =	sdelay $0x3  }
0x34: {  	[smem:$0x3FB3] =	sst s10  }
0x35: {  	s10 =	sld [smem:$0x3FB2];
	_ =	sdelay $0x3  }
0x36: {  	p1 =	seq.s32 s10, $0x1;
	s10 =	sld [smem:$0x3FB3];
	_ =	sdelay $0x3  }
0x37: {  	[smem:$0x3FB3] =	sst s10  }
0x38: {  	s10 =	sld [smem:$0x3FB4]  }
0x39: {  	_ = 	snop;
	(pc) =	sbr.ind lr, $3  }
0x3a: {  	_ = 	snop  }
0x3b: {  	_ = 	snop  }
0x3c: {  	p2 =	seq.s32 s10, $0x1;
	s10 =	sld [smem:$0x3FB3]  }
0x3d: {  	_ =	shalt  }
0x3e: {  	_ =	shalt  }
0x3f: {  	_ =	shalt  }
0x40: {  	_ =	shalt  }
0x41: {  	_ =	shalt  }
0x42: {  	_ =	shalt  }
0x43: {  	_ =	shalt  }
0x44: {  	_ =	shalt  }
0x45: {  	_ =	shalt  }
0x46: {  	_ =	shalt  }
0x47: {  	_ =	shalt  }
0x48: {  	_ =	shalt  }
0x49: {  	_ =	shalt  }
0x4a: {  	_ =	shalt  }
0x4b: {  	_ =	shalt  }
0x4c: {  	_ =	shalt  }
0x4d: {  	_ =	shalt  }
0x4e: {  	_ =	shalt  }
0x4f: {  	_ =	shalt  }
0x50: {  	_ =	shalt  }
0x51: {  	_ =	shalt  }
0x52: {  	_ =	shalt  }
0x53: {  	_ =	shalt  }
0x54: {  	_ =	shalt  }
0x55: {  	_ =	shalt  }
0x56: {  	_ =	shalt  }
0x57: {  	_ =	shalt  }
0x58: {  	_ =	shalt  }
0x59: {  	_ =	shalt  }
0x5a: {  	_ =	shalt  }
0x5b: {  	_ =	shalt  }
0x5c: {  	_ =	shalt  }
0x5d: {  	_ =	shalt  }
0x5e: {  	_ =	shalt  }
0x5f: {  	_ =	shalt  }
0x60: {  	_ =	shalt  }
0x61: {  	_ =	shalt  }
0x62: {  	_ =	shalt  }
0x63: {  	_ =	shalt  }
0x64: {  	_ =	shalt  }
0x65: {  	_ =	shalt  }
0x66: {  	_ =	shalt  }
0x67: {  	_ =	shalt  }
0x68: {  	_ =	shalt  }
0x69: {  	_ =	shalt  }
0x6a: {  	_ =	shalt  }
0x6b: {  	_ =	shalt  }
0x6c: {  	_ =	shalt  }
0x6d: {  	_ =	shalt  }
0x6e: {  	_ =	shalt  }
0x6f: {  	_ =	shalt  }
0x70: {  	_ =	shalt  }
0x71: {  	_ =	shalt  }
0x72: {  	_ =	shalt  }
0x73: {  	_ =	shalt  }
0x74: {  	_ =	shalt  }
0x75: {  	_ =	shalt  }
0x76: {  	_ =	shalt  }
0x77: {  	_ =	shalt  }
0x78: {  	_ =	shalt  }
0x79: {  	_ =	shalt  }
0x7a: {  	_ =	shalt  }
0x7b: {  	_ =	shalt  }
0x7c: {  	_ =	shalt  }
0x7d: {  	_ =	shalt  }
0x7e: {  	_ =	shalt  }
0x7f: {  	_ =	shalt  }
0x80: {  	_ =	shalt  }
0x81: {  	_ =	shalt  }
0x82: {  	_ =	shalt  }
0x83: {  	_ =	shalt  }
0x84: {  	_ =	shalt  }
0x85: {  	_ =	shalt  }
0x86: {  	_ =	shalt  }
0x87: {  	_ =	shalt  }
.Lfunc_end0:
.L_simem_size_0:
called_computation_lowered:
.L_overlay_start_0:
0x88: {  	s2 =	sld [smem:$0x3FD9]  }
0x89: {  	s3 =	sld [smem:$0x3FFE];
	_ =	sdelay $0x1  }
0x8a: {  	s1 =	srdreg.scid  }
0x8b: {  	s0 =	sand.u32 $0x1, s1  }
0x8c: {  	s17 =	sshll.u32 s0, $0xA;
	s2 =	sadd.s32 s3, s2  }
0x8d: {  	s2 =	sadd.s32 s2, s17  }
0x8e: {  	[smem:$0x3FBF] =	sst s2  }
0x8f: {  	_ = 	snop  }
0x90: {  	s2 =	sld [smem:$0x3FD0];
	(tm) =	ssettm $0x1  }
0x91: {  	s18 =	sld [smem:$0x3FFB];
	_ =	sdelay $0x3  }
0x92: {  	_ =	strace s18  }
0x93: {  	s3 =	sld [smem:$0x3FFC];
	_ =	sdelay $0x3  }
0x94: {  	_ =	strace s3  }
0x95: {  	s3 =	sld [smem:$0x3FFD];
	_ =	sdelay $0x3  }
0x96: {  	_ =	strace s3  }
0x97: {  	_ =	strace $0x8FFFFFFF  }
0x98: {  	s19 =	sld [smem:$0x3FDB];
	_ =	sdelay $0x1  }
0x99: {  	s4 =	simm.s32 $_scs_section_size  }
0x9a: {  	s5 =	simm.s32 $_size__tile_overlayer_lowered;
	s6 =	simm.s32 $_tile_overlayer_lowered  }
0x9b: {  	s22 =	simm.s32 $0x1BFF;
	s21 =	sshll.u32 s6, $0x1;
	s3 =	sadd.s32 s4, s19  }
0x9c: {  	s7 =	simm.s32 $0x0;
	s20 =	sshll.u32 s5, $0x1;
	s5 =	sadd.s32 s21, s3  }
0x9d: {  	[timem:s7], [sflag:s22] =	dma.local [hbm:s5], s20  }
0x9e: {  	_ =	swait.ge [sflag:s22], s20  }
0x9f: {  	s4 =	ssub.s32 $0x0, s20;
	[sflag:s22] =	ssyncset.done $0x0  }
0xa0: {  	[sflag:s22] =	ssyncadd.s32 s4;
	_ =	sdelay $0x1  }
0xa1: {  	s23 =	simm.s32 $0x1B8B  }
0xa2: {  	_ =	swait.ge [sflag:s23], $0x1  }
0xa3: {  	[sflag:s23] =	ssyncset.done $0x0  }
0xa4: {  	s25 =	simm.s32 $0x1B8E;
	s24 =	sld [smem:$0x3FFE];
	[sflag:s23] =	ssyncadd.s32 $0xFFFFFFFF  }
0xa5: {  	s26 =	simm.s32 $execute0_lowered;
	[smem:$0x3FD2] =	sst s25  }
0xa6: {  	s5 =	sshll.u32 s26, $0x1;
	_ =	strace $0x80000046;
	[dreg:$0x1] =	wrdreg $0xFFFFFFFF  }
0xa7: {  	s28 =	simm.s32 $_size_execute0_lowered;
	s3 =	sadd.s32 s3, s5;
	[dreg:$0x0] =	wrdreg $0x0  }
0xa8: {  	s5 =	sshll.u32 s28, $0x1;
	[dreg:$0x2] =	wrdreg s3  }
0xa9: {  	[dreg:$0x3] =	wrdreg s5  }
0xaa: {  	[dreg:$0x4] =	wrdreg $0xC0  }
0xab: {  	_ =	task [dreg:s7], $0x5FFFF  }
0xac: {  	[dreg:$0x1] =	wrdreg $0xFFFFFFFF  }
0xad: {  	[dreg:$0x0] =	wrdreg $0x60  }
0xae: {  	[dreg:$0x2] =	wrdreg s24  }
0xaf: {  	[dreg:$0x3] =	wrdreg s2  }
0xb0: {  	[dreg:$0x4] =	wrdreg $0x9  }
0xb1: {  	_ =	task.clear_ibuf [dreg:s7], $0x5FFFF;
	_ =	strace $0x90000046  }
0xb2: {  	s29 =	simm.s32 $0x9;
	_ =	strace $0x80000048  }
0xb3: {  	_ =	swait.ge [sflag:s29], $0x1  }
0xb4: {  	[sflag:s29] =	ssyncadd.s32 $0xFFFFFFFF  }
0xb5: {  	_ =	strace $0x90000048  }
0xb6: {  	_ =	sfence  }
0xb7: {  	s30 =	sld [smem:$0x0];
	_ =	sdelay $0x2  }
0xb8: {  	s31 =	sshll.u32 s1, $0xD;
	s1 =	sshrl.u32 s1, $0x2  }
0xb9: {  	s3 =	sand.u32 $0x4000, s31;
	s1 =	sadd.s32 s1, s30  }
0xba: {  	s0 =	sor.u32 s3, s0;
	s1 =	sshll.u32 s1, $0x11  }
0xbb: {  	s0 =	sor.u32 s1, s0  }
0xbc: {  	s0 =	sadd.s32 $0x8F2B, s0  }
0xbd: {  	[sflag:s0] =	ssyncadd.remote.s32 $0x1  }
0xbe: {  	_ =	sfence.sel $0xFFFF  }
0xbf: {  	[dreg:$0x0] =	wrdreg $0xFFFFFFFF;
	(pc) =	sbr.abs _section_cstart, $3  }
0xc0: {  	[dreg:$0x1] =	wrdreg $0xFFFFFFFF  }
0xc1: {  	_ =	task.clear_ibuf [dreg:s7], $0x2FFFF;
	_ =	strace $0x9FFFFFFF  }
0xc2: {  	(tm) =	ssettm $0x7FFFFFFF  }
0xc3: {  	_ =	shalt  }
tec
execute0_lowered:
.L_overlay_start_1:
0x0: {  	(tag) =	ssettag $0x1  }
0x1: {  	s0 =	rddreg [dreg:$0x0]  }
0x2: {  	s2 =	rddreg [dreg:$0x1];
	s3 =	simm.s32 $0x0;
	s1 =	srdreg.scid  }
0x3: {  	s4 =	stileid.u32;
	s31 =	simm.s32 $0x580;
	s29 =	simm.s32 $0x17200  }
0x4: {  	s30 =	simm.s32 $0xA;
	s1 =	sand.u32 $0x1, s1;
	s4 =	sshll.u32 s4, $0x1  }
0x5: {  	s5 =	sadd.s32 $0x4F7400, s0;
	s7 =	sadd.s32 $0x4ED400, s0;
	s9 =	sor.u32 s1, s4  }
0x6: {  	[smem:$0x7FF] =	sst s3;
	s8 =	sadd.s32 $0x4E3600, s0;
	s6 =	smul.u32 $0x2710, s9  }
0x7: {  	s4 =	sadd.s32 $0x1600, s0;
	s0 =	sadd.s32 $0x4F7200, s0;
	s9 =	smul.u32 $0x27100, s9  }
0x8: {  	_ =	strace $0x80000047;
	[dreg:$0x3] =	wrdreg s0;
	s20 =	sadd.s32 $0xF0, s6  }
0x9: {  	s1 =	ssub.s32 $0x2, s1;
	s9 =	sadd.s32 s5, s9;
	[dreg:$0xa] =	wrdreg s20  }
0xa: {  	s16 =	sshrl.u32 s1, $0x1;
	s12 =	sadd.s32 $0x50, s6;
	[dreg:$0xf] =	wrdreg s9  }
0xb: {  	s0 =	ssub.s32 s1, s16;
	s13 =	sadd.s32 $0xA0, s6;
	[dreg:$0x4] =	wrdreg s12  }
0xc: {  	s17 =	sshrl.u32 s6, $0x3;
	s0 =	smax.u32 s0, $0x1;
	[dreg:$0x9] =	wrdreg s13  }
0xd: {  	s26 =	sadd.s32 $0x140, s6;
	s28 =	sadd.s32 $0x230, s6;
	[dreg:$0x13] =	wrdreg s0  }
0xe: {  	s10 =	sshrl.u32 s12, $0x3;
	s11 =	sadd.s32 s7, s17;
	[dreg:$0x14] =	wrdreg s26  }
0xf: {  	s18 =	sadd.s32 s8, s17;
	s21 =	sshrl.u32 s13, $0x3;
	[dreg:$0x15] =	wrdreg s28  }
0x10: {  	s24 =	sshll.u32 s12, $0x4;
	s25 =	sshll.u32 s13, $0x4;
	[dreg:$0x5] =	wrdreg s11  }
0x11: {  	s1 =	sadd.s32 s2, s17;
	[dreg:$0x6] =	wrdreg s18;
	s19 =	sadd.s32 s7, s10  }
0x12: {  	v0 =	vlaneseq.u32;
	s0 =	simm.s32 $0x600;
	s10 =	sadd.s32 s8, s10;
	[dreg:$0x7] =	wrdreg s19  }
0x13: {  	v1 =	vand.u32 $0x7, v0;
	v0 =	vmul.u32 $0x10, v0;
	s12 =	simm.s32 $0x1;
	s14 =	sadd.s32 s7, s21;
	[dreg:$0x8] =	wrdreg s10  }
0x14: {  	s13 =	simm.s32 $0x50;
	s9 =	sadd.s32 s5, s24;
	[dreg:$0xb] =	wrdreg s14  }
0x15: {  	v1 =	vmul.u32 $0x10, v1;
	v2 =	vor.u32 $0x1, v0;
	s11 =	sshrl.u32 s20, $0x3;
	s1 =	sadd.s32 $0x4D8, s1;
	[dreg:$0x10] =	wrdreg s9  }
0x16: {  	v3 =	vor.u32 $0x2, v0;
	v4 =	vor.u32 $0x3, v0;
	v5 =	vor.u32 $0x4, v0;
	s20 =	simm.s32 $0x7;
	s10 =	sadd.s32 s8, s21;
	[dreg:$0x12] =	wrdreg s1  }
0x17: {  	v6 =	vor.u32 $0x5, v0;
	v7 =	vor.u32 $0x6, v0;
	v8 =	vor.u32 $0x7, v0;
	s24 =	simm.s32 $0x2;
	s22 =	sadd.s32 s7, s11;
	[dreg:$0xc] =	wrdreg s10  }
0x18: {  	v9 =	vor.u32 $0x8, v0;
	v10 =	vor.u32 $0x9, v0;
	v11 =	vor.u32 $0xA, v0;
	s23 =	sadd.s32 s8, s11;
	s9 =	sadd.s32 s5, s25;
	[dreg:$0xd] =	wrdreg s22  }
0x19: {  	v12 =	vor.u32 $0xB, v0;
	v13 =	vor.u32 $0xC, v0;
	v14 =	vor.u32 $0xD, v0;
	s21 =	simm.s32 $0x8;
	s19 =	simm.s32 $0xB;
	[dreg:$0xe] =	wrdreg s23  }
0x1a: {  	v15 =	vor.u32 $0xE, v0;
	v16 =	vor.u32 $0xF, v0;
	v1 =	vor.u32 $0xFFFFFF80, v1;
	[dreg:$0x11] =	wrdreg s9;
	s23 =	simm.s32 $0x5;
	s9 =	simm.s32 $0x0  }
.LBB2_1:
0x1b: {  	[dreg:$0x16] =	wrdreg s9  }
0x1c: {  	s1 =	rddreg [dreg:$0x3];
	s25 =	simm.s32 $0x500;
	s26 =	simm.s32 $0xD  }
0x1d: {  	[tilespmem:s25], [sflag:$0xD] =	stream.linear.gather [hbm4b:s1+s3], $0x80, $0x38;
	[tilespmem:$0x1EB80] =	vst v63  }
0x1e: {  	_ =	swait.ge [sflag:s26], $0x80  }
0x1f: {  	[sflag:s26] =	ssyncset.done $0x0  }
0x20: {  	s28 =	rddreg [dreg:$0x5];
	[sflag:s26] =	ssyncadd.s32 $0xFFFFFF80  }
0x21: {  	v17 =	vld [tilespmem:$0x540];
	[tilespmem:s31], [sflag:$0x1] =	stream.linear.gather [hbm4b:s28+s3], $0x50, $0x38  }
0x22: {  	s9 =	rddreg [dreg:$0x6]  }
0x23: {  	[tilespmem:s0], [sflag:$0x1] =	stream.linear.gather [hbm4b:s9+s3], $0x50, $0x38;
	[tilespmem:$0x1EB80] =	vst v63  }
0x24: {  	s10 =	rddreg [dreg:$0x7];
	s9 =	simm.s32 $0x7F00  }
0x25: {  	[tilespmem:s9], [sflag:$0x4] =	stream.linear.gather [hbm4b:s10+s3], $0x50, $0x38;
	[tilespmem:$0x1EB80] =	vst v63  }
0x26: {  	s11 =	rddreg [dreg:$0x8];
	s10 =	simm.s32 $0x7F80  }
0x27: {  	[tilespmem:s10], [sflag:$0x4] =	stream.linear.gather [hbm4b:s11+s3], $0x50, $0x38;
	[tilespmem:$0x1EB80] =	vst v63  }
0x28: {  	s14 =	rddreg [dreg:$0xb];
	s11 =	simm.s32 $0xF880  }
0x29: {  	[tilespmem:s11], [sflag:$0x7] =	stream.linear.gather [hbm4b:s14+s3], $0x50, $0x38;
	[tilespmem:$0x1EB80] =	vst v63  }
0x2a: {  	s15 =	rddreg [dreg:$0xc];
	s14 =	simm.s32 $0xF900  }
0x2b: {  	[tilespmem:s14], [sflag:$0x7] =	stream.linear.gather [hbm4b:s15+s3], $0x50, $0x38;
	[tilespmem:$0x1EB80] =	vst v63  }
0x2c: {  	s16 =	rddreg [dreg:$0xd]  }
0x2d: {  	[tilespmem:s29], [sflag:$0xA] =	stream.linear.gather [hbm4b:s16+s3], $0x50, $0x38;
	[tilespmem:$0x1EB80] =	vst v63  }
0x2e: {  	s17 =	rddreg [dreg:$0xe];
	s15 =	simm.s32 $0x17280  }
0x2f: {  	[tilespmem:s15], [sflag:$0xA] =	stream.linear.gather [hbm4b:s17+s3], $0x50, $0x38;
	[tilespmem:$0x1EB80] =	vst v63  }
0x30: {  	_ =	swait.ge [sflag:s12], $0x50  }
0x31: {  	[sflag:s12] =	ssyncset.done $0x0  }
0x32: {  	[sflag:s12] =	ssyncadd.s32 $0xFFFFFFB0  }
0x33: {  	_ =	swait.ge [sflag:s12], $0x50  }
0x34: {  	[sflag:s12] =	ssyncset.done $0x0  }
0x35: {  	s18 =	simm.s32 $0x680;
	[sflag:s12] =	ssyncadd.s32 $0xFFFFFFB0  }
0x36: {  	[tilespmem:s18], [sflag:$0x2] =	stream.indirect.gather [hbm4b:s4+s13], $0x80, s31, s13, $0xb8;
	[tilespmem:$0x1EB80] =	vst v63  }
0x37: {  	s22 =	simm.s32 $0x2E80  }
0x38: {  	[tilespmem:s22], [sflag:$0x2] =	stream.indirect.gather [hbm4b:s4+s13], $0x80, s0, s13, $0xb8;
	[tilespmem:$0x1EB80] =	vst v63  }
0x39: {  	s26 =	simm.s32 $0x5680;
	s28 =	simm.s32 $0x4;
	s25 =	rddreg [dreg:$0xf]  }
0x3a: {  	[tilespmem:s26], [sflag:$0x2] =	stream.linear.gather [hbm4b:s25+s3], $0x2800, $0x38;
	[tilespmem:$0x1EB80] =	vst v63  }
0x3b: {  	_ =	swait.ge [sflag:s28], $0x50  }
0x3c: {  	[sflag:s28] =	ssyncset.done $0x0  }
0x3d: {  	[sflag:s28] =	ssyncadd.s32 $0xFFFFFFB0  }
0x3e: {  	_ =	swait.ge [sflag:s28], $0x50  }
0x3f: {  	[sflag:s28] =	ssyncset.done $0x0  }
0x40: {  	s15 =	simm.s32 $0x8000;
	[sflag:s28] =	ssyncadd.s32 $0xFFFFFFB0  }
0x41: {  	[tilespmem:s15], [sflag:$0x5] =	stream.indirect.gather [hbm4b:s4+s13], $0x80, s9, s13, $0xb8;
	[tilespmem:$0x1EB80] =	vst v63  }
0x42: {  	s16 =	simm.s32 $0xA800  }
0x43: {  	[tilespmem:s16], [sflag:$0x5] =	stream.indirect.gather [hbm4b:s4+s13], $0x80, s10, s13, $0xb8;
	[tilespmem:$0x1EB80] =	vst v63  }
0x44: {  	s18 =	simm.s32 $0xD000;
	s17 =	rddreg [dreg:$0x10]  }
0x45: {  	[tilespmem:s18], [sflag:$0x5] =	stream.linear.gather [hbm4b:s17+s3], $0x2800, $0x38;
	[tilespmem:$0x1EB80] =	vst v63  }
0x46: {  	_ =	swait.ge [sflag:s20], $0x50  }
0x47: {  	[sflag:s20] =	ssyncset.done $0x0  }
0x48: {  	[sflag:s20] =	ssyncadd.s32 $0xFFFFFFB0  }
0x49: {  	_ =	swait.ge [sflag:s20], $0x50  }
0x4a: {  	[sflag:s20] =	ssyncset.done $0x0  }
0x4b: {  	s22 =	simm.s32 $0xF980;
	[sflag:s20] =	ssyncadd.s32 $0xFFFFFFB0  }
0x4c: {  	[tilespmem:s22], [sflag:$0x8] =	stream.indirect.gather [hbm4b:s4+s13], $0x80, s11, s13, $0xb8;
	[tilespmem:$0x1EB80] =	vst v63  }
0x4d: {  	s25 =	simm.s32 $0x12180  }
0x4e: {  	[tilespmem:s25], [sflag:$0x8] =	stream.indirect.gather [hbm4b:s4+s13], $0x80, s14, s13, $0xb8;
	[tilespmem:$0x1EB80] =	vst v63  }
0x4f: {  	s28 =	simm.s32 $0x14980;
	s26 =	rddreg [dreg:$0x11];
	s22 =	simm.s32 $0x0  }
0x50: {  	[tilespmem:s28], [sflag:$0x8] =	stream.linear.gather [hbm4b:s26+s3], $0x2800, $0x38;
	[tilespmem:$0x1EB80] =	vst v63  }
.LBB2_2:
0x51: {  	_ =	swait.ge [sflag:s24], $0x2800  }
0x52: {  	[sflag:s24] =	ssyncset.done $0x0  }
0x53: {  	[sflag:s24] =	ssyncadd.s32 $0xFFFFD800  }
0x54: {  	_ =	swait.ge [sflag:s24], $0x2800  }
0x55: {  	[sflag:s24] =	ssyncset.done $0x0  }
0x56: {  	[sflag:s24] =	ssyncadd.s32 $0xFFFFD800  }
0x57: {  	_ =	swait.ge [sflag:s24], $0x2800  }
0x58: {  	p0 =	seq.s32 s22, $0x0;
	[sflag:s24] =	ssyncset.done $0x0  }
0x59: {  	s1 =	simm.s32 @!p0 $0x3;
	[sflag:s24] =	ssyncadd.s32 $0xFFFFD800  }
0x5a: {  	_ =	swait.ge @!p0 [sflag:s1], $0x50  }
0x5b: {  	[sflag:s1] =	ssyncset.done @!p0 $0x0  }
0x5c: {  	s26 =	simm.s32 $0x5700;
	[sflag:s1] =	ssyncadd.s32 @!p0 $0xFFFFFFB0  }
0x5d: {  	s9 =	simm.s32 $0x2F40;
	v18 =	vld [tilespmem:s26+$0xFFFFFFA0]  }
0x5e: {  	s18 =	simm.s32 $0x700;
	v19 =	vld [tilespmem:s9+$0xFFFFFFA0]  }
0x5f: {  	v20 =	vld [tilespmem:s18+$0xFFFFFFA0]  }
0x60: {  	v21 =	vld [tilespmem:s18+$0xFFFFFF80]  }
0x61: {  	v22 =	vld [tilespmem:s9+$0xFFFFFF90]  }
0x62: {  	v23 =	vld [tilespmem:s18+$0xFFFFFF90]  }
0x63: {  	v24 =	vld [tilespmem:s9+$0xFFFFFF80]  }
0x64: {  	v25 =	vld [tilespmem:s26+$0xFFFFFF90]  }
0x65: {  	v26 =	vld [tilespmem:s26+$0xFFFFFF80]  }
0x66: {  	v19 =	vadd.f32 v19, v20  }
0x67: {  	v20 =	vld [tilespmem:s9+$0xFFFFFFB0];
	v22 =	vadd.f32 v22, v23  }
0x68: {  	v23 =	vld [tilespmem:s18+$0xFFFFFFB0];
	v18 =	vadd.f32 v18, v19;
	v19 =	vadd.f32 v24, v21  }
0x69: {  	v21 =	vadd.f32 v25, v22  }
0x6a: {  	v22 =	vld [tilespmem:s26+$0xFFFFFFB0];
	v47 =	vsub.f32 $0.0e+00, v18;
	v19 =	vadd.f32 v26, v19  }
0x6b: {  	v25 =	vsub.f32 $0.0e+00, v21  }
0x6c: {  	v24 =	vmul.f32 $1.442695020e+00, v47;
	v26 =	vsub.f32 $0.0e+00, v19  }
0x6d: {  	v20 =	vadd.f32 v20, v23;
	v23 =	vmul.f32 $1.442695020e+00, v25  }
0x6e: {  	(erf) = vpow2.f32 v24;
	v48 =	vmul.f32 $1.442695020e+00, v26  }
0x6f: {  	v20 =	vadd.f32 v22, v20;
	(erf) = vpow2.f32 v23  }
0x70: {  	(erf) = vpow2.f32 v48  }
0x71: {  	v22 =	vsub.f32 $0.0e+00, v20;
	_ =	sdelay $0x1  }
0x72: {  	v22 =	vmul.f32 $1.442695020e+00, v22;
	_ =	sdelay $0x1  }
0x73: {  	(erf) = vpow2.f32 v22;
	_ =	sdelay $0x1  }
0x74: {  	v22 =	vpop (erf)  }
0x75: {  	v22 =	vadd.f32 $1.000000000e+00, v22;
	v23 =	vpop (erf)  }
0x76: {  	v24 =	vpop (erf)  }
0x77: {  	v23 =	vadd.f32 $1.000000000e+00, v23;
	(erf) = vrcp.f32 v22;
	v22 =	vadd.f32 $1.000000000e+00, v24;
	_ =	sdelay $0x1  }
0x78: {  	(erf) = vrcp.f32 v23  }
0x79: {  	(erf) = vrcp.f32 v22  }
0x7a: {  	v22 =	vpop (erf)  }
0x7b: {  	v22 =	vadd.f32 $1.000000000e+00, v22;
	_ =	sdelay $0x1  }
0x7c: {  	(erf) = vrcp.f32 v22;
	_ =	sdelay $0x1  }
0x7d: {  	v49 =	vld [tilespmem:$0x500]  }
0x7e: {  	v22 =	vld [tilespmem:$0x510];
	v23 =	vpop (erf)  }
0x7f: {  	v50 =	vpop (erf)  }
0x80: {  	v51 =	vld [tilespmem:$0x520];
	v27 =	vpop (erf)  }
0x81: {  	v21 =	vmul.f32 v50, v21;
	v19 =	vmul.f32 v27, v19  }
0x82: {  	v18 =	vmul.f32 v23, v18;
	v23 =	vld [tilespmem:$0x530]  }
0x83: {  	v21 =	vmul.f32 v21, v22;
	v19 =	vmul.f32 v19, v49  }
0x84: {  	v22 =	vpop (erf)  }
0x85: {  	v18 =	vmul.f32 v18, v51;
	v19 =	vadd.f32 v21, v19;
	v20 =	vmul.f32 v22, v20;
	_ =	sdelay $0x1  }
0x86: {  	v18 =	vadd.f32 v18, v19;
	v19 =	vmul.f32 v20, v23;
	_ =	sdelay $0x1  }
0x87: {  	v18 =	vadd.f32 v19, v18  }
0x88: {  	s25 =	simm.s32 $0x10  }
0x89: {  	[tilespmem:s25+$0xFFFFFFF0] =	vst v18  }
0x8a: {  	v18 =	vld [tilespmem:s9+$0x20]  }
0x8b: {  	v19 =	vld [tilespmem:s26+$0x10]  }
0x8c: {  	v20 =	vld [tilespmem:s9+$0x10]  }
0x8d: {  	v21 =	vld [tilespmem:s18+$0x0]  }
0x8e: {  	v22 =	vld [tilespmem:s18+$0x10]  }
0x8f: {  	v23 =	vld [tilespmem:s9+$0x0]  }
0x90: {  	v52 =	vld [tilespmem:s18+$0x20]  }
0x91: {  	v53 =	vld [tilespmem:s26+$0x0]  }
0x92: {  	v54 =	vld [tilespmem:s26+$0x20]  }
0x93: {  	v55 =	vld [tilespmem:s18+$0x30]  }
0x94: {  	v21 =	vadd.f32 v23, v21;
	v23 =	vld [tilespmem:s9+$0x30]  }
0x95: {  	v20 =	vadd.f32 v20, v22  }
0x96: {  	v18 =	vadd.f32 v18, v52;
	v22 =	vld [tilespmem:s26+$0x30];
	v21 =	vadd.f32 v53, v21  }
0x97: {  	v19 =	vadd.f32 v19, v20  }
0x98: {  	v20 =	vadd.f32 v54, v18;
	v18 =	vsub.f32 $0.0e+00, v21  }
0x99: {  	v56 =	vsub.f32 $0.0e+00, v19;
	v23 =	vadd.f32 v23, v55  }
0x9a: {  	v57 =	vsub.f32 $0.0e+00, v20;
	v58 =	vmul.f32 $1.442695020e+00, v18  }
0x9b: {  	v24 =	vmul.f32 $1.442695020e+00, v56;
	v18 =	vadd.f32 v22, v23  }
0x9c: {  	v22 =	vmul.f32 $1.442695020e+00, v57;
	(erf) = vpow2.f32 v58  }
0x9d: {  	v23 =	vsub.f32 $0.0e+00, v18;
	(erf) = vpow2.f32 v24  }
0x9e: {  	(erf) = vpow2.f32 v22  }
0x9f: {  	v22 =	vmul.f32 $1.442695020e+00, v23;
	_ =	sdelay $0x1  }
0xa0: {  	(erf) = vpow2.f32 v22;
	_ =	sdelay $0x3  }
0xa1: {  	v22 =	vpop (erf)  }
0xa2: {  	v22 =	vadd.f32 $1.000000000e+00, v22;
	v23 =	vpop (erf)  }
0xa3: {  	v23 =	vadd.f32 $1.000000000e+00, v23;
	v59 =	vpop (erf)  }
0xa4: {  	v24 =	vadd.f32 $1.000000000e+00, v59;
	(erf) = vrcp.f32 v22  }
0xa5: {  	(erf) = vrcp.f32 v23  }
0xa6: {  	(erf) = vrcp.f32 v24;
	v22 =	vpop (erf)  }
0xa7: {  	v22 =	vadd.f32 $1.000000000e+00, v22;
	_ =	sdelay $0x1  }
0xa8: {  	(erf) = vrcp.f32 v22;
	_ =	sdelay $0x1  }
0xa9: {  	v23 =	vld [tilespmem:$0x500]  }
0xaa: {  	v22 =	vld [tilespmem:$0x510]  }
0xab: {  	v60 =	vld [tilespmem:$0x520];
	v61 =	vpop (erf)  }
0xac: {  	v62 =	vpop (erf)  }
0xad: {  	v21 =	vmul.f32 v61, v21;
	v63 =	vpop (erf);
	v26 =	vmul.f32 v62, v19  }
0xae: {  	s1 =	smul.u32 $0x140, s22;
	v19 =	vld [tilespmem:$0x530];
	v20 =	vmul.f32 v63, v20  }
0xaf: {  	s14 =	sshll.u32 s22, $0x2;
	s10 =	simm.s32 $0x0;
	s16 =	simm.s32 $0x5800;
	v21 =	vmul.f32 v21, v23;
	v22 =	vmul.f32 v26, v22  }
0xb0: {  	s15 =	simm.s32 $0x3040;
	s28 =	simm.s32 $0x10;
	s17 =	sadd.s32 s6, s1;
	v20 =	vmul.f32 v20, v60;
	v23 =	vpop (erf)  }
.LBB2_3:
0xb1: {  	s10 =	sadd.s32 $0x2, s10;
	v21 =	vadd.f32 v22, v21;
	v18 =	vmul.f32 v23, v18;
	s25 =	sadd.s32 $0x20, s25;
	s18 =	sadd.s32 $0x100, s18  }
0xb2: {  	p1 =	slt.u32 s10, $0x4E  }
0xb3: {  	v20 =	vadd.f32 v20, v21;
	v18 =	vmul.f32 v18, v19;
	_ =	sdelay $0x1  }
0xb4: {  	v18 =	vadd.f32 v18, v20;
	_ =	sdelay $0x1  }
0xb5: {  	[tilespmem:s28+$0x0] =	vst v18;
	s28 =	smov.u32 s25  }
0xb6: {  	v18 =	vld [tilespmem:s16+$0xFFFFFFA0]  }
0xb7: {  	v19 =	vld [tilespmem:s15+$0xFFFFFFA0]  }
0xb8: {  	v20 =	vld [tilespmem:s18+$0xFFFFFFA0]  }
0xb9: {  	v21 =	vld [tilespmem:s18+$0xFFFFFF80]  }
0xba: {  	v22 =	vld [tilespmem:s15+$0xFFFFFF90]  }
0xbb: {  	v23 =	vld [tilespmem:s18+$0xFFFFFF90]  }
0xbc: {  	v24 =	vld [tilespmem:s15+$0xFFFFFF80]  }
0xbd: {  	v25 =	vld [tilespmem:s16+$0xFFFFFF90];
	v19 =	vadd.f32 v19, v20  }
0xbe: {  	v20 =	vld [tilespmem:s16+$0xFFFFFF80]  }
0xbf: {  	v18 =	vadd.f32 v18, v19;
	v19 =	vld [tilespmem:s15+$0xFFFFFFB0]  }
0xc0: {  	v22 =	vadd.f32 v22, v23;
	v23 =	vld [tilespmem:s18+$0xFFFFFFB0]  }
0xc1: {  	v21 =	vadd.f32 v24, v21;
	v24 =	vsub.f32 $0.0e+00, v18  }
0xc2: {  	v22 =	vadd.f32 v25, v22;
	v25 =	vld [tilespmem:s16+$0xFFFFFFB0]  }
0xc3: {  	v20 =	vadd.f32 v20, v21;
	v21 =	vmul.f32 $1.442695020e+00, v24  }
0xc4: {  	v24 =	vsub.f32 $0.0e+00, v22  }
0xc5: {  	v26 =	vsub.f32 $0.0e+00, v20;
	v19 =	vadd.f32 v19, v23;
	(erf) = vpow2.f32 v21  }
0xc6: {  	v21 =	vmul.f32 $1.442695020e+00, v24  }
0xc7: {  	v23 =	vmul.f32 $1.442695020e+00, v26;
	v19 =	vadd.f32 v25, v19  }
0xc8: {  	(erf) = vpow2.f32 v21  }
0xc9: {  	v21 =	vsub.f32 $0.0e+00, v19;
	(erf) = vpow2.f32 v23;
	_ =	sdelay $0x1  }
0xca: {  	v23 =	vmul.f32 $1.442695020e+00, v21;
	_ =	sdelay $0x1  }
0xcb: {  	(erf) = vpow2.f32 v23  }
0xcc: {  	v21 =	vpop (erf)  }
0xcd: {  	v21 =	vadd.f32 $1.000000000e+00, v21;
	_ =	sdelay $0x1  }
0xce: {  	v23 =	vpop (erf);
	(erf) = vrcp.f32 v21  }
0xcf: {  	v21 =	vadd.f32 $1.000000000e+00, v23;
	v23 =	vpop (erf)  }
0xd0: {  	v23 =	vadd.f32 $1.000000000e+00, v23  }
0xd1: {  	(erf) = vrcp.f32 v21  }
0xd2: {  	(erf) = vrcp.f32 v23  }
0xd3: {  	v21 =	vpop (erf)  }
0xd4: {  	v23 =	vadd.f32 $1.000000000e+00, v21;
	_ =	sdelay $0x1  }
0xd5: {  	(erf) = vrcp.f32 v23  }
0xd6: {  	v21 =	vpop (erf)  }
0xd7: {  	v23 =	vld [tilespmem:$0x510];
	v18 =	vmul.f32 v21, v18  }
0xd8: {  	v21 =	vld [tilespmem:$0x500]  }
0xd9: {  	v24 =	vpop (erf)  }
0xda: {  	v22 =	vmul.f32 v24, v22;
	v24 =	vld [tilespmem:$0x520];
	v25 =	vpop (erf)  }
0xdb: {  	v20 =	vmul.f32 v25, v20  }
0xdc: {  	v25 =	vld [tilespmem:$0x530]  }
0xdd: {  	v20 =	vmul.f32 v20, v21;
	v21 =	vmul.f32 v22, v23  }
0xde: {  	v22 =	vpop (erf)  }
0xdf: {  	v20 =	vadd.f32 v21, v20;
	v18 =	vmul.f32 v18, v24;
	v19 =	vmul.f32 v22, v19;
	_ =	sdelay $0x1  }
0xe0: {  	v18 =	vadd.f32 v18, v20;
	v19 =	vmul.f32 v19, v25;
	_ =	sdelay $0x1  }
0xe1: {  	v18 =	vadd.f32 v19, v18;
	_ =	sdelay $0x1  }
0xe2: {  	[tilespmem:s25+$0xFFFFFFF0] =	vst v18  }
0xe3: {  	v18 =	vld [tilespmem:s15+$0x20]  }
0xe4: {  	v19 =	vld [tilespmem:s16+$0x10]  }
0xe5: {  	v20 =	vld [tilespmem:s15+$0x10]  }
0xe6: {  	v21 =	vld [tilespmem:s18+$0x0]  }
0xe7: {  	v22 =	vld [tilespmem:s18+$0x10]  }
0xe8: {  	v23 =	vld [tilespmem:s15+$0x0]  }
0xe9: {  	v24 =	vld [tilespmem:s18+$0x20]  }
0xea: {  	v25 =	vld [tilespmem:s16+$0x0]  }
0xeb: {  	v26 =	vld [tilespmem:s16+$0x20]  }
0xec: {  	v20 =	vadd.f32 v20, v22;
	v22 =	vld [tilespmem:s18+$0x30]  }
0xed: {  	v21 =	vadd.f32 v23, v21;
	v23 =	vld [tilespmem:s15+$0x30]  }
0xee: {  	v18 =	vadd.f32 v18, v24  }
0xef: {  	v19 =	vadd.f32 v19, v20;
	v21 =	vadd.f32 v25, v21;
	v20 =	vld [tilespmem:s16+$0x30]  }
0xf0: {  	v24 =	vadd.f32 v26, v18  }
0xf1: {  	v25 =	vsub.f32 $0.0e+00, v19;
	v18 =	vsub.f32 $0.0e+00, v21  }
0xf2: {  	v26 =	vsub.f32 $0.0e+00, v24;
	v22 =	vadd.f32 v23, v22  }
0xf3: {  	v25 =	vmul.f32 $1.442695020e+00, v25;
	v23 =	vmul.f32 $1.442695020e+00, v18  }
0xf4: {  	v26 =	vmul.f32 $1.442695020e+00, v26;
	v18 =	vadd.f32 v20, v22  }
0xf5: {  	(erf) = vpow2.f32 v23  }
0xf6: {  	v20 =	vsub.f32 $0.0e+00, v18;
	(erf) = vpow2.f32 v25  }
0xf7: {  	(erf) = vpow2.f32 v26  }
0xf8: {  	v20 =	vmul.f32 $1.442695020e+00, v20;
	_ =	sdelay $0x1  }
0xf9: {  	(erf) = vpow2.f32 v20;
	_ =	sdelay $0x3  }
0xfa: {  	v20 =	vpop (erf)  }
0xfb: {  	v20 =	vadd.f32 $1.000000000e+00, v20;
	v22 =	vpop (erf)  }
0xfc: {  	v22 =	vadd.f32 $1.000000000e+00, v22;
	v23 =	vpop (erf)  }
0xfd: {  	v23 =	vadd.f32 $1.000000000e+00, v23;
	(erf) = vrcp.f32 v20  }
0xfe: {  	(erf) = vrcp.f32 v22  }
0xff: {  	(erf) = vrcp.f32 v23;
	v20 =	vpop (erf)  }
0x100: {  	v20 =	vadd.f32 $1.000000000e+00, v20;
	_ =	sdelay $0x1  }
0x101: {  	(erf) = vrcp.f32 v20;
	_ =	sdelay $0x1  }
0x102: {  	v20 =	vld [tilespmem:$0x510]  }
0x103: {  	v22 =	vld [tilespmem:$0x500]  }
0x104: {  	v23 =	vld [tilespmem:$0x520];
	v25 =	vpop (erf)  }
.Ltmp0:
0x105: {  	v21 =	vmul.f32 v25, v21;
	v25 =	vpop (erf);
	(pc) =	sbr.rel @p1 .LBB2_3-.Ltmp0, $4  }
0x106: {  	v25 =	vmul.f32 v25, v19;
	v19 =	vpop (erf)  }
0x107: {  	v24 =	vmul.f32 v19, v24;
	v19 =	vld [tilespmem:$0x530]  }
0x108: {  	s26 =	simm.s32 $0x7E80;
	v21 =	vmul.f32 v21, v22;
	v22 =	vmul.f32 v25, v20  }
0x109: {  	s9 =	simm.s32 $0x0;
	s15 =	sadd.s32 $0x100, s15;
	s16 =	sadd.s32 $0x100, s16;
	v20 =	vmul.f32 v24, v23;
	v23 =	vpop (erf)  }
0x10a: {  	v21 =	vadd.f32 v22, v21;
	v18 =	vmul.f32 v23, v18  }
0x10b: {  	v22 =	vor.u32 s9, v0  }
0x10c: {  	v20 =	vadd.f32 v20, v21;
	v18 =	vmul.f32 v18, v19;
	v19 =	vand.u32 v1, v22;
	_ =	sdelay $0x1  }
0x10d: {  	v18 =	vadd.f32 v18, v20;
	v20 =	vor.u32 s9, v2;
	_ =	sdelay $0x1  }
0x10e: {  	[tilespmem:s28+$0x0] =	vst v18;
	v18 =	vor.u32 s9, v3  }
0x10f: {  	v19 =	vld.idx.msk [tilespmem:v19+s3+$0x0], $0xffff  }
0x110: {  	v21 =	vor.u32 s9, v4  }
0x111: {  	v20 =	vld.idx.msk [tilespmem:v20+s3+$0x0], $0xffff  }
0x112: {  	v22 =	vor.u32 s9, v5  }
0x113: {  	v18 =	vld.idx.msk [tilespmem:v18+s3+$0x0], $0xffff  }
0x114: {  	v23 =	vor.u32 s9, v6;
	v19 =	vadd.f32 v19, v17  }
0x115: {  	v21 =	vld.idx.msk [tilespmem:v21+s3+$0x0], $0xffff  }
0x116: {  	v24 =	vor.u32 s9, v7;
	v19 =	vadd.f32 v20, v19  }
0x117: {  	v20 =	vld.idx.msk [tilespmem:v22+s3+$0x0], $0xffff  }
0x118: {  	v22 =	vor.u32 s9, v8;
	v18 =	vadd.f32 v18, v19  }
0x119: {  	v19 =	vld.idx.msk [tilespmem:v23+s3+$0x0], $0xffff  }
0x11a: {  	v23 =	vor.u32 s9, v9;
	v18 =	vadd.f32 v21, v18  }
0x11b: {  	v21 =	vld.idx.msk [tilespmem:v24+s3+$0x0], $0xffff  }
0x11c: {  	v57 =	vor.u32 s9, v10;
	v18 =	vadd.f32 v20, v18  }
0x11d: {  	v20 =	vld.idx.msk [tilespmem:v22+s3+$0x0], $0xffff  }
0x11e: {  	v22 =	vor.u32 s9, v11;
	v18 =	vadd.f32 v19, v18  }
0x11f: {  	v19 =	vld.idx.msk [tilespmem:v23+s3+$0x0], $0xffff  }
0x120: {  	v23 =	vor.u32 s9, v12;
	v18 =	vadd.f32 v21, v18  }
0x121: {  	v21 =	vld.idx.msk [tilespmem:v57+s3+$0x0], $0xffff  }
0x122: {  	v58 =	vor.u32 s9, v13;
	v18 =	vadd.f32 v20, v18  }
0x123: {  	v20 =	vld.idx.msk [tilespmem:v22+s3+$0x0], $0xffff  }
0x124: {  	v22 =	vor.u32 s9, v14;
	v18 =	vadd.f32 v19, v18  }
0x125: {  	v19 =	vld.idx.msk [tilespmem:v23+s3+$0x0], $0xffff  }
0x126: {  	v23 =	vor.u32 s9, v15;
	v18 =	vadd.f32 v21, v18  }
0x127: {  	v21 =	vld.idx.msk [tilespmem:v58+s3+$0x0], $0xffff  }
0x128: {  	v59 =	vor.u32 s9, v16;
	v18 =	vadd.f32 v20, v18  }
0x129: {  	v20 =	vld.idx.msk [tilespmem:v22+s3+$0x0], $0xffff  }
0x12a: {  	v18 =	vadd.f32 v19, v18  }
0x12b: {  	v19 =	vld.idx.msk [tilespmem:v23+s3+$0x0], $0xffff  }
0x12c: {  	v18 =	vadd.f32 v21, v18  }
0x12d: {  	v21 =	vld.idx.msk [tilespmem:v59+s3+$0x0], $0xffff  }
0x12e: {  	s28 =	simm.s32 $0x100;
	v18 =	vadd.f32 v20, v18  }
0x12f: {  	v20 =	vor.u32 s28, v0  }
0x130: {  	v20 =	vand.u32 v1, v20;
	v18 =	vadd.f32 v19, v18;
	_ =	sdelay $0x1  }
0x131: {  	v19 =	vor.u32 s28, v2;
	v18 =	vadd.f32 v21, v18;
	_ =	sdelay $0x1  }
0x132: {  	v21 =	vor.u32 s28, v3;
	[tilespmem:s26+$0x0] =	vst v18  }
0x133: {  	v18 =	vld.idx.msk [tilespmem:v20+s3+$0x0], $0xffff  }
0x134: {  	v20 =	vor.u32 s28, v4  }
0x135: {  	v19 =	vld.idx.msk [tilespmem:v19+s3+$0x0], $0xffff  }
0x136: {  	v22 =	vor.u32 s28, v5  }
0x137: {  	v21 =	vld.idx.msk [tilespmem:v21+s3+$0x0], $0xffff  }
0x138: {  	v23 =	vor.u32 s28, v6;
	v18 =	vadd.f32 v18, v17  }
0x139: {  	v20 =	vld.idx.msk [tilespmem:v20+s3+$0x0], $0xffff  }
0x13a: {  	v60 =	vor.u32 s28, v7;
	v18 =	vadd.f32 v19, v18  }
0x13b: {  	v19 =	vld.idx.msk [tilespmem:v22+s3+$0x0], $0xffff  }
0x13c: {  	v22 =	vor.u32 s28, v8;
	v18 =	vadd.f32 v21, v18  }
0x13d: {  	v21 =	vld.idx.msk [tilespmem:v23+s3+$0x0], $0xffff  }
0x13e: {  	v23 =	vor.u32 s28, v9;
	v18 =	vadd.f32 v20, v18  }
0x13f: {  	v20 =	vld.idx.msk [tilespmem:v60+s3+$0x0], $0xffff  }
0x140: {  	v61 =	vor.u32 s28, v10;
	v18 =	vadd.f32 v19, v18  }
0x141: {  	v19 =	vld.idx.msk [tilespmem:v22+s3+$0x0], $0xffff  }
0x142: {  	v22 =	vor.u32 s28, v11;
	v18 =	vadd.f32 v21, v18  }
0x143: {  	v21 =	vld.idx.msk [tilespmem:v23+s3+$0x0], $0xffff  }
0x144: {  	v23 =	vor.u32 s28, v12;
	v18 =	vadd.f32 v20, v18  }
0x145: {  	v20 =	vld.idx.msk [tilespmem:v61+s3+$0x0], $0xffff  }
0x146: {  	v62 =	vor.u32 s28, v13;
	v18 =	vadd.f32 v19, v18  }
0x147: {  	v19 =	vld.idx.msk [tilespmem:v22+s3+$0x0], $0xffff  }
0x148: {  	v22 =	vor.u32 s28, v14;
	v18 =	vadd.f32 v21, v18  }
0x149: {  	v21 =	vld.idx.msk [tilespmem:v23+s3+$0x0], $0xffff  }
0x14a: {  	v23 =	vor.u32 s28, v15;
	v18 =	vadd.f32 v20, v18  }
0x14b: {  	v20 =	vld.idx.msk [tilespmem:v62+s3+$0x0], $0xffff  }
0x14c: {  	v63 =	vor.u32 s28, v16;
	v18 =	vadd.f32 v19, v18  }
0x14d: {  	v22 =	vld.idx.msk [tilespmem:v22+s3+$0x0], $0xffff  }
0x14e: {  	v18 =	vadd.f32 v21, v18  }
0x14f: {  	v19 =	vld.idx.msk [tilespmem:v23+s3+$0x0], $0xffff  }
0x150: {  	v20 =	vadd.f32 v20, v18  }
0x151: {  	v18 =	vld.idx.msk [tilespmem:v63+s3+$0x0], $0xffff  }
0x152: {  	s9 =	simm.s32 $0x200;
	v20 =	vadd.f32 v22, v20  }
0x153: {  	s10 =	simm.s32 $0x300;
	v21 =	vor.u32 s9, v0  }
.LBB2_5:
0x154: {  	p1 =	sne.s32 s10, $0x400;
	v21 =	vand.u32 v1, v21;
	v19 =	vadd.f32 v19, v20;
	_ =	sdelay $0x1  }
0x155: {  	v20 =	vor.u32 s9, v2;
	v18 =	vadd.f32 v18, v19  }
0x156: {  	s26 =	sadd.s32 $0x10, s26  }
0x157: {  	v19 =	vor.u32 s9, v3;
	[tilespmem:s26+$0x0] =	vst v18  }
0x158: {  	v18 =	vld.idx.msk [tilespmem:v21+s3+$0x0], $0xffff  }
0x159: {  	v21 =	vor.u32 s9, v4  }
0x15a: {  	v20 =	vld.idx.msk [tilespmem:v20+s3+$0x0], $0xffff  }
0x15b: {  	v22 =	vor.u32 s9, v5  }
0x15c: {  	v19 =	vld.idx.msk [tilespmem:v19+s3+$0x0], $0xffff  }
0x15d: {  	v23 =	vor.u32 s9, v6  }
0x15e: {  	v18 =	vadd.f32 v18, v17;
	v21 =	vld.idx.msk [tilespmem:v21+s3+$0x0], $0xffff  }
0x15f: {  	v24 =	vor.u32 s9, v7  }
0x160: {  	v18 =	vadd.f32 v20, v18;
	v20 =	vld.idx.msk [tilespmem:v22+s3+$0x0], $0xffff  }
0x161: {  	v22 =	vor.u32 s9, v8  }
0x162: {  	v18 =	vadd.f32 v19, v18;
	v19 =	vld.idx.msk [tilespmem:v23+s3+$0x0], $0xffff  }
0x163: {  	v23 =	vor.u32 s9, v9  }
0x164: {  	v18 =	vadd.f32 v21, v18;
	v21 =	vld.idx.msk [tilespmem:v24+s3+$0x0], $0xffff  }
0x165: {  	v24 =	vor.u32 s9, v10  }
0x166: {  	v18 =	vadd.f32 v20, v18;
	v20 =	vld.idx.msk [tilespmem:v22+s3+$0x0], $0xffff  }
0x167: {  	v22 =	vor.u32 s9, v11  }
0x168: {  	v18 =	vadd.f32 v19, v18;
	v19 =	vld.idx.msk [tilespmem:v23+s3+$0x0], $0xffff  }
0x169: {  	v23 =	vor.u32 s9, v12  }
0x16a: {  	v18 =	vadd.f32 v21, v18;
	v21 =	vld.idx.msk [tilespmem:v24+s3+$0x0], $0xffff  }
0x16b: {  	v24 =	vor.u32 s9, v13  }
0x16c: {  	v18 =	vadd.f32 v20, v18;
	v20 =	vld.idx.msk [tilespmem:v22+s3+$0x0], $0xffff  }
0x16d: {  	v22 =	vor.u32 s9, v14  }
0x16e: {  	v18 =	vadd.f32 v19, v18;
	v19 =	vld.idx.msk [tilespmem:v23+s3+$0x0], $0xffff  }
0x16f: {  	v23 =	vor.u32 s9, v15  }
0x170: {  	v18 =	vadd.f32 v21, v18;
	v21 =	vld.idx.msk [tilespmem:v24+s3+$0x0], $0xffff  }
0x171: {  	v24 =	vor.u32 s9, v16;
	s9 =	smov.u32 s10  }
0x172: {  	v18 =	vadd.f32 v20, v18;
	v20 =	vld.idx.msk [tilespmem:v22+s3+$0x0], $0xffff;
	_ =	sdelay $0x1  }
0x173: {  	v18 =	vadd.f32 v19, v18;
	v19 =	vld.idx.msk [tilespmem:v23+s3+$0x0], $0xffff  }
.Ltmp1:
0x174: {  	(pc) =	sbr.rel @p1 .LBB2_5-.Ltmp1, $3  }
0x175: {  	v21 =	vadd.f32 v21, v18;
	v18 =	vld.idx.msk [tilespmem:v24+s3+$0x0], $0xffff;
	_ =	sdelay $0x1  }
0x176: {  	v20 =	vadd.f32 v20, v21  }
0x177: {  	s10 =	sadd.s32 $0x100, s10;
	v21 =	vor.u32 s9, v0  }
0x178: {  	v21 =	vand.u32 v1, v21;
	v19 =	vadd.f32 v19, v20;
	_ =	sdelay $0x1  }
0x179: {  	v20 =	vor.u32 s9, v2;
	v18 =	vadd.f32 v18, v19  }
0x17a: {  	s10 =	sadd.s32 $0x10, s26  }
0x17b: {  	v19 =	vor.u32 s9, v3;
	[tilespmem:s10+$0x0] =	vst v18  }
0x17c: {  	v18 =	vld.idx.msk [tilespmem:v21+s3+$0x0], $0xffff  }
0x17d: {  	v21 =	vor.u32 s9, v4  }
0x17e: {  	v20 =	vld.idx.msk [tilespmem:v20+s3+$0x0], $0xffff  }
0x17f: {  	v22 =	vor.u32 s9, v5  }
0x180: {  	v19 =	vld.idx.msk [tilespmem:v19+s3+$0x0], $0xffff  }
0x181: {  	v23 =	vor.u32 s9, v6;
	v18 =	vadd.f32 v18, v17  }
0x182: {  	v21 =	vld.idx.msk [tilespmem:v21+s3+$0x0], $0xffff  }
0x183: {  	v24 =	vor.u32 s9, v7;
	v18 =	vadd.f32 v20, v18  }
0x184: {  	v20 =	vld.idx.msk [tilespmem:v22+s3+$0x0], $0xffff  }
0x185: {  	v22 =	vor.u32 s9, v8;
	v18 =	vadd.f32 v19, v18  }
0x186: {  	v19 =	vld.idx.msk [tilespmem:v23+s3+$0x0], $0xffff  }
0x187: {  	v23 =	vor.u32 s9, v9;
	v18 =	vadd.f32 v21, v18  }
0x188: {  	v21 =	vld.idx.msk [tilespmem:v24+s3+$0x0], $0xffff  }
0x189: {  	v43 =	vor.u32 s9, v10;
	v18 =	vadd.f32 v20, v18  }
0x18a: {  	v20 =	vld.idx.msk [tilespmem:v22+s3+$0x0], $0xffff  }
0x18b: {  	v22 =	vor.u32 s9, v11;
	v18 =	vadd.f32 v19, v18  }
0x18c: {  	v19 =	vld.idx.msk [tilespmem:v23+s3+$0x0], $0xffff  }
0x18d: {  	v23 =	vor.u32 s9, v12;
	v18 =	vadd.f32 v21, v18  }
0x18e: {  	v21 =	vld.idx.msk [tilespmem:v43+s3+$0x0], $0xffff  }
0x18f: {  	v44 =	vor.u32 s9, v13;
	v18 =	vadd.f32 v20, v18  }
0x190: {  	v20 =	vld.idx.msk [tilespmem:v22+s3+$0x0], $0xffff  }
0x191: {  	v22 =	vor.u32 s9, v14;
	v18 =	vadd.f32 v19, v18  }
0x192: {  	v19 =	vld.idx.msk [tilespmem:v23+s3+$0x0], $0xffff  }
0x193: {  	v23 =	vor.u32 s9, v15;
	v18 =	vadd.f32 v21, v18  }
0x194: {  	v21 =	vld.idx.msk [tilespmem:v44+s3+$0x0], $0xffff  }
0x195: {  	v45 =	vor.u32 s9, v16;
	v18 =	vadd.f32 v20, v18  }
0x196: {  	v20 =	vld.idx.msk [tilespmem:v22+s3+$0x0], $0xffff  }
0x197: {  	v18 =	vadd.f32 v19, v18  }
0x198: {  	v19 =	vld.idx.msk [tilespmem:v23+s3+$0x0], $0xffff  }
0x199: {  	v18 =	vadd.f32 v21, v18  }
0x19a: {  	v21 =	vld.idx.msk [tilespmem:v45+s3+$0x0], $0xffff  }
0x19b: {  	v18 =	vadd.f32 v20, v18;
	_ =	sdelay $0x1  }
0x19c: {  	v18 =	vadd.f32 v19, v18;
	_ =	sdelay $0x1  }
0x19d: {  	v18 =	vadd.f32 v21, v18  }
0x19e: {  	s26 =	sshrl.u32 s17, $0x3;
	s25 =	sadd.s32 $0x10, s10  }
0x19f: {  	s15 =	simm.s32 $0x7E80;
	s11 =	sadd.s32 s2, s26;
	[tilespmem:s25+$0x0] =	vst v18  }
0x1a0: {  	[hbm4b:s11+s3] =	stream.linear.scatter [tilespmem:s15], [sflag:$0x3], $0x50, $0x38;
	[tilespmem:$0x1EB80] =	vst v63  }
0x1a1: {  	_ =	swait.ge [sflag:s30], $0x50  }
0x1a2: {  	[sflag:s30] =	ssyncset.done $0x0  }
0x1a3: {  	[sflag:s30] =	ssyncadd.s32 $0xFFFFFFB0  }
0x1a4: {  	_ =	swait.ge [sflag:s30], $0x50  }
0x1a5: {  	[sflag:s30] =	ssyncset.done $0x0  }
0x1a6: {  	s16 =	simm.s32 $0x17300;
	s25 =	rddreg [dreg:$0xa];
	[sflag:s30] =	ssyncadd.s32 $0xFFFFFFB0  }
0x1a7: {  	[tilespmem:s16], [sflag:$0xB] =	stream.indirect.gather [hbm4b:s4+s13], $0x80, s29, s13, $0xb8;
	[tilespmem:$0x1EB80] =	vst v63  }
0x1a8: {  	s17 =	simm.s32 $0x17280;
	s29 =	sadd.s32 s25, s1  }
0x1a9: {  	s18 =	simm.s32 $0x19B00;
	s11 =	rddreg [dreg:$0x14];
	s9 =	sshll.u32 s29, $0x4  }
0x1aa: {  	[tilespmem:s18], [sflag:$0xB] =	stream.indirect.gather [hbm4b:s4+s13], $0x80, s17, s13, $0xb8;
	[tilespmem:$0x1EB80] =	vst v63  }
0x1ab: {  	s26 =	simm.s32 $0x1C300;
	s9 =	sadd.s32 s5, s9;
	s17 =	sadd.s32 s1, s11  }
0x1ac: {  	[tilespmem:s26], [sflag:$0xB] =	stream.linear.gather [hbm4b:s9+s3], $0x2800, $0x38;
	[tilespmem:$0x1EB80] =	vst v63  }
0x1ad: {  	s9 =	sshrl.u32 s17, $0x3  }
0x1ae: {  	s15 =	sadd.s32 s7, s9  }
0x1af: {  	[tilespmem:s31], [sflag:$0x1] =	stream.linear.gather [hbm4b:s15+s3], $0x50, $0x38;
	[tilespmem:$0x1EB80] =	vst v63  }
0x1b0: {  	s9 =	sadd.s32 s8, s9  }
0x1b1: {  	[tilespmem:s0], [sflag:$0x1] =	stream.linear.gather [hbm4b:s9+s3], $0x50, $0x38;
	[tilespmem:$0x1EB80] =	vst v63  }
0x1b2: {  	_ =	swait.ge [sflag:s23], $0x2800  }
0x1b3: {  	[sflag:s23] =	ssyncset.done $0x0  }
0x1b4: {  	[sflag:s23] =	ssyncadd.s32 $0xFFFFD800  }
0x1b5: {  	_ =	swait.ge [sflag:s23], $0x2800  }
0x1b6: {  	[sflag:s23] =	ssyncset.done $0x0  }
0x1b7: {  	[sflag:s23] =	ssyncadd.s32 $0xFFFFD800  }
0x1b8: {  	_ =	swait.ge [sflag:s23], $0x2800  }
0x1b9: {  	[sflag:s23] =	ssyncset.done $0x0  }
0x1ba: {  	s9 =	simm.s32 @!p0 $0x6;
	[sflag:s23] =	ssyncadd.s32 $0xFFFFD800  }
0x1bb: {  	_ =	swait.ge @!p0 [sflag:s9], $0x50  }
0x1bc: {  	[sflag:s9] =	ssyncset.done @!p0 $0x0  }
0x1bd: {  	s16 =	simm.s32 $0xD080;
	[sflag:s9] =	ssyncadd.s32 @!p0 $0xFFFFFFB0  }
0x1be: {  	s18 =	simm.s32 $0xA8C0;
	v18 =	vld [tilespmem:s16+$0xFFFFFFA0]  }
0x1bf: {  	s25 =	simm.s32 $0x8080;
	v19 =	vld [tilespmem:s18+$0xFFFFFFA0]  }
0x1c0: {  	v20 =	vld [tilespmem:s25+$0xFFFFFFA0]  }
0x1c1: {  	v21 =	vld [tilespmem:s25+$0xFFFFFF80]  }
0x1c2: {  	v22 =	vld [tilespmem:s18+$0xFFFFFF90]  }
0x1c3: {  	v23 =	vld [tilespmem:s25+$0xFFFFFF90]  }
0x1c4: {  	v46 =	vld [tilespmem:s18+$0xFFFFFF80]  }
0x1c5: {  	v25 =	vld [tilespmem:s16+$0xFFFFFF90]  }
0x1c6: {  	v26 =	vld [tilespmem:s16+$0xFFFFFF80]  }
0x1c7: {  	v19 =	vadd.f32 v19, v20  }
0x1c8: {  	v20 =	vld [tilespmem:s18+$0xFFFFFFB0];
	v22 =	vadd.f32 v22, v23  }
0x1c9: {  	v23 =	vld [tilespmem:s25+$0xFFFFFFB0];
	v18 =	vadd.f32 v18, v19;
	v19 =	vadd.f32 v46, v21  }
0x1ca: {  	v21 =	vadd.f32 v25, v22  }
0x1cb: {  	v22 =	vld [tilespmem:s16+$0xFFFFFFB0];
	v47 =	vsub.f32 $0.0e+00, v18;
	v19 =	vadd.f32 v26, v19  }
0x1cc: {  	v25 =	vsub.f32 $0.0e+00, v21  }
0x1cd: {  	v24 =	vmul.f32 $1.442695020e+00, v47;
	v26 =	vsub.f32 $0.0e+00, v19  }
0x1ce: {  	v20 =	vadd.f32 v20, v23;
	v23 =	vmul.f32 $1.442695020e+00, v25  }
0x1cf: {  	(erf) = vpow2.f32 v24;
	v48 =	vmul.f32 $1.442695020e+00, v26  }
0x1d0: {  	v20 =	vadd.f32 v22, v20;
	(erf) = vpow2.f32 v23  }
0x1d1: {  	(erf) = vpow2.f32 v48  }
0x1d2: {  	v22 =	vsub.f32 $0.0e+00, v20;
	_ =	sdelay $0x1  }
0x1d3: {  	v22 =	vmul.f32 $1.442695020e+00, v22;
	_ =	sdelay $0x1  }
0x1d4: {  	(erf) = vpow2.f32 v22;
	_ =	sdelay $0x1  }
0x1d5: {  	v22 =	vpop (erf)  }
0x1d6: {  	v22 =	vadd.f32 $1.000000000e+00, v22;
	v23 =	vpop (erf)  }
0x1d7: {  	v24 =	vpop (erf)  }
0x1d8: {  	v23 =	vadd.f32 $1.000000000e+00, v23;
	(erf) = vrcp.f32 v22;
	v22 =	vadd.f32 $1.000000000e+00, v24;
	_ =	sdelay $0x1  }
0x1d9: {  	(erf) = vrcp.f32 v23  }
0x1da: {  	(erf) = vrcp.f32 v22  }
0x1db: {  	v22 =	vpop (erf)  }
0x1dc: {  	v22 =	vadd.f32 $1.000000000e+00, v22;
	_ =	sdelay $0x1  }
0x1dd: {  	(erf) = vrcp.f32 v22;
	_ =	sdelay $0x1  }
0x1de: {  	v49 =	vld [tilespmem:$0x500]  }
0x1df: {  	v22 =	vld [tilespmem:$0x510];
	v23 =	vpop (erf)  }
0x1e0: {  	v50 =	vpop (erf)  }
0x1e1: {  	v51 =	vld [tilespmem:$0x520];
	v27 =	vpop (erf)  }
0x1e2: {  	v21 =	vmul.f32 v50, v21;
	v19 =	vmul.f32 v27, v19  }
0x1e3: {  	v18 =	vmul.f32 v23, v18;
	v23 =	vld [tilespmem:$0x530]  }
0x1e4: {  	v21 =	vmul.f32 v21, v22;
	v19 =	vmul.f32 v19, v49  }
0x1e5: {  	v22 =	vpop (erf)  }
0x1e6: {  	v18 =	vmul.f32 v18, v51;
	v19 =	vadd.f32 v21, v19;
	v20 =	vmul.f32 v22, v20;
	_ =	sdelay $0x1  }
0x1e7: {  	v18 =	vadd.f32 v18, v19;
	v19 =	vmul.f32 v20, v23;
	_ =	sdelay $0x1  }
0x1e8: {  	v18 =	vadd.f32 v19, v18  }
0x1e9: {  	s28 =	simm.s32 $0x10  }
0x1ea: {  	[tilespmem:s28+$0xFFFFFFF0] =	vst v18  }
0x1eb: {  	v18 =	vld [tilespmem:s18+$0x20]  }
0x1ec: {  	v19 =	vld [tilespmem:s16+$0x10]  }
0x1ed: {  	v20 =	vld [tilespmem:s18+$0x10]  }
0x1ee: {  	v21 =	vld [tilespmem:s25+$0x0]  }
0x1ef: {  	v22 =	vld [tilespmem:s25+$0x10]  }
0x1f0: {  	v23 =	vld [tilespmem:s18+$0x0]  }
0x1f1: {  	v52 =	vld [tilespmem:s25+$0x20]  }
0x1f2: {  	v53 =	vld [tilespmem:s16+$0x0]  }
0x1f3: {  	v54 =	vld [tilespmem:s16+$0x20]  }
0x1f4: {  	v55 =	vld [tilespmem:s25+$0x30]  }
0x1f5: {  	v21 =	vadd.f32 v23, v21;
	v23 =	vld [tilespmem:s18+$0x30]  }
0x1f6: {  	v20 =	vadd.f32 v20, v22  }
0x1f7: {  	v18 =	vadd.f32 v18, v52;
	v22 =	vld [tilespmem:s16+$0x30];
	v21 =	vadd.f32 v53, v21  }
0x1f8: {  	v19 =	vadd.f32 v19, v20  }
0x1f9: {  	v20 =	vadd.f32 v54, v18;
	v18 =	vsub.f32 $0.0e+00, v21  }
0x1fa: {  	v56 =	vsub.f32 $0.0e+00, v19;
	v23 =	vadd.f32 v23, v55  }
0x1fb: {  	v57 =	vsub.f32 $0.0e+00, v20;
	v58 =	vmul.f32 $1.442695020e+00, v18  }
0x1fc: {  	v24 =	vmul.f32 $1.442695020e+00, v56;
	v18 =	vadd.f32 v22, v23  }
0x1fd: {  	v22 =	vmul.f32 $1.442695020e+00, v57;
	(erf) = vpow2.f32 v58  }
0x1fe: {  	v23 =	vsub.f32 $0.0e+00, v18;
	(erf) = vpow2.f32 v24  }
0x1ff: {  	(erf) = vpow2.f32 v22  }
0x200: {  	v22 =	vmul.f32 $1.442695020e+00, v23;
	_ =	sdelay $0x1  }
0x201: {  	(erf) = vpow2.f32 v22;
	_ =	sdelay $0x3  }
0x202: {  	v22 =	vpop (erf)  }
0x203: {  	v22 =	vadd.f32 $1.000000000e+00, v22;
	v23 =	vpop (erf)  }
0x204: {  	v23 =	vadd.f32 $1.000000000e+00, v23;
	v59 =	vpop (erf)  }
0x205: {  	v24 =	vadd.f32 $1.000000000e+00, v59;
	(erf) = vrcp.f32 v22  }
0x206: {  	(erf) = vrcp.f32 v23  }
0x207: {  	(erf) = vrcp.f32 v24;
	v22 =	vpop (erf)  }
0x208: {  	v22 =	vadd.f32 $1.000000000e+00, v22;
	_ =	sdelay $0x1  }
0x209: {  	(erf) = vrcp.f32 v22;
	_ =	sdelay $0x1  }
0x20a: {  	v23 =	vld [tilespmem:$0x500]  }
0x20b: {  	v22 =	vld [tilespmem:$0x510]  }
0x20c: {  	v60 =	vld [tilespmem:$0x520];
	v61 =	vpop (erf)  }
0x20d: {  	v62 =	vpop (erf)  }
0x20e: {  	v21 =	vmul.f32 v61, v21;
	v63 =	vpop (erf);
	v26 =	vmul.f32 v62, v19  }
0x20f: {  	v19 =	vld [tilespmem:$0x530];
	v20 =	vmul.f32 v63, v20  }
0x210: {  	s10 =	simm.s32 $0x10;
	s15 =	simm.s32 $0xD180;
	s26 =	rddreg [dreg:$0x4];
	v21 =	vmul.f32 v21, v23;
	v22 =	vmul.f32 v26, v22  }
0x211: {  	s18 =	sadd.s32 s1, s26;
	s16 =	simm.s32 $0x0;
	s26 =	simm.s32 $0xA9C0;
	v20 =	vmul.f32 v20, v60;
	v23 =	vpop (erf)  }
.LBB2_7:
0x212: {  	s16 =	sadd.s32 $0x2, s16;
	v21 =	vadd.f32 v22, v21;
	v18 =	vmul.f32 v23, v18;
	s28 =	sadd.s32 $0x20, s28;
	s25 =	sadd.s32 $0x100, s25  }
0x213: {  	p1 =	slt.u32 s16, $0x4E  }
0x214: {  	v20 =	vadd.f32 v20, v21;
	v18 =	vmul.f32 v18, v19;
	_ =	sdelay $0x1  }
0x215: {  	v18 =	vadd.f32 v18, v20;
	_ =	sdelay $0x1  }
0x216: {  	[tilespmem:s10+$0x0] =	vst v18;
	s10 =	smov.u32 s28  }
0x217: {  	v18 =	vld [tilespmem:s15+$0xFFFFFFA0]  }
0x218: {  	v19 =	vld [tilespmem:s26+$0xFFFFFFA0]  }
0x219: {  	v20 =	vld [tilespmem:s25+$0xFFFFFFA0]  }
0x21a: {  	v21 =	vld [tilespmem:s25+$0xFFFFFF80]  }
0x21b: {  	v22 =	vld [tilespmem:s26+$0xFFFFFF90]  }
0x21c: {  	v23 =	vld [tilespmem:s25+$0xFFFFFF90]  }
0x21d: {  	v24 =	vld [tilespmem:s26+$0xFFFFFF80]  }
0x21e: {  	v25 =	vld [tilespmem:s15+$0xFFFFFF90];
	v19 =	vadd.f32 v19, v20  }
0x21f: {  	v20 =	vld [tilespmem:s15+$0xFFFFFF80]  }
0x220: {  	v18 =	vadd.f32 v18, v19;
	v19 =	vld [tilespmem:s26+$0xFFFFFFB0]  }
0x221: {  	v22 =	vadd.f32 v22, v23;
	v23 =	vld [tilespmem:s25+$0xFFFFFFB0]  }
0x222: {  	v21 =	vadd.f32 v24, v21;
	v24 =	vsub.f32 $0.0e+00, v18  }
0x223: {  	v22 =	vadd.f32 v25, v22;
	v25 =	vld [tilespmem:s15+$0xFFFFFFB0]  }
0x224: {  	v20 =	vadd.f32 v20, v21;
	v21 =	vmul.f32 $1.442695020e+00, v24  }
0x225: {  	v24 =	vsub.f32 $0.0e+00, v22  }
0x226: {  	v26 =	vsub.f32 $0.0e+00, v20;
	v19 =	vadd.f32 v19, v23;
	(erf) = vpow2.f32 v21  }
0x227: {  	v21 =	vmul.f32 $1.442695020e+00, v24  }
0x228: {  	v23 =	vmul.f32 $1.442695020e+00, v26;
	v19 =	vadd.f32 v25, v19  }
0x229: {  	(erf) = vpow2.f32 v21  }
0x22a: {  	v21 =	vsub.f32 $0.0e+00, v19;
	(erf) = vpow2.f32 v23;
	_ =	sdelay $0x1  }
0x22b: {  	v23 =	vmul.f32 $1.442695020e+00, v21;
	_ =	sdelay $0x1  }
0x22c: {  	(erf) = vpow2.f32 v23  }
0x22d: {  	v21 =	vpop (erf)  }
0x22e: {  	v21 =	vadd.f32 $1.000000000e+00, v21;
	_ =	sdelay $0x1  }
0x22f: {  	v23 =	vpop (erf);
	(erf) = vrcp.f32 v21  }
0x230: {  	v21 =	vadd.f32 $1.000000000e+00, v23;
	v23 =	vpop (erf)  }
0x231: {  	v23 =	vadd.f32 $1.000000000e+00, v23  }
0x232: {  	(erf) = vrcp.f32 v21  }
0x233: {  	(erf) = vrcp.f32 v23  }
0x234: {  	v21 =	vpop (erf)  }
0x235: {  	v23 =	vadd.f32 $1.000000000e+00, v21;
	_ =	sdelay $0x1  }
0x236: {  	(erf) = vrcp.f32 v23  }
0x237: {  	v21 =	vpop (erf)  }
0x238: {  	v23 =	vld [tilespmem:$0x510];
	v18 =	vmul.f32 v21, v18  }
0x239: {  	v21 =	vld [tilespmem:$0x500]  }
0x23a: {  	v24 =	vpop (erf)  }
0x23b: {  	v22 =	vmul.f32 v24, v22;
	v24 =	vld [tilespmem:$0x520];
	v25 =	vpop (erf)  }
0x23c: {  	v20 =	vmul.f32 v25, v20  }
0x23d: {  	v25 =	vld [tilespmem:$0x530]  }
0x23e: {  	v20 =	vmul.f32 v20, v21;
	v21 =	vmul.f32 v22, v23  }
0x23f: {  	v22 =	vpop (erf)  }
0x240: {  	v20 =	vadd.f32 v21, v20;
	v18 =	vmul.f32 v18, v24;
	v19 =	vmul.f32 v22, v19;
	_ =	sdelay $0x1  }
0x241: {  	v18 =	vadd.f32 v18, v20;
	v19 =	vmul.f32 v19, v25;
	_ =	sdelay $0x1  }
0x242: {  	v18 =	vadd.f32 v19, v18;
	_ =	sdelay $0x1  }
0x243: {  	[tilespmem:s28+$0xFFFFFFF0] =	vst v18  }
0x244: {  	v18 =	vld [tilespmem:s26+$0x20]  }
0x245: {  	v19 =	vld [tilespmem:s15+$0x10]  }
0x246: {  	v20 =	vld [tilespmem:s26+$0x10]  }
0x247: {  	v21 =	vld [tilespmem:s25+$0x0]  }
0x248: {  	v22 =	vld [tilespmem:s25+$0x10]  }
0x249: {  	v23 =	vld [tilespmem:s26+$0x0]  }
0x24a: {  	v24 =	vld [tilespmem:s25+$0x20]  }
0x24b: {  	v25 =	vld [tilespmem:s15+$0x0]  }
0x24c: {  	v26 =	vld [tilespmem:s15+$0x20]  }
0x24d: {  	v20 =	vadd.f32 v20, v22;
	v22 =	vld [tilespmem:s25+$0x30]  }
0x24e: {  	v21 =	vadd.f32 v23, v21;
	v23 =	vld [tilespmem:s26+$0x30]  }
0x24f: {  	v18 =	vadd.f32 v18, v24  }
0x250: {  	v19 =	vadd.f32 v19, v20;
	v21 =	vadd.f32 v25, v21;
	v20 =	vld [tilespmem:s15+$0x30]  }
0x251: {  	v24 =	vadd.f32 v26, v18  }
0x252: {  	v25 =	vsub.f32 $0.0e+00, v19;
	v18 =	vsub.f32 $0.0e+00, v21  }
0x253: {  	v26 =	vsub.f32 $0.0e+00, v24;
	v22 =	vadd.f32 v23, v22  }
0x254: {  	v25 =	vmul.f32 $1.442695020e+00, v25;
	v23 =	vmul.f32 $1.442695020e+00, v18  }
0x255: {  	v26 =	vmul.f32 $1.442695020e+00, v26;
	v18 =	vadd.f32 v20, v22  }
0x256: {  	(erf) = vpow2.f32 v23  }
0x257: {  	v20 =	vsub.f32 $0.0e+00, v18;
	(erf) = vpow2.f32 v25  }
0x258: {  	(erf) = vpow2.f32 v26  }
0x259: {  	v20 =	vmul.f32 $1.442695020e+00, v20;
	_ =	sdelay $0x1  }
0x25a: {  	(erf) = vpow2.f32 v20;
	_ =	sdelay $0x3  }
0x25b: {  	v20 =	vpop (erf)  }
0x25c: {  	v20 =	vadd.f32 $1.000000000e+00, v20;
	v22 =	vpop (erf)  }
0x25d: {  	v22 =	vadd.f32 $1.000000000e+00, v22;
	v23 =	vpop (erf)  }
0x25e: {  	v23 =	vadd.f32 $1.000000000e+00, v23;
	(erf) = vrcp.f32 v20  }
0x25f: {  	(erf) = vrcp.f32 v22  }
0x260: {  	(erf) = vrcp.f32 v23;
	v20 =	vpop (erf)  }
0x261: {  	v20 =	vadd.f32 $1.000000000e+00, v20;
	_ =	sdelay $0x1  }
0x262: {  	(erf) = vrcp.f32 v20;
	_ =	sdelay $0x1  }
0x263: {  	v20 =	vld [tilespmem:$0x510]  }
0x264: {  	v22 =	vld [tilespmem:$0x500]  }
0x265: {  	v23 =	vld [tilespmem:$0x520];
	v25 =	vpop (erf)  }
.Ltmp2:
0x266: {  	v21 =	vmul.f32 v25, v21;
	v25 =	vpop (erf);
	(pc) =	sbr.rel @p1 .LBB2_7-.Ltmp2, $4  }
0x267: {  	v25 =	vmul.f32 v25, v19;
	v19 =	vpop (erf)  }
0x268: {  	v24 =	vmul.f32 v19, v24;
	v19 =	vld [tilespmem:$0x530]  }
0x269: {  	s9 =	simm.s32 $0xF800;
	v21 =	vmul.f32 v21, v22;
	v22 =	vmul.f32 v25, v20  }
0x26a: {  	s11 =	simm.s32 $0x0;
	s26 =	sadd.s32 $0x100, s26;
	s15 =	sadd.s32 $0x100, s15;
	v20 =	vmul.f32 v24, v23;
	v23 =	vpop (erf)  }
0x26b: {  	v21 =	vadd.f32 v22, v21;
	v18 =	vmul.f32 v23, v18  }
0x26c: {  	v22 =	vor.u32 s11, v0  }
0x26d: {  	v20 =	vadd.f32 v20, v21;
	v18 =	vmul.f32 v18, v19;
	v19 =	vand.u32 v1, v22;
	_ =	sdelay $0x1  }
0x26e: {  	v18 =	vadd.f32 v18, v20;
	v20 =	vor.u32 s11, v2;
	_ =	sdelay $0x1  }
0x26f: {  	[tilespmem:s10+$0x0] =	vst v18;
	v18 =	vor.u32 s11, v3  }
0x270: {  	v19 =	vld.idx.msk [tilespmem:v19+s3+$0x0], $0xffff  }
0x271: {  	v21 =	vor.u32 s11, v4  }
0x272: {  	v20 =	vld.idx.msk [tilespmem:v20+s3+$0x0], $0xffff  }
0x273: {  	v22 =	vor.u32 s11, v5  }
0x274: {  	v18 =	vld.idx.msk [tilespmem:v18+s3+$0x0], $0xffff  }
0x275: {  	v23 =	vor.u32 s11, v6;
	v19 =	vadd.f32 v19, v17  }
0x276: {  	v21 =	vld.idx.msk [tilespmem:v21+s3+$0x0], $0xffff  }
0x277: {  	v24 =	vor.u32 s11, v7;
	v19 =	vadd.f32 v20, v19  }
0x278: {  	v20 =	vld.idx.msk [tilespmem:v22+s3+$0x0], $0xffff  }
0x279: {  	v22 =	vor.u32 s11, v8;
	v18 =	vadd.f32 v18, v19  }
0x27a: {  	v19 =	vld.idx.msk [tilespmem:v23+s3+$0x0], $0xffff  }
0x27b: {  	v23 =	vor.u32 s11, v9;
	v18 =	vadd.f32 v21, v18  }
0x27c: {  	v21 =	vld.idx.msk [tilespmem:v24+s3+$0x0], $0xffff  }
0x27d: {  	v57 =	vor.u32 s11, v10;
	v18 =	vadd.f32 v20, v18  }
0x27e: {  	v20 =	vld.idx.msk [tilespmem:v22+s3+$0x0], $0xffff  }
0x27f: {  	v22 =	vor.u32 s11, v11;
	v18 =	vadd.f32 v19, v18  }
0x280: {  	v19 =	vld.idx.msk [tilespmem:v23+s3+$0x0], $0xffff  }
0x281: {  	v23 =	vor.u32 s11, v12;
	v18 =	vadd.f32 v21, v18  }
0x282: {  	v21 =	vld.idx.msk [tilespmem:v57+s3+$0x0], $0xffff  }
0x283: {  	v58 =	vor.u32 s11, v13;
	v18 =	vadd.f32 v20, v18  }
0x284: {  	v20 =	vld.idx.msk [tilespmem:v22+s3+$0x0], $0xffff  }
0x285: {  	v22 =	vor.u32 s11, v14;
	v18 =	vadd.f32 v19, v18  }
0x286: {  	v19 =	vld.idx.msk [tilespmem:v23+s3+$0x0], $0xffff  }
0x287: {  	v23 =	vor.u32 s11, v15;
	v18 =	vadd.f32 v21, v18  }
0x288: {  	v21 =	vld.idx.msk [tilespmem:v58+s3+$0x0], $0xffff  }
0x289: {  	v59 =	vor.u32 s11, v16;
	v18 =	vadd.f32 v20, v18  }
0x28a: {  	v20 =	vld.idx.msk [tilespmem:v22+s3+$0x0], $0xffff  }
0x28b: {  	v18 =	vadd.f32 v19, v18  }
0x28c: {  	v19 =	vld.idx.msk [tilespmem:v23+s3+$0x0], $0xffff  }
0x28d: {  	v18 =	vadd.f32 v21, v18  }
0x28e: {  	v21 =	vld.idx.msk [tilespmem:v59+s3+$0x0], $0xffff  }
0x28f: {  	s28 =	simm.s32 $0x100;
	v18 =	vadd.f32 v20, v18  }
0x290: {  	v20 =	vor.u32 s28, v0  }
0x291: {  	v20 =	vand.u32 v1, v20;
	v18 =	vadd.f32 v19, v18;
	_ =	sdelay $0x1  }
0x292: {  	v19 =	vor.u32 s28, v2;
	v18 =	vadd.f32 v21, v18;
	_ =	sdelay $0x1  }
0x293: {  	v21 =	vor.u32 s28, v3;
	[tilespmem:s9+$0x0] =	vst v18  }
0x294: {  	v18 =	vld.idx.msk [tilespmem:v20+s3+$0x0], $0xffff  }
0x295: {  	v20 =	vor.u32 s28, v4  }
0x296: {  	v19 =	vld.idx.msk [tilespmem:v19+s3+$0x0], $0xffff  }
0x297: {  	v22 =	vor.u32 s28, v5  }
0x298: {  	v21 =	vld.idx.msk [tilespmem:v21+s3+$0x0], $0xffff  }
0x299: {  	v23 =	vor.u32 s28, v6;
	v18 =	vadd.f32 v18, v17  }
0x29a: {  	v20 =	vld.idx.msk [tilespmem:v20+s3+$0x0], $0xffff  }
0x29b: {  	v60 =	vor.u32 s28, v7;
	v18 =	vadd.f32 v19, v18  }
0x29c: {  	v19 =	vld.idx.msk [tilespmem:v22+s3+$0x0], $0xffff  }
0x29d: {  	v22 =	vor.u32 s28, v8;
	v18 =	vadd.f32 v21, v18  }
0x29e: {  	v21 =	vld.idx.msk [tilespmem:v23+s3+$0x0], $0xffff  }
0x29f: {  	v23 =	vor.u32 s28, v9;
	v18 =	vadd.f32 v20, v18  }
0x2a0: {  	v20 =	vld.idx.msk [tilespmem:v60+s3+$0x0], $0xffff  }
0x2a1: {  	v61 =	vor.u32 s28, v10;
	v18 =	vadd.f32 v19, v18  }
0x2a2: {  	v19 =	vld.idx.msk [tilespmem:v22+s3+$0x0], $0xffff  }
0x2a3: {  	v22 =	vor.u32 s28, v11;
	v18 =	vadd.f32 v21, v18  }
0x2a4: {  	v21 =	vld.idx.msk [tilespmem:v23+s3+$0x0], $0xffff  }
0x2a5: {  	v23 =	vor.u32 s28, v12;
	v18 =	vadd.f32 v20, v18  }
0x2a6: {  	v20 =	vld.idx.msk [tilespmem:v61+s3+$0x0], $0xffff  }
0x2a7: {  	v62 =	vor.u32 s28, v13;
	v18 =	vadd.f32 v19, v18  }
0x2a8: {  	v19 =	vld.idx.msk [tilespmem:v22+s3+$0x0], $0xffff  }
0x2a9: {  	v22 =	vor.u32 s28, v14;
	v18 =	vadd.f32 v21, v18  }
0x2aa: {  	v21 =	vld.idx.msk [tilespmem:v23+s3+$0x0], $0xffff  }
0x2ab: {  	v23 =	vor.u32 s28, v15;
	v18 =	vadd.f32 v20, v18  }
0x2ac: {  	v20 =	vld.idx.msk [tilespmem:v62+s3+$0x0], $0xffff  }
0x2ad: {  	v63 =	vor.u32 s28, v16;
	v18 =	vadd.f32 v19, v18  }
0x2ae: {  	v22 =	vld.idx.msk [tilespmem:v22+s3+$0x0], $0xffff  }
0x2af: {  	v18 =	vadd.f32 v21, v18  }
0x2b0: {  	v19 =	vld.idx.msk [tilespmem:v23+s3+$0x0], $0xffff  }
0x2b1: {  	v20 =	vadd.f32 v20, v18  }
0x2b2: {  	v18 =	vld.idx.msk [tilespmem:v63+s3+$0x0], $0xffff  }
0x2b3: {  	s10 =	simm.s32 $0x200;
	v20 =	vadd.f32 v22, v20  }
0x2b4: {  	s15 =	simm.s32 $0x300;
	v21 =	vor.u32 s10, v0  }
.LBB2_9:
0x2b5: {  	p1 =	sne.s32 s15, $0x400;
	v21 =	vand.u32 v1, v21;
	v19 =	vadd.f32 v19, v20;
	_ =	sdelay $0x1  }
0x2b6: {  	v20 =	vor.u32 s10, v2;
	v18 =	vadd.f32 v18, v19  }
0x2b7: {  	s9 =	sadd.s32 $0x10, s9  }
0x2b8: {  	v19 =	vor.u32 s10, v3;
	[tilespmem:s9+$0x0] =	vst v18  }
0x2b9: {  	v18 =	vld.idx.msk [tilespmem:v21+s3+$0x0], $0xffff  }
0x2ba: {  	v21 =	vor.u32 s10, v4  }
0x2bb: {  	v20 =	vld.idx.msk [tilespmem:v20+s3+$0x0], $0xffff  }
0x2bc: {  	v22 =	vor.u32 s10, v5  }
0x2bd: {  	v19 =	vld.idx.msk [tilespmem:v19+s3+$0x0], $0xffff  }
0x2be: {  	v23 =	vor.u32 s10, v6  }
0x2bf: {  	v18 =	vadd.f32 v18, v17;
	v21 =	vld.idx.msk [tilespmem:v21+s3+$0x0], $0xffff  }
0x2c0: {  	v24 =	vor.u32 s10, v7  }
0x2c1: {  	v18 =	vadd.f32 v20, v18;
	v20 =	vld.idx.msk [tilespmem:v22+s3+$0x0], $0xffff  }
0x2c2: {  	v22 =	vor.u32 s10, v8  }
0x2c3: {  	v18 =	vadd.f32 v19, v18;
	v19 =	vld.idx.msk [tilespmem:v23+s3+$0x0], $0xffff  }
0x2c4: {  	v23 =	vor.u32 s10, v9  }
0x2c5: {  	v18 =	vadd.f32 v21, v18;
	v21 =	vld.idx.msk [tilespmem:v24+s3+$0x0], $0xffff  }
0x2c6: {  	v24 =	vor.u32 s10, v10  }
0x2c7: {  	v18 =	vadd.f32 v20, v18;
	v20 =	vld.idx.msk [tilespmem:v22+s3+$0x0], $0xffff  }
0x2c8: {  	v22 =	vor.u32 s10, v11  }
0x2c9: {  	v18 =	vadd.f32 v19, v18;
	v19 =	vld.idx.msk [tilespmem:v23+s3+$0x0], $0xffff  }
0x2ca: {  	v23 =	vor.u32 s10, v12  }
0x2cb: {  	v18 =	vadd.f32 v21, v18;
	v21 =	vld.idx.msk [tilespmem:v24+s3+$0x0], $0xffff  }
0x2cc: {  	v24 =	vor.u32 s10, v13  }
0x2cd: {  	v18 =	vadd.f32 v20, v18;
	v20 =	vld.idx.msk [tilespmem:v22+s3+$0x0], $0xffff  }
0x2ce: {  	v22 =	vor.u32 s10, v14  }
0x2cf: {  	v18 =	vadd.f32 v19, v18;
	v19 =	vld.idx.msk [tilespmem:v23+s3+$0x0], $0xffff  }
0x2d0: {  	v23 =	vor.u32 s10, v15  }
0x2d1: {  	v18 =	vadd.f32 v21, v18;
	v21 =	vld.idx.msk [tilespmem:v24+s3+$0x0], $0xffff  }
0x2d2: {  	v24 =	vor.u32 s10, v16;
	s10 =	smov.u32 s15  }
0x2d3: {  	v18 =	vadd.f32 v20, v18;
	v20 =	vld.idx.msk [tilespmem:v22+s3+$0x0], $0xffff;
	_ =	sdelay $0x1  }
0x2d4: {  	v18 =	vadd.f32 v19, v18;
	v19 =	vld.idx.msk [tilespmem:v23+s3+$0x0], $0xffff  }
.Ltmp3:
0x2d5: {  	(pc) =	sbr.rel @p1 .LBB2_9-.Ltmp3, $3  }
0x2d6: {  	v21 =	vadd.f32 v21, v18;
	v18 =	vld.idx.msk [tilespmem:v24+s3+$0x0], $0xffff;
	_ =	sdelay $0x1  }
0x2d7: {  	v20 =	vadd.f32 v20, v21  }
0x2d8: {  	s15 =	sadd.s32 $0x100, s15;
	v21 =	vor.u32 s10, v0  }
0x2d9: {  	v21 =	vand.u32 v1, v21;
	v19 =	vadd.f32 v19, v20;
	_ =	sdelay $0x1  }
0x2da: {  	v20 =	vor.u32 s10, v2;
	v18 =	vadd.f32 v18, v19  }
0x2db: {  	s9 =	sadd.s32 $0x10, s9  }
0x2dc: {  	v19 =	vor.u32 s10, v3;
	[tilespmem:s9+$0x0] =	vst v18  }
0x2dd: {  	v18 =	vld.idx.msk [tilespmem:v21+s3+$0x0], $0xffff  }
0x2de: {  	v21 =	vor.u32 s10, v4  }
0x2df: {  	v20 =	vld.idx.msk [tilespmem:v20+s3+$0x0], $0xffff  }
0x2e0: {  	v22 =	vor.u32 s10, v5  }
0x2e1: {  	v19 =	vld.idx.msk [tilespmem:v19+s3+$0x0], $0xffff  }
0x2e2: {  	v23 =	vor.u32 s10, v6;
	v18 =	vadd.f32 v18, v17  }
0x2e3: {  	v21 =	vld.idx.msk [tilespmem:v21+s3+$0x0], $0xffff  }
0x2e4: {  	v24 =	vor.u32 s10, v7;
	v18 =	vadd.f32 v20, v18  }
0x2e5: {  	v20 =	vld.idx.msk [tilespmem:v22+s3+$0x0], $0xffff  }
0x2e6: {  	v22 =	vor.u32 s10, v8;
	v18 =	vadd.f32 v19, v18  }
0x2e7: {  	v19 =	vld.idx.msk [tilespmem:v23+s3+$0x0], $0xffff  }
0x2e8: {  	v23 =	vor.u32 s10, v9;
	v18 =	vadd.f32 v21, v18  }
0x2e9: {  	v21 =	vld.idx.msk [tilespmem:v24+s3+$0x0], $0xffff  }
0x2ea: {  	v43 =	vor.u32 s10, v10;
	v18 =	vadd.f32 v20, v18  }
0x2eb: {  	v20 =	vld.idx.msk [tilespmem:v22+s3+$0x0], $0xffff  }
0x2ec: {  	v22 =	vor.u32 s10, v11;
	v18 =	vadd.f32 v19, v18  }
0x2ed: {  	v19 =	vld.idx.msk [tilespmem:v23+s3+$0x0], $0xffff  }
0x2ee: {  	v23 =	vor.u32 s10, v12;
	v18 =	vadd.f32 v21, v18  }
0x2ef: {  	v21 =	vld.idx.msk [tilespmem:v43+s3+$0x0], $0xffff  }
0x2f0: {  	v44 =	vor.u32 s10, v13;
	v18 =	vadd.f32 v20, v18  }
0x2f1: {  	v20 =	vld.idx.msk [tilespmem:v22+s3+$0x0], $0xffff  }
0x2f2: {  	v22 =	vor.u32 s10, v14;
	v18 =	vadd.f32 v19, v18  }
0x2f3: {  	v19 =	vld.idx.msk [tilespmem:v23+s3+$0x0], $0xffff  }
0x2f4: {  	v23 =	vor.u32 s10, v15;
	v18 =	vadd.f32 v21, v18  }
0x2f5: {  	v21 =	vld.idx.msk [tilespmem:v44+s3+$0x0], $0xffff  }
0x2f6: {  	v45 =	vor.u32 s10, v16;
	v18 =	vadd.f32 v20, v18  }
0x2f7: {  	v20 =	vld.idx.msk [tilespmem:v22+s3+$0x0], $0xffff  }
0x2f8: {  	v18 =	vadd.f32 v19, v18  }
0x2f9: {  	v19 =	vld.idx.msk [tilespmem:v23+s3+$0x0], $0xffff  }
0x2fa: {  	v18 =	vadd.f32 v21, v18  }
0x2fb: {  	v21 =	vld.idx.msk [tilespmem:v45+s3+$0x0], $0xffff  }
0x2fc: {  	v18 =	vadd.f32 v20, v18;
	_ =	sdelay $0x1  }
0x2fd: {  	v18 =	vadd.f32 v19, v18;
	_ =	sdelay $0x1  }
0x2fe: {  	v18 =	vadd.f32 v21, v18  }
0x2ff: {  	s25 =	sshrl.u32 s18, $0x3;
	s9 =	sadd.s32 $0x10, s9  }
0x300: {  	s28 =	simm.s32 $0xF800;
	s26 =	sadd.s32 s2, s25;
	[tilespmem:s9+$0x0] =	vst v18  }
0x301: {  	[hbm4b:s26+s3] =	stream.linear.scatter [tilespmem:s28], [sflag:$0x6], $0x50, $0x38;
	[tilespmem:$0x1EB80] =	vst v63  }
0x302: {  	_ =	swait.ge [sflag:s12], $0x50  }
0x303: {  	[sflag:s12] =	ssyncset.done $0x0  }
0x304: {  	[sflag:s12] =	ssyncadd.s32 $0xFFFFFFB0  }
0x305: {  	_ =	swait.ge [sflag:s12], $0x50  }
0x306: {  	s11 =	simm.s32 $0x680;
	[sflag:s12] =	ssyncset.done $0x0  }
0x307: {  	p1 =	seq.s32 s22, $0x1E;
	s10 =	sadd.s32 $0x5, s14;
	[sflag:s12] =	ssyncadd.s32 $0xFFFFFFB0  }
0x308: {  	[tilespmem:s11], [sflag:$0x2] =	stream.indirect.gather [hbm4b:s4+s13], $0x80, s31, s13, $0xb8;
	[tilespmem:$0x1EB80] =	vst v63  }
0x309: {  	s15 =	simm.s32 $0x2E80;
	s16 =	sshll.u32 s17, $0x4;
	s10 =	smul.u32 @!p1 $0x50, s10  }
0x30a: {  	[tilespmem:s15], [sflag:$0x2] =	stream.indirect.gather [hbm4b:s4+s13], $0x80, s0, s13, $0xb8;
	[tilespmem:$0x1EB80] =	vst v63  }
0x30b: {  	s14 =	sadd.s32 @!p1 s6, s10;
	s9 =	sadd.s32 s5, s16;
	s11 =	simm.s32 $0x5680  }
0x30c: {  	[tilespmem:s11], [sflag:$0x2] =	stream.linear.gather [hbm4b:s9+s3], $0x2800, $0x38;
	[tilespmem:$0x1EB80] =	vst v63  }
0x30d: {  	s9 =	sshrl.u32 @!p1 s14, $0x3  }
0x30e: {  	s15 =	simm.s32 @!p1 $0x7F00;
	s11 =	simm.s32 @!p1 $0x0;
	s10 =	sadd.s32 @!p1 s7, s9  }
0x30f: {  	[tilespmem:s15], [sflag:$0x4] =	stream.linear.gather @!p1 [hbm4b:s10+s11], $0x50, $0x38;
	[tilespmem:$0x1EB80] =	vst v63  }
0x310: {  	s9 =	sadd.s32 @!p1 s8, s9;
	s10 =	simm.s32 @!p1 $0x7F80  }
0x311: {  	[tilespmem:s10], [sflag:$0x4] =	stream.linear.gather @!p1 [hbm4b:s9+s11], $0x50, $0x38;
	[tilespmem:$0x1EB80] =	vst v63  }
0x312: {  	_ =	swait.ge [sflag:s21], $0x2800  }
0x313: {  	[sflag:s21] =	ssyncset.done $0x0  }
0x314: {  	[sflag:s21] =	ssyncadd.s32 $0xFFFFD800  }
0x315: {  	_ =	swait.ge [sflag:s21], $0x2800  }
0x316: {  	[sflag:s21] =	ssyncset.done $0x0  }
0x317: {  	[sflag:s21] =	ssyncadd.s32 $0xFFFFD800  }
0x318: {  	_ =	swait.ge [sflag:s21], $0x2800  }
0x319: {  	[sflag:s21] =	ssyncset.done $0x0  }
0x31a: {  	s9 =	simm.s32 @!p0 $0x9;
	[sflag:s21] =	ssyncadd.s32 $0xFFFFD800  }
0x31b: {  	_ =	swait.ge @!p0 [sflag:s9], $0x50  }
0x31c: {  	[sflag:s9] =	ssyncset.done @!p0 $0x0  }
0x31d: {  	s17 =	simm.s32 $0x14A00;
	[sflag:s9] =	ssyncadd.s32 @!p0 $0xFFFFFFB0  }
0x31e: {  	s26 =	simm.s32 $0x12240;
	v18 =	vld [tilespmem:s17+$0xFFFFFFA0]  }
0x31f: {  	s18 =	simm.s32 $0xFA00;
	v19 =	vld [tilespmem:s26+$0xFFFFFFA0]  }
0x320: {  	v20 =	vld [tilespmem:s18+$0xFFFFFFA0]  }
0x321: {  	v21 =	vld [tilespmem:s18+$0xFFFFFF80]  }
0x322: {  	v22 =	vld [tilespmem:s26+$0xFFFFFF90]  }
0x323: {  	v23 =	vld [tilespmem:s18+$0xFFFFFF90]  }
0x324: {  	v46 =	vld [tilespmem:s26+$0xFFFFFF80]  }
0x325: {  	v25 =	vld [tilespmem:s17+$0xFFFFFF90]  }
0x326: {  	v26 =	vld [tilespmem:s17+$0xFFFFFF80]  }
0x327: {  	v19 =	vadd.f32 v19, v20  }
0x328: {  	v20 =	vld [tilespmem:s26+$0xFFFFFFB0];
	v22 =	vadd.f32 v22, v23  }
0x329: {  	v23 =	vld [tilespmem:s18+$0xFFFFFFB0];
	v18 =	vadd.f32 v18, v19;
	v19 =	vadd.f32 v46, v21  }
0x32a: {  	v21 =	vadd.f32 v25, v22  }
0x32b: {  	v22 =	vld [tilespmem:s17+$0xFFFFFFB0];
	v47 =	vsub.f32 $0.0e+00, v18;
	v19 =	vadd.f32 v26, v19  }
0x32c: {  	v25 =	vsub.f32 $0.0e+00, v21  }
0x32d: {  	v24 =	vmul.f32 $1.442695020e+00, v47;
	v26 =	vsub.f32 $0.0e+00, v19  }
0x32e: {  	v20 =	vadd.f32 v20, v23;
	v23 =	vmul.f32 $1.442695020e+00, v25  }
0x32f: {  	(erf) = vpow2.f32 v24;
	v48 =	vmul.f32 $1.442695020e+00, v26  }
0x330: {  	v20 =	vadd.f32 v22, v20;
	(erf) = vpow2.f32 v23  }
0x331: {  	(erf) = vpow2.f32 v48  }
0x332: {  	v22 =	vsub.f32 $0.0e+00, v20;
	_ =	sdelay $0x1  }
0x333: {  	v22 =	vmul.f32 $1.442695020e+00, v22;
	_ =	sdelay $0x1  }
0x334: {  	(erf) = vpow2.f32 v22;
	_ =	sdelay $0x1  }
0x335: {  	v22 =	vpop (erf)  }
0x336: {  	v22 =	vadd.f32 $1.000000000e+00, v22;
	v23 =	vpop (erf)  }
0x337: {  	v24 =	vpop (erf)  }
0x338: {  	v23 =	vadd.f32 $1.000000000e+00, v23;
	(erf) = vrcp.f32 v22;
	v22 =	vadd.f32 $1.000000000e+00, v24;
	_ =	sdelay $0x1  }
0x339: {  	(erf) = vrcp.f32 v23  }
0x33a: {  	(erf) = vrcp.f32 v22  }
0x33b: {  	v22 =	vpop (erf)  }
0x33c: {  	v22 =	vadd.f32 $1.000000000e+00, v22;
	_ =	sdelay $0x1  }
0x33d: {  	(erf) = vrcp.f32 v22;
	_ =	sdelay $0x1  }
0x33e: {  	v49 =	vld [tilespmem:$0x500]  }
0x33f: {  	v22 =	vld [tilespmem:$0x510];
	v23 =	vpop (erf)  }
0x340: {  	v50 =	vpop (erf)  }
0x341: {  	v51 =	vld [tilespmem:$0x520];
	v27 =	vpop (erf)  }
0x342: {  	v21 =	vmul.f32 v50, v21;
	v19 =	vmul.f32 v27, v19  }
0x343: {  	v18 =	vmul.f32 v23, v18;
	v23 =	vld [tilespmem:$0x530]  }
0x344: {  	v21 =	vmul.f32 v21, v22;
	v19 =	vmul.f32 v19, v49  }
0x345: {  	v22 =	vpop (erf)  }
0x346: {  	v18 =	vmul.f32 v18, v51;
	v19 =	vadd.f32 v21, v19;
	v20 =	vmul.f32 v22, v20;
	_ =	sdelay $0x1  }
0x347: {  	v18 =	vadd.f32 v18, v19;
	v19 =	vmul.f32 v20, v23;
	_ =	sdelay $0x1  }
0x348: {  	v18 =	vadd.f32 v19, v18  }
0x349: {  	s25 =	simm.s32 $0x10  }
0x34a: {  	[tilespmem:s25+$0xFFFFFFF0] =	vst v18  }
0x34b: {  	v18 =	vld [tilespmem:s26+$0x20]  }
0x34c: {  	v19 =	vld [tilespmem:s17+$0x10]  }
0x34d: {  	v20 =	vld [tilespmem:s26+$0x10]  }
0x34e: {  	v21 =	vld [tilespmem:s18+$0x0]  }
0x34f: {  	v22 =	vld [tilespmem:s18+$0x10]  }
0x350: {  	v23 =	vld [tilespmem:s26+$0x0]  }
0x351: {  	v52 =	vld [tilespmem:s18+$0x20]  }
0x352: {  	v53 =	vld [tilespmem:s17+$0x0]  }
0x353: {  	v54 =	vld [tilespmem:s17+$0x20]  }
0x354: {  	v55 =	vld [tilespmem:s18+$0x30]  }
0x355: {  	v21 =	vadd.f32 v23, v21;
	v23 =	vld [tilespmem:s26+$0x30]  }
0x356: {  	v20 =	vadd.f32 v20, v22  }
0x357: {  	v18 =	vadd.f32 v18, v52;
	v22 =	vld [tilespmem:s17+$0x30];
	v21 =	vadd.f32 v53, v21  }
0x358: {  	v19 =	vadd.f32 v19, v20  }
0x359: {  	v20 =	vadd.f32 v54, v18;
	v18 =	vsub.f32 $0.0e+00, v21  }
0x35a: {  	v56 =	vsub.f32 $0.0e+00, v19;
	v23 =	vadd.f32 v23, v55  }
0x35b: {  	v57 =	vsub.f32 $0.0e+00, v20;
	v58 =	vmul.f32 $1.442695020e+00, v18  }
0x35c: {  	v24 =	vmul.f32 $1.442695020e+00, v56;
	v18 =	vadd.f32 v22, v23  }
0x35d: {  	v22 =	vmul.f32 $1.442695020e+00, v57;
	(erf) = vpow2.f32 v58  }
0x35e: {  	v23 =	vsub.f32 $0.0e+00, v18;
	(erf) = vpow2.f32 v24  }
0x35f: {  	(erf) = vpow2.f32 v22  }
0x360: {  	v22 =	vmul.f32 $1.442695020e+00, v23;
	_ =	sdelay $0x1  }
0x361: {  	(erf) = vpow2.f32 v22;
	_ =	sdelay $0x3  }
0x362: {  	v22 =	vpop (erf)  }
0x363: {  	v22 =	vadd.f32 $1.000000000e+00, v22;
	v23 =	vpop (erf)  }
0x364: {  	v23 =	vadd.f32 $1.000000000e+00, v23;
	v59 =	vpop (erf)  }
0x365: {  	v24 =	vadd.f32 $1.000000000e+00, v59;
	(erf) = vrcp.f32 v22  }
0x366: {  	(erf) = vrcp.f32 v23  }
0x367: {  	(erf) = vrcp.f32 v24;
	v22 =	vpop (erf)  }
0x368: {  	v22 =	vadd.f32 $1.000000000e+00, v22;
	_ =	sdelay $0x1  }
0x369: {  	(erf) = vrcp.f32 v22;
	_ =	sdelay $0x1  }
0x36a: {  	v23 =	vld [tilespmem:$0x500]  }
0x36b: {  	v22 =	vld [tilespmem:$0x510]  }
0x36c: {  	v60 =	vld [tilespmem:$0x520];
	v61 =	vpop (erf)  }
0x36d: {  	v62 =	vpop (erf)  }
0x36e: {  	v21 =	vmul.f32 v61, v21;
	v63 =	vpop (erf);
	v26 =	vmul.f32 v62, v19  }
0x36f: {  	v19 =	vld [tilespmem:$0x530];
	v20 =	vmul.f32 v63, v20  }
0x370: {  	s16 =	simm.s32 $0x0;
	s15 =	simm.s32 $0x14B00;
	s28 =	rddreg [dreg:$0x9];
	v21 =	vmul.f32 v21, v23;
	v22 =	vmul.f32 v26, v22  }
0x371: {  	s10 =	simm.s32 $0x10;
	s17 =	sadd.s32 s1, s28;
	s26 =	simm.s32 $0x12340;
	v20 =	vmul.f32 v20, v60;
	v23 =	vpop (erf)  }
.LBB2_11:
0x372: {  	s16 =	sadd.s32 $0x2, s16;
	v21 =	vadd.f32 v22, v21;
	v18 =	vmul.f32 v23, v18;
	s25 =	sadd.s32 $0x20, s25;
	s18 =	sadd.s32 $0x100, s18  }
0x373: {  	p2 =	slt.u32 s16, $0x4E  }
0x374: {  	v20 =	vadd.f32 v20, v21;
	v18 =	vmul.f32 v18, v19;
	_ =	sdelay $0x1  }
0x375: {  	v18 =	vadd.f32 v18, v20;
	_ =	sdelay $0x1  }
0x376: {  	[tilespmem:s10+$0x0] =	vst v18;
	s10 =	smov.u32 s25  }
0x377: {  	v18 =	vld [tilespmem:s15+$0xFFFFFFA0]  }
0x378: {  	v19 =	vld [tilespmem:s26+$0xFFFFFFA0]  }
0x379: {  	v20 =	vld [tilespmem:s18+$0xFFFFFFA0]  }
0x37a: {  	v21 =	vld [tilespmem:s18+$0xFFFFFF80]  }
0x37b: {  	v22 =	vld [tilespmem:s26+$0xFFFFFF90]  }
0x37c: {  	v23 =	vld [tilespmem:s18+$0xFFFFFF90]  }
0x37d: {  	v24 =	vld [tilespmem:s26+$0xFFFFFF80]  }
0x37e: {  	v25 =	vld [tilespmem:s15+$0xFFFFFF90];
	v19 =	vadd.f32 v19, v20  }
0x37f: {  	v20 =	vld [tilespmem:s15+$0xFFFFFF80]  }
0x380: {  	v18 =	vadd.f32 v18, v19;
	v19 =	vld [tilespmem:s26+$0xFFFFFFB0]  }
0x381: {  	v22 =	vadd.f32 v22, v23;
	v23 =	vld [tilespmem:s18+$0xFFFFFFB0]  }
0x382: {  	v21 =	vadd.f32 v24, v21;
	v24 =	vsub.f32 $0.0e+00, v18  }
0x383: {  	v22 =	vadd.f32 v25, v22;
	v25 =	vld [tilespmem:s15+$0xFFFFFFB0]  }
0x384: {  	v20 =	vadd.f32 v20, v21;
	v21 =	vmul.f32 $1.442695020e+00, v24  }
0x385: {  	v24 =	vsub.f32 $0.0e+00, v22  }
0x386: {  	v26 =	vsub.f32 $0.0e+00, v20;
	v19 =	vadd.f32 v19, v23;
	(erf) = vpow2.f32 v21  }
0x387: {  	v21 =	vmul.f32 $1.442695020e+00, v24  }
0x388: {  	v23 =	vmul.f32 $1.442695020e+00, v26;
	v19 =	vadd.f32 v25, v19  }
0x389: {  	(erf) = vpow2.f32 v21  }
0x38a: {  	v21 =	vsub.f32 $0.0e+00, v19;
	(erf) = vpow2.f32 v23;
	_ =	sdelay $0x1  }
0x38b: {  	v23 =	vmul.f32 $1.442695020e+00, v21;
	_ =	sdelay $0x1  }
0x38c: {  	(erf) = vpow2.f32 v23  }
0x38d: {  	v21 =	vpop (erf)  }
0x38e: {  	v21 =	vadd.f32 $1.000000000e+00, v21;
	_ =	sdelay $0x1  }
0x38f: {  	v23 =	vpop (erf);
	(erf) = vrcp.f32 v21  }
0x390: {  	v21 =	vadd.f32 $1.000000000e+00, v23;
	v23 =	vpop (erf)  }
0x391: {  	v23 =	vadd.f32 $1.000000000e+00, v23  }
0x392: {  	(erf) = vrcp.f32 v21  }
0x393: {  	(erf) = vrcp.f32 v23  }
0x394: {  	v21 =	vpop (erf)  }
0x395: {  	v23 =	vadd.f32 $1.000000000e+00, v21;
	_ =	sdelay $0x1  }
0x396: {  	(erf) = vrcp.f32 v23  }
0x397: {  	v21 =	vpop (erf)  }
0x398: {  	v23 =	vld [tilespmem:$0x510];
	v18 =	vmul.f32 v21, v18  }
0x399: {  	v21 =	vld [tilespmem:$0x500]  }
0x39a: {  	v24 =	vpop (erf)  }
0x39b: {  	v22 =	vmul.f32 v24, v22;
	v24 =	vld [tilespmem:$0x520];
	v25 =	vpop (erf)  }
0x39c: {  	v20 =	vmul.f32 v25, v20  }
0x39d: {  	v25 =	vld [tilespmem:$0x530]  }
0x39e: {  	v20 =	vmul.f32 v20, v21;
	v21 =	vmul.f32 v22, v23  }
0x39f: {  	v22 =	vpop (erf)  }
0x3a0: {  	v20 =	vadd.f32 v21, v20;
	v18 =	vmul.f32 v18, v24;
	v19 =	vmul.f32 v22, v19;
	_ =	sdelay $0x1  }
0x3a1: {  	v18 =	vadd.f32 v18, v20;
	v19 =	vmul.f32 v19, v25;
	_ =	sdelay $0x1  }
0x3a2: {  	v18 =	vadd.f32 v19, v18;
	_ =	sdelay $0x1  }
0x3a3: {  	[tilespmem:s25+$0xFFFFFFF0] =	vst v18  }
0x3a4: {  	v18 =	vld [tilespmem:s26+$0x20]  }
0x3a5: {  	v19 =	vld [tilespmem:s15+$0x10]  }
0x3a6: {  	v20 =	vld [tilespmem:s26+$0x10]  }
0x3a7: {  	v21 =	vld [tilespmem:s18+$0x0]  }
0x3a8: {  	v22 =	vld [tilespmem:s18+$0x10]  }
0x3a9: {  	v23 =	vld [tilespmem:s26+$0x0]  }
0x3aa: {  	v24 =	vld [tilespmem:s18+$0x20]  }
0x3ab: {  	v25 =	vld [tilespmem:s15+$0x0]  }
0x3ac: {  	v26 =	vld [tilespmem:s15+$0x20]  }
0x3ad: {  	v20 =	vadd.f32 v20, v22;
	v22 =	vld [tilespmem:s18+$0x30]  }
0x3ae: {  	v21 =	vadd.f32 v23, v21;
	v23 =	vld [tilespmem:s26+$0x30]  }
0x3af: {  	v18 =	vadd.f32 v18, v24  }
0x3b0: {  	v19 =	vadd.f32 v19, v20;
	v21 =	vadd.f32 v25, v21;
	v20 =	vld [tilespmem:s15+$0x30]  }
0x3b1: {  	v24 =	vadd.f32 v26, v18  }
0x3b2: {  	v25 =	vsub.f32 $0.0e+00, v19;
	v18 =	vsub.f32 $0.0e+00, v21  }
0x3b3: {  	v26 =	vsub.f32 $0.0e+00, v24;
	v22 =	vadd.f32 v23, v22  }
0x3b4: {  	v25 =	vmul.f32 $1.442695020e+00, v25;
	v23 =	vmul.f32 $1.442695020e+00, v18  }
0x3b5: {  	v26 =	vmul.f32 $1.442695020e+00, v26;
	v18 =	vadd.f32 v20, v22  }
0x3b6: {  	(erf) = vpow2.f32 v23  }
0x3b7: {  	v20 =	vsub.f32 $0.0e+00, v18;
	(erf) = vpow2.f32 v25  }
0x3b8: {  	(erf) = vpow2.f32 v26  }
0x3b9: {  	v20 =	vmul.f32 $1.442695020e+00, v20;
	_ =	sdelay $0x1  }
0x3ba: {  	(erf) = vpow2.f32 v20;
	_ =	sdelay $0x3  }
0x3bb: {  	v20 =	vpop (erf)  }
0x3bc: {  	v20 =	vadd.f32 $1.000000000e+00, v20;
	v22 =	vpop (erf)  }
0x3bd: {  	v22 =	vadd.f32 $1.000000000e+00, v22;
	v23 =	vpop (erf)  }
0x3be: {  	v23 =	vadd.f32 $1.000000000e+00, v23;
	(erf) = vrcp.f32 v20  }
0x3bf: {  	(erf) = vrcp.f32 v22  }
0x3c0: {  	(erf) = vrcp.f32 v23;
	v20 =	vpop (erf)  }
0x3c1: {  	v20 =	vadd.f32 $1.000000000e+00, v20;
	_ =	sdelay $0x1  }
0x3c2: {  	(erf) = vrcp.f32 v20;
	_ =	sdelay $0x1  }
0x3c3: {  	v20 =	vld [tilespmem:$0x510]  }
0x3c4: {  	v22 =	vld [tilespmem:$0x500]  }
0x3c5: {  	v23 =	vld [tilespmem:$0x520];
	v25 =	vpop (erf)  }
.Ltmp4:
0x3c6: {  	v21 =	vmul.f32 v25, v21;
	v25 =	vpop (erf);
	(pc) =	sbr.rel @p2 .LBB2_11-.Ltmp4, $4  }
0x3c7: {  	v25 =	vmul.f32 v25, v19;
	v19 =	vpop (erf)  }
0x3c8: {  	v24 =	vmul.f32 v19, v24;
	v19 =	vld [tilespmem:$0x530]  }
0x3c9: {  	s9 =	simm.s32 $0x17180;
	v21 =	vmul.f32 v21, v22;
	v22 =	vmul.f32 v25, v20  }
0x3ca: {  	s11 =	simm.s32 $0x0;
	s26 =	sadd.s32 $0x100, s26;
	s15 =	sadd.s32 $0x100, s15;
	v20 =	vmul.f32 v24, v23;
	v23 =	vpop (erf)  }
0x3cb: {  	v21 =	vadd.f32 v22, v21;
	v18 =	vmul.f32 v23, v18  }
0x3cc: {  	v22 =	vor.u32 s11, v0  }
0x3cd: {  	v20 =	vadd.f32 v20, v21;
	v18 =	vmul.f32 v18, v19;
	v19 =	vand.u32 v1, v22;
	_ =	sdelay $0x1  }
0x3ce: {  	v18 =	vadd.f32 v18, v20;
	v20 =	vor.u32 s11, v2;
	_ =	sdelay $0x1  }
0x3cf: {  	[tilespmem:s10+$0x0] =	vst v18;
	v18 =	vor.u32 s11, v3  }
0x3d0: {  	v19 =	vld.idx.msk [tilespmem:v19+s3+$0x0], $0xffff  }
0x3d1: {  	v21 =	vor.u32 s11, v4  }
0x3d2: {  	v20 =	vld.idx.msk [tilespmem:v20+s3+$0x0], $0xffff  }
0x3d3: {  	v22 =	vor.u32 s11, v5  }
0x3d4: {  	v18 =	vld.idx.msk [tilespmem:v18+s3+$0x0], $0xffff  }
0x3d5: {  	v23 =	vor.u32 s11, v6;
	v19 =	vadd.f32 v19, v17  }
0x3d6: {  	v21 =	vld.idx.msk [tilespmem:v21+s3+$0x0], $0xffff  }
0x3d7: {  	v24 =	vor.u32 s11, v7;
	v19 =	vadd.f32 v20, v19  }
0x3d8: {  	v20 =	vld.idx.msk [tilespmem:v22+s3+$0x0], $0xffff  }
0x3d9: {  	v22 =	vor.u32 s11, v8;
	v18 =	vadd.f32 v18, v19  }
0x3da: {  	v19 =	vld.idx.msk [tilespmem:v23+s3+$0x0], $0xffff  }
0x3db: {  	v23 =	vor.u32 s11, v9;
	v18 =	vadd.f32 v21, v18  }
0x3dc: {  	v21 =	vld.idx.msk [tilespmem:v24+s3+$0x0], $0xffff  }
0x3dd: {  	v57 =	vor.u32 s11, v10;
	v18 =	vadd.f32 v20, v18  }
0x3de: {  	v20 =	vld.idx.msk [tilespmem:v22+s3+$0x0], $0xffff  }
0x3df: {  	v22 =	vor.u32 s11, v11;
	v18 =	vadd.f32 v19, v18  }
0x3e0: {  	v19 =	vld.idx.msk [tilespmem:v23+s3+$0x0], $0xffff  }
0x3e1: {  	v23 =	vor.u32 s11, v12;
	v18 =	vadd.f32 v21, v18  }
0x3e2: {  	v21 =	vld.idx.msk [tilespmem:v57+s3+$0x0], $0xffff  }
0x3e3: {  	v58 =	vor.u32 s11, v13;
	v18 =	vadd.f32 v20, v18  }
0x3e4: {  	v20 =	vld.idx.msk [tilespmem:v22+s3+$0x0], $0xffff  }
0x3e5: {  	v22 =	vor.u32 s11, v14;
	v18 =	vadd.f32 v19, v18  }
0x3e6: {  	v19 =	vld.idx.msk [tilespmem:v23+s3+$0x0], $0xffff  }
0x3e7: {  	v23 =	vor.u32 s11, v15;
	v18 =	vadd.f32 v21, v18  }
0x3e8: {  	v21 =	vld.idx.msk [tilespmem:v58+s3+$0x0], $0xffff  }
0x3e9: {  	v59 =	vor.u32 s11, v16;
	v18 =	vadd.f32 v20, v18  }
0x3ea: {  	v20 =	vld.idx.msk [tilespmem:v22+s3+$0x0], $0xffff  }
0x3eb: {  	v18 =	vadd.f32 v19, v18  }
0x3ec: {  	v19 =	vld.idx.msk [tilespmem:v23+s3+$0x0], $0xffff  }
0x3ed: {  	v18 =	vadd.f32 v21, v18  }
0x3ee: {  	v21 =	vld.idx.msk [tilespmem:v59+s3+$0x0], $0xffff  }
0x3ef: {  	s28 =	simm.s32 $0x100;
	v18 =	vadd.f32 v20, v18  }
0x3f0: {  	v20 =	vor.u32 s28, v0  }
0x3f1: {  	v20 =	vand.u32 v1, v20;
	v18 =	vadd.f32 v19, v18;
	_ =	sdelay $0x1  }
0x3f2: {  	v19 =	vor.u32 s28, v2;
	v18 =	vadd.f32 v21, v18;
	_ =	sdelay $0x1  }
0x3f3: {  	v21 =	vor.u32 s28, v3;
	[tilespmem:s9+$0x0] =	vst v18  }
0x3f4: {  	v18 =	vld.idx.msk [tilespmem:v20+s3+$0x0], $0xffff  }
0x3f5: {  	v20 =	vor.u32 s28, v4  }
0x3f6: {  	v19 =	vld.idx.msk [tilespmem:v19+s3+$0x0], $0xffff  }
0x3f7: {  	v22 =	vor.u32 s28, v5  }
0x3f8: {  	v21 =	vld.idx.msk [tilespmem:v21+s3+$0x0], $0xffff  }
0x3f9: {  	v23 =	vor.u32 s28, v6;
	v18 =	vadd.f32 v18, v17  }
0x3fa: {  	v20 =	vld.idx.msk [tilespmem:v20+s3+$0x0], $0xffff  }
0x3fb: {  	v60 =	vor.u32 s28, v7;
	v18 =	vadd.f32 v19, v18  }
0x3fc: {  	v19 =	vld.idx.msk [tilespmem:v22+s3+$0x0], $0xffff  }
0x3fd: {  	v22 =	vor.u32 s28, v8;
	v18 =	vadd.f32 v21, v18  }
0x3fe: {  	v21 =	vld.idx.msk [tilespmem:v23+s3+$0x0], $0xffff  }
0x3ff: {  	v23 =	vor.u32 s28, v9;
	v18 =	vadd.f32 v20, v18  }
0x400: {  	v20 =	vld.idx.msk [tilespmem:v60+s3+$0x0], $0xffff  }
0x401: {  	v61 =	vor.u32 s28, v10;
	v18 =	vadd.f32 v19, v18  }
0x402: {  	v19 =	vld.idx.msk [tilespmem:v22+s3+$0x0], $0xffff  }
0x403: {  	v22 =	vor.u32 s28, v11;
	v18 =	vadd.f32 v21, v18  }
0x404: {  	v21 =	vld.idx.msk [tilespmem:v23+s3+$0x0], $0xffff  }
0x405: {  	v23 =	vor.u32 s28, v12;
	v18 =	vadd.f32 v20, v18  }
0x406: {  	v20 =	vld.idx.msk [tilespmem:v61+s3+$0x0], $0xffff  }
0x407: {  	v62 =	vor.u32 s28, v13;
	v18 =	vadd.f32 v19, v18  }
0x408: {  	v19 =	vld.idx.msk [tilespmem:v22+s3+$0x0], $0xffff  }
0x409: {  	v22 =	vor.u32 s28, v14;
	v18 =	vadd.f32 v21, v18  }
0x40a: {  	v21 =	vld.idx.msk [tilespmem:v23+s3+$0x0], $0xffff  }
0x40b: {  	v23 =	vor.u32 s28, v15;
	v18 =	vadd.f32 v20, v18  }
0x40c: {  	v20 =	vld.idx.msk [tilespmem:v62+s3+$0x0], $0xffff  }
0x40d: {  	v63 =	vor.u32 s28, v16;
	v18 =	vadd.f32 v19, v18  }
0x40e: {  	v22 =	vld.idx.msk [tilespmem:v22+s3+$0x0], $0xffff  }
0x40f: {  	v18 =	vadd.f32 v21, v18  }
0x410: {  	v19 =	vld.idx.msk [tilespmem:v23+s3+$0x0], $0xffff  }
0x411: {  	v20 =	vadd.f32 v20, v18  }
0x412: {  	v18 =	vld.idx.msk [tilespmem:v63+s3+$0x0], $0xffff  }
0x413: {  	s10 =	simm.s32 $0x200;
	v20 =	vadd.f32 v22, v20  }
0x414: {  	s15 =	simm.s32 $0x300;
	v21 =	vor.u32 s10, v0  }
.LBB2_13:
0x415: {  	p2 =	sne.s32 s15, $0x400;
	v21 =	vand.u32 v1, v21;
	v19 =	vadd.f32 v19, v20;
	_ =	sdelay $0x1  }
0x416: {  	v20 =	vor.u32 s10, v2;
	v18 =	vadd.f32 v18, v19  }
0x417: {  	s9 =	sadd.s32 $0x10, s9  }
0x418: {  	v19 =	vor.u32 s10, v3;
	[tilespmem:s9+$0x0] =	vst v18  }
0x419: {  	v18 =	vld.idx.msk [tilespmem:v21+s3+$0x0], $0xffff  }
0x41a: {  	v21 =	vor.u32 s10, v4  }
0x41b: {  	v20 =	vld.idx.msk [tilespmem:v20+s3+$0x0], $0xffff  }
0x41c: {  	v22 =	vor.u32 s10, v5  }
0x41d: {  	v19 =	vld.idx.msk [tilespmem:v19+s3+$0x0], $0xffff  }
0x41e: {  	v23 =	vor.u32 s10, v6  }
0x41f: {  	v18 =	vadd.f32 v18, v17;
	v21 =	vld.idx.msk [tilespmem:v21+s3+$0x0], $0xffff  }
0x420: {  	v24 =	vor.u32 s10, v7  }
0x421: {  	v18 =	vadd.f32 v20, v18;
	v20 =	vld.idx.msk [tilespmem:v22+s3+$0x0], $0xffff  }
0x422: {  	v22 =	vor.u32 s10, v8  }
0x423: {  	v18 =	vadd.f32 v19, v18;
	v19 =	vld.idx.msk [tilespmem:v23+s3+$0x0], $0xffff  }
0x424: {  	v23 =	vor.u32 s10, v9  }
0x425: {  	v18 =	vadd.f32 v21, v18;
	v21 =	vld.idx.msk [tilespmem:v24+s3+$0x0], $0xffff  }
0x426: {  	v24 =	vor.u32 s10, v10  }
0x427: {  	v18 =	vadd.f32 v20, v18;
	v20 =	vld.idx.msk [tilespmem:v22+s3+$0x0], $0xffff  }
0x428: {  	v22 =	vor.u32 s10, v11  }
0x429: {  	v18 =	vadd.f32 v19, v18;
	v19 =	vld.idx.msk [tilespmem:v23+s3+$0x0], $0xffff  }
0x42a: {  	v23 =	vor.u32 s10, v12  }
0x42b: {  	v18 =	vadd.f32 v21, v18;
	v21 =	vld.idx.msk [tilespmem:v24+s3+$0x0], $0xffff  }
0x42c: {  	v24 =	vor.u32 s10, v13  }
0x42d: {  	v18 =	vadd.f32 v20, v18;
	v20 =	vld.idx.msk [tilespmem:v22+s3+$0x0], $0xffff  }
0x42e: {  	v22 =	vor.u32 s10, v14  }
0x42f: {  	v18 =	vadd.f32 v19, v18;
	v19 =	vld.idx.msk [tilespmem:v23+s3+$0x0], $0xffff  }
0x430: {  	v23 =	vor.u32 s10, v15  }
0x431: {  	v18 =	vadd.f32 v21, v18;
	v21 =	vld.idx.msk [tilespmem:v24+s3+$0x0], $0xffff  }
0x432: {  	v24 =	vor.u32 s10, v16;
	s10 =	smov.u32 s15  }
0x433: {  	v18 =	vadd.f32 v20, v18;
	v20 =	vld.idx.msk [tilespmem:v22+s3+$0x0], $0xffff;
	_ =	sdelay $0x1  }
0x434: {  	v18 =	vadd.f32 v19, v18;
	v19 =	vld.idx.msk [tilespmem:v23+s3+$0x0], $0xffff  }
.Ltmp5:
0x435: {  	(pc) =	sbr.rel @p2 .LBB2_13-.Ltmp5, $3  }
0x436: {  	v21 =	vadd.f32 v21, v18;
	v18 =	vld.idx.msk [tilespmem:v24+s3+$0x0], $0xffff;
	_ =	sdelay $0x1  }
0x437: {  	v20 =	vadd.f32 v20, v21  }
0x438: {  	s15 =	sadd.s32 $0x100, s15;
	v21 =	vor.u32 s10, v0  }
0x439: {  	v21 =	vand.u32 v1, v21;
	v19 =	vadd.f32 v19, v20;
	_ =	sdelay $0x1  }
0x43a: {  	v20 =	vor.u32 s10, v2;
	v18 =	vadd.f32 v18, v19  }
0x43b: {  	s9 =	sadd.s32 $0x10, s9  }
0x43c: {  	v19 =	vor.u32 s10, v3;
	[tilespmem:s9+$0x0] =	vst v18  }
0x43d: {  	v18 =	vld.idx.msk [tilespmem:v21+s3+$0x0], $0xffff  }
0x43e: {  	v21 =	vor.u32 s10, v4  }
0x43f: {  	v20 =	vld.idx.msk [tilespmem:v20+s3+$0x0], $0xffff  }
0x440: {  	v22 =	vor.u32 s10, v5  }
0x441: {  	v19 =	vld.idx.msk [tilespmem:v19+s3+$0x0], $0xffff  }
0x442: {  	v23 =	vor.u32 s10, v6;
	v18 =	vadd.f32 v18, v17  }
0x443: {  	v21 =	vld.idx.msk [tilespmem:v21+s3+$0x0], $0xffff  }
0x444: {  	v24 =	vor.u32 s10, v7;
	v18 =	vadd.f32 v20, v18  }
0x445: {  	v20 =	vld.idx.msk [tilespmem:v22+s3+$0x0], $0xffff  }
0x446: {  	v22 =	vor.u32 s10, v8;
	v18 =	vadd.f32 v19, v18  }
0x447: {  	v19 =	vld.idx.msk [tilespmem:v23+s3+$0x0], $0xffff  }
0x448: {  	v23 =	vor.u32 s10, v9;
	v18 =	vadd.f32 v21, v18  }
0x449: {  	v21 =	vld.idx.msk [tilespmem:v24+s3+$0x0], $0xffff  }
0x44a: {  	v43 =	vor.u32 s10, v10;
	v18 =	vadd.f32 v20, v18  }
0x44b: {  	v20 =	vld.idx.msk [tilespmem:v22+s3+$0x0], $0xffff  }
0x44c: {  	v22 =	vor.u32 s10, v11;
	v18 =	vadd.f32 v19, v18  }
0x44d: {  	v19 =	vld.idx.msk [tilespmem:v23+s3+$0x0], $0xffff  }
0x44e: {  	v23 =	vor.u32 s10, v12;
	v18 =	vadd.f32 v21, v18  }
0x44f: {  	v21 =	vld.idx.msk [tilespmem:v43+s3+$0x0], $0xffff  }
0x450: {  	v44 =	vor.u32 s10, v13;
	v18 =	vadd.f32 v20, v18  }
0x451: {  	v20 =	vld.idx.msk [tilespmem:v22+s3+$0x0], $0xffff  }
0x452: {  	v22 =	vor.u32 s10, v14;
	v18 =	vadd.f32 v19, v18  }
0x453: {  	v19 =	vld.idx.msk [tilespmem:v23+s3+$0x0], $0xffff  }
0x454: {  	v23 =	vor.u32 s10, v15;
	v18 =	vadd.f32 v21, v18  }
0x455: {  	v21 =	vld.idx.msk [tilespmem:v44+s3+$0x0], $0xffff  }
0x456: {  	v45 =	vor.u32 s10, v16;
	v18 =	vadd.f32 v20, v18  }
0x457: {  	v20 =	vld.idx.msk [tilespmem:v22+s3+$0x0], $0xffff  }
0x458: {  	v18 =	vadd.f32 v19, v18  }
0x459: {  	v19 =	vld.idx.msk [tilespmem:v23+s3+$0x0], $0xffff  }
0x45a: {  	v18 =	vadd.f32 v21, v18  }
0x45b: {  	v21 =	vld.idx.msk [tilespmem:v45+s3+$0x0], $0xffff  }
0x45c: {  	v18 =	vadd.f32 v20, v18;
	_ =	sdelay $0x1  }
0x45d: {  	v18 =	vadd.f32 v19, v18;
	_ =	sdelay $0x1  }
0x45e: {  	v18 =	vadd.f32 v21, v18  }
0x45f: {  	s17 =	sshrl.u32 s17, $0x3;
	s9 =	sadd.s32 $0x10, s9  }
0x460: {  	s25 =	simm.s32 $0x17180;
	s18 =	sadd.s32 s2, s17;
	[tilespmem:s9+$0x0] =	vst v18;
	s9 =	simm.s32 @!p1 $0x4  }
0x461: {  	[hbm4b:s18+s3] =	stream.linear.scatter [tilespmem:s25], [sflag:$0x9], $0x50, $0x38;
	[tilespmem:$0x1EB80] =	vst v63  }
0x462: {  	_ =	swait.ge @!p1 [sflag:s9], $0x50  }
0x463: {  	[sflag:s9] =	ssyncset.done @!p1 $0x0  }
0x464: {  	[sflag:s9] =	ssyncadd.s32 @!p1 $0xFFFFFFB0  }
0x465: {  	_ =	swait.ge @!p1 [sflag:s9], $0x50  }
0x466: {  	s11 =	simm.s32 @!p1 $0x8000;
	[sflag:s9] =	ssyncset.done @!p1 $0x0  }
0x467: {  	s10 =	simm.s32 @!p1 $0x7F00;
	[sflag:s9] =	ssyncadd.s32 @!p1 $0xFFFFFFB0;
	s9 =	simm.s32 @!p1 $0x50  }
0x468: {  	[tilespmem:s11], [sflag:$0x5] =	stream.indirect.gather @!p1 [hbm4b:s4+s9], $0x80, s10, s9, $0xb8;
	[tilespmem:$0x1EB80] =	vst v63  }
0x469: {  	s10 =	simm.s32 @!p1 $0x7F80;
	s11 =	simm.s32 @!p1 $0xA800  }
0x46a: {  	[tilespmem:s11], [sflag:$0x5] =	stream.indirect.gather @!p1 [hbm4b:s4+s9], $0x80, s10, s9, $0xb8;
	[tilespmem:$0x1EB80] =	vst v63  }
0x46b: {  	s9 =	sshll.u32 @!p1 s14, $0x4;
	s10 =	simm.s32 @!p1 $0x0  }
0x46c: {  	s11 =	simm.s32 @!p1 $0xD000;
	s14 =	sadd.s32 @!p1 $0x1E0, s1;
	s9 =	sadd.s32 @!p1 s5, s9  }
0x46d: {  	[tilespmem:s11], [sflag:$0x5] =	stream.linear.gather @!p1 [hbm4b:s9+s10], $0x2800, $0x38;
	[tilespmem:$0x1EB80] =	vst v63  }
0x46e: {  	s9 =	sadd.s32 @!p1 s6, s14  }
0x46f: {  	s9 =	sshrl.u32 @!p1 s9, $0x3  }
0x470: {  	s15 =	simm.s32 @!p1 $0xF880;
	s11 =	sadd.s32 @!p1 s7, s9  }
0x471: {  	[tilespmem:s15], [sflag:$0x7] =	stream.linear.gather @!p1 [hbm4b:s11+s10], $0x50, $0x38;
	[tilespmem:$0x1EB80] =	vst v63  }
0x472: {  	s9 =	sadd.s32 @!p1 s8, s9;
	s11 =	simm.s32 @!p1 $0xF900  }
0x473: {  	[tilespmem:s11], [sflag:$0x7] =	stream.linear.gather @!p1 [hbm4b:s9+s10], $0x50, $0x38;
	[tilespmem:$0x1EB80] =	vst v63  }
0x474: {  	_ =	swait.ge [sflag:s19], $0x2800  }
0x475: {  	[sflag:s19] =	ssyncset.done $0x0  }
0x476: {  	[sflag:s19] =	ssyncadd.s32 $0xFFFFD800  }
0x477: {  	_ =	swait.ge [sflag:s19], $0x2800  }
0x478: {  	[sflag:s19] =	ssyncset.done $0x0  }
0x479: {  	[sflag:s19] =	ssyncadd.s32 $0xFFFFD800  }
0x47a: {  	_ =	swait.ge [sflag:s19], $0x2800  }
0x47b: {  	[sflag:s19] =	ssyncset.done $0x0  }
0x47c: {  	s9 =	simm.s32 @!p0 $0xC;
	[sflag:s19] =	ssyncadd.s32 $0xFFFFD800  }
0x47d: {  	_ =	swait.ge @!p0 [sflag:s9], $0x50  }
0x47e: {  	[sflag:s9] =	ssyncset.done @!p0 $0x0  }
0x47f: {  	s26 =	simm.s32 $0x1C380;
	[sflag:s9] =	ssyncadd.s32 @!p0 $0xFFFFFFB0  }
0x480: {  	s28 =	simm.s32 $0x19BC0;
	v18 =	vld [tilespmem:s26+$0xFFFFFFA0]  }
0x481: {  	s17 =	simm.s32 $0x17380;
	v19 =	vld [tilespmem:s28+$0xFFFFFFA0]  }
0x482: {  	v20 =	vld [tilespmem:s17+$0xFFFFFFA0]  }
0x483: {  	v21 =	vld [tilespmem:s17+$0xFFFFFF80]  }
0x484: {  	v22 =	vld [tilespmem:s28+$0xFFFFFF90]  }
0x485: {  	v23 =	vld [tilespmem:s17+$0xFFFFFF90]  }
0x486: {  	v46 =	vld [tilespmem:s28+$0xFFFFFF80]  }
0x487: {  	v25 =	vld [tilespmem:s26+$0xFFFFFF90]  }
0x488: {  	v26 =	vld [tilespmem:s26+$0xFFFFFF80]  }
0x489: {  	v19 =	vadd.f32 v19, v20  }
0x48a: {  	v20 =	vld [tilespmem:s28+$0xFFFFFFB0];
	v22 =	vadd.f32 v22, v23  }
0x48b: {  	v23 =	vld [tilespmem:s17+$0xFFFFFFB0];
	v18 =	vadd.f32 v18, v19;
	v19 =	vadd.f32 v46, v21  }
0x48c: {  	v21 =	vadd.f32 v25, v22  }
0x48d: {  	v22 =	vld [tilespmem:s26+$0xFFFFFFB0];
	v47 =	vsub.f32 $0.0e+00, v18;
	v19 =	vadd.f32 v26, v19  }
0x48e: {  	v25 =	vsub.f32 $0.0e+00, v21  }
0x48f: {  	v24 =	vmul.f32 $1.442695020e+00, v47;
	v26 =	vsub.f32 $0.0e+00, v19  }
0x490: {  	v20 =	vadd.f32 v20, v23;
	v23 =	vmul.f32 $1.442695020e+00, v25  }
0x491: {  	(erf) = vpow2.f32 v24;
	v48 =	vmul.f32 $1.442695020e+00, v26  }
0x492: {  	v20 =	vadd.f32 v22, v20;
	(erf) = vpow2.f32 v23  }
0x493: {  	(erf) = vpow2.f32 v48  }
0x494: {  	v22 =	vsub.f32 $0.0e+00, v20;
	_ =	sdelay $0x1  }
0x495: {  	v22 =	vmul.f32 $1.442695020e+00, v22;
	_ =	sdelay $0x1  }
0x496: {  	(erf) = vpow2.f32 v22;
	_ =	sdelay $0x1  }
0x497: {  	v22 =	vpop (erf)  }
0x498: {  	v22 =	vadd.f32 $1.000000000e+00, v22;
	v23 =	vpop (erf)  }
0x499: {  	v24 =	vpop (erf)  }
0x49a: {  	v23 =	vadd.f32 $1.000000000e+00, v23;
	(erf) = vrcp.f32 v22;
	v22 =	vadd.f32 $1.000000000e+00, v24;
	_ =	sdelay $0x1  }
0x49b: {  	(erf) = vrcp.f32 v23  }
0x49c: {  	(erf) = vrcp.f32 v22  }
0x49d: {  	v22 =	vpop (erf)  }
0x49e: {  	v22 =	vadd.f32 $1.000000000e+00, v22;
	_ =	sdelay $0x1  }
0x49f: {  	(erf) = vrcp.f32 v22;
	_ =	sdelay $0x1  }
0x4a0: {  	v49 =	vld [tilespmem:$0x500]  }
0x4a1: {  	v22 =	vld [tilespmem:$0x510];
	v23 =	vpop (erf)  }
0x4a2: {  	v50 =	vpop (erf)  }
0x4a3: {  	v51 =	vld [tilespmem:$0x520];
	v27 =	vpop (erf)  }
0x4a4: {  	v21 =	vmul.f32 v50, v21;
	v19 =	vmul.f32 v27, v19  }
0x4a5: {  	v18 =	vmul.f32 v23, v18;
	v23 =	vld [tilespmem:$0x530]  }
0x4a6: {  	v21 =	vmul.f32 v21, v22;
	v19 =	vmul.f32 v19, v49  }
0x4a7: {  	v22 =	vpop (erf)  }
0x4a8: {  	v18 =	vmul.f32 v18, v51;
	v19 =	vadd.f32 v21, v19;
	v20 =	vmul.f32 v22, v20;
	_ =	sdelay $0x1  }
0x4a9: {  	v18 =	vadd.f32 v18, v19;
	v19 =	vmul.f32 v20, v23;
	_ =	sdelay $0x1  }
0x4aa: {  	v18 =	vadd.f32 v19, v18  }
0x4ab: {  	s18 =	simm.s32 $0x10  }
0x4ac: {  	[tilespmem:s18+$0xFFFFFFF0] =	vst v18  }
0x4ad: {  	v18 =	vld [tilespmem:s28+$0x20]  }
0x4ae: {  	v19 =	vld [tilespmem:s26+$0x10]  }
0x4af: {  	v20 =	vld [tilespmem:s28+$0x10]  }
0x4b0: {  	v21 =	vld [tilespmem:s17+$0x0]  }
0x4b1: {  	v22 =	vld [tilespmem:s17+$0x10]  }
0x4b2: {  	v23 =	vld [tilespmem:s28+$0x0]  }
0x4b3: {  	v52 =	vld [tilespmem:s17+$0x20]  }
0x4b4: {  	v53 =	vld [tilespmem:s26+$0x0]  }
0x4b5: {  	v54 =	vld [tilespmem:s26+$0x20]  }
0x4b6: {  	v55 =	vld [tilespmem:s17+$0x30]  }
0x4b7: {  	v21 =	vadd.f32 v23, v21;
	v23 =	vld [tilespmem:s28+$0x30]  }
0x4b8: {  	v20 =	vadd.f32 v20, v22  }
0x4b9: {  	v18 =	vadd.f32 v18, v52;
	v22 =	vld [tilespmem:s26+$0x30];
	v21 =	vadd.f32 v53, v21  }
0x4ba: {  	v19 =	vadd.f32 v19, v20  }
0x4bb: {  	v20 =	vadd.f32 v54, v18;
	v18 =	vsub.f32 $0.0e+00, v21  }
0x4bc: {  	v56 =	vsub.f32 $0.0e+00, v19;
	v23 =	vadd.f32 v23, v55  }
0x4bd: {  	v57 =	vsub.f32 $0.0e+00, v20;
	v58 =	vmul.f32 $1.442695020e+00, v18  }
0x4be: {  	v24 =	vmul.f32 $1.442695020e+00, v56;
	v18 =	vadd.f32 v22, v23  }
0x4bf: {  	v22 =	vmul.f32 $1.442695020e+00, v57;
	(erf) = vpow2.f32 v58  }
0x4c0: {  	v23 =	vsub.f32 $0.0e+00, v18;
	(erf) = vpow2.f32 v24  }
0x4c1: {  	(erf) = vpow2.f32 v22  }
0x4c2: {  	v22 =	vmul.f32 $1.442695020e+00, v23;
	_ =	sdelay $0x1  }
0x4c3: {  	(erf) = vpow2.f32 v22;
	_ =	sdelay $0x3  }
0x4c4: {  	v22 =	vpop (erf)  }
0x4c5: {  	v22 =	vadd.f32 $1.000000000e+00, v22;
	v23 =	vpop (erf)  }
0x4c6: {  	v23 =	vadd.f32 $1.000000000e+00, v23;
	v59 =	vpop (erf)  }
0x4c7: {  	v24 =	vadd.f32 $1.000000000e+00, v59;
	(erf) = vrcp.f32 v22  }
0x4c8: {  	(erf) = vrcp.f32 v23  }
0x4c9: {  	(erf) = vrcp.f32 v24;
	v22 =	vpop (erf)  }
0x4ca: {  	v22 =	vadd.f32 $1.000000000e+00, v22;
	_ =	sdelay $0x1  }
0x4cb: {  	(erf) = vrcp.f32 v22;
	_ =	sdelay $0x1  }
0x4cc: {  	v23 =	vld [tilespmem:$0x500]  }
0x4cd: {  	v22 =	vld [tilespmem:$0x510]  }
0x4ce: {  	v60 =	vld [tilespmem:$0x520];
	v61 =	vpop (erf)  }
0x4cf: {  	v62 =	vpop (erf)  }
0x4d0: {  	v21 =	vmul.f32 v61, v21;
	v63 =	vpop (erf);
	v26 =	vmul.f32 v62, v19  }
0x4d1: {  	v19 =	vld [tilespmem:$0x530];
	v20 =	vmul.f32 v63, v20  }
0x4d2: {  	s16 =	simm.s32 $0x0;
	s25 =	simm.s32 $0x19CC0;
	v21 =	vmul.f32 v21, v23;
	v22 =	vmul.f32 v26, v22  }
0x4d3: {  	s14 =	simm.s32 @p1 $0x2760;
	s15 =	simm.s32 $0x1C480;
	s10 =	simm.s32 $0x10;
	v20 =	vmul.f32 v20, v60;
	v23 =	vpop (erf)  }
.LBB2_15:
0x4d4: {  	s16 =	sadd.s32 $0x2, s16;
	v21 =	vadd.f32 v22, v21;
	v18 =	vmul.f32 v23, v18;
	s18 =	sadd.s32 $0x20, s18;
	s17 =	sadd.s32 $0x100, s17  }
0x4d5: {  	p0 =	slt.u32 s16, $0x4E  }
0x4d6: {  	v20 =	vadd.f32 v20, v21;
	v18 =	vmul.f32 v18, v19;
	_ =	sdelay $0x1  }
0x4d7: {  	v18 =	vadd.f32 v18, v20;
	_ =	sdelay $0x1  }
0x4d8: {  	[tilespmem:s10+$0x0] =	vst v18;
	s10 =	smov.u32 s18  }
0x4d9: {  	v18 =	vld [tilespmem:s15+$0xFFFFFFA0]  }
0x4da: {  	v19 =	vld [tilespmem:s25+$0xFFFFFFA0]  }
0x4db: {  	v20 =	vld [tilespmem:s17+$0xFFFFFFA0]  }
0x4dc: {  	v21 =	vld [tilespmem:s17+$0xFFFFFF80]  }
0x4dd: {  	v22 =	vld [tilespmem:s25+$0xFFFFFF90]  }
0x4de: {  	v23 =	vld [tilespmem:s17+$0xFFFFFF90]  }
0x4df: {  	v24 =	vld [tilespmem:s25+$0xFFFFFF80]  }
0x4e0: {  	v25 =	vld [tilespmem:s15+$0xFFFFFF90];
	v19 =	vadd.f32 v19, v20  }
0x4e1: {  	v20 =	vld [tilespmem:s15+$0xFFFFFF80]  }
0x4e2: {  	v18 =	vadd.f32 v18, v19;
	v19 =	vld [tilespmem:s25+$0xFFFFFFB0]  }
0x4e3: {  	v22 =	vadd.f32 v22, v23;
	v23 =	vld [tilespmem:s17+$0xFFFFFFB0]  }
0x4e4: {  	v21 =	vadd.f32 v24, v21;
	v24 =	vsub.f32 $0.0e+00, v18  }
0x4e5: {  	v22 =	vadd.f32 v25, v22;
	v25 =	vld [tilespmem:s15+$0xFFFFFFB0]  }
0x4e6: {  	v20 =	vadd.f32 v20, v21;
	v21 =	vmul.f32 $1.442695020e+00, v24  }
0x4e7: {  	v24 =	vsub.f32 $0.0e+00, v22  }
0x4e8: {  	v26 =	vsub.f32 $0.0e+00, v20;
	v19 =	vadd.f32 v19, v23;
	(erf) = vpow2.f32 v21  }
0x4e9: {  	v21 =	vmul.f32 $1.442695020e+00, v24  }
0x4ea: {  	v23 =	vmul.f32 $1.442695020e+00, v26;
	v19 =	vadd.f32 v25, v19  }
0x4eb: {  	(erf) = vpow2.f32 v21  }
0x4ec: {  	v21 =	vsub.f32 $0.0e+00, v19;
	(erf) = vpow2.f32 v23;
	_ =	sdelay $0x1  }
0x4ed: {  	v23 =	vmul.f32 $1.442695020e+00, v21;
	_ =	sdelay $0x1  }
0x4ee: {  	(erf) = vpow2.f32 v23  }
0x4ef: {  	v21 =	vpop (erf)  }
0x4f0: {  	v21 =	vadd.f32 $1.000000000e+00, v21;
	_ =	sdelay $0x1  }
0x4f1: {  	v23 =	vpop (erf);
	(erf) = vrcp.f32 v21  }
0x4f2: {  	v21 =	vadd.f32 $1.000000000e+00, v23;
	v23 =	vpop (erf)  }
0x4f3: {  	v23 =	vadd.f32 $1.000000000e+00, v23  }
0x4f4: {  	(erf) = vrcp.f32 v21  }
0x4f5: {  	(erf) = vrcp.f32 v23  }
0x4f6: {  	v21 =	vpop (erf)  }
0x4f7: {  	v23 =	vadd.f32 $1.000000000e+00, v21;
	_ =	sdelay $0x1  }
0x4f8: {  	(erf) = vrcp.f32 v23  }
0x4f9: {  	v21 =	vpop (erf)  }
0x4fa: {  	v23 =	vld [tilespmem:$0x510];
	v18 =	vmul.f32 v21, v18  }
0x4fb: {  	v21 =	vld [tilespmem:$0x500]  }
0x4fc: {  	v24 =	vpop (erf)  }
0x4fd: {  	v22 =	vmul.f32 v24, v22;
	v24 =	vld [tilespmem:$0x520];
	v25 =	vpop (erf)  }
0x4fe: {  	v20 =	vmul.f32 v25, v20  }
0x4ff: {  	v25 =	vld [tilespmem:$0x530]  }
0x500: {  	v20 =	vmul.f32 v20, v21;
	v21 =	vmul.f32 v22, v23  }
0x501: {  	v22 =	vpop (erf)  }
0x502: {  	v20 =	vadd.f32 v21, v20;
	v18 =	vmul.f32 v18, v24;
	v19 =	vmul.f32 v22, v19;
	_ =	sdelay $0x1  }
0x503: {  	v18 =	vadd.f32 v18, v20;
	v19 =	vmul.f32 v19, v25;
	_ =	sdelay $0x1  }
0x504: {  	v18 =	vadd.f32 v19, v18;
	_ =	sdelay $0x1  }
0x505: {  	[tilespmem:s18+$0xFFFFFFF0] =	vst v18  }
0x506: {  	v18 =	vld [tilespmem:s25+$0x20]  }
0x507: {  	v19 =	vld [tilespmem:s15+$0x10]  }
0x508: {  	v20 =	vld [tilespmem:s25+$0x10]  }
0x509: {  	v21 =	vld [tilespmem:s17+$0x0]  }
0x50a: {  	v22 =	vld [tilespmem:s17+$0x10]  }
0x50b: {  	v23 =	vld [tilespmem:s25+$0x0]  }
0x50c: {  	v24 =	vld [tilespmem:s17+$0x20]  }
0x50d: {  	v25 =	vld [tilespmem:s15+$0x0]  }
0x50e: {  	v26 =	vld [tilespmem:s15+$0x20]  }
0x50f: {  	v20 =	vadd.f32 v20, v22;
	v22 =	vld [tilespmem:s17+$0x30]  }
0x510: {  	v21 =	vadd.f32 v23, v21;
	v23 =	vld [tilespmem:s25+$0x30]  }
0x511: {  	v18 =	vadd.f32 v18, v24  }
0x512: {  	v19 =	vadd.f32 v19, v20;
	v21 =	vadd.f32 v25, v21;
	v20 =	vld [tilespmem:s15+$0x30]  }
0x513: {  	v24 =	vadd.f32 v26, v18  }
0x514: {  	v25 =	vsub.f32 $0.0e+00, v19;
	v18 =	vsub.f32 $0.0e+00, v21  }
0x515: {  	v26 =	vsub.f32 $0.0e+00, v24;
	v22 =	vadd.f32 v23, v22  }
0x516: {  	v25 =	vmul.f32 $1.442695020e+00, v25;
	v23 =	vmul.f32 $1.442695020e+00, v18  }
0x517: {  	v26 =	vmul.f32 $1.442695020e+00, v26;
	v18 =	vadd.f32 v20, v22  }
0x518: {  	(erf) = vpow2.f32 v23  }
0x519: {  	v20 =	vsub.f32 $0.0e+00, v18;
	(erf) = vpow2.f32 v25  }
0x51a: {  	(erf) = vpow2.f32 v26  }
0x51b: {  	v20 =	vmul.f32 $1.442695020e+00, v20;
	_ =	sdelay $0x1  }
0x51c: {  	(erf) = vpow2.f32 v20;
	_ =	sdelay $0x3  }
0x51d: {  	v20 =	vpop (erf)  }
0x51e: {  	v20 =	vadd.f32 $1.000000000e+00, v20;
	v22 =	vpop (erf)  }
0x51f: {  	v22 =	vadd.f32 $1.000000000e+00, v22;
	v23 =	vpop (erf)  }
0x520: {  	v23 =	vadd.f32 $1.000000000e+00, v23;
	(erf) = vrcp.f32 v20  }
0x521: {  	(erf) = vrcp.f32 v22  }
0x522: {  	(erf) = vrcp.f32 v23;
	v20 =	vpop (erf)  }
0x523: {  	v20 =	vadd.f32 $1.000000000e+00, v20;
	_ =	sdelay $0x1  }
0x524: {  	(erf) = vrcp.f32 v20;
	_ =	sdelay $0x1  }
0x525: {  	v20 =	vld [tilespmem:$0x510]  }
0x526: {  	v22 =	vld [tilespmem:$0x500]  }
0x527: {  	v23 =	vld [tilespmem:$0x520];
	v25 =	vpop (erf)  }
.Ltmp6:
0x528: {  	v21 =	vmul.f32 v25, v21;
	v25 =	vpop (erf);
	(pc) =	sbr.rel @p0 .LBB2_15-.Ltmp6, $4  }
0x529: {  	v25 =	vmul.f32 v25, v19;
	v19 =	vpop (erf)  }
0x52a: {  	v24 =	vmul.f32 v19, v24;
	v19 =	vld [tilespmem:$0x530]  }
0x52b: {  	s9 =	simm.s32 $0x1EB00;
	v21 =	vmul.f32 v21, v22;
	v22 =	vmul.f32 v25, v20  }
0x52c: {  	s11 =	simm.s32 $0x0;
	s25 =	sadd.s32 $0x100, s25;
	s15 =	sadd.s32 $0x100, s15;
	v20 =	vmul.f32 v24, v23;
	v23 =	vpop (erf)  }
0x52d: {  	v21 =	vadd.f32 v22, v21;
	v18 =	vmul.f32 v23, v18  }
0x52e: {  	v22 =	vor.u32 s11, v0  }
0x52f: {  	v20 =	vadd.f32 v20, v21;
	v18 =	vmul.f32 v18, v19;
	v19 =	vand.u32 v1, v22;
	_ =	sdelay $0x1  }
0x530: {  	v18 =	vadd.f32 v18, v20;
	v20 =	vor.u32 s11, v2;
	_ =	sdelay $0x1  }
0x531: {  	[tilespmem:s10+$0x0] =	vst v18;
	v18 =	vor.u32 s11, v3  }
0x532: {  	v19 =	vld.idx.msk [tilespmem:v19+s3+$0x0], $0xffff  }
0x533: {  	v21 =	vor.u32 s11, v4  }
0x534: {  	v20 =	vld.idx.msk [tilespmem:v20+s3+$0x0], $0xffff  }
0x535: {  	v22 =	vor.u32 s11, v5  }
0x536: {  	v18 =	vld.idx.msk [tilespmem:v18+s3+$0x0], $0xffff  }
0x537: {  	v23 =	vor.u32 s11, v6;
	v19 =	vadd.f32 v19, v17  }
0x538: {  	v21 =	vld.idx.msk [tilespmem:v21+s3+$0x0], $0xffff  }
0x539: {  	v24 =	vor.u32 s11, v7;
	v19 =	vadd.f32 v20, v19  }
0x53a: {  	v20 =	vld.idx.msk [tilespmem:v22+s3+$0x0], $0xffff  }
0x53b: {  	v22 =	vor.u32 s11, v8;
	v18 =	vadd.f32 v18, v19  }
0x53c: {  	v19 =	vld.idx.msk [tilespmem:v23+s3+$0x0], $0xffff  }
0x53d: {  	v23 =	vor.u32 s11, v9;
	v18 =	vadd.f32 v21, v18  }
0x53e: {  	v21 =	vld.idx.msk [tilespmem:v24+s3+$0x0], $0xffff  }
0x53f: {  	v57 =	vor.u32 s11, v10;
	v18 =	vadd.f32 v20, v18  }
0x540: {  	v20 =	vld.idx.msk [tilespmem:v22+s3+$0x0], $0xffff  }
0x541: {  	v22 =	vor.u32 s11, v11;
	v18 =	vadd.f32 v19, v18  }
0x542: {  	v19 =	vld.idx.msk [tilespmem:v23+s3+$0x0], $0xffff  }
0x543: {  	v23 =	vor.u32 s11, v12;
	v18 =	vadd.f32 v21, v18  }
0x544: {  	v21 =	vld.idx.msk [tilespmem:v57+s3+$0x0], $0xffff  }
0x545: {  	v58 =	vor.u32 s11, v13;
	v18 =	vadd.f32 v20, v18  }
0x546: {  	v20 =	vld.idx.msk [tilespmem:v22+s3+$0x0], $0xffff  }
0x547: {  	v22 =	vor.u32 s11, v14;
	v18 =	vadd.f32 v19, v18  }
0x548: {  	v19 =	vld.idx.msk [tilespmem:v23+s3+$0x0], $0xffff  }
0x549: {  	v23 =	vor.u32 s11, v15;
	v18 =	vadd.f32 v21, v18  }
0x54a: {  	v21 =	vld.idx.msk [tilespmem:v58+s3+$0x0], $0xffff  }
0x54b: {  	v59 =	vor.u32 s11, v16;
	v18 =	vadd.f32 v20, v18  }
0x54c: {  	v20 =	vld.idx.msk [tilespmem:v22+s3+$0x0], $0xffff  }
0x54d: {  	v18 =	vadd.f32 v19, v18  }
0x54e: {  	v19 =	vld.idx.msk [tilespmem:v23+s3+$0x0], $0xffff  }
0x54f: {  	v18 =	vadd.f32 v21, v18  }
0x550: {  	v21 =	vld.idx.msk [tilespmem:v59+s3+$0x0], $0xffff  }
0x551: {  	s28 =	simm.s32 $0x100;
	v18 =	vadd.f32 v20, v18  }
0x552: {  	v20 =	vor.u32 s28, v0  }
0x553: {  	v20 =	vand.u32 v1, v20;
	v18 =	vadd.f32 v19, v18;
	_ =	sdelay $0x1  }
0x554: {  	v19 =	vor.u32 s28, v2;
	v18 =	vadd.f32 v21, v18;
	_ =	sdelay $0x1  }
0x555: {  	v21 =	vor.u32 s28, v3;
	[tilespmem:s9+$0x0] =	vst v18  }
0x556: {  	v18 =	vld.idx.msk [tilespmem:v20+s3+$0x0], $0xffff  }
0x557: {  	v20 =	vor.u32 s28, v4  }
0x558: {  	v19 =	vld.idx.msk [tilespmem:v19+s3+$0x0], $0xffff  }
0x559: {  	v22 =	vor.u32 s28, v5  }
0x55a: {  	v21 =	vld.idx.msk [tilespmem:v21+s3+$0x0], $0xffff  }
0x55b: {  	v23 =	vor.u32 s28, v6;
	v18 =	vadd.f32 v18, v17  }
0x55c: {  	v20 =	vld.idx.msk [tilespmem:v20+s3+$0x0], $0xffff  }
0x55d: {  	v60 =	vor.u32 s28, v7;
	v18 =	vadd.f32 v19, v18  }
0x55e: {  	v19 =	vld.idx.msk [tilespmem:v22+s3+$0x0], $0xffff  }
0x55f: {  	v22 =	vor.u32 s28, v8;
	v18 =	vadd.f32 v21, v18  }
0x560: {  	v21 =	vld.idx.msk [tilespmem:v23+s3+$0x0], $0xffff  }
0x561: {  	v23 =	vor.u32 s28, v9;
	v18 =	vadd.f32 v20, v18  }
0x562: {  	v20 =	vld.idx.msk [tilespmem:v60+s3+$0x0], $0xffff  }
0x563: {  	v61 =	vor.u32 s28, v10;
	v18 =	vadd.f32 v19, v18  }
0x564: {  	v19 =	vld.idx.msk [tilespmem:v22+s3+$0x0], $0xffff  }
0x565: {  	v22 =	vor.u32 s28, v11;
	v18 =	vadd.f32 v21, v18  }
0x566: {  	v21 =	vld.idx.msk [tilespmem:v23+s3+$0x0], $0xffff  }
0x567: {  	v23 =	vor.u32 s28, v12;
	v18 =	vadd.f32 v20, v18  }
0x568: {  	v20 =	vld.idx.msk [tilespmem:v61+s3+$0x0], $0xffff  }
0x569: {  	v62 =	vor.u32 s28, v13;
	v18 =	vadd.f32 v19, v18  }
0x56a: {  	v19 =	vld.idx.msk [tilespmem:v22+s3+$0x0], $0xffff  }
0x56b: {  	v22 =	vor.u32 s28, v14;
	v18 =	vadd.f32 v21, v18  }
0x56c: {  	v21 =	vld.idx.msk [tilespmem:v23+s3+$0x0], $0xffff  }
0x56d: {  	v23 =	vor.u32 s28, v15;
	v18 =	vadd.f32 v20, v18  }
0x56e: {  	v20 =	vld.idx.msk [tilespmem:v62+s3+$0x0], $0xffff  }
0x56f: {  	v63 =	vor.u32 s28, v16;
	v18 =	vadd.f32 v19, v18  }
0x570: {  	v22 =	vld.idx.msk [tilespmem:v22+s3+$0x0], $0xffff  }
0x571: {  	v18 =	vadd.f32 v21, v18  }
0x572: {  	v19 =	vld.idx.msk [tilespmem:v23+s3+$0x0], $0xffff  }
0x573: {  	v20 =	vadd.f32 v20, v18  }
0x574: {  	v18 =	vld.idx.msk [tilespmem:v63+s3+$0x0], $0xffff  }
0x575: {  	s10 =	simm.s32 $0x200;
	v20 =	vadd.f32 v22, v20  }
0x576: {  	s15 =	simm.s32 $0x300;
	v21 =	vor.u32 s10, v0  }
.LBB2_17:
0x577: {  	p0 =	sne.s32 s15, $0x400;
	v21 =	vand.u32 v1, v21;
	v19 =	vadd.f32 v19, v20;
	_ =	sdelay $0x1  }
0x578: {  	v20 =	vor.u32 s10, v2;
	v18 =	vadd.f32 v18, v19  }
0x579: {  	s9 =	sadd.s32 $0x10, s9  }
0x57a: {  	v19 =	vor.u32 s10, v3;
	[tilespmem:s9+$0x0] =	vst v18  }
0x57b: {  	v18 =	vld.idx.msk [tilespmem:v21+s3+$0x0], $0xffff  }
0x57c: {  	v21 =	vor.u32 s10, v4  }
0x57d: {  	v20 =	vld.idx.msk [tilespmem:v20+s3+$0x0], $0xffff  }
0x57e: {  	v22 =	vor.u32 s10, v5  }
0x57f: {  	v19 =	vld.idx.msk [tilespmem:v19+s3+$0x0], $0xffff  }
0x580: {  	v23 =	vor.u32 s10, v6  }
0x581: {  	v18 =	vadd.f32 v18, v17;
	v21 =	vld.idx.msk [tilespmem:v21+s3+$0x0], $0xffff  }
0x582: {  	v24 =	vor.u32 s10, v7  }
0x583: {  	v18 =	vadd.f32 v20, v18;
	v20 =	vld.idx.msk [tilespmem:v22+s3+$0x0], $0xffff  }
0x584: {  	v22 =	vor.u32 s10, v8  }
0x585: {  	v18 =	vadd.f32 v19, v18;
	v19 =	vld.idx.msk [tilespmem:v23+s3+$0x0], $0xffff  }
0x586: {  	v23 =	vor.u32 s10, v9  }
0x587: {  	v18 =	vadd.f32 v21, v18;
	v21 =	vld.idx.msk [tilespmem:v24+s3+$0x0], $0xffff  }
0x588: {  	v24 =	vor.u32 s10, v10  }
0x589: {  	v18 =	vadd.f32 v20, v18;
	v20 =	vld.idx.msk [tilespmem:v22+s3+$0x0], $0xffff  }
0x58a: {  	v22 =	vor.u32 s10, v11  }
0x58b: {  	v18 =	vadd.f32 v19, v18;
	v19 =	vld.idx.msk [tilespmem:v23+s3+$0x0], $0xffff  }
0x58c: {  	v23 =	vor.u32 s10, v12  }
0x58d: {  	v18 =	vadd.f32 v21, v18;
	v21 =	vld.idx.msk [tilespmem:v24+s3+$0x0], $0xffff  }
0x58e: {  	v24 =	vor.u32 s10, v13  }
0x58f: {  	v18 =	vadd.f32 v20, v18;
	v20 =	vld.idx.msk [tilespmem:v22+s3+$0x0], $0xffff  }
0x590: {  	v22 =	vor.u32 s10, v14  }
0x591: {  	v18 =	vadd.f32 v19, v18;
	v19 =	vld.idx.msk [tilespmem:v23+s3+$0x0], $0xffff  }
0x592: {  	v23 =	vor.u32 s10, v15  }
0x593: {  	v18 =	vadd.f32 v21, v18;
	v21 =	vld.idx.msk [tilespmem:v24+s3+$0x0], $0xffff  }
0x594: {  	v24 =	vor.u32 s10, v16;
	s10 =	smov.u32 s15  }
0x595: {  	v18 =	vadd.f32 v20, v18;
	v20 =	vld.idx.msk [tilespmem:v22+s3+$0x0], $0xffff;
	_ =	sdelay $0x1  }
0x596: {  	v18 =	vadd.f32 v19, v18;
	v19 =	vld.idx.msk [tilespmem:v23+s3+$0x0], $0xffff  }
.Ltmp7:
0x597: {  	(pc) =	sbr.rel @p0 .LBB2_17-.Ltmp7, $3  }
0x598: {  	v21 =	vadd.f32 v21, v18;
	v18 =	vld.idx.msk [tilespmem:v24+s3+$0x0], $0xffff;
	_ =	sdelay $0x1  }
0x599: {  	v20 =	vadd.f32 v20, v21  }
0x59a: {  	s15 =	sadd.s32 $0x100, s15;
	v21 =	vor.u32 s10, v0  }
0x59b: {  	v21 =	vand.u32 v1, v21;
	v19 =	vadd.f32 v19, v20;
	_ =	sdelay $0x1  }
0x59c: {  	v45 =	vor.u32 s10, v2;
	v18 =	vadd.f32 v18, v19  }
0x59d: {  	s9 =	sadd.s32 $0x10, s9  }
0x59e: {  	v19 =	vor.u32 s10, v3;
	[tilespmem:s9+$0x0] =	vst v18  }
0x59f: {  	v18 =	vld.idx.msk [tilespmem:v21+s3+$0x0], $0xffff  }
0x5a0: {  	v46 =	vor.u32 s10, v4  }
0x5a1: {  	v20 =	vld.idx.msk [tilespmem:v45+s3+$0x0], $0xffff  }
0x5a2: {  	v22 =	vor.u32 s10, v5  }
0x5a3: {  	v19 =	vld.idx.msk [tilespmem:v19+s3+$0x0], $0xffff  }
0x5a4: {  	v23 =	vor.u32 s10, v6;
	v18 =	vadd.f32 v18, v17  }
0x5a5: {  	v21 =	vld.idx.msk [tilespmem:v46+s3+$0x0], $0xffff  }
0x5a6: {  	v24 =	vor.u32 s10, v7;
	v18 =	vadd.f32 v20, v18  }
0x5a7: {  	v47 =	vld.idx.msk [tilespmem:v22+s3+$0x0], $0xffff  }
0x5a8: {  	v48 =	vor.u32 s10, v8;
	v18 =	vadd.f32 v19, v18  }
0x5a9: {  	v19 =	vld.idx.msk [tilespmem:v23+s3+$0x0], $0xffff  }
0x5aa: {  	v49 =	vor.u32 s10, v9;
	v18 =	vadd.f32 v21, v18  }
0x5ab: {  	v50 =	vld.idx.msk [tilespmem:v24+s3+$0x0], $0xffff  }
0x5ac: {  	v51 =	vor.u32 s10, v10;
	v18 =	vadd.f32 v47, v18  }
0x5ad: {  	v52 =	vld.idx.msk [tilespmem:v48+s3+$0x0], $0xffff  }
0x5ae: {  	v53 =	vor.u32 s10, v11;
	v18 =	vadd.f32 v19, v18  }
0x5af: {  	v19 =	vld.idx.msk [tilespmem:v49+s3+$0x0], $0xffff  }
0x5b0: {  	v54 =	vor.u32 s10, v12;
	v18 =	vadd.f32 v50, v18  }
0x5b1: {  	v55 =	vld.idx.msk [tilespmem:v51+s3+$0x0], $0xffff  }
0x5b2: {  	v56 =	vor.u32 s10, v13;
	v18 =	vadd.f32 v52, v18  }
0x5b3: {  	v57 =	vld.idx.msk [tilespmem:v53+s3+$0x0], $0xffff  }
0x5b4: {  	v58 =	vor.u32 s10, v14;
	v18 =	vadd.f32 v19, v18  }
0x5b5: {  	v19 =	vld.idx.msk [tilespmem:v54+s3+$0x0], $0xffff  }
0x5b6: {  	v59 =	vor.u32 s10, v15;
	v18 =	vadd.f32 v55, v18  }
0x5b7: {  	v60 =	vld.idx.msk [tilespmem:v56+s3+$0x0], $0xffff  }
0x5b8: {  	v61 =	vor.u32 s10, v16;
	v18 =	vadd.f32 v57, v18  }
0x5b9: {  	v62 =	vld.idx.msk [tilespmem:v58+s3+$0x0], $0xffff  }
0x5ba: {  	v18 =	vadd.f32 v19, v18  }
0x5bb: {  	v19 =	vld.idx.msk [tilespmem:v59+s3+$0x0], $0xffff  }
0x5bc: {  	v18 =	vadd.f32 v60, v18  }
0x5bd: {  	v63 =	vld.idx.msk [tilespmem:v61+s3+$0x0], $0xffff  }
0x5be: {  	v18 =	vadd.f32 v62, v18;
	_ =	sdelay $0x1  }
0x5bf: {  	v18 =	vadd.f32 v19, v18  }
.Ltmp8:
0x5c0: {  	_ = 	snop;
	(pc) =	sbr.rel @p1 .LBB2_20-.Ltmp8, $4  }
0x5c1: {  	v18 =	vadd.f32 v63, v18  }
0x5c2: {  	s26 =	sshrl.u32 s29, $0x3;
	s9 =	sadd.s32 $0x10, s9  }
0x5c3: {  	s29 =	simm.s32 $0x1EB00;
	s28 =	sadd.s32 s2, s26;
	[tilespmem:s9+$0x0] =	vst v18  }
0x5c4: {  	[hbm4b:s28+s3] =	stream.linear.scatter [tilespmem:s29], [sflag:$0xC], $0x50, $0x38;
	[tilespmem:$0x1EB80] =	vst v63  }
0x5c5: {  	_ =	swait.ge [sflag:s20], $0x50  }
0x5c6: {  	[sflag:s20] =	ssyncset.done $0x0  }
0x5c7: {  	[sflag:s20] =	ssyncadd.s32 $0xFFFFFFB0  }
0x5c8: {  	_ =	swait.ge [sflag:s20], $0x50  }
0x5c9: {  	s9 =	simm.s32 $0xF880;
	s10 =	simm.s32 $0xF980;
	[sflag:s20] =	ssyncset.done $0x0  }
0x5ca: {  	s15 =	simm.s32 $0xF900;
	s17 =	sadd.s32 s6, s14;
	[sflag:s20] =	ssyncadd.s32 $0xFFFFFFB0  }
0x5cb: {  	[tilespmem:s10], [sflag:$0x8] =	stream.indirect.gather [hbm4b:s4+s13], $0x80, s9, s13, $0xb8;
	[tilespmem:$0x1EB80] =	vst v63  }
0x5cc: {  	s16 =	simm.s32 $0x12180;
	s25 =	rddreg [dreg:$0x15];
	s9 =	sshll.u32 s17, $0x4  }
0x5cd: {  	[tilespmem:s16], [sflag:$0x8] =	stream.indirect.gather [hbm4b:s4+s13], $0x80, s15, s13, $0xb8;
	[tilespmem:$0x1EB80] =	vst v63  }
0x5ce: {  	s18 =	simm.s32 $0x14980;
	s1 =	sadd.s32 s1, s25;
	s9 =	sadd.s32 s5, s9  }
0x5cf: {  	[tilespmem:s18], [sflag:$0x8] =	stream.linear.gather [hbm4b:s9+s3], $0x2800, $0x38;
	[tilespmem:$0x1EB80] =	vst v63  }
.Ltmp9:
0x5d0: {  	s1 =	sshrl.u32 s1, $0x3;
	(pc) =	sbr.rel .LBB2_2-.Ltmp9, $4  }
0x5d1: {  	s29 =	simm.s32 $0x17200;
	s26 =	sadd.s32 s7, s1  }
0x5d2: {  	[tilespmem:s29], [sflag:$0xA] =	stream.linear.gather [hbm4b:s26+s3], $0x50, $0x38;
	[tilespmem:$0x1EB80] =	vst v63  }
0x5d3: {  	s28 =	simm.s32 $0x17280;
	s22 =	sadd.s32 $0x1, s22;
	s1 =	sadd.s32 s8, s1  }
0x5d4: {  	[tilespmem:s28], [sflag:$0xA] =	stream.linear.gather [hbm4b:s1+s3], $0x50, $0x38;
	[tilespmem:$0x1EB80] =	vst v63  }
.LBB2_20:
0x5d5: {  	_ =	swait.ge [sflag:s24], $0x2800  }
0x5d6: {  	[sflag:s24] =	ssyncset.done $0x0  }
0x5d7: {  	[sflag:s24] =	ssyncadd.s32 $0xFFFFD800  }
0x5d8: {  	_ =	swait.ge [sflag:s24], $0x2800  }
0x5d9: {  	[sflag:s24] =	ssyncset.done $0x0  }
0x5da: {  	[sflag:s24] =	ssyncadd.s32 $0xFFFFD800  }
0x5db: {  	_ =	swait.ge [sflag:s24], $0x2800  }
0x5dc: {  	[sflag:s24] =	ssyncset.done $0x0  }
0x5dd: {  	s18 =	simm.s32 $0x3;
	[sflag:s24] =	ssyncadd.s32 $0xFFFFD800  }
0x5de: {  	_ =	swait.ge [sflag:s18], $0x50  }
0x5df: {  	[sflag:s18] =	ssyncset.done $0x0  }
0x5e0: {  	s9 =	simm.s32 $0x5700;
	[sflag:s18] =	ssyncadd.s32 $0xFFFFFFB0  }
0x5e1: {  	s10 =	simm.s32 $0x2F40;
	v18 =	vld [tilespmem:s9+$0xFFFFFFA0]  }
0x5e2: {  	s1 =	simm.s32 $0x700;
	v19 =	vld [tilespmem:s10+$0xFFFFFFA0]  }
0x5e3: {  	v20 =	vld [tilespmem:s1+$0xFFFFFFA0]  }
0x5e4: {  	v21 =	vld [tilespmem:s1+$0xFFFFFF80]  }
0x5e5: {  	v22 =	vld [tilespmem:s10+$0xFFFFFF90]  }
0x5e6: {  	v23 =	vld [tilespmem:s1+$0xFFFFFF90]  }
0x5e7: {  	v24 =	vld [tilespmem:s10+$0xFFFFFF80]  }
0x5e8: {  	v25 =	vld [tilespmem:s9+$0xFFFFFF90]  }
0x5e9: {  	v26 =	vld [tilespmem:s9+$0xFFFFFF80]  }
0x5ea: {  	v19 =	vadd.f32 v19, v20  }
0x5eb: {  	v20 =	vld [tilespmem:s10+$0xFFFFFFB0];
	v22 =	vadd.f32 v22, v23  }
0x5ec: {  	v23 =	vld [tilespmem:s1+$0xFFFFFFB0];
	v18 =	vadd.f32 v18, v19;
	v19 =	vadd.f32 v24, v21  }
0x5ed: {  	v21 =	vadd.f32 v25, v22  }
0x5ee: {  	v22 =	vld [tilespmem:s9+$0xFFFFFFB0];
	v47 =	vsub.f32 $0.0e+00, v18;
	v19 =	vadd.f32 v26, v19  }
0x5ef: {  	v25 =	vsub.f32 $0.0e+00, v21  }
0x5f0: {  	v24 =	vmul.f32 $1.442695020e+00, v47;
	v26 =	vsub.f32 $0.0e+00, v19  }
0x5f1: {  	v20 =	vadd.f32 v20, v23;
	v23 =	vmul.f32 $1.442695020e+00, v25  }
0x5f2: {  	(erf) = vpow2.f32 v24;
	v48 =	vmul.f32 $1.442695020e+00, v26  }
0x5f3: {  	v20 =	vadd.f32 v22, v20;
	(erf) = vpow2.f32 v23  }
0x5f4: {  	(erf) = vpow2.f32 v48  }
0x5f5: {  	v22 =	vsub.f32 $0.0e+00, v20;
	_ =	sdelay $0x1  }
0x5f6: {  	v22 =	vmul.f32 $1.442695020e+00, v22;
	_ =	sdelay $0x1  }
0x5f7: {  	(erf) = vpow2.f32 v22;
	_ =	sdelay $0x1  }
0x5f8: {  	v22 =	vpop (erf)  }
0x5f9: {  	v22 =	vadd.f32 $1.000000000e+00, v22;
	v23 =	vpop (erf)  }
0x5fa: {  	v24 =	vpop (erf)  }
0x5fb: {  	v23 =	vadd.f32 $1.000000000e+00, v23;
	(erf) = vrcp.f32 v22;
	v22 =	vadd.f32 $1.000000000e+00, v24;
	_ =	sdelay $0x1  }
0x5fc: {  	(erf) = vrcp.f32 v23  }
0x5fd: {  	(erf) = vrcp.f32 v22  }
0x5fe: {  	v22 =	vpop (erf)  }
0x5ff: {  	v22 =	vadd.f32 $1.000000000e+00, v22;
	_ =	sdelay $0x1  }
0x600: {  	(erf) = vrcp.f32 v22;
	_ =	sdelay $0x1  }
0x601: {  	v49 =	vld [tilespmem:$0x500]  }
0x602: {  	v22 =	vld [tilespmem:$0x510];
	v23 =	vpop (erf)  }
0x603: {  	v50 =	vpop (erf)  }
0x604: {  	v51 =	vld [tilespmem:$0x520];
	v27 =	vpop (erf)  }
0x605: {  	v21 =	vmul.f32 v50, v21;
	v19 =	vmul.f32 v27, v19  }
0x606: {  	v18 =	vmul.f32 v23, v18;
	v23 =	vld [tilespmem:$0x530]  }
0x607: {  	v21 =	vmul.f32 v21, v22;
	v19 =	vmul.f32 v19, v49  }
0x608: {  	v22 =	vpop (erf)  }
0x609: {  	v18 =	vmul.f32 v18, v51;
	v19 =	vadd.f32 v21, v19;
	v20 =	vmul.f32 v22, v20;
	_ =	sdelay $0x1  }
0x60a: {  	v18 =	vadd.f32 v18, v19;
	v19 =	vmul.f32 v20, v23;
	_ =	sdelay $0x1  }
0x60b: {  	v18 =	vadd.f32 v19, v18  }
0x60c: {  	s14 =	simm.s32 $0x10  }
0x60d: {  	[tilespmem:s14+$0xFFFFFFF0] =	vst v18  }
0x60e: {  	v18 =	vld [tilespmem:s10+$0x20]  }
0x60f: {  	v19 =	vld [tilespmem:s9+$0x10]  }
0x610: {  	v20 =	vld [tilespmem:s10+$0x10]  }
0x611: {  	v21 =	vld [tilespmem:s1+$0x0]  }
0x612: {  	v22 =	vld [tilespmem:s1+$0x10]  }
0x613: {  	v23 =	vld [tilespmem:s10+$0x0]  }
0x614: {  	v52 =	vld [tilespmem:s1+$0x20]  }
0x615: {  	v53 =	vld [tilespmem:s9+$0x0]  }
0x616: {  	v54 =	vld [tilespmem:s9+$0x20]  }
0x617: {  	v55 =	vld [tilespmem:s1+$0x30]  }
0x618: {  	v21 =	vadd.f32 v23, v21;
	v23 =	vld [tilespmem:s10+$0x30]  }
0x619: {  	v20 =	vadd.f32 v20, v22  }
0x61a: {  	v18 =	vadd.f32 v18, v52;
	v22 =	vld [tilespmem:s9+$0x30];
	v21 =	vadd.f32 v53, v21  }
0x61b: {  	v19 =	vadd.f32 v19, v20  }
0x61c: {  	v20 =	vadd.f32 v54, v18;
	v18 =	vsub.f32 $0.0e+00, v21  }
0x61d: {  	v56 =	vsub.f32 $0.0e+00, v19;
	v23 =	vadd.f32 v23, v55  }
0x61e: {  	v57 =	vsub.f32 $0.0e+00, v20;
	v58 =	vmul.f32 $1.442695020e+00, v18  }
0x61f: {  	v24 =	vmul.f32 $1.442695020e+00, v56;
	v18 =	vadd.f32 v22, v23  }
0x620: {  	v22 =	vmul.f32 $1.442695020e+00, v57;
	(erf) = vpow2.f32 v58  }
0x621: {  	v23 =	vsub.f32 $0.0e+00, v18;
	(erf) = vpow2.f32 v24  }
0x622: {  	(erf) = vpow2.f32 v22  }
0x623: {  	v22 =	vmul.f32 $1.442695020e+00, v23;
	_ =	sdelay $0x1  }
0x624: {  	(erf) = vpow2.f32 v22;
	_ =	sdelay $0x3  }
0x625: {  	v22 =	vpop (erf)  }
0x626: {  	v22 =	vadd.f32 $1.000000000e+00, v22;
	v23 =	vpop (erf)  }
0x627: {  	v23 =	vadd.f32 $1.000000000e+00, v23;
	v59 =	vpop (erf)  }
0x628: {  	v24 =	vadd.f32 $1.000000000e+00, v59;
	(erf) = vrcp.f32 v22  }
0x629: {  	(erf) = vrcp.f32 v23  }
0x62a: {  	(erf) = vrcp.f32 v24;
	v22 =	vpop (erf)  }
0x62b: {  	v22 =	vadd.f32 $1.000000000e+00, v22;
	_ =	sdelay $0x1  }
0x62c: {  	(erf) = vrcp.f32 v22;
	_ =	sdelay $0x1  }
0x62d: {  	v23 =	vld [tilespmem:$0x500]  }
0x62e: {  	v22 =	vld [tilespmem:$0x510]  }
0x62f: {  	v60 =	vld [tilespmem:$0x520];
	v61 =	vpop (erf)  }
0x630: {  	v62 =	vpop (erf)  }
0x631: {  	v21 =	vmul.f32 v61, v21;
	v63 =	vpop (erf);
	v26 =	vmul.f32 v62, v19  }
0x632: {  	v19 =	vld [tilespmem:$0x530];
	v20 =	vmul.f32 v63, v20  }
0x633: {  	s16 =	simm.s32 $0x0;
	s15 =	simm.s32 $0x5800;
	v21 =	vmul.f32 v21, v23;
	v22 =	vmul.f32 v26, v22  }
0x634: {  	s17 =	simm.s32 $0x3040;
	s29 =	simm.s32 $0x17200;
	s10 =	simm.s32 $0x10;
	v20 =	vmul.f32 v20, v60;
	v23 =	vpop (erf)  }
.LBB2_21:
0x635: {  	s16 =	sadd.s32 $0x2, s16;
	v21 =	vadd.f32 v22, v21;
	v18 =	vmul.f32 v23, v18;
	s14 =	sadd.s32 $0x20, s14;
	s1 =	sadd.s32 $0x100, s1  }
0x636: {  	p0 =	slt.u32 s16, $0x4E  }
0x637: {  	v20 =	vadd.f32 v20, v21;
	v18 =	vmul.f32 v18, v19;
	_ =	sdelay $0x1  }
0x638: {  	v18 =	vadd.f32 v18, v20;
	_ =	sdelay $0x1  }
0x639: {  	[tilespmem:s10+$0x0] =	vst v18;
	s10 =	smov.u32 s14  }
0x63a: {  	v18 =	vld [tilespmem:s15+$0xFFFFFFA0]  }
0x63b: {  	v19 =	vld [tilespmem:s17+$0xFFFFFFA0]  }
0x63c: {  	v20 =	vld [tilespmem:s1+$0xFFFFFFA0]  }
0x63d: {  	v21 =	vld [tilespmem:s1+$0xFFFFFF80]  }
0x63e: {  	v22 =	vld [tilespmem:s17+$0xFFFFFF90]  }
0x63f: {  	v23 =	vld [tilespmem:s1+$0xFFFFFF90]  }
0x640: {  	v24 =	vld [tilespmem:s17+$0xFFFFFF80]  }
0x641: {  	v25 =	vld [tilespmem:s15+$0xFFFFFF90];
	v19 =	vadd.f32 v19, v20  }
0x642: {  	v20 =	vld [tilespmem:s15+$0xFFFFFF80]  }
0x643: {  	v18 =	vadd.f32 v18, v19;
	v19 =	vld [tilespmem:s17+$0xFFFFFFB0]  }
0x644: {  	v22 =	vadd.f32 v22, v23;
	v23 =	vld [tilespmem:s1+$0xFFFFFFB0]  }
0x645: {  	v21 =	vadd.f32 v24, v21;
	v24 =	vsub.f32 $0.0e+00, v18  }
0x646: {  	v22 =	vadd.f32 v25, v22;
	v25 =	vld [tilespmem:s15+$0xFFFFFFB0]  }
0x647: {  	v20 =	vadd.f32 v20, v21;
	v21 =	vmul.f32 $1.442695020e+00, v24  }
0x648: {  	v24 =	vsub.f32 $0.0e+00, v22  }
0x649: {  	v26 =	vsub.f32 $0.0e+00, v20;
	v19 =	vadd.f32 v19, v23;
	(erf) = vpow2.f32 v21  }
0x64a: {  	v21 =	vmul.f32 $1.442695020e+00, v24  }
0x64b: {  	v23 =	vmul.f32 $1.442695020e+00, v26;
	v19 =	vadd.f32 v25, v19  }
0x64c: {  	(erf) = vpow2.f32 v21  }
0x64d: {  	v21 =	vsub.f32 $0.0e+00, v19;
	(erf) = vpow2.f32 v23;
	_ =	sdelay $0x1  }
0x64e: {  	v23 =	vmul.f32 $1.442695020e+00, v21;
	_ =	sdelay $0x1  }
0x64f: {  	(erf) = vpow2.f32 v23  }
0x650: {  	v21 =	vpop (erf)  }
0x651: {  	v21 =	vadd.f32 $1.000000000e+00, v21;
	_ =	sdelay $0x1  }
0x652: {  	v23 =	vpop (erf);
	(erf) = vrcp.f32 v21  }
0x653: {  	v21 =	vadd.f32 $1.000000000e+00, v23;
	v23 =	vpop (erf)  }
0x654: {  	v23 =	vadd.f32 $1.000000000e+00, v23  }
0x655: {  	(erf) = vrcp.f32 v21  }
0x656: {  	(erf) = vrcp.f32 v23  }
0x657: {  	v21 =	vpop (erf)  }
0x658: {  	v23 =	vadd.f32 $1.000000000e+00, v21;
	_ =	sdelay $0x1  }
0x659: {  	(erf) = vrcp.f32 v23  }
0x65a: {  	v21 =	vpop (erf)  }
0x65b: {  	v23 =	vld [tilespmem:$0x510];
	v18 =	vmul.f32 v21, v18  }
0x65c: {  	v21 =	vld [tilespmem:$0x500]  }
0x65d: {  	v24 =	vpop (erf)  }
0x65e: {  	v22 =	vmul.f32 v24, v22;
	v24 =	vld [tilespmem:$0x520];
	v25 =	vpop (erf)  }
0x65f: {  	v20 =	vmul.f32 v25, v20  }
0x660: {  	v25 =	vld [tilespmem:$0x530]  }
0x661: {  	v20 =	vmul.f32 v20, v21;
	v21 =	vmul.f32 v22, v23  }
0x662: {  	v22 =	vpop (erf)  }
0x663: {  	v20 =	vadd.f32 v21, v20;
	v18 =	vmul.f32 v18, v24;
	v19 =	vmul.f32 v22, v19;
	_ =	sdelay $0x1  }
0x664: {  	v18 =	vadd.f32 v18, v20;
	v19 =	vmul.f32 v19, v25;
	_ =	sdelay $0x1  }
0x665: {  	v18 =	vadd.f32 v19, v18;
	_ =	sdelay $0x1  }
0x666: {  	[tilespmem:s14+$0xFFFFFFF0] =	vst v18  }
0x667: {  	v18 =	vld [tilespmem:s17+$0x20]  }
0x668: {  	v19 =	vld [tilespmem:s15+$0x10]  }
0x669: {  	v20 =	vld [tilespmem:s17+$0x10]  }
0x66a: {  	v21 =	vld [tilespmem:s1+$0x0]  }
0x66b: {  	v22 =	vld [tilespmem:s1+$0x10]  }
0x66c: {  	v23 =	vld [tilespmem:s17+$0x0]  }
0x66d: {  	v24 =	vld [tilespmem:s1+$0x20]  }
0x66e: {  	v25 =	vld [tilespmem:s15+$0x0]  }
0x66f: {  	v26 =	vld [tilespmem:s15+$0x20]  }
0x670: {  	v20 =	vadd.f32 v20, v22;
	v22 =	vld [tilespmem:s1+$0x30]  }
0x671: {  	v21 =	vadd.f32 v23, v21;
	v23 =	vld [tilespmem:s17+$0x30]  }
0x672: {  	v18 =	vadd.f32 v18, v24  }
0x673: {  	v19 =	vadd.f32 v19, v20;
	v21 =	vadd.f32 v25, v21;
	v20 =	vld [tilespmem:s15+$0x30]  }
0x674: {  	v24 =	vadd.f32 v26, v18  }
0x675: {  	v25 =	vsub.f32 $0.0e+00, v19;
	v18 =	vsub.f32 $0.0e+00, v21  }
0x676: {  	v26 =	vsub.f32 $0.0e+00, v24;
	v22 =	vadd.f32 v23, v22  }
0x677: {  	v25 =	vmul.f32 $1.442695020e+00, v25;
	v23 =	vmul.f32 $1.442695020e+00, v18  }
0x678: {  	v26 =	vmul.f32 $1.442695020e+00, v26;
	v18 =	vadd.f32 v20, v22  }
0x679: {  	(erf) = vpow2.f32 v23  }
0x67a: {  	v20 =	vsub.f32 $0.0e+00, v18;
	(erf) = vpow2.f32 v25  }
0x67b: {  	(erf) = vpow2.f32 v26  }
0x67c: {  	v20 =	vmul.f32 $1.442695020e+00, v20;
	_ =	sdelay $0x1  }
0x67d: {  	(erf) = vpow2.f32 v20;
	_ =	sdelay $0x3  }
0x67e: {  	v20 =	vpop (erf)  }
0x67f: {  	v20 =	vadd.f32 $1.000000000e+00, v20;
	v22 =	vpop (erf)  }
0x680: {  	v22 =	vadd.f32 $1.000000000e+00, v22;
	v23 =	vpop (erf)  }
0x681: {  	v23 =	vadd.f32 $1.000000000e+00, v23;
	(erf) = vrcp.f32 v20  }
0x682: {  	(erf) = vrcp.f32 v22  }
0x683: {  	(erf) = vrcp.f32 v23;
	v20 =	vpop (erf)  }
0x684: {  	v20 =	vadd.f32 $1.000000000e+00, v20;
	_ =	sdelay $0x1  }
0x685: {  	(erf) = vrcp.f32 v20;
	_ =	sdelay $0x1  }
0x686: {  	v20 =	vld [tilespmem:$0x510]  }
0x687: {  	v22 =	vld [tilespmem:$0x500]  }
0x688: {  	v23 =	vld [tilespmem:$0x520];
	v25 =	vpop (erf)  }
.Ltmp10:
0x689: {  	v21 =	vmul.f32 v25, v21;
	v25 =	vpop (erf);
	(pc) =	sbr.rel @p0 .LBB2_21-.Ltmp10, $4  }
0x68a: {  	v25 =	vmul.f32 v25, v19;
	v19 =	vpop (erf)  }
0x68b: {  	v24 =	vmul.f32 v19, v24;
	v19 =	vld [tilespmem:$0x530]  }
0x68c: {  	s9 =	simm.s32 $0x7E80;
	v21 =	vmul.f32 v21, v22;
	v22 =	vmul.f32 v25, v20  }
0x68d: {  	s11 =	simm.s32 $0x0;
	s17 =	sadd.s32 $0x100, s17;
	s15 =	sadd.s32 $0x100, s15;
	v20 =	vmul.f32 v24, v23;
	v23 =	vpop (erf)  }
0x68e: {  	v21 =	vadd.f32 v22, v21;
	v18 =	vmul.f32 v23, v18  }
0x68f: {  	v22 =	vor.u32 s11, v0  }
0x690: {  	v20 =	vadd.f32 v20, v21;
	v18 =	vmul.f32 v18, v19;
	v19 =	vand.u32 v1, v22;
	_ =	sdelay $0x1  }
0x691: {  	v18 =	vadd.f32 v18, v20;
	v20 =	vor.u32 s11, v2;
	_ =	sdelay $0x1  }
0x692: {  	[tilespmem:s10+$0x0] =	vst v18;
	v18 =	vor.u32 s11, v3  }
0x693: {  	v19 =	vld.idx.msk [tilespmem:v19+s3+$0x0], $0xffff  }
0x694: {  	v21 =	vor.u32 s11, v4  }
0x695: {  	v20 =	vld.idx.msk [tilespmem:v20+s3+$0x0], $0xffff  }
0x696: {  	v22 =	vor.u32 s11, v5  }
0x697: {  	v18 =	vld.idx.msk [tilespmem:v18+s3+$0x0], $0xffff  }
0x698: {  	v23 =	vor.u32 s11, v6;
	v19 =	vadd.f32 v19, v17  }
0x699: {  	v21 =	vld.idx.msk [tilespmem:v21+s3+$0x0], $0xffff  }
0x69a: {  	v24 =	vor.u32 s11, v7;
	v19 =	vadd.f32 v20, v19  }
0x69b: {  	v20 =	vld.idx.msk [tilespmem:v22+s3+$0x0], $0xffff  }
0x69c: {  	v22 =	vor.u32 s11, v8;
	v18 =	vadd.f32 v18, v19  }
0x69d: {  	v19 =	vld.idx.msk [tilespmem:v23+s3+$0x0], $0xffff  }
0x69e: {  	v23 =	vor.u32 s11, v9;
	v18 =	vadd.f32 v21, v18  }
0x69f: {  	v21 =	vld.idx.msk [tilespmem:v24+s3+$0x0], $0xffff  }
0x6a0: {  	v57 =	vor.u32 s11, v10;
	v18 =	vadd.f32 v20, v18  }
0x6a1: {  	v20 =	vld.idx.msk [tilespmem:v22+s3+$0x0], $0xffff  }
0x6a2: {  	v22 =	vor.u32 s11, v11;
	v18 =	vadd.f32 v19, v18  }
0x6a3: {  	v19 =	vld.idx.msk [tilespmem:v23+s3+$0x0], $0xffff  }
0x6a4: {  	v23 =	vor.u32 s11, v12;
	v18 =	vadd.f32 v21, v18  }
0x6a5: {  	v21 =	vld.idx.msk [tilespmem:v57+s3+$0x0], $0xffff  }
0x6a6: {  	v58 =	vor.u32 s11, v13;
	v18 =	vadd.f32 v20, v18  }
0x6a7: {  	v20 =	vld.idx.msk [tilespmem:v22+s3+$0x0], $0xffff  }
0x6a8: {  	v22 =	vor.u32 s11, v14;
	v18 =	vadd.f32 v19, v18  }
0x6a9: {  	v19 =	vld.idx.msk [tilespmem:v23+s3+$0x0], $0xffff  }
0x6aa: {  	v23 =	vor.u32 s11, v15;
	v18 =	vadd.f32 v21, v18  }
0x6ab: {  	v21 =	vld.idx.msk [tilespmem:v58+s3+$0x0], $0xffff  }
0x6ac: {  	v59 =	vor.u32 s11, v16;
	v18 =	vadd.f32 v20, v18  }
0x6ad: {  	v20 =	vld.idx.msk [tilespmem:v22+s3+$0x0], $0xffff  }
0x6ae: {  	v18 =	vadd.f32 v19, v18  }
0x6af: {  	v19 =	vld.idx.msk [tilespmem:v23+s3+$0x0], $0xffff  }
0x6b0: {  	v18 =	vadd.f32 v21, v18  }
0x6b1: {  	v21 =	vld.idx.msk [tilespmem:v59+s3+$0x0], $0xffff  }
0x6b2: {  	s1 =	simm.s32 $0x100;
	v18 =	vadd.f32 v20, v18  }
0x6b3: {  	v20 =	vor.u32 s1, v0  }
0x6b4: {  	v20 =	vand.u32 v1, v20;
	v18 =	vadd.f32 v19, v18;
	_ =	sdelay $0x1  }
0x6b5: {  	v19 =	vor.u32 s1, v2;
	v18 =	vadd.f32 v21, v18;
	_ =	sdelay $0x1  }
0x6b6: {  	v21 =	vor.u32 s1, v3;
	[tilespmem:s9+$0x0] =	vst v18  }
0x6b7: {  	v18 =	vld.idx.msk [tilespmem:v20+s3+$0x0], $0xffff  }
0x6b8: {  	v20 =	vor.u32 s1, v4  }
0x6b9: {  	v19 =	vld.idx.msk [tilespmem:v19+s3+$0x0], $0xffff  }
0x6ba: {  	v22 =	vor.u32 s1, v5  }
0x6bb: {  	v21 =	vld.idx.msk [tilespmem:v21+s3+$0x0], $0xffff  }
0x6bc: {  	v23 =	vor.u32 s1, v6;
	v18 =	vadd.f32 v18, v17  }
0x6bd: {  	v20 =	vld.idx.msk [tilespmem:v20+s3+$0x0], $0xffff  }
0x6be: {  	v60 =	vor.u32 s1, v7;
	v18 =	vadd.f32 v19, v18  }
0x6bf: {  	v19 =	vld.idx.msk [tilespmem:v22+s3+$0x0], $0xffff  }
0x6c0: {  	v22 =	vor.u32 s1, v8;
	v18 =	vadd.f32 v21, v18  }
0x6c1: {  	v21 =	vld.idx.msk [tilespmem:v23+s3+$0x0], $0xffff  }
0x6c2: {  	v23 =	vor.u32 s1, v9;
	v18 =	vadd.f32 v20, v18  }
0x6c3: {  	v20 =	vld.idx.msk [tilespmem:v60+s3+$0x0], $0xffff  }
0x6c4: {  	v61 =	vor.u32 s1, v10;
	v18 =	vadd.f32 v19, v18  }
0x6c5: {  	v19 =	vld.idx.msk [tilespmem:v22+s3+$0x0], $0xffff  }
0x6c6: {  	v22 =	vor.u32 s1, v11;
	v18 =	vadd.f32 v21, v18  }
0x6c7: {  	v21 =	vld.idx.msk [tilespmem:v23+s3+$0x0], $0xffff  }
0x6c8: {  	v23 =	vor.u32 s1, v12;
	v18 =	vadd.f32 v20, v18  }
0x6c9: {  	v20 =	vld.idx.msk [tilespmem:v61+s3+$0x0], $0xffff  }
0x6ca: {  	v62 =	vor.u32 s1, v13;
	v18 =	vadd.f32 v19, v18  }
0x6cb: {  	v19 =	vld.idx.msk [tilespmem:v22+s3+$0x0], $0xffff  }
0x6cc: {  	v22 =	vor.u32 s1, v14;
	v18 =	vadd.f32 v21, v18  }
0x6cd: {  	v21 =	vld.idx.msk [tilespmem:v23+s3+$0x0], $0xffff  }
0x6ce: {  	v23 =	vor.u32 s1, v15;
	v18 =	vadd.f32 v20, v18  }
0x6cf: {  	v20 =	vld.idx.msk [tilespmem:v62+s3+$0x0], $0xffff  }
0x6d0: {  	v63 =	vor.u32 s1, v16;
	v18 =	vadd.f32 v19, v18  }
0x6d1: {  	v22 =	vld.idx.msk [tilespmem:v22+s3+$0x0], $0xffff  }
0x6d2: {  	v18 =	vadd.f32 v21, v18  }
0x6d3: {  	v19 =	vld.idx.msk [tilespmem:v23+s3+$0x0], $0xffff  }
0x6d4: {  	v20 =	vadd.f32 v20, v18  }
0x6d5: {  	v18 =	vld.idx.msk [tilespmem:v63+s3+$0x0], $0xffff  }
0x6d6: {  	s1 =	simm.s32 $0x200;
	v20 =	vadd.f32 v22, v20  }
0x6d7: {  	s10 =	simm.s32 $0x300;
	v21 =	vor.u32 s1, v0  }
.LBB2_23:
0x6d8: {  	p0 =	sne.s32 s10, $0x400;
	v21 =	vand.u32 v1, v21;
	v19 =	vadd.f32 v19, v20;
	_ =	sdelay $0x1  }
0x6d9: {  	v20 =	vor.u32 s1, v2;
	v18 =	vadd.f32 v18, v19  }
0x6da: {  	s9 =	sadd.s32 $0x10, s9  }
0x6db: {  	v19 =	vor.u32 s1, v3;
	[tilespmem:s9+$0x0] =	vst v18  }
0x6dc: {  	v18 =	vld.idx.msk [tilespmem:v21+s3+$0x0], $0xffff  }
0x6dd: {  	v21 =	vor.u32 s1, v4  }
0x6de: {  	v20 =	vld.idx.msk [tilespmem:v20+s3+$0x0], $0xffff  }
0x6df: {  	v22 =	vor.u32 s1, v5  }
0x6e0: {  	v19 =	vld.idx.msk [tilespmem:v19+s3+$0x0], $0xffff  }
0x6e1: {  	v23 =	vor.u32 s1, v6  }
0x6e2: {  	v18 =	vadd.f32 v18, v17;
	v21 =	vld.idx.msk [tilespmem:v21+s3+$0x0], $0xffff  }
0x6e3: {  	v24 =	vor.u32 s1, v7  }
0x6e4: {  	v18 =	vadd.f32 v20, v18;
	v20 =	vld.idx.msk [tilespmem:v22+s3+$0x0], $0xffff  }
0x6e5: {  	v22 =	vor.u32 s1, v8  }
0x6e6: {  	v18 =	vadd.f32 v19, v18;
	v19 =	vld.idx.msk [tilespmem:v23+s3+$0x0], $0xffff  }
0x6e7: {  	v23 =	vor.u32 s1, v9  }
0x6e8: {  	v18 =	vadd.f32 v21, v18;
	v21 =	vld.idx.msk [tilespmem:v24+s3+$0x0], $0xffff  }
0x6e9: {  	v24 =	vor.u32 s1, v10  }
0x6ea: {  	v18 =	vadd.f32 v20, v18;
	v20 =	vld.idx.msk [tilespmem:v22+s3+$0x0], $0xffff  }
0x6eb: {  	v22 =	vor.u32 s1, v11  }
0x6ec: {  	v18 =	vadd.f32 v19, v18;
	v19 =	vld.idx.msk [tilespmem:v23+s3+$0x0], $0xffff  }
0x6ed: {  	v23 =	vor.u32 s1, v12  }
0x6ee: {  	v18 =	vadd.f32 v21, v18;
	v21 =	vld.idx.msk [tilespmem:v24+s3+$0x0], $0xffff  }
0x6ef: {  	v24 =	vor.u32 s1, v13  }
0x6f0: {  	v18 =	vadd.f32 v20, v18;
	v20 =	vld.idx.msk [tilespmem:v22+s3+$0x0], $0xffff  }
0x6f1: {  	v22 =	vor.u32 s1, v14  }
0x6f2: {  	v18 =	vadd.f32 v19, v18;
	v19 =	vld.idx.msk [tilespmem:v23+s3+$0x0], $0xffff  }
0x6f3: {  	v23 =	vor.u32 s1, v15  }
0x6f4: {  	v18 =	vadd.f32 v21, v18;
	v21 =	vld.idx.msk [tilespmem:v24+s3+$0x0], $0xffff  }
0x6f5: {  	v24 =	vor.u32 s1, v16;
	s1 =	smov.u32 s10  }
0x6f6: {  	v18 =	vadd.f32 v20, v18;
	v20 =	vld.idx.msk [tilespmem:v22+s3+$0x0], $0xffff;
	_ =	sdelay $0x1  }
0x6f7: {  	v18 =	vadd.f32 v19, v18;
	v19 =	vld.idx.msk [tilespmem:v23+s3+$0x0], $0xffff  }
.Ltmp11:
0x6f8: {  	(pc) =	sbr.rel @p0 .LBB2_23-.Ltmp11, $3  }
0x6f9: {  	v21 =	vadd.f32 v21, v18;
	v18 =	vld.idx.msk [tilespmem:v24+s3+$0x0], $0xffff;
	_ =	sdelay $0x1  }
0x6fa: {  	v20 =	vadd.f32 v20, v21  }
0x6fb: {  	s10 =	sadd.s32 $0x100, s10;
	v21 =	vor.u32 s1, v0  }
0x6fc: {  	v21 =	vand.u32 v1, v21;
	v19 =	vadd.f32 v19, v20;
	_ =	sdelay $0x1  }
0x6fd: {  	v48 =	vor.u32 s1, v2;
	v18 =	vadd.f32 v18, v19  }
0x6fe: {  	s9 =	sadd.s32 $0x10, s9  }
0x6ff: {  	v19 =	vor.u32 s1, v3;
	[tilespmem:s9+$0x0] =	vst v18  }
0x700: {  	v18 =	vld.idx.msk [tilespmem:v21+s3+$0x0], $0xffff  }
0x701: {  	v49 =	vor.u32 s1, v4  }
0x702: {  	v20 =	vld.idx.msk [tilespmem:v48+s3+$0x0], $0xffff  }
0x703: {  	v22 =	vor.u32 s1, v5  }
0x704: {  	v19 =	vld.idx.msk [tilespmem:v19+s3+$0x0], $0xffff  }
0x705: {  	v23 =	vor.u32 s1, v6;
	v17 =	vadd.f32 v18, v17  }
0x706: {  	v18 =	vld.idx.msk [tilespmem:v49+s3+$0x0], $0xffff  }
0x707: {  	v50 =	vor.u32 s1, v7;
	v17 =	vadd.f32 v20, v17  }
0x708: {  	v51 =	vld.idx.msk [tilespmem:v22+s3+$0x0], $0xffff  }
0x709: {  	v52 =	vor.u32 s1, v8;
	v17 =	vadd.f32 v19, v17  }
0x70a: {  	v19 =	vld.idx.msk [tilespmem:v23+s3+$0x0], $0xffff  }
0x70b: {  	v53 =	vor.u32 s1, v9;
	v17 =	vadd.f32 v18, v17  }
0x70c: {  	v18 =	vld.idx.msk [tilespmem:v50+s3+$0x0], $0xffff  }
0x70d: {  	v54 =	vor.u32 s1, v10;
	v17 =	vadd.f32 v51, v17  }
0x70e: {  	v55 =	vld.idx.msk [tilespmem:v52+s3+$0x0], $0xffff  }
0x70f: {  	v56 =	vor.u32 s1, v11;
	v17 =	vadd.f32 v19, v17  }
0x710: {  	v19 =	vld.idx.msk [tilespmem:v53+s3+$0x0], $0xffff  }
0x711: {  	v57 =	vor.u32 s1, v12;
	v17 =	vadd.f32 v18, v17  }
0x712: {  	v18 =	vld.idx.msk [tilespmem:v54+s3+$0x0], $0xffff  }
0x713: {  	v58 =	vor.u32 s1, v13;
	v17 =	vadd.f32 v55, v17  }
0x714: {  	v59 =	vld.idx.msk [tilespmem:v56+s3+$0x0], $0xffff  }
0x715: {  	v60 =	vor.u32 s1, v14;
	v17 =	vadd.f32 v19, v17  }
0x716: {  	v19 =	vld.idx.msk [tilespmem:v57+s3+$0x0], $0xffff  }
0x717: {  	v61 =	vor.u32 s1, v15;
	v17 =	vadd.f32 v18, v17  }
0x718: {  	v18 =	vld.idx.msk [tilespmem:v58+s3+$0x0], $0xffff  }
0x719: {  	v62 =	vor.u32 s1, v16;
	v17 =	vadd.f32 v59, v17  }
0x71a: {  	v63 =	vld.idx.msk [tilespmem:v60+s3+$0x0], $0xffff  }
0x71b: {  	v17 =	vadd.f32 v19, v17  }
0x71c: {  	v19 =	vld.idx.msk [tilespmem:v61+s3+$0x0], $0xffff  }
0x71d: {  	v17 =	vadd.f32 v18, v17  }
0x71e: {  	v18 =	vld.idx.msk [tilespmem:v62+s3+$0x0], $0xffff  }
0x71f: {  	v17 =	vadd.f32 v63, v17;
	_ =	sdelay $0x1  }
0x720: {  	v17 =	vadd.f32 v19, v17;
	_ =	sdelay $0x1  }
0x721: {  	v17 =	vadd.f32 v18, v17  }
0x722: {  	s14 =	sadd.s32 $0x10, s9  }
0x723: {  	s15 =	rddreg [dreg:$0x12];
	s16 =	simm.s32 $0x7E80;
	s17 =	simm.s32 $0x6;
	[tilespmem:s14+$0x0] =	vst v17  }
0x724: {  	[hbm4b:s15+s3] =	stream.linear.scatter [tilespmem:s16], [sflag:$0x3], $0x50, $0x38;
	[tilespmem:$0x1EB80] =	vst v63  }
0x725: {  	_ =	swait.ge [sflag:s17], $0x50  }
0x726: {  	[sflag:s17] =	ssyncset.done $0x0  }
0x727: {  	s22 =	simm.s32 $0x9;
	[sflag:s17] =	ssyncadd.s32 $0xFFFFFFB0  }
0x728: {  	_ =	swait.ge [sflag:s22], $0x50  }
0x729: {  	[sflag:s22] =	ssyncset.done $0x0  }
0x72a: {  	s25 =	simm.s32 $0xC;
	[sflag:s22] =	ssyncadd.s32 $0xFFFFFFB0  }
0x72b: {  	_ =	swait.ge [sflag:s25], $0x50  }
0x72c: {  	[sflag:s25] =	ssyncset.done $0x0  }
0x72d: {  	[sflag:s25] =	ssyncadd.s32 $0xFFFFFFB0  }
0x72e: {  	_ =	swait.ge [sflag:s18], $0x50  }
0x72f: {  	s26 =	rddreg [dreg:$0x16]  }
0x730: {  	s28 =	rddreg [dreg:$0x13];
	s9 =	sadd.s32 $0x1, s26  }
0x731: {  	p0 =	sne.s32 s9, s28  }
.Ltmp12:
0x732: {  	_ = 	snop;
	(pc) =	sbr.rel @p0 .LBB2_1-.Ltmp12, $3  }
0x733: {  	_ =	sdelay $0x1  }
0x734: {  	[sflag:s18] =	ssyncset.done $0x0  }
0x735: {  	[sflag:s18] =	ssyncadd.s32 $0xFFFFFFB0  }
0x736: {  	_ =	sfence.sel $0x180000  }
0x737: {  	[bflag:$0x0] =	sbarrier.arrive $0xFFFF  }
0x738: {  	_ =	strace $0x90000047  }
0x739: {  	s0 =	stileid.u32;
	[bflag:$0x2] =	sbarrier.arrive $0xFFFF  }
0x73a: {  	p0 =	sne.s32 s0, $0x0;
	s0 =	rddreg [dreg:$0x2]  }
0x73b: {  	s0 =	sadd.s32 @!p0 $0x100000, s0  }
0x73c: {  	[sflag:s0] =	ssyncadd.tile.s32 @!p0 $0x1;
	_ =	shalt  }
.Lfunc_end2:
_tile_overlayer_lowered:
.L_overlay_start_2:
0x73d: {  	(tag) =	ssettag $0x2  }
0x73e: {  	s0 =	rddreg [dreg:$0x0];
	s2 =	stileid.u32  }
0x73f: {  	s1 =	rddreg [dreg:$0x1];
	p0 =	sne.s32 s2, $0x0  }
0x740: {  	s3 =	rddreg [dreg:$0x2];
	[bflag:$0x3] =	sbarrier.arrive $0xFFFF;
	s2 =	simm.s32 @!p0 $0x1C0D  }
0x741: {  	[timem:s3], [sflag:s2] =	dma.local @!p0 [hbm:s0], s1  }
0x742: {  	s0 =	simm.s32 @!p0 $0xD  }
0x743: {  	_ =	swait.ge @!p0 [sflag:s0], s1  }
0x744: {  	s1 =	ssub.s32 @!p0 $0x0, s1;
	[sflag:s0] =	ssyncset.done @!p0 $0x0  }
0x745: {  	[sflag:s0] =	ssyncadd.s32 @!p0 s1  }
0x746: {  	[bflag:$0x3] =	sbarrier.arrive $0xFFFF  }
0x747: {  	_ =	shalt  }

</sc_bundles>
